<compile_context>
chip_gen: v7x
topology: tpu7x:2x2x1
jax: 0.10.2.dev20260603
libtpu: 0.0.44.dev20260713+nightly
codegen_flags: <defaults>
</compile_context>

<pallas_src>
import functools

import jax
import jax.numpy as jnp
from jax import lax
from jax.experimental import pallas as pl
from jax.experimental.pallas import tpu as pltpu
from jax.experimental.pallas import tpu_sc as plsc

N = 50000
E = 800000
G = 512
H = 128

NP = 51200
EP = 802816
TRASH = 50000

NC, NS = 2, 16
NW = NC * NS
BLK = 128
EW = EP // NW
NBLK_W = EW // BLK
ES = EP // NS
NBLK_S = ES // BLK
NPS = NP // NS
NBLK_N = NPS // BLK

BN = 2048
NB_GRID = NP // BN
BE = 2048
EB_GRID = EP // BE

_f32 = jnp.float32
_i32 = jnp.int32


def _silu(v):
    return v * jax.nn.sigmoid(v)



def _embed_body(x_ref, w_ref, b_ref, wa_ref, wb_ref, h_ref, ha_ref, hb_ref):
    h = jnp.dot(x_ref[...], w_ref[...], precision=lax.Precision.HIGHEST, preferred_element_type=_f32) + b_ref[...]
    h_ref[...] = h
    ha_ref[...] = jnp.dot(h, wa_ref[...], precision=lax.Precision.HIGHEST, preferred_element_type=_f32)
    hb_ref[...] = jnp.dot(h, wb_ref[...], precision=lax.Precision.HIGHEST, preferred_element_type=_f32)


def _embed_call(xp, emb_wp, emb_b, wa, wb):
    return pl.pallas_call(
        _embed_body,
        grid=(NB_GRID,),
        in_specs=[
            pl.BlockSpec((BN, 16), lambda i: (i, 0)),
            pl.BlockSpec((16, H), lambda i: (0, 0)),
            pl.BlockSpec((1, H), lambda i: (0, 0)),
            pl.BlockSpec((H, H), lambda i: (0, 0)),
            pl.BlockSpec((H, H), lambda i: (0, 0)),
        ],
        out_specs=[
            pl.BlockSpec((BN, H), lambda i: (i, 0)),
            pl.BlockSpec((BN, H), lambda i: (i, 0)),
            pl.BlockSpec((BN, H), lambda i: (i, 0)),
        ],
        out_shape=[jax.ShapeDtypeStruct((NP, H), _f32)] * 3,
    )(xp, emb_wp, emb_b, wa, wb)


def _node_body(h_ref, agg_ref, nw1_ref, nw2_ref, nb_ref, wa_ref, wb_ref,
               pos_ref, pacc_ref, hn_ref, ha_ref, hb_ref, posn_ref):
    acc = jnp.dot(h_ref[...], nw1_ref[...], precision=lax.Precision.HIGHEST, preferred_element_type=_f32)
    for q in range(4):
        acc = acc + jnp.dot(agg_ref[q], nw2_ref[q], precision=lax.Precision.HIGHEST, preferred_element_type=_f32)
    hn = _silu(acc + nb_ref[...])
    hn_ref[...] = hn
    ha_ref[...] = jnp.dot(hn, wa_ref[...], precision=lax.Precision.HIGHEST, preferred_element_type=_f32)
    hb_ref[...] = jnp.dot(hn, wb_ref[...], precision=lax.Precision.HIGHEST, preferred_element_type=_f32)
    posn_ref[...] = pos_ref[...] + pacc_ref[0] + pacc_ref[1]


def _node_call(h, agg4, nw1, nw2q, nb, wa, wb, pos, pacc):
    return pl.pallas_call(
        _node_body,
        grid=(NB_GRID,),
        in_specs=[
            pl.BlockSpec((BN, H), lambda i: (i, 0)),
            pl.BlockSpec((4, BN, 32), lambda i: (0, i, 0)),
            pl.BlockSpec((H, H), lambda i: (0, 0)),
            pl.BlockSpec((4, 32, H), lambda i: (0, 0, 0)),
            pl.BlockSpec((1, H), lambda i: (0, 0)),
            pl.BlockSpec((H, H), lambda i: (0, 0)),
            pl.BlockSpec((H, H), lambda i: (0, 0)),
            pl.BlockSpec((BN, 16), lambda i: (i, 0)),
            pl.BlockSpec((2, BN, 16), lambda i: (0, i, 0)),
        ],
        out_specs=[
            pl.BlockSpec((BN, H), lambda i: (i, 0)),
            pl.BlockSpec((BN, H), lambda i: (i, 0)),
            pl.BlockSpec((BN, H), lambda i: (i, 0)),
            pl.BlockSpec((BN, 16), lambda i: (i, 0)),
        ],
        out_shape=[
            jax.ShapeDtypeStruct((NP, H), _f32),
            jax.ShapeDtypeStruct((NP, H), _f32),
            jax.ShapeDtypeStruct((NP, H), _f32),
            jax.ShapeDtypeStruct((NP, 16), _f32),
        ],
    )(h, agg4, nw1, nw2q, nb, wa, wb, pos, pacc)


def _edge_body(pre_ref, posr_ref, posc_ref, w1c_ref, b1_ref, w2_ref, b2_ref,
               cw_ref, cb_ref, m4_ref, cu_ref):
    diff = posr_ref[...] - posc_ref[...]
    dist2 = jnp.sum(diff * diff, axis=1, keepdims=True)
    pre = pre_ref[...] + dist2 * w1c_ref[...] + b1_ref[...]
    m1 = _silu(pre)
    m = _silu(jnp.dot(m1, w2_ref[...], precision=lax.Precision.HIGHEST, preferred_element_type=_f32) + b2_ref[...])
    s = jnp.sum(m * cw_ref[...], axis=1, keepdims=True) + cb_ref[0, 0]
    cu_ref[...] = diff * jnp.tanh(s)
    for q in range(4):
        m4_ref[q] = m[:, q * 32:(q + 1) * 32]


def _edge_call(pre, posr, posc, w1c, b1, w2, b2, cw, cb):
    return pl.pallas_call(
        _edge_body,
        grid=(EB_GRID,),
        in_specs=[
            pl.BlockSpec((BE, H), lambda i: (i, 0)),
            pl.BlockSpec((BE, 16), lambda i: (i, 0)),
            pl.BlockSpec((BE, 16), lambda i: (i, 0)),
            pl.BlockSpec((1, H), lambda i: (0, 0)),
            pl.BlockSpec((1, H), lambda i: (0, 0)),
            pl.BlockSpec((H, H), lambda i: (0, 0)),
            pl.BlockSpec((1, H), lambda i: (0, 0)),
            pl.BlockSpec((1, H), lambda i: (0, 0)),
            pl.BlockSpec(memory_space=pltpu.SMEM),
        ],
        out_specs=[
            pl.BlockSpec((4, BE, 32), lambda i: (0, i, 0)),
            pl.BlockSpec((BE, 16), lambda i: (i, 0)),
        ],
        out_shape=[
            jax.ShapeDtypeStruct((4, EP, 32), _f32),
            jax.ShapeDtypeStruct((EP, 16), _f32),
        ],
    )(pre, posr, posc, w1c, b1, w2, b2, cw, cb)


def _pool_body(b_ref, h_ref, seg_ref, cnt_ref):
    i = pl.program_id(0)

    @pl.when(i == 0)
    def _():
        seg_ref[...] = jnp.zeros((G, H), _f32)
        cnt_ref[...] = jnp.zeros((G, H), _f32)

    gids = lax.broadcasted_iota(_i32, (G, BN), 0)
    onehot = (gids == jnp.broadcast_to(b_ref[0], (G, BN))).astype(_f32)
    seg_ref[...] += jnp.dot(onehot, h_ref[...], precision=lax.Precision.HIGHEST, preferred_element_type=_f32)
    cnt = jnp.sum(onehot, axis=1, keepdims=True)
    cnt_ref[...] += jnp.broadcast_to(cnt, (G, H))


def _pool_call(batch3, h):
    return pl.pallas_call(
        _pool_body,
        grid=(NB_GRID,),
        in_specs=[
            pl.BlockSpec((1, 1, BN), lambda i: (i, 0, 0)),
            pl.BlockSpec((BN, H), lambda i: (i, 0)),
        ],
        out_specs=[
            pl.BlockSpec((G, H), lambda i: (0, 0)),
            pl.BlockSpec((G, H), lambda i: (0, 0)),
        ],
        out_shape=[jax.ShapeDtypeStruct((G, H), _f32)] * 2,
    )(batch3, h)


def _head_body(seg_ref, cnt_ref, w1_ref, b1_ref, w2_ref, b2_ref, out_ref):
    mean = seg_ref[...] / jnp.maximum(cnt_ref[...], 1.0)
    o = _silu(jnp.dot(mean, w1_ref[...], precision=lax.Precision.HIGHEST, preferred_element_type=_f32) + b1_ref[...])
    out_ref[...] = jnp.dot(o, w2_ref[...], precision=lax.Precision.HIGHEST, preferred_element_type=_f32) + b2_ref[...]


def _head_call(seg, cnt, h1w, h1b, h2wp, h2b):
    return pl.pallas_call(
        _head_body,
        out_shape=jax.ShapeDtypeStruct((G, H), _f32),
    )(seg, cnt, h1w, h1b, h2wp, h2b)



@functools.cache
def _mesh():
    return plsc.VectorSubcoreMesh(core_axis_name="c", subcore_axis_name="s",
                                  num_cores=NC, num_subcores=NS)


def _gather_body(hA, hB, pos4, row, col, pre_out, posr_out, posc_out,
                 idxr, idxc, bufA, bufB, bufPr, bufPc, semA, semB, semP):
    wid = lax.axis_index("s") * NC + lax.axis_index("c")
    base = wid * EW

    def step(nb, _):
        off = base + nb * BLK
        pltpu.sync_copy(row.at[pl.ds(off, BLK)], idxr)
        pltpu.sync_copy(col.at[pl.ds(off, BLK)], idxc)
        cpA = pltpu.async_copy(hA.at[idxr], bufA, semA)
        cpB = pltpu.async_copy(hB.at[idxc], bufB, semB)
        cpPr = pltpu.async_copy(pos4.at[idxr], bufPr, semP)
        cpPc = pltpu.async_copy(pos4.at[idxc], bufPc, semP)
        cpA.wait()
        cpB.wait()
        cpPr.wait()
        cpPc.wait()

        def rowstep(i, _):
            for j in range(8):
                sl = pl.ds(j * 16, 16)
                bufA[i, sl] = bufA[i, sl] + bufB[i, sl]
            return 0

        lax.fori_loop(0, BLK, rowstep, 0)
        pltpu.sync_copy(bufA, pre_out.at[pl.ds(off, BLK)])
        pltpu.sync_copy(bufPr, posr_out.at[pl.ds(off, BLK)])
        pltpu.sync_copy(bufPc, posc_out.at[pl.ds(off, BLK)])
        return 0

    lax.fori_loop(0, NBLK_W, step, 0)


@functools.cache
def _gather_kernel():
    return pl.kernel(
        _gather_body,
        out_type=(
            jax.ShapeDtypeStruct((EP, H), _f32),
            jax.ShapeDtypeStruct((EP, 16), _f32),
            jax.ShapeDtypeStruct((EP, 16), _f32),
        ),
        mesh=_mesh(),
        compiler_params=pltpu.CompilerParams(use_tc_tiling_on_sc=False),
        scratch_types=[
        pltpu.VMEM((BLK,), _i32),
        pltpu.VMEM((BLK,), _i32),
        pltpu.VMEM((BLK, H), _f32),
        pltpu.VMEM((BLK, H), _f32),
        pltpu.VMEM((BLK, 16), _f32),
        pltpu.VMEM((BLK, 16), _f32),
            pltpu.SemaphoreType.DMA,
            pltpu.SemaphoreType.DMA,
            pltpu.SemaphoreType.DMA,
        ],
    )


def _scatter_body(m4f, row, z32, agg_out, spA, idx, mb):
    cid = lax.axis_index("c")
    sid = lax.axis_index("s")

    for p in range(2):
        pltpu.sync_copy(z32, spA.at[pl.ds(sid * NPS, NPS)])

        plsc.subcore_barrier()

        q = cid * 2 + p

        def estep(nb, _):
            off = sid * ES + nb * BLK
            pltpu.sync_copy(row.at[pl.ds(off, BLK)], idx)
            pltpu.sync_copy(m4f.at[pl.ds(q * EP + off, BLK)], mb)
            pltpu.sync_copy(mb, spA.at[idx], add=True)
            return 0

        lax.fori_loop(0, NBLK_S, estep, 0)
        plsc.subcore_barrier()

        def cstep(i, _):
            r0 = sid * NPS + i * BLK
            pltpu.sync_copy(spA.at[pl.ds(r0, BLK)],
                            agg_out.at[pl.ds(q * NP + r0, BLK)])
            return 0

        lax.fori_loop(0, NBLK_N, cstep, 0)
        plsc.subcore_barrier()


@functools.cache
def _scatter_kernel():
    return pl.kernel(
        _scatter_body,
        out_type=jax.ShapeDtypeStruct((4 * NP, 32), _f32),
        mesh=_mesh(),
        compiler_params=pltpu.CompilerParams(use_tc_tiling_on_sc=False),
        scratch_types=[
            pltpu.VMEM_SHARED((NP, 32), _f32),
            pltpu.VMEM((BLK,), _i32),
            pltpu.VMEM((BLK, 32), _f32),
        ],
    )


CW = 16


def _cuscatter_body(cu, row, zc, pacc_out, spP, idx, cub):
    cid = lax.axis_index("c")
    sid = lax.axis_index("s")

    pltpu.sync_copy(zc, spP.at[pl.ds(sid * NPS, NPS)])
    plsc.subcore_barrier()

    base = (cid * NS + sid) * EW

    def estep(nb, _):
        off = base + nb * BLK
        pltpu.sync_copy(row.at[pl.ds(off, BLK)], idx)
        pltpu.sync_copy(cu.at[pl.ds(off, BLK)], cub)
        pltpu.sync_copy(cub, spP.at[idx], add=True)
        return 0

    lax.fori_loop(0, NBLK_W, estep, 0)
    plsc.subcore_barrier()

    def cstep(i, _):
        r0 = sid * NPS + i * BLK
        pltpu.sync_copy(spP.at[pl.ds(r0, BLK)],
                        pacc_out.at[pl.ds(cid * NP + r0, BLK)])
        return 0

    lax.fori_loop(0, NBLK_N, cstep, 0)


@functools.cache
def _cuscatter_kernel():
    return pl.kernel(
        _cuscatter_body,
        out_type=jax.ShapeDtypeStruct((2 * NP, CW), _f32),
        mesh=_mesh(),
        compiler_params=pltpu.CompilerParams(use_tc_tiling_on_sc=False),
        scratch_types=[
            pltpu.VMEM_SHARED((NP, CW), _f32),
            pltpu.VMEM((BLK,), _i32),
            pltpu.VMEM((BLK, CW), _f32),
        ],
    )



def kernel(x, pos, edge_index, batch, params):
    row = jnp.pad(edge_index[0].astype(_i32), (0, EP - E), constant_values=TRASH)
    col = jnp.pad(edge_index[1].astype(_i32), (0, EP - E), constant_values=TRASH)
    pos16 = jnp.pad(pos.astype(_f32), ((0, NP - N), (0, 13)))
    xp = jnp.pad(x.astype(_f32), ((0, NP - N), (0, 16 - x.shape[1])))
    batch3 = jnp.pad(batch.astype(_i32), (0, NP - N),
                     constant_values=G).reshape(NB_GRID, 1, BN)

    p = params
    emb_wp = jnp.pad(p['emb_w'], ((0, 16 - p['emb_w'].shape[0]), (0, 0)))
    emb_b = p['emb_b'].reshape(1, H)

    lyr = p['layers']
    w1a = [l['e_w1'][:H] for l in lyr]
    w1b = [l['e_w1'][H:2 * H] for l in lyr]
    w1c = [l['e_w1'][2 * H:].reshape(1, H) for l in lyr]
    b1 = [l['e_b1'].reshape(1, H) for l in lyr]
    w2 = [l['e_w2'] for l in lyr]
    b2 = [l['e_b2'].reshape(1, H) for l in lyr]
    cw = [l['c_w'].reshape(1, H) for l in lyr]
    cb = [l['c_b'].reshape(1, 1) for l in lyr]
    nw1 = [l['n_w'][:H] for l in lyr]
    nw2q = [l['n_w'][H:].reshape(4, 32, H) for l in lyr]
    nb = [l['n_b'].reshape(1, H) for l in lyr]
    zW = jnp.zeros((H, H), _f32)

    h, hA, hB = _embed_call(xp, emb_wp, emb_b, w1a[0], w1b[0])
    pos_cur = pos16
    for i in range(4):
        pre, posr, posc = _gather_kernel()(hA, hB, pos_cur, row, col)
        m4, cu = _edge_call(pre, posr, posc, w1c[i], b1[i], w2[i], b2[i],
                            cw[i], cb[i])
        m4f = m4.reshape(4 * EP, 32)
        z32 = jnp.zeros((NPS, 32), _f32)
        zc = jnp.zeros((NPS, CW), _f32)
        aggf = _scatter_kernel()(m4f, row, z32)
        paccf = _cuscatter_kernel()(cu, row, zc)
        agg4 = aggf.reshape(4, NP, 32)
        pacc2 = paccf.reshape(2, NP, CW)
        wa, wb = (w1a[i + 1], w1b[i + 1]) if i < 3 else (zW, zW)
        h, hA, hB, pos_cur = _node_call(h, agg4, nw1[i], nw2q[i], nb[i],
                                        wa, wb, pos_cur, pacc2)

    seg, cnt = _pool_call(batch3, h)
    h2wp = jnp.pad(p['h2_w'], ((0, 0), (0, H - 1)))
    h2b = jnp.broadcast_to(p['h2_b'].reshape(1, 1), (1, H))
    res = _head_call(seg, cnt, p['h1_w'], p['h1_b'].reshape(1, H), h2wp, h2b)
    return res[:, 0]

# --- scband reference (transcript-rebuilt; emitter-appended) ---
"""Pipeline reference for scband-egnnmodel-16587163698062 (READ-ONLY COPY).

The authoritative reference and input builder live on the scoring server;
editing this copy changes nothing except your own understanding.
"""

import jax, jax.numpy as jnp
import numpy as np

N = 50000
E = 800000
NODE_DIM = 11
H = 128
G = 512


def _dense(key, i, o):
    return jax.random.normal(key, (i, o), jnp.float32) * 0.05


def setup_inputs(seed: int = 0):
    key = jax.random.key(seed)
    ks = jax.random.split(key, 5)
    x = jax.random.normal(ks[0], (N, NODE_DIM), jnp.float32)
    pos = jax.random.normal(ks[1], (N, 3), jnp.float32)
    edge_index = jax.random.randint(ks[2], (2, E), 0, N).astype(jnp.int64)
    batch = jnp.sort(jax.random.randint(ks[3], (N,), 0, G)).astype(jnp.int64)
    pk = list(jax.random.split(ks[4], 40))
    cnt = [0]
    def nxt():
        k = pk[cnt[0]]
        cnt[0] += 1
        return k
    layers = []
    for _ in range(4):
        layers.append({
            'e_w1': _dense(nxt(), 2 * H + 1, 128), 'e_b1': jnp.zeros((128,), jnp.float32),
            'e_w2': _dense(nxt(), 128, 128), 'e_b2': jnp.zeros((128,), jnp.float32),
            'c_w': _dense(nxt(), 128, 1), 'c_b': jnp.zeros((1,), jnp.float32),
            'n_w': _dense(nxt(), H + 128, H), 'n_b': jnp.zeros((H,), jnp.float32),
        })
    params = {
        'emb_w': _dense(nxt(), NODE_DIM, H), 'emb_b': jnp.zeros((H,), jnp.float32),
        'layers': layers,
        'h1_w': _dense(nxt(), H, H), 'h1_b': jnp.zeros((H,), jnp.float32),
        'h2_w': _dense(nxt(), H, 1), 'h2_b': jnp.zeros((1,), jnp.float32),
    }
    return {'x': x, 'pos': pos, 'edge_index': edge_index, 'batch': batch, 'params': params}


def _egnn_layer(h, pos, row, col, p):
    diff = pos[row] - pos[col]
    dist2 = jnp.sum(diff * diff, axis=1, keepdims=True)
    ef = jnp.concatenate([h[row], h[col], dist2], axis=1)
    m = jax.nn.silu(ef @ p['e_w1'] + p['e_b1'])
    m = jax.nn.silu(m @ p['e_w2'] + p['e_b2'])
    coord_update = diff * jnp.tanh(m @ p['c_w'] + p['c_b'])
    pos = pos + jnp.zeros_like(pos).at[row].add(coord_update)
    agg = jnp.zeros_like(h).at[row].add(m)
    h = jax.nn.silu(jnp.concatenate([h, agg], axis=1) @ p['n_w'] + p['n_b'])
    return h, pos


def _forward(x, pos, params, edge_index, batch):
    row, col = edge_index[0], edge_index[1]
    h = x @ params['emb_w'] + params['emb_b']
    for p in params['layers']:
        h, pos = _egnn_layer(h, pos, row, col, p)
    sums = jax.ops.segment_sum(h, batch, num_segments=G)
    cnt = jax.ops.segment_sum(jnp.ones((h.shape[0], 1), jnp.float32), batch, num_segments=G)
    mean = sums / jnp.maximum(cnt, 1.0)
    o = jax.nn.silu(mean @ params['h1_w'] + params['h1_b'])
    out = (o @ params['h2_w'] + params['h2_b'])[:, 0]
    return out


def reference(x, pos, edge_index, batch, params):
    return _forward(x, pos, params, edge_index, batch)

if __name__ == "__main__":
    import jax
    _d = setup_inputs()
    print(jax.jit(kernel)(*tuple(_d.values())))

</pallas_src>

<mosaic_0001>
#map = affine_map<(d0, d1) -> (0, 0)>
#map1 = affine_map<(d0, d1) -> (0)>
module attributes {stable_mosaic.version = 14 : i64} {
  func.func @_cuscatter_body(%arg0: i32, %arg1: i32, %arg2: memref<802816x16xf32, #tpu.memory_space<hbm>>, %arg3: memref<802816xi32, #tpu.memory_space<hbm>>, %arg4: memref<3200x16xf32, #tpu.memory_space<hbm>>, %arg5: memref<102400x16xf32, #tpu.memory_space<hbm>>, %arg6: memref<51200x16xf32, #tpu.memory_space<vmem_shared>>, %arg7: memref<128xi32, #tpu.memory_space<vmem>>, %arg8: memref<128x16xf32, #tpu.memory_space<vmem>>) attributes {dimension_semantics = [#tpu.dimension_semantics<core_parallel>, #tpu.dimension_semantics<subcore_parallel>], iteration_bounds = array<i64: 2, 16>, scalar_prefetch = 0 : i64, scratch_operands = 3 : i64, tpu.core_type = #tpu.core_type<sc_vector_subcore>, window_params = [{transform_indices = #map}, {transform_indices = #map1}, {transform_indices = #map}, {transform_indices = #map}]} {
    %mul3A = arith.constant 3200 : i32
    %mul3A_0 = arith.muli %arg1, %mul3A : i32
    "tpu.region"() ({
      %run_scoped3A = tpu.sem_alloc : memref<!tpu.dma_semaphore, #tpu.memory_space<semaphore_mem>>
      %dma_start3A = arith.constant 0 : i32
      %dma_start3A_19 = tpu.memref_slice %arg6[%mul3A_0, %dma_start3A] : memref<51200x16xf32, #tpu.memory_space<vmem_shared>> -> memref<3200x16xf32, #tpu.memory_space<vmem_shared>>
      tpu.enqueue_dma source(%arg4 : memref<3200x16xf32, #tpu.memory_space<hbm>>) target(%dma_start3A_19 : memref<3200x16xf32, #tpu.memory_space<vmem_shared>>) target_semaphore(%run_scoped3A : memref<!tpu.dma_semaphore, #tpu.memory_space<semaphore_mem>>)
      %dma_wait3A = arith.constant 0 : i32
      %dma_wait3A_20 = tpu.memref_slice %arg6[%mul3A_0, %dma_wait3A] : memref<51200x16xf32, #tpu.memory_space<vmem_shared>> -> memref<3200x16xf32, #tpu.memory_space<vmem_shared>>
      tpu.wait_dma2 semaphore(%run_scoped3A : memref<!tpu.dma_semaphore, #tpu.memory_space<semaphore_mem>>) src(%arg4 : memref<3200x16xf32, #tpu.memory_space<hbm>>) dst(%dma_wait3A_20 : memref<3200x16xf32, #tpu.memory_space<vmem_shared>>)
      tpu.yield
    }) : () -> ()
    %barrier3A = arith.constant 0 : index
    tpu.barrier barrier_id(%barrier3A)
    %mul3A_1 = arith.constant 16 : i32
    %mul3A_2 = arith.muli %arg0, %mul3A_1 : i32
    %add3A = arith.addi %mul3A_2, %arg1 : i32
    %mul3A_3 = arith.constant 25088 : i32
    %mul3A_4 = arith.muli %add3A, %mul3A_3 : i32
    %scan3A = arith.constant 0 : i32
    %scan3A_5 = arith.constant 0 : i32
    %scan3A_6 = arith.constant 196 : i32
    %scan3A_7 = arith.addi %scan3A_5, %scan3A_6 : i32
    %scan3A_8 = arith.constant 1 : i32
    %scan3A_9 = scf.for %scan3A_19 = %scan3A_5 to %scan3A_7 step %scan3A_8 iter_args(%scan3A_20 = %scan3A) -> (i32)  : i32 {
      %mul3A_21 = arith.constant 128 : i32
      %mul3A_22 = arith.muli %scan3A_19, %mul3A_21 : i32
      %add3A_23 = arith.addi %mul3A_4, %mul3A_22 : i32
      "tpu.region"() ({
        %run_scoped3A = tpu.sem_alloc : memref<!tpu.dma_semaphore, #tpu.memory_space<semaphore_mem>>
        %dma_start3A = tpu.memref_slice %arg3[%add3A_23] : memref<802816xi32, #tpu.memory_space<hbm>> -> memref<128xi32, #tpu.memory_space<hbm>>
        %dma_start3A_25 = tpu.memref_slice %arg3[%add3A_23] : memref<802816xi32, #tpu.memory_space<hbm>> -> memref<128xi32, #tpu.memory_space<hbm>>
        tpu.enqueue_dma source(%dma_start3A_25 : memref<128xi32, #tpu.memory_space<hbm>>) target(%arg7 : memref<128xi32, #tpu.memory_space<vmem>>) target_semaphore(%run_scoped3A : memref<!tpu.dma_semaphore, #tpu.memory_space<semaphore_mem>>)
        %dma_wait3A = tpu.memref_slice %arg3[%add3A_23] : memref<802816xi32, #tpu.memory_space<hbm>> -> memref<128xi32, #tpu.memory_space<hbm>>
        %dma_wait3A_26 = tpu.memref_slice %arg3[%add3A_23] : memref<802816xi32, #tpu.memory_space<hbm>> -> memref<128xi32, #tpu.memory_space<hbm>>
        tpu.wait_dma2 semaphore(%run_scoped3A : memref<!tpu.dma_semaphore, #tpu.memory_space<semaphore_mem>>) src(%dma_wait3A_26 : memref<128xi32, #tpu.memory_space<hbm>>) dst(%arg7 : memref<128xi32, #tpu.memory_space<vmem>>)
        tpu.yield
      }) : () -> ()
      "tpu.region"() ({
        %run_scoped3A = tpu.sem_alloc : memref<!tpu.dma_semaphore, #tpu.memory_space<semaphore_mem>>
        %dma_start3A = arith.constant 0 : i32
        %dma_start3A_25 = tpu.memref_slice %arg2[%add3A_23, %dma_start3A] : memref<802816x16xf32, #tpu.memory_space<hbm>> -> memref<128x16xf32, #tpu.memory_space<hbm>>
        %dma_start3A_26 = arith.constant 0 : i32
        %dma_start3A_27 = tpu.memref_slice %arg2[%add3A_23, %dma_start3A_26] : memref<802816x16xf32, #tpu.memory_space<hbm>> -> memref<128x16xf32, #tpu.memory_space<hbm>>
        tpu.enqueue_dma source(%dma_start3A_27 : memref<128x16xf32, #tpu.memory_space<hbm>>) target(%arg8 : memref<128x16xf32, #tpu.memory_space<vmem>>) target_semaphore(%run_scoped3A : memref<!tpu.dma_semaphore, #tpu.memory_space<semaphore_mem>>)
        %dma_wait3A = arith.constant 0 : i32
        %dma_wait3A_28 = tpu.memref_slice %arg2[%add3A_23, %dma_wait3A] : memref<802816x16xf32, #tpu.memory_space<hbm>> -> memref<128x16xf32, #tpu.memory_space<hbm>>
        %dma_wait3A_29 = arith.constant 0 : i32
        %dma_wait3A_30 = tpu.memref_slice %arg2[%add3A_23, %dma_wait3A_29] : memref<802816x16xf32, #tpu.memory_space<hbm>> -> memref<128x16xf32, #tpu.memory_space<hbm>>
        tpu.wait_dma2 semaphore(%run_scoped3A : memref<!tpu.dma_semaphore, #tpu.memory_space<semaphore_mem>>) src(%dma_wait3A_30 : memref<128x16xf32, #tpu.memory_space<hbm>>) dst(%arg8 : memref<128x16xf32, #tpu.memory_space<vmem>>)
        tpu.yield
      }) : () -> ()
      "tpu.region"() ({
        %run_scoped3A = tpu.sem_alloc : memref<!tpu.dma_semaphore, #tpu.memory_space<semaphore_mem>>
        %dma_start3A = arith.constant 0 : i32
        %dma_start3A_25 = arith.constant 0 : i32
        %dma_start3A_26 = tpu.memref_slice %arg6[%dma_start3A, %dma_start3A_25] : memref<51200x16xf32, #tpu.memory_space<vmem_shared>> -> memref<51200x16xf32, #tpu.memory_space<vmem_shared>>
        tpu.enqueue_indirect_dma source(%arg8 : memref<128x16xf32, #tpu.memory_space<vmem>>) target(%dma_start3A_26 : memref<51200x16xf32, #tpu.memory_space<vmem_shared>>) offsets(%arg7 : memref<128xi32, #tpu.memory_space<vmem>>) semaphore(%run_scoped3A : memref<!tpu.dma_semaphore, #tpu.memory_space<semaphore_mem>>) {add = true}
        %dma_wait3A = arith.constant 0 : i32
        %dma_wait3A_27 = arith.constant 0 : i32
        %dma_wait3A_28 = tpu.memref_slice %arg6[%dma_wait3A, %dma_wait3A_27] : memref<51200x16xf32, #tpu.memory_space<vmem_shared>> -> memref<51200x16xf32, #tpu.memory_space<vmem_shared>>
        tpu.wait_indirect_dma semaphore(%run_scoped3A : memref<!tpu.dma_semaphore, #tpu.memory_space<semaphore_mem>>) src(%arg8 : memref<128x16xf32, #tpu.memory_space<vmem>>) dst(%dma_wait3A_28 : memref<51200x16xf32, #tpu.memory_space<vmem_shared>>)
        tpu.yield
      }) : () -> ()
      %scan3A_24 = arith.constant 0 : i32
      scf.yield %scan3A_24 : i32
    }
    %scan3A_10 = arith.constant 196 : i32
    %barrier3A_11 = arith.constant 0 : index
    tpu.barrier barrier_id(%barrier3A_11)
    %scan3A_12 = arith.constant 0 : i32
    %scan3A_13 = arith.constant 0 : i32
    %scan3A_14 = arith.constant 25 : i32
    %scan3A_15 = arith.addi %scan3A_13, %scan3A_14 : i32
    %scan3A_16 = arith.constant 1 : i32
    %scan3A_17 = scf.for %scan3A_19 = %scan3A_13 to %scan3A_15 step %scan3A_16 iter_args(%scan3A_20 = %scan3A_12) -> (i32)  : i32 {
      %mul3A_21 = arith.constant 3200 : i32
      %mul3A_22 = arith.muli %arg1, %mul3A_21 : i32
      %mul3A_23 = arith.constant 128 : i32
      %mul3A_24 = arith.muli %scan3A_19, %mul3A_23 : i32
      %add3A_25 = arith.addi %mul3A_22, %mul3A_24 : i32
      %mul3A_26 = arith.constant 51200 : i32
      %mul3A_27 = arith.muli %arg0, %mul3A_26 : i32
      %add3A_28 = arith.addi %mul3A_27, %add3A_25 : i32
      "tpu.region"() ({
        %run_scoped3A = tpu.sem_alloc : memref<!tpu.dma_semaphore, #tpu.memory_space<semaphore_mem>>
        %dma_start3A = arith.constant 0 : i32
        %dma_start3A_30 = tpu.memref_slice %arg5[%add3A_28, %dma_start3A] : memref<102400x16xf32, #tpu.memory_space<hbm>> -> memref<128x16xf32, #tpu.memory_space<hbm>>
        %dma_start3A_31 = arith.constant 0 : i32
        %dma_start3A_32 = tpu.memref_slice %arg6[%add3A_25, %dma_start3A_31] : memref<51200x16xf32, #tpu.memory_space<vmem_shared>> -> memref<128x16xf32, #tpu.memory_space<vmem_shared>>
        tpu.enqueue_dma source(%dma_start3A_32 : memref<128x16xf32, #tpu.memory_space<vmem_shared>>) target(%dma_start3A_30 : memref<128x16xf32, #tpu.memory_space<hbm>>) target_semaphore(%run_scoped3A : memref<!tpu.dma_semaphore, #tpu.memory_space<semaphore_mem>>)
        %dma_wait3A = arith.constant 0 : i32
        %dma_wait3A_33 = tpu.memref_slice %arg5[%add3A_28, %dma_wait3A] : memref<102400x16xf32, #tpu.memory_space<hbm>> -> memref<128x16xf32, #tpu.memory_space<hbm>>
        %dma_wait3A_34 = arith.constant 0 : i32
        %dma_wait3A_35 = tpu.memref_slice %arg6[%add3A_25, %dma_wait3A_34] : memref<51200x16xf32, #tpu.memory_space<vmem_shared>> -> memref<128x16xf32, #tpu.memory_space<vmem_shared>>
        tpu.wait_dma2 semaphore(%run_scoped3A : memref<!tpu.dma_semaphore, #tpu.memory_space<semaphore_mem>>) src(%dma_wait3A_35 : memref<128x16xf32, #tpu.memory_space<vmem_shared>>) dst(%dma_wait3A_33 : memref<128x16xf32, #tpu.memory_space<hbm>>)
        tpu.yield
      }) : () -> ()
      %scan3A_29 = arith.constant 0 : i32
      scf.yield %scan3A_29 : i32
    }
    %scan3A_18 = arith.constant 25 : i32
    return
  }
}

#map = affine_map<(d0, d1) -> (0, 0)>
#map1 = affine_map<(d0, d1) -> (0)>
module attributes {stable_mosaic.version = 14 : i64} {
  func.func @_gather_body(%arg0: i32, %arg1: i32, %arg2: memref<51200x128xf32, #tpu.memory_space<hbm>>, %arg3: memref<51200x128xf32, #tpu.memory_space<hbm>>, %arg4: memref<51200x16xf32, #tpu.memory_space<hbm>>, %arg5: memref<802816xi32, #tpu.memory_space<hbm>>, %arg6: memref<802816xi32, #tpu.memory_space<hbm>>, %arg7: memref<802816x128xf32, #tpu.memory_space<hbm>>, %arg8: memref<802816x16xf32, #tpu.memory_space<hbm>>, %arg9: memref<802816x16xf32, #tpu.memory_space<hbm>>, %arg10: memref<128xi32, #tpu.memory_space<vmem>>, %arg11: memref<128xi32, #tpu.memory_space<vmem>>, %arg12: memref<128x128xf32, #tpu.memory_space<vmem>>, %arg13: memref<128x128xf32, #tpu.memory_space<vmem>>, %arg14: memref<128x16xf32, #tpu.memory_space<vmem>>, %arg15: memref<128x16xf32, #tpu.memory_space<vmem>>, %arg16: memref<!tpu.dma_semaphore, #tpu.memory_space<semaphore_mem>>, %arg17: memref<!tpu.dma_semaphore, #tpu.memory_space<semaphore_mem>>, %arg18: memref<!tpu.dma_semaphore, #tpu.memory_space<semaphore_mem>>) attributes {dimension_semantics = [#tpu.dimension_semantics<core_parallel>, #tpu.dimension_semantics<subcore_parallel>], iteration_bounds = array<i64: 2, 16>, scalar_prefetch = 0 : i64, scratch_operands = 9 : i64, tpu.core_type = #tpu.core_type<sc_vector_subcore>, window_params = [{transform_indices = #map}, {transform_indices = #map}, {transform_indices = #map}, {transform_indices = #map1}, {transform_indices = #map1}, {transform_indices = #map}, {transform_indices = #map}, {transform_indices = #map}]} {
    %mul3A = arith.constant 2 : i32
    %mul3A_0 = arith.muli %arg1, %mul3A : i32
    %add3A = arith.addi %mul3A_0, %arg0 : i32
    %mul3A_1 = arith.constant 25088 : i32
    %mul3A_2 = arith.muli %add3A, %mul3A_1 : i32
    %scan3A = arith.constant 0 : i32
    %scan3A_3 = arith.constant 0 : i32
    %scan3A_4 = arith.constant 196 : i32
    %scan3A_5 = arith.addi %scan3A_3, %scan3A_4 : i32
    %scan3A_6 = arith.constant 1 : i32
    %scan3A_7 = scf.for %scan3A_9 = %scan3A_3 to %scan3A_5 step %scan3A_6 iter_args(%scan3A_10 = %scan3A) -> (i32)  : i32 {
      %mul3A_11 = arith.constant 128 : i32
      %mul3A_12 = arith.muli %scan3A_9, %mul3A_11 : i32
      %add3A_13 = arith.addi %mul3A_2, %mul3A_12 : i32
      "tpu.region"() ({
        %run_scoped3A = tpu.sem_alloc : memref<!tpu.dma_semaphore, #tpu.memory_space<semaphore_mem>>
        %dma_start3A_44 = tpu.memref_slice %arg5[%add3A_13] : memref<802816xi32, #tpu.memory_space<hbm>> -> memref<128xi32, #tpu.memory_space<hbm>>
        %dma_start3A_45 = tpu.memref_slice %arg5[%add3A_13] : memref<802816xi32, #tpu.memory_space<hbm>> -> memref<128xi32, #tpu.memory_space<hbm>>
        tpu.enqueue_dma source(%dma_start3A_45 : memref<128xi32, #tpu.memory_space<hbm>>) target(%arg10 : memref<128xi32, #tpu.memory_space<vmem>>) target_semaphore(%run_scoped3A : memref<!tpu.dma_semaphore, #tpu.memory_space<semaphore_mem>>)
        %dma_wait3A_46 = tpu.memref_slice %arg5[%add3A_13] : memref<802816xi32, #tpu.memory_space<hbm>> -> memref<128xi32, #tpu.memory_space<hbm>>
        %dma_wait3A_47 = tpu.memref_slice %arg5[%add3A_13] : memref<802816xi32, #tpu.memory_space<hbm>> -> memref<128xi32, #tpu.memory_space<hbm>>
        tpu.wait_dma2 semaphore(%run_scoped3A : memref<!tpu.dma_semaphore, #tpu.memory_space<semaphore_mem>>) src(%dma_wait3A_47 : memref<128xi32, #tpu.memory_space<hbm>>) dst(%arg10 : memref<128xi32, #tpu.memory_space<vmem>>)
        tpu.yield
      }) : () -> ()
      "tpu.region"() ({
        %run_scoped3A = tpu.sem_alloc : memref<!tpu.dma_semaphore, #tpu.memory_space<semaphore_mem>>
        %dma_start3A_44 = tpu.memref_slice %arg6[%add3A_13] : memref<802816xi32, #tpu.memory_space<hbm>> -> memref<128xi32, #tpu.memory_space<hbm>>
        %dma_start3A_45 = tpu.memref_slice %arg6[%add3A_13] : memref<802816xi32, #tpu.memory_space<hbm>> -> memref<128xi32, #tpu.memory_space<hbm>>
        tpu.enqueue_dma source(%dma_start3A_45 : memref<128xi32, #tpu.memory_space<hbm>>) target(%arg11 : memref<128xi32, #tpu.memory_space<vmem>>) target_semaphore(%run_scoped3A : memref<!tpu.dma_semaphore, #tpu.memory_space<semaphore_mem>>)
        %dma_wait3A_46 = tpu.memref_slice %arg6[%add3A_13] : memref<802816xi32, #tpu.memory_space<hbm>> -> memref<128xi32, #tpu.memory_space<hbm>>
        %dma_wait3A_47 = tpu.memref_slice %arg6[%add3A_13] : memref<802816xi32, #tpu.memory_space<hbm>> -> memref<128xi32, #tpu.memory_space<hbm>>
        tpu.wait_dma2 semaphore(%run_scoped3A : memref<!tpu.dma_semaphore, #tpu.memory_space<semaphore_mem>>) src(%dma_wait3A_47 : memref<128xi32, #tpu.memory_space<hbm>>) dst(%arg11 : memref<128xi32, #tpu.memory_space<vmem>>)
        tpu.yield
      }) : () -> ()
      %dma_start3A = arith.constant 0 : i32
      %dma_start3A_14 = arith.constant 0 : i32
      %dma_start3A_15 = tpu.memref_slice %arg2[%dma_start3A, %dma_start3A_14] : memref<51200x128xf32, #tpu.memory_space<hbm>> -> memref<51200x128xf32, #tpu.memory_space<hbm>>
      tpu.enqueue_indirect_dma source(%dma_start3A_15 : memref<51200x128xf32, #tpu.memory_space<hbm>>) target(%arg12 : memref<128x128xf32, #tpu.memory_space<vmem>>) offsets(%arg10 : memref<128xi32, #tpu.memory_space<vmem>>) semaphore(%arg16 : memref<!tpu.dma_semaphore, #tpu.memory_space<semaphore_mem>>)
      %dma_start3A_16 = arith.constant 0 : i32
      %dma_start3A_17 = arith.constant 0 : i32
      %dma_start3A_18 = tpu.memref_slice %arg3[%dma_start3A_16, %dma_start3A_17] : memref<51200x128xf32, #tpu.memory_space<hbm>> -> memref<51200x128xf32, #tpu.memory_space<hbm>>
      tpu.enqueue_indirect_dma source(%dma_start3A_18 : memref<51200x128xf32, #tpu.memory_space<hbm>>) target(%arg13 : memref<128x128xf32, #tpu.memory_space<vmem>>) offsets(%arg11 : memref<128xi32, #tpu.memory_space<vmem>>) semaphore(%arg17 : memref<!tpu.dma_semaphore, #tpu.memory_space<semaphore_mem>>)
      %dma_start3A_19 = arith.constant 0 : i32
      %dma_start3A_20 = arith.constant 0 : i32
      %dma_start3A_21 = tpu.memref_slice %arg4[%dma_start3A_19, %dma_start3A_20] : memref<51200x16xf32, #tpu.memory_space<hbm>> -> memref<51200x16xf32, #tpu.memory_space<hbm>>
      tpu.enqueue_indirect_dma source(%dma_start3A_21 : memref<51200x16xf32, #tpu.memory_space<hbm>>) target(%arg14 : memref<128x16xf32, #tpu.memory_space<vmem>>) offsets(%arg10 : memref<128xi32, #tpu.memory_space<vmem>>) semaphore(%arg18 : memref<!tpu.dma_semaphore, #tpu.memory_space<semaphore_mem>>)
      %dma_start3A_22 = arith.constant 0 : i32
      %dma_start3A_23 = arith.constant 0 : i32
      %dma_start3A_24 = tpu.memref_slice %arg4[%dma_start3A_22, %dma_start3A_23] : memref<51200x16xf32, #tpu.memory_space<hbm>> -> memref<51200x16xf32, #tpu.memory_space<hbm>>
      tpu.enqueue_indirect_dma source(%dma_start3A_24 : memref<51200x16xf32, #tpu.memory_space<hbm>>) target(%arg15 : memref<128x16xf32, #tpu.memory_space<vmem>>) offsets(%arg11 : memref<128xi32, #tpu.memory_space<vmem>>) semaphore(%arg18 : memref<!tpu.dma_semaphore, #tpu.memory_space<semaphore_mem>>)
      %dma_wait3A = arith.constant 0 : i32
      %dma_wait3A_25 = arith.constant 0 : i32
      %dma_wait3A_26 = tpu.memref_slice %arg2[%dma_wait3A, %dma_wait3A_25] : memref<51200x128xf32, #tpu.memory_space<hbm>> -> memref<51200x128xf32, #tpu.memory_space<hbm>>
      tpu.wait_indirect_dma semaphore(%arg16 : memref<!tpu.dma_semaphore, #tpu.memory_space<semaphore_mem>>) src(%dma_wait3A_26 : memref<51200x128xf32, #tpu.memory_space<hbm>>) dst(%arg12 : memref<128x128xf32, #tpu.memory_space<vmem>>)
      %dma_wait3A_27 = arith.constant 0 : i32
      %dma_wait3A_28 = arith.constant 0 : i32
      %dma_wait3A_29 = tpu.memref_slice %arg3[%dma_wait3A_27, %dma_wait3A_28] : memref<51200x128xf32, #tpu.memory_space<hbm>> -> memref<51200x128xf32, #tpu.memory_space<hbm>>
      tpu.wait_indirect_dma semaphore(%arg17 : memref<!tpu.dma_semaphore, #tpu.memory_space<semaphore_mem>>) src(%dma_wait3A_29 : memref<51200x128xf32, #tpu.memory_space<hbm>>) dst(%arg13 : memref<128x128xf32, #tpu.memory_space<vmem>>)
      %dma_wait3A_30 = arith.constant 0 : i32
      %dma_wait3A_31 = arith.constant 0 : i32
      %dma_wait3A_32 = tpu.memref_slice %arg4[%dma_wait3A_30, %dma_wait3A_31] : memref<51200x16xf32, #tpu.memory_space<hbm>> -> memref<51200x16xf32, #tpu.memory_space<hbm>>
      tpu.wait_indirect_dma semaphore(%arg18 : memref<!tpu.dma_semaphore, #tpu.memory_space<semaphore_mem>>) src(%dma_wait3A_32 : memref<51200x16xf32, #tpu.memory_space<hbm>>) dst(%arg14 : memref<128x16xf32, #tpu.memory_space<vmem>>)
      %dma_wait3A_33 = arith.constant 0 : i32
      %dma_wait3A_34 = arith.constant 0 : i32
      %dma_wait3A_35 = tpu.memref_slice %arg4[%dma_wait3A_33, %dma_wait3A_34] : memref<51200x16xf32, #tpu.memory_space<hbm>> -> memref<51200x16xf32, #tpu.memory_space<hbm>>
      tpu.wait_indirect_dma semaphore(%arg18 : memref<!tpu.dma_semaphore, #tpu.memory_space<semaphore_mem>>) src(%dma_wait3A_35 : memref<51200x16xf32, #tpu.memory_space<hbm>>) dst(%arg15 : memref<128x16xf32, #tpu.memory_space<vmem>>)
      %scan3A_36 = arith.constant 0 : i32
      %scan3A_37 = arith.constant 0 : i32
      %scan3A_38 = arith.constant 128 : i32
      %scan3A_39 = arith.addi %scan3A_37, %scan3A_38 : i32
      %scan3A_40 = arith.constant 1 : i32
      %scan3A_41 = scf.for %scan3A_44 = %scan3A_37 to %scan3A_39 step %scan3A_40 iter_args(%scan3A_45 = %scan3A_36) -> (i32)  : i32 {
        %get3A = arith.index_cast %scan3A_44 : i32 to index
        %get3A_46 = arith.constant 0 : index
        %get3A_47 = tpu.vector_load %arg12[%get3A, %get3A_46] {strides = array<i32>} : memref<128x128xf32, #tpu.memory_space<vmem>>, vector<1x16xf32>,
        %get3A_48 = vector.shape_cast %get3A_47 : vector<1x16xf32> to vector<16xf32>
        %get3A_49 = arith.index_cast %scan3A_44 : i32 to index
        %get3A_50 = arith.constant 0 : index
        %get3A_51 = tpu.vector_load %arg13[%get3A_49, %get3A_50] {strides = array<i32>} : memref<128x128xf32, #tpu.memory_space<vmem>>, vector<1x16xf32>,
        %get3A_52 = vector.shape_cast %get3A_51 : vector<1x16xf32> to vector<16xf32>
        %add3A_53 = arith.addf %get3A_48, %get3A_52 : vector<16xf32>
        %swap3A = arith.index_cast %scan3A_44 : i32 to index
        %swap3A_54 = arith.constant 0 : index
        %swap3A_55 = tpu.vector_load %arg12[%swap3A, %swap3A_54] {strides = array<i32>} : memref<128x128xf32, #tpu.memory_space<vmem>>, vector<1x16xf32>,
        %swap3A_56 = vector.shape_cast %swap3A_55 : vector<1x16xf32> to vector<16xf32>
        %swap3A_57 = vector.shape_cast %add3A_53 : vector<16xf32> to vector<1x16xf32>
        tpu.vector_store %arg12[%swap3A, %swap3A_54], %swap3A_57 {strides = array<i32>} : memref<128x128xf32, #tpu.memory_space<vmem>>, vector<1x16xf32>,
        %get3A_58 = arith.index_cast %scan3A_44 : i32 to index
        %get3A_59 = arith.constant 16 : index
        %get3A_60 = tpu.vector_load %arg12[%get3A_58, %get3A_59] {strides = array<i32>} : memref<128x128xf32, #tpu.memory_space<vmem>>, vector<1x16xf32>,
        %get3A_61 = vector.shape_cast %get3A_60 : vector<1x16xf32> to vector<16xf32>
        %get3A_62 = arith.index_cast %scan3A_44 : i32 to index
        %get3A_63 = arith.constant 16 : index
        %get3A_64 = tpu.vector_load %arg13[%get3A_62, %get3A_63] {strides = array<i32>} : memref<128x128xf32, #tpu.memory_space<vmem>>, vector<1x16xf32>,
        %get3A_65 = vector.shape_cast %get3A_64 : vector<1x16xf32> to vector<16xf32>
        %add3A_66 = arith.addf %get3A_61, %get3A_65 : vector<16xf32>
        %swap3A_67 = arith.index_cast %scan3A_44 : i32 to index
        %swap3A_68 = arith.constant 16 : index
        %swap3A_69 = tpu.vector_load %arg12[%swap3A_67, %swap3A_68] {strides = array<i32>} : memref<128x128xf32, #tpu.memory_space<vmem>>, vector<1x16xf32>,
        %swap3A_70 = vector.shape_cast %swap3A_69 : vector<1x16xf32> to vector<16xf32>
        %swap3A_71 = vector.shape_cast %add3A_66 : vector<16xf32> to vector<1x16xf32>
        tpu.vector_store %arg12[%swap3A_67, %swap3A_68], %swap3A_71 {strides = array<i32>} : memref<128x128xf32, #tpu.memory_space<vmem>>, vector<1x16xf32>,
        %get3A_72 = arith.index_cast %scan3A_44 : i32 to index
        %get3A_73 = arith.constant 32 : index
        %get3A_74 = tpu.vector_load %arg12[%get3A_72, %get3A_73] {strides = array<i32>} : memref<128x128xf32, #tpu.memory_space<vmem>>, vector<1x16xf32>,
        %get3A_75 = vector.shape_cast %get3A_74 : vector<1x16xf32> to vector<16xf32>
        %get3A_76 = arith.index_cast %scan3A_44 : i32 to index
        %get3A_77 = arith.constant 32 : index
        %get3A_78 = tpu.vector_load %arg13[%get3A_76, %get3A_77] {strides = array<i32>} : memref<128x128xf32, #tpu.memory_space<vmem>>, vector<1x16xf32>,
        %get3A_79 = vector.shape_cast %get3A_78 : vector<1x16xf32> to vector<16xf32>
        %add3A_80 = arith.addf %get3A_75, %get3A_79 : vector<16xf32>
        %swap3A_81 = arith.index_cast %scan3A_44 : i32 to index
        %swap3A_82 = arith.constant 32 : index
        %swap3A_83 = tpu.vector_load %arg12[%swap3A_81, %swap3A_82] {strides = array<i32>} : memref<128x128xf32, #tpu.memory_space<vmem>>, vector<1x16xf32>,
        %swap3A_84 = vector.shape_cast %swap3A_83 : vector<1x16xf32> to vector<16xf32>
        %swap3A_85 = vector.shape_cast %add3A_80 : vector<16xf32> to vector<1x16xf32>
        tpu.vector_store %arg12[%swap3A_81, %swap3A_82], %swap3A_85 {strides = array<i32>} : memref<128x128xf32, #tpu.memory_space<vmem>>, vector<1x16xf32>,
        %get3A_86 = arith.index_cast %scan3A_44 : i32 to index
        %get3A_87 = arith.constant 48 : index
        %get3A_88 = tpu.vector_load %arg12[%get3A_86, %get3A_87] {strides = array<i32>} : memref<128x128xf32, #tpu.memory_space<vmem>>, vector<1x16xf32>,
        %get3A_89 = vector.shape_cast %get3A_88 : vector<1x16xf32> to vector<16xf32>
        %get3A_90 = arith.index_cast %scan3A_44 : i32 to index
        %get3A_91 = arith.constant 48 : index
        %get3A_92 = tpu.vector_load %arg13[%get3A_90, %get3A_91] {strides = array<i32>} : memref<128x128xf32, #tpu.memory_space<vmem>>, vector<1x16xf32>,
        %get3A_93 = vector.shape_cast %get3A_92 : vector<1x16xf32> to vector<16xf32>
        %add3A_94 = arith.addf %get3A_89, %get3A_93 : vector<16xf32>
        %swap3A_95 = arith.index_cast %scan3A_44 : i32 to index
        %swap3A_96 = arith.constant 48 : index
        %swap3A_97 = tpu.vector_load %arg12[%swap3A_95, %swap3A_96] {strides = array<i32>} : memref<128x128xf32, #tpu.memory_space<vmem>>, vector<1x16xf32>,
        %swap3A_98 = vector.shape_cast %swap3A_97 : vector<1x16xf32> to vector<16xf32>
        %swap3A_99 = vector.shape_cast %add3A_94 : vector<16xf32> to vector<1x16xf32>
        tpu.vector_store %arg12[%swap3A_95, %swap3A_96], %swap3A_99 {strides = array<i32>} : memref<128x128xf32, #tpu.memory_space<vmem>>, vector<1x16xf32>,
        %get3A_100 = arith.index_cast %scan3A_44 : i32 to index
        %get3A_101 = arith.constant 64 : index
        %get3A_102 = tpu.vector_load %arg12[%get3A_100, %get3A_101] {strides = array<i32>} : memref<128x128xf32, #tpu.memory_space<vmem>>, vector<1x16xf32>,
        %get3A_103 = vector.shape_cast %get3A_102 : vector<1x16xf32> to vector<16xf32>
        %get3A_104 = arith.index_cast %scan3A_44 : i32 to index
        %get3A_105 = arith.constant 64 : index
        %get3A_106 = tpu.vector_load %arg13[%get3A_104, %get3A_105] {strides = array<i32>} : memref<128x128xf32, #tpu.memory_space<vmem>>, vector<1x16xf32>,
        %get3A_107 = vector.shape_cast %get3A_106 : vector<1x16xf32> to vector<16xf32>
        %add3A_108 = arith.addf %get3A_103, %get3A_107 : vector<16xf32>
        %swap3A_109 = arith.index_cast %scan3A_44 : i32 to index
        %swap3A_110 = arith.constant 64 : index
        %swap3A_111 = tpu.vector_load %arg12[%swap3A_109, %swap3A_110] {strides = array<i32>} : memref<128x128xf32, #tpu.memory_space<vmem>>, vector<1x16xf32>,
        %swap3A_112 = vector.shape_cast %swap3A_111 : vector<1x16xf32> to vector<16xf32>
        %swap3A_113 = vector.shape_cast %add3A_108 : vector<16xf32> to vector<1x16xf32>
        tpu.vector_store %arg12[%swap3A_109, %swap3A_110], %swap3A_113 {strides = array<i32>} : memref<128x128xf32, #tpu.memory_space<vmem>>, vector<1x16xf32>,
        %get3A_114 = arith.index_cast %scan3A_44 : i32 to index
        %get3A_115 = arith.constant 80 : index
        %get3A_116 = tpu.vector_load %arg12[%get3A_114, %get3A_115] {strides = array<i32>} : memref<128x128xf32, #tpu.memory_space<vmem>>, vector<1x16xf32>,
        %get3A_117 = vector.shape_cast %get3A_116 : vector<1x16xf32> to vector<16xf32>
        %get3A_118 = arith.index_cast %scan3A_44 : i32 to index
        %get3A_119 = arith.constant 80 : index
        %get3A_120 = tpu.vector_load %arg13[%get3A_118, %get3A_119] {strides = array<i32>} : memref<128x128xf32, #tpu.memory_space<vmem>>, vector<1x16xf32>,
        %get3A_121 = vector.shape_cast %get3A_120 : vector<1x16xf32> to vector<16xf32>
        %add3A_122 = arith.addf %get3A_117, %get3A_121 : vector<16xf32>
        %swap3A_123 = arith.index_cast %scan3A_44 : i32 to index
        %swap3A_124 = arith.constant 80 : index
        %swap3A_125 = tpu.vector_load %arg12[%swap3A_123, %swap3A_124] {strides = array<i32>} : memref<128x128xf32, #tpu.memory_space<vmem>>, vector<1x16xf32>,
        %swap3A_126 = vector.shape_cast %swap3A_125 : vector<1x16xf32> to vector<16xf32>
        %swap3A_127 = vector.shape_cast %add3A_122 : vector<16xf32> to vector<1x16xf32>
        tpu.vector_store %arg12[%swap3A_123, %swap3A_124], %swap3A_127 {strides = array<i32>} : memref<128x128xf32, #tpu.memory_space<vmem>>, vector<1x16xf32>,
        %get3A_128 = arith.index_cast %scan3A_44 : i32 to index
        %get3A_129 = arith.constant 96 : index
        %get3A_130 = tpu.vector_load %arg12[%get3A_128, %get3A_129] {strides = array<i32>} : memref<128x128xf32, #tpu.memory_space<vmem>>, vector<1x16xf32>,
        %get3A_131 = vector.shape_cast %get3A_130 : vector<1x16xf32> to vector<16xf32>
        %get3A_132 = arith.index_cast %scan3A_44 : i32 to index
        %get3A_133 = arith.constant 96 : index
        %get3A_134 = tpu.vector_load %arg13[%get3A_132, %get3A_133] {strides = array<i32>} : memref<128x128xf32, #tpu.memory_space<vmem>>, vector<1x16xf32>,
        %get3A_135 = vector.shape_cast %get3A_134 : vector<1x16xf32> to vector<16xf32>
        %add3A_136 = arith.addf %get3A_131, %get3A_135 : vector<16xf32>
        %swap3A_137 = arith.index_cast %scan3A_44 : i32 to index
        %swap3A_138 = arith.constant 96 : index
        %swap3A_139 = tpu.vector_load %arg12[%swap3A_137, %swap3A_138] {strides = array<i32>} : memref<128x128xf32, #tpu.memory_space<vmem>>, vector<1x16xf32>,
        %swap3A_140 = vector.shape_cast %swap3A_139 : vector<1x16xf32> to vector<16xf32>
        %swap3A_141 = vector.shape_cast %add3A_136 : vector<16xf32> to vector<1x16xf32>
        tpu.vector_store %arg12[%swap3A_137, %swap3A_138], %swap3A_141 {strides = array<i32>} : memref<128x128xf32, #tpu.memory_space<vmem>>, vector<1x16xf32>,
        %get3A_142 = arith.index_cast %scan3A_44 : i32 to index
        %get3A_143 = arith.constant 112 : index
        %get3A_144 = tpu.vector_load %arg12[%get3A_142, %get3A_143] {strides = array<i32>} : memref<128x128xf32, #tpu.memory_space<vmem>>, vector<1x16xf32>,
        %get3A_145 = vector.shape_cast %get3A_144 : vector<1x16xf32> to vector<16xf32>
        %get3A_146 = arith.index_cast %scan3A_44 : i32 to index
        %get3A_147 = arith.constant 112 : index
        %get3A_148 = tpu.vector_load %arg13[%get3A_146, %get3A_147] {strides = array<i32>} : memref<128x128xf32, #tpu.memory_space<vmem>>, vector<1x16xf32>,
        %get3A_149 = vector.shape_cast %get3A_148 : vector<1x16xf32> to vector<16xf32>
        %add3A_150 = arith.addf %get3A_145, %get3A_149 : vector<16xf32>
        %swap3A_151 = arith.index_cast %scan3A_44 : i32 to index
        %swap3A_152 = arith.constant 112 : index
        %swap3A_153 = tpu.vector_load %arg12[%swap3A_151, %swap3A_152] {strides = array<i32>} : memref<128x128xf32, #tpu.memory_space<vmem>>, vector<1x16xf32>,
        %swap3A_154 = vector.shape_cast %swap3A_153 : vector<1x16xf32> to vector<16xf32>
        %swap3A_155 = vector.shape_cast %add3A_150 : vector<16xf32> to vector<1x16xf32>
        tpu.vector_store %arg12[%swap3A_151, %swap3A_152], %swap3A_155 {strides = array<i32>} : memref<128x128xf32, #tpu.memory_space<vmem>>, vector<1x16xf32>,
        %scan3A_156 = arith.constant 0 : i32
        scf.yield %scan3A_156 : i32
      }
      %scan3A_42 = arith.constant 128 : i32
      "tpu.region"() ({
        %run_scoped3A = tpu.sem_alloc : memref<!tpu.dma_semaphore, #tpu.memory_space<semaphore_mem>>
        %dma_start3A_44 = arith.constant 0 : i32
        %dma_start3A_45 = tpu.memref_slice %arg7[%add3A_13, %dma_start3A_44] : memref<802816x128xf32, #tpu.memory_space<hbm>> -> memref<128x128xf32, #tpu.memory_space<hbm>>
        %dma_start3A_46 = arith.constant 0 : i32
        %dma_start3A_47 = tpu.memref_slice %arg7[%add3A_13, %dma_start3A_46] : memref<802816x128xf32, #tpu.memory_space<hbm>> -> memref<128x128xf32, #tpu.memory_space<hbm>>
        tpu.enqueue_dma source(%arg12 : memref<128x128xf32, #tpu.memory_space<vmem>>) target(%dma_start3A_47 : memref<128x128xf32, #tpu.memory_space<hbm>>) target_semaphore(%run_scoped3A : memref<!tpu.dma_semaphore, #tpu.memory_space<semaphore_mem>>)
        %dma_wait3A_48 = arith.constant 0 : i32
        %dma_wait3A_49 = tpu.memref_slice %arg7[%add3A_13, %dma_wait3A_48] : memref<802816x128xf32, #tpu.memory_space<hbm>> -> memref<128x128xf32, #tpu.memory_space<hbm>>
        %dma_wait3A_50 = arith.constant 0 : i32
        %dma_wait3A_51 = tpu.memref_slice %arg7[%add3A_13, %dma_wait3A_50] : memref<802816x128xf32, #tpu.memory_space<hbm>> -> memref<128x128xf32, #tpu.memory_space<hbm>>
        tpu.wait_dma2 semaphore(%run_scoped3A : memref<!tpu.dma_semaphore, #tpu.memory_space<semaphore_mem>>) src(%arg12 : memref<128x128xf32, #tpu.memory_space<vmem>>) dst(%dma_wait3A_51 : memref<128x128xf32, #tpu.memory_space<hbm>>)
        tpu.yield
      }) : () -> ()
      "tpu.region"() ({
        %run_scoped3A = tpu.sem_alloc : memref<!tpu.dma_semaphore, #tpu.memory_space<semaphore_mem>>
        %dma_start3A_44 = arith.constant 0 : i32
        %dma_start3A_45 = tpu.memref_slice %arg8[%add3A_13, %dma_start3A_44] : memref<802816x16xf32, #tpu.memory_space<hbm>> -> memref<128x16xf32, #tpu.memory_space<hbm>>
        %dma_start3A_46 = arith.constant 0 : i32
        %dma_start3A_47 = tpu.memref_slice %arg8[%add3A_13, %dma_start3A_46] : memref<802816x16xf32, #tpu.memory_space<hbm>> -> memref<128x16xf32, #tpu.memory_space<hbm>>
        tpu.enqueue_dma source(%arg14 : memref<128x16xf32, #tpu.memory_space<vmem>>) target(%dma_start3A_47 : memref<128x16xf32, #tpu.memory_space<hbm>>) target_semaphore(%run_scoped3A : memref<!tpu.dma_semaphore, #tpu.memory_space<semaphore_mem>>)
        %dma_wait3A_48 = arith.constant 0 : i32
        %dma_wait3A_49 = tpu.memref_slice %arg8[%add3A_13, %dma_wait3A_48] : memref<802816x16xf32, #tpu.memory_space<hbm>> -> memref<128x16xf32, #tpu.memory_space<hbm>>
        %dma_wait3A_50 = arith.constant 0 : i32
        %dma_wait3A_51 = tpu.memref_slice %arg8[%add3A_13, %dma_wait3A_50] : memref<802816x16xf32, #tpu.memory_space<hbm>> -> memref<128x16xf32, #tpu.memory_space<hbm>>
        tpu.wait_dma2 semaphore(%run_scoped3A : memref<!tpu.dma_semaphore, #tpu.memory_space<semaphore_mem>>) src(%arg14 : memref<128x16xf32, #tpu.memory_space<vmem>>) dst(%dma_wait3A_51 : memref<128x16xf32, #tpu.memory_space<hbm>>)
        tpu.yield
      }) : () -> ()
      "tpu.region"() ({
        %run_scoped3A = tpu.sem_alloc : memref<!tpu.dma_semaphore, #tpu.memory_space<semaphore_mem>>
        %dma_start3A_44 = arith.constant 0 : i32
        %dma_start3A_45 = tpu.memref_slice %arg9[%add3A_13, %dma_start3A_44] : memref<802816x16xf32, #tpu.memory_space<hbm>> -> memref<128x16xf32, #tpu.memory_space<hbm>>
        %dma_start3A_46 = arith.constant 0 : i32
        %dma_start3A_47 = tpu.memref_slice %arg9[%add3A_13, %dma_start3A_46] : memref<802816x16xf32, #tpu.memory_space<hbm>> -> memref<128x16xf32, #tpu.memory_space<hbm>>
        tpu.enqueue_dma source(%arg15 : memref<128x16xf32, #tpu.memory_space<vmem>>) target(%dma_start3A_47 : memref<128x16xf32, #tpu.memory_space<hbm>>) target_semaphore(%run_scoped3A : memref<!tpu.dma_semaphore, #tpu.memory_space<semaphore_mem>>)
        %dma_wait3A_48 = arith.constant 0 : i32
        %dma_wait3A_49 = tpu.memref_slice %arg9[%add3A_13, %dma_wait3A_48] : memref<802816x16xf32, #tpu.memory_space<hbm>> -> memref<128x16xf32, #tpu.memory_space<hbm>>
        %dma_wait3A_50 = arith.constant 0 : i32
        %dma_wait3A_51 = tpu.memref_slice %arg9[%add3A_13, %dma_wait3A_50] : memref<802816x16xf32, #tpu.memory_space<hbm>> -> memref<128x16xf32, #tpu.memory_space<hbm>>
        tpu.wait_dma2 semaphore(%run_scoped3A : memref<!tpu.dma_semaphore, #tpu.memory_space<semaphore_mem>>) src(%arg15 : memref<128x16xf32, #tpu.memory_space<vmem>>) dst(%dma_wait3A_51 : memref<128x16xf32, #tpu.memory_space<hbm>>)
        tpu.yield
      }) : () -> ()
      %scan3A_43 = arith.constant 0 : i32
      scf.yield %scan3A_43 : i32
    }
    %scan3A_8 = arith.constant 196 : i32
    return
  }
}

#map = affine_map<(d0, d1) -> (0, 0)>
#map1 = affine_map<(d0, d1) -> (0)>
module attributes {stable_mosaic.version = 14 : i64} {
  func.func @_scatter_body(%arg0: i32, %arg1: i32, %arg2: memref<3211264x32xf32, #tpu.memory_space<hbm>>, %arg3: memref<802816xi32, #tpu.memory_space<hbm>>, %arg4: memref<3200x32xf32, #tpu.memory_space<hbm>>, %arg5: memref<204800x32xf32, #tpu.memory_space<hbm>>, %arg6: memref<51200x32xf32, #tpu.memory_space<vmem_shared>>, %arg7: memref<128xi32, #tpu.memory_space<vmem>>, %arg8: memref<128x32xf32, #tpu.memory_space<vmem>>) attributes {dimension_semantics = [#tpu.dimension_semantics<core_parallel>, #tpu.dimension_semantics<subcore_parallel>], iteration_bounds = array<i64: 2, 16>, scalar_prefetch = 0 : i64, scratch_operands = 3 : i64, tpu.core_type = #tpu.core_type<sc_vector_subcore>, window_params = [{transform_indices = #map}, {transform_indices = #map1}, {transform_indices = #map}, {transform_indices = #map}]} {
    %mul3A = arith.constant 3200 : i32
    %mul3A_0 = arith.muli %arg1, %mul3A : i32
    "tpu.region"() ({
      %run_scoped3A = tpu.sem_alloc : memref<!tpu.dma_semaphore, #tpu.memory_space<semaphore_mem>>
      %dma_start3A = arith.constant 0 : i32
      %dma_start3A_42 = tpu.memref_slice %arg6[%mul3A_0, %dma_start3A] : memref<51200x32xf32, #tpu.memory_space<vmem_shared>> -> memref<3200x32xf32, #tpu.memory_space<vmem_shared>>
      tpu.enqueue_dma source(%arg4 : memref<3200x32xf32, #tpu.memory_space<hbm>>) target(%dma_start3A_42 : memref<3200x32xf32, #tpu.memory_space<vmem_shared>>) target_semaphore(%run_scoped3A : memref<!tpu.dma_semaphore, #tpu.memory_space<semaphore_mem>>)
      %dma_wait3A = arith.constant 0 : i32
      %dma_wait3A_43 = tpu.memref_slice %arg6[%mul3A_0, %dma_wait3A] : memref<51200x32xf32, #tpu.memory_space<vmem_shared>> -> memref<3200x32xf32, #tpu.memory_space<vmem_shared>>
      tpu.wait_dma2 semaphore(%run_scoped3A : memref<!tpu.dma_semaphore, #tpu.memory_space<semaphore_mem>>) src(%arg4 : memref<3200x32xf32, #tpu.memory_space<hbm>>) dst(%dma_wait3A_43 : memref<3200x32xf32, #tpu.memory_space<vmem_shared>>)
      tpu.yield
    }) : () -> ()
    %barrier3A = arith.constant 0 : index
    tpu.barrier barrier_id(%barrier3A)
    %mul3A_1 = arith.constant 2 : i32
    %mul3A_2 = arith.muli %arg0, %mul3A_1 : i32
    %add3A = arith.constant 0 : i32
    %add3A_3 = arith.addi %mul3A_2, %add3A : i32
    %scan3A = arith.constant 0 : i32
    %scan3A_4 = arith.constant 0 : i32
    %scan3A_5 = arith.constant 392 : i32
    %scan3A_6 = arith.addi %scan3A_4, %scan3A_5 : i32
    %scan3A_7 = arith.constant 1 : i32
    %scan3A_8 = scf.for %scan3A_42 = %scan3A_4 to %scan3A_6 step %scan3A_7 iter_args(%scan3A_43 = %scan3A) -> (i32)  : i32 {
      %mul3A_44 = arith.constant 50176 : i32
      %mul3A_45 = arith.muli %arg1, %mul3A_44 : i32
      %mul3A_46 = arith.constant 128 : i32
      %mul3A_47 = arith.muli %scan3A_42, %mul3A_46 : i32
      %add3A_48 = arith.addi %mul3A_45, %mul3A_47 : i32
      "tpu.region"() ({
        %run_scoped3A = tpu.sem_alloc : memref<!tpu.dma_semaphore, #tpu.memory_space<semaphore_mem>>
        %dma_start3A = tpu.memref_slice %arg3[%add3A_48] : memref<802816xi32, #tpu.memory_space<hbm>> -> memref<128xi32, #tpu.memory_space<hbm>>
        %dma_start3A_53 = tpu.memref_slice %arg3[%add3A_48] : memref<802816xi32, #tpu.memory_space<hbm>> -> memref<128xi32, #tpu.memory_space<hbm>>
        tpu.enqueue_dma source(%dma_start3A_53 : memref<128xi32, #tpu.memory_space<hbm>>) target(%arg7 : memref<128xi32, #tpu.memory_space<vmem>>) target_semaphore(%run_scoped3A : memref<!tpu.dma_semaphore, #tpu.memory_space<semaphore_mem>>)
        %dma_wait3A = tpu.memref_slice %arg3[%add3A_48] : memref<802816xi32, #tpu.memory_space<hbm>> -> memref<128xi32, #tpu.memory_space<hbm>>
        %dma_wait3A_54 = tpu.memref_slice %arg3[%add3A_48] : memref<802816xi32, #tpu.memory_space<hbm>> -> memref<128xi32, #tpu.memory_space<hbm>>
        tpu.wait_dma2 semaphore(%run_scoped3A : memref<!tpu.dma_semaphore, #tpu.memory_space<semaphore_mem>>) src(%dma_wait3A_54 : memref<128xi32, #tpu.memory_space<hbm>>) dst(%arg7 : memref<128xi32, #tpu.memory_space<vmem>>)
        tpu.yield
      }) : () -> ()
      %mul3A_49 = arith.constant 802816 : i32
      %mul3A_50 = arith.muli %add3A_3, %mul3A_49 : i32
      %add3A_51 = arith.addi %mul3A_50, %add3A_48 : i32
      "tpu.region"() ({
        %run_scoped3A = tpu.sem_alloc : memref<!tpu.dma_semaphore, #tpu.memory_space<semaphore_mem>>
        %dma_start3A = arith.constant 0 : i32
        %dma_start3A_53 = tpu.memref_slice %arg2[%add3A_51, %dma_start3A] : memref<3211264x32xf32, #tpu.memory_space<hbm>> -> memref<128x32xf32, #tpu.memory_space<hbm>>
        %dma_start3A_54 = arith.constant 0 : i32
        %dma_start3A_55 = tpu.memref_slice %arg2[%add3A_51, %dma_start3A_54] : memref<3211264x32xf32, #tpu.memory_space<hbm>> -> memref<128x32xf32, #tpu.memory_space<hbm>>
        tpu.enqueue_dma source(%dma_start3A_55 : memref<128x32xf32, #tpu.memory_space<hbm>>) target(%arg8 : memref<128x32xf32, #tpu.memory_space<vmem>>) target_semaphore(%run_scoped3A : memref<!tpu.dma_semaphore, #tpu.memory_space<semaphore_mem>>)
        %dma_wait3A = arith.constant 0 : i32
        %dma_wait3A_56 = tpu.memref_slice %arg2[%add3A_51, %dma_wait3A] : memref<3211264x32xf32, #tpu.memory_space<hbm>> -> memref<128x32xf32, #tpu.memory_space<hbm>>
        %dma_wait3A_57 = arith.constant 0 : i32
        %dma_wait3A_58 = tpu.memref_slice %arg2[%add3A_51, %dma_wait3A_57] : memref<3211264x32xf32, #tpu.memory_space<hbm>> -> memref<128x32xf32, #tpu.memory_space<hbm>>
        tpu.wait_dma2 semaphore(%run_scoped3A : memref<!tpu.dma_semaphore, #tpu.memory_space<semaphore_mem>>) src(%dma_wait3A_58 : memref<128x32xf32, #tpu.memory_space<hbm>>) dst(%arg8 : memref<128x32xf32, #tpu.memory_space<vmem>>)
        tpu.yield
      }) : () -> ()
      "tpu.region"() ({
        %run_scoped3A = tpu.sem_alloc : memref<!tpu.dma_semaphore, #tpu.memory_space<semaphore_mem>>
        %dma_start3A = arith.constant 0 : i32
        %dma_start3A_53 = arith.constant 0 : i32
        %dma_start3A_54 = tpu.memref_slice %arg6[%dma_start3A, %dma_start3A_53] : memref<51200x32xf32, #tpu.memory_space<vmem_shared>> -> memref<51200x32xf32, #tpu.memory_space<vmem_shared>>
        tpu.enqueue_indirect_dma source(%arg8 : memref<128x32xf32, #tpu.memory_space<vmem>>) target(%dma_start3A_54 : memref<51200x32xf32, #tpu.memory_space<vmem_shared>>) offsets(%arg7 : memref<128xi32, #tpu.memory_space<vmem>>) semaphore(%run_scoped3A : memref<!tpu.dma_semaphore, #tpu.memory_space<semaphore_mem>>) {add = true}
        %dma_wait3A = arith.constant 0 : i32
        %dma_wait3A_55 = arith.constant 0 : i32
        %dma_wait3A_56 = tpu.memref_slice %arg6[%dma_wait3A, %dma_wait3A_55] : memref<51200x32xf32, #tpu.memory_space<vmem_shared>> -> memref<51200x32xf32, #tpu.memory_space<vmem_shared>>
        tpu.wait_indirect_dma semaphore(%run_scoped3A : memref<!tpu.dma_semaphore, #tpu.memory_space<semaphore_mem>>) src(%arg8 : memref<128x32xf32, #tpu.memory_space<vmem>>) dst(%dma_wait3A_56 : memref<51200x32xf32, #tpu.memory_space<vmem_shared>>)
        tpu.yield
      }) : () -> ()
      %scan3A_52 = arith.constant 0 : i32
      scf.yield %scan3A_52 : i32
    }
    %scan3A_9 = arith.constant 392 : i32
    %barrier3A_10 = arith.constant 0 : index
    tpu.barrier barrier_id(%barrier3A_10)
    %scan3A_11 = arith.constant 0 : i32
    %scan3A_12 = arith.constant 0 : i32
    %scan3A_13 = arith.constant 25 : i32
    %scan3A_14 = arith.addi %scan3A_12, %scan3A_13 : i32
    %scan3A_15 = arith.constant 1 : i32
    %scan3A_16 = scf.for %scan3A_42 = %scan3A_12 to %scan3A_14 step %scan3A_15 iter_args(%scan3A_43 = %scan3A_11) -> (i32)  : i32 {
      %mul3A_44 = arith.constant 3200 : i32
      %mul3A_45 = arith.muli %arg1, %mul3A_44 : i32
      %mul3A_46 = arith.constant 128 : i32
      %mul3A_47 = arith.muli %scan3A_42, %mul3A_46 : i32
      %add3A_48 = arith.addi %mul3A_45, %mul3A_47 : i32
      %mul3A_49 = arith.constant 51200 : i32
      %mul3A_50 = arith.muli %add3A_3, %mul3A_49 : i32
      %add3A_51 = arith.addi %mul3A_50, %add3A_48 : i32
      "tpu.region"() ({
        %run_scoped3A = tpu.sem_alloc : memref<!tpu.dma_semaphore, #tpu.memory_space<semaphore_mem>>
        %dma_start3A = arith.constant 0 : i32
        %dma_start3A_53 = tpu.memref_slice %arg5[%add3A_51, %dma_start3A] : memref<204800x32xf32, #tpu.memory_space<hbm>> -> memref<128x32xf32, #tpu.memory_space<hbm>>
        %dma_start3A_54 = arith.constant 0 : i32
        %dma_start3A_55 = tpu.memref_slice %arg6[%add3A_48, %dma_start3A_54] : memref<51200x32xf32, #tpu.memory_space<vmem_shared>> -> memref<128x32xf32, #tpu.memory_space<vmem_shared>>
        tpu.enqueue_dma source(%dma_start3A_55 : memref<128x32xf32, #tpu.memory_space<vmem_shared>>) target(%dma_start3A_53 : memref<128x32xf32, #tpu.memory_space<hbm>>) target_semaphore(%run_scoped3A : memref<!tpu.dma_semaphore, #tpu.memory_space<semaphore_mem>>)
        %dma_wait3A = arith.constant 0 : i32
        %dma_wait3A_56 = tpu.memref_slice %arg5[%add3A_51, %dma_wait3A] : memref<204800x32xf32, #tpu.memory_space<hbm>> -> memref<128x32xf32, #tpu.memory_space<hbm>>
        %dma_wait3A_57 = arith.constant 0 : i32
        %dma_wait3A_58 = tpu.memref_slice %arg6[%add3A_48, %dma_wait3A_57] : memref<51200x32xf32, #tpu.memory_space<vmem_shared>> -> memref<128x32xf32, #tpu.memory_space<vmem_shared>>
        tpu.wait_dma2 semaphore(%run_scoped3A : memref<!tpu.dma_semaphore, #tpu.memory_space<semaphore_mem>>) src(%dma_wait3A_58 : memref<128x32xf32, #tpu.memory_space<vmem_shared>>) dst(%dma_wait3A_56 : memref<128x32xf32, #tpu.memory_space<hbm>>)
        tpu.yield
      }) : () -> ()
      %scan3A_52 = arith.constant 0 : i32
      scf.yield %scan3A_52 : i32
    }
    %scan3A_17 = arith.constant 25 : i32
    %barrier3A_18 = arith.constant 0 : index
    tpu.barrier barrier_id(%barrier3A_18)
    %mul3A_19 = arith.constant 3200 : i32
    %mul3A_20 = arith.muli %arg1, %mul3A_19 : i32
    "tpu.region"() ({
      %run_scoped3A = tpu.sem_alloc : memref<!tpu.dma_semaphore, #tpu.memory_space<semaphore_mem>>
      %dma_start3A = arith.constant 0 : i32
      %dma_start3A_42 = tpu.memref_slice %arg6[%mul3A_20, %dma_start3A] : memref<51200x32xf32, #tpu.memory_space<vmem_shared>> -> memref<3200x32xf32, #tpu.memory_space<vmem_shared>>
      tpu.enqueue_dma source(%arg4 : memref<3200x32xf32, #tpu.memory_space<hbm>>) target(%dma_start3A_42 : memref<3200x32xf32, #tpu.memory_space<vmem_shared>>) target_semaphore(%run_scoped3A : memref<!tpu.dma_semaphore, #tpu.memory_space<semaphore_mem>>)
      %dma_wait3A = arith.constant 0 : i32
      %dma_wait3A_43 = tpu.memref_slice %arg6[%mul3A_20, %dma_wait3A] : memref<51200x32xf32, #tpu.memory_space<vmem_shared>> -> memref<3200x32xf32, #tpu.memory_space<vmem_shared>>
      tpu.wait_dma2 semaphore(%run_scoped3A : memref<!tpu.dma_semaphore, #tpu.memory_space<semaphore_mem>>) src(%arg4 : memref<3200x32xf32, #tpu.memory_space<hbm>>) dst(%dma_wait3A_43 : memref<3200x32xf32, #tpu.memory_space<vmem_shared>>)
      tpu.yield
    }) : () -> ()
    %barrier3A_21 = arith.constant 0 : index
    tpu.barrier barrier_id(%barrier3A_21)
    %mul3A_22 = arith.constant 2 : i32
    %mul3A_23 = arith.muli %arg0, %mul3A_22 : i32
    %add3A_24 = arith.constant 1 : i32
    %add3A_25 = arith.addi %mul3A_23, %add3A_24 : i32
    %scan3A_26 = arith.constant 0 : i32
    %scan3A_27 = arith.constant 0 : i32
    %scan3A_28 = arith.constant 392 : i32
    %scan3A_29 = arith.addi %scan3A_27, %scan3A_28 : i32
    %scan3A_30 = arith.constant 1 : i32
    %scan3A_31 = scf.for %scan3A_42 = %scan3A_27 to %scan3A_29 step %scan3A_30 iter_args(%scan3A_43 = %scan3A_26) -> (i32)  : i32 {
      %mul3A_44 = arith.constant 50176 : i32
      %mul3A_45 = arith.muli %arg1, %mul3A_44 : i32
      %mul3A_46 = arith.constant 128 : i32
      %mul3A_47 = arith.muli %scan3A_42, %mul3A_46 : i32
      %add3A_48 = arith.addi %mul3A_45, %mul3A_47 : i32
      "tpu.region"() ({
        %run_scoped3A = tpu.sem_alloc : memref<!tpu.dma_semaphore, #tpu.memory_space<semaphore_mem>>
        %dma_start3A = tpu.memref_slice %arg3[%add3A_48] : memref<802816xi32, #tpu.memory_space<hbm>> -> memref<128xi32, #tpu.memory_space<hbm>>
        %dma_start3A_53 = tpu.memref_slice %arg3[%add3A_48] : memref<802816xi32, #tpu.memory_space<hbm>> -> memref<128xi32, #tpu.memory_space<hbm>>
        tpu.enqueue_dma source(%dma_start3A_53 : memref<128xi32, #tpu.memory_space<hbm>>) target(%arg7 : memref<128xi32, #tpu.memory_space<vmem>>) target_semaphore(%run_scoped3A : memref<!tpu.dma_semaphore, #tpu.memory_space<semaphore_mem>>)
        %dma_wait3A = tpu.memref_slice %arg3[%add3A_48] : memref<802816xi32, #tpu.memory_space<hbm>> -> memref<128xi32, #tpu.memory_space<hbm>>
        %dma_wait3A_54 = tpu.memref_slice %arg3[%add3A_48] : memref<802816xi32, #tpu.memory_space<hbm>> -> memref<128xi32, #tpu.memory_space<hbm>>
        tpu.wait_dma2 semaphore(%run_scoped3A : memref<!tpu.dma_semaphore, #tpu.memory_space<semaphore_mem>>) src(%dma_wait3A_54 : memref<128xi32, #tpu.memory_space<hbm>>) dst(%arg7 : memref<128xi32, #tpu.memory_space<vmem>>)
        tpu.yield
      }) : () -> ()
      %mul3A_49 = arith.constant 802816 : i32
      %mul3A_50 = arith.muli %add3A_25, %mul3A_49 : i32
      %add3A_51 = arith.addi %mul3A_50, %add3A_48 : i32
      "tpu.region"() ({
        %run_scoped3A = tpu.sem_alloc : memref<!tpu.dma_semaphore, #tpu.memory_space<semaphore_mem>>
        %dma_start3A = arith.constant 0 : i32
        %dma_start3A_53 = tpu.memref_slice %arg2[%add3A_51, %dma_start3A] : memref<3211264x32xf32, #tpu.memory_space<hbm>> -> memref<128x32xf32, #tpu.memory_space<hbm>>
        %dma_start3A_54 = arith.constant 0 : i32
        %dma_start3A_55 = tpu.memref_slice %arg2[%add3A_51, %dma_start3A_54] : memref<3211264x32xf32, #tpu.memory_space<hbm>> -> memref<128x32xf32, #tpu.memory_space<hbm>>
        tpu.enqueue_dma source(%dma_start3A_55 : memref<128x32xf32, #tpu.memory_space<hbm>>) target(%arg8 : memref<128x32xf32, #tpu.memory_space<vmem>>) target_semaphore(%run_scoped3A : memref<!tpu.dma_semaphore, #tpu.memory_space<semaphore_mem>>)
        %dma_wait3A = arith.constant 0 : i32
        %dma_wait3A_56 = tpu.memref_slice %arg2[%add3A_51, %dma_wait3A] : memref<3211264x32xf32, #tpu.memory_space<hbm>> -> memref<128x32xf32, #tpu.memory_space<hbm>>
        %dma_wait3A_57 = arith.constant 0 : i32
        %dma_wait3A_58 = tpu.memref_slice %arg2[%add3A_51, %dma_wait3A_57] : memref<3211264x32xf32, #tpu.memory_space<hbm>> -> memref<128x32xf32, #tpu.memory_space<hbm>>
        tpu.wait_dma2 semaphore(%run_scoped3A : memref<!tpu.dma_semaphore, #tpu.memory_space<semaphore_mem>>) src(%dma_wait3A_58 : memref<128x32xf32, #tpu.memory_space<hbm>>) dst(%arg8 : memref<128x32xf32, #tpu.memory_space<vmem>>)
        tpu.yield
      }) : () -> ()
      "tpu.region"() ({
        %run_scoped3A = tpu.sem_alloc : memref<!tpu.dma_semaphore, #tpu.memory_space<semaphore_mem>>
        %dma_start3A = arith.constant 0 : i32
        %dma_start3A_53 = arith.constant 0 : i32
        %dma_start3A_54 = tpu.memref_slice %arg6[%dma_start3A, %dma_start3A_53] : memref<51200x32xf32, #tpu.memory_space<vmem_shared>> -> memref<51200x32xf32, #tpu.memory_space<vmem_shared>>
        tpu.enqueue_indirect_dma source(%arg8 : memref<128x32xf32, #tpu.memory_space<vmem>>) target(%dma_start3A_54 : memref<51200x32xf32, #tpu.memory_space<vmem_shared>>) offsets(%arg7 : memref<128xi32, #tpu.memory_space<vmem>>) semaphore(%run_scoped3A : memref<!tpu.dma_semaphore, #tpu.memory_space<semaphore_mem>>) {add = true}
        %dma_wait3A = arith.constant 0 : i32
        %dma_wait3A_55 = arith.constant 0 : i32
        %dma_wait3A_56 = tpu.memref_slice %arg6[%dma_wait3A, %dma_wait3A_55] : memref<51200x32xf32, #tpu.memory_space<vmem_shared>> -> memref<51200x32xf32, #tpu.memory_space<vmem_shared>>
        tpu.wait_indirect_dma semaphore(%run_scoped3A : memref<!tpu.dma_semaphore, #tpu.memory_space<semaphore_mem>>) src(%arg8 : memref<128x32xf32, #tpu.memory_space<vmem>>) dst(%dma_wait3A_56 : memref<51200x32xf32, #tpu.memory_space<vmem_shared>>)
        tpu.yield
      }) : () -> ()
      %scan3A_52 = arith.constant 0 : i32
      scf.yield %scan3A_52 : i32
    }
    %scan3A_32 = arith.constant 392 : i32
    %barrier3A_33 = arith.constant 0 : index
    tpu.barrier barrier_id(%barrier3A_33)
    %scan3A_34 = arith.constant 0 : i32
    %scan3A_35 = arith.constant 0 : i32
    %scan3A_36 = arith.constant 25 : i32
    %scan3A_37 = arith.addi %scan3A_35, %scan3A_36 : i32
    %scan3A_38 = arith.constant 1 : i32
    %scan3A_39 = scf.for %scan3A_42 = %scan3A_35 to %scan3A_37 step %scan3A_38 iter_args(%scan3A_43 = %scan3A_34) -> (i32)  : i32 {
      %mul3A_44 = arith.constant 3200 : i32
      %mul3A_45 = arith.muli %arg1, %mul3A_44 : i32
      %mul3A_46 = arith.constant 128 : i32
      %mul3A_47 = arith.muli %scan3A_42, %mul3A_46 : i32
      %add3A_48 = arith.addi %mul3A_45, %mul3A_47 : i32
      %mul3A_49 = arith.constant 51200 : i32
      %mul3A_50 = arith.muli %add3A_25, %mul3A_49 : i32
      %add3A_51 = arith.addi %mul3A_50, %add3A_48 : i32
      "tpu.region"() ({
        %run_scoped3A = tpu.sem_alloc : memref<!tpu.dma_semaphore, #tpu.memory_space<semaphore_mem>>
        %dma_start3A = arith.constant 0 : i32
        %dma_start3A_53 = tpu.memref_slice %arg5[%add3A_51, %dma_start3A] : memref<204800x32xf32, #tpu.memory_space<hbm>> -> memref<128x32xf32, #tpu.memory_space<hbm>>
        %dma_start3A_54 = arith.constant 0 : i32
        %dma_start3A_55 = tpu.memref_slice %arg6[%add3A_48, %dma_start3A_54] : memref<51200x32xf32, #tpu.memory_space<vmem_shared>> -> memref<128x32xf32, #tpu.memory_space<vmem_shared>>
        tpu.enqueue_dma source(%dma_start3A_55 : memref<128x32xf32, #tpu.memory_space<vmem_shared>>) target(%dma_start3A_53 : memref<128x32xf32, #tpu.memory_space<hbm>>) target_semaphore(%run_scoped3A : memref<!tpu.dma_semaphore, #tpu.memory_space<semaphore_mem>>)
        %dma_wait3A = arith.constant 0 : i32
        %dma_wait3A_56 = tpu.memref_slice %arg5[%add3A_51, %dma_wait3A] : memref<204800x32xf32, #tpu.memory_space<hbm>> -> memref<128x32xf32, #tpu.memory_space<hbm>>
        %dma_wait3A_57 = arith.constant 0 : i32
        %dma_wait3A_58 = tpu.memref_slice %arg6[%add3A_48, %dma_wait3A_57] : memref<51200x32xf32, #tpu.memory_space<vmem_shared>> -> memref<128x32xf32, #tpu.memory_space<vmem_shared>>
        tpu.wait_dma2 semaphore(%run_scoped3A : memref<!tpu.dma_semaphore, #tpu.memory_space<semaphore_mem>>) src(%dma_wait3A_58 : memref<128x32xf32, #tpu.memory_space<vmem_shared>>) dst(%dma_wait3A_56 : memref<128x32xf32, #tpu.memory_space<hbm>>)
        tpu.yield
      }) : () -> ()
      %scan3A_52 = arith.constant 0 : i32
      scf.yield %scan3A_52 : i32
    }
    %scan3A_40 = arith.constant 25 : i32
    %barrier3A_41 = arith.constant 0 : index
    tpu.barrier barrier_id(%barrier3A_41)
    return
  }
}

#map = affine_map<(d0, d1) -> (0, 0)>
#map1 = affine_map<(d0, d1) -> (0)>
module attributes {stable_mosaic.version = 14 : i64} {
  func.func @_gather_body(%arg0: i32, %arg1: i32, %arg2: memref<51200x128xf32, #tpu.memory_space<hbm>>, %arg3: memref<51200x128xf32, #tpu.memory_space<hbm>>, %arg4: memref<51200x16xf32, #tpu.memory_space<hbm>>, %arg5: memref<802816xi32, #tpu.memory_space<hbm>>, %arg6: memref<802816xi32, #tpu.memory_space<hbm>>, %arg7: memref<802816x128xf32, #tpu.memory_space<hbm>>, %arg8: memref<802816x16xf32, #tpu.memory_space<hbm>>, %arg9: memref<802816x16xf32, #tpu.memory_space<hbm>>, %arg10: memref<128xi32, #tpu.memory_space<vmem>>, %arg11: memref<128xi32, #tpu.memory_space<vmem>>, %arg12: memref<128x128xf32, #tpu.memory_space<vmem>>, %arg13: memref<128x128xf32, #tpu.memory_space<vmem>>, %arg14: memref<128x16xf32, #tpu.memory_space<vmem>>, %arg15: memref<128x16xf32, #tpu.memory_space<vmem>>, %arg16: memref<!tpu.dma_semaphore, #tpu.memory_space<semaphore_mem>>, %arg17: memref<!tpu.dma_semaphore, #tpu.memory_space<semaphore_mem>>, %arg18: memref<!tpu.dma_semaphore, #tpu.memory_space<semaphore_mem>>) attributes {dimension_semantics = [#tpu.dimension_semantics<core_parallel>, #tpu.dimension_semantics<subcore_parallel>], iteration_bounds = array<i64: 2, 16>, scalar_prefetch = 0 : i64, scratch_operands = 9 : i64, tpu.core_type = #tpu.core_type<sc_vector_subcore>, window_params = [{transform_indices = #map}, {transform_indices = #map}, {transform_indices = #map}, {transform_indices = #map1}, {transform_indices = #map1}, {transform_indices = #map}, {transform_indices = #map}, {transform_indices = #map}]} {
    %mul3A = arith.constant 2 : i32
    %mul3A_0 = arith.muli %arg1, %mul3A : i32
    %add3A = arith.addi %mul3A_0, %arg0 : i32
    %mul3A_1 = arith.constant 25088 : i32
    %mul3A_2 = arith.muli %add3A, %mul3A_1 : i32
    %scan3A = arith.constant 0 : i32
    %scan3A_3 = arith.constant 0 : i32
    %scan3A_4 = arith.constant 196 : i32
    %scan3A_5 = arith.addi %scan3A_3, %scan3A_4 : i32
    %scan3A_6 = arith.constant 1 : i32
    %scan3A_7 = scf.for %scan3A_9 = %scan3A_3 to %scan3A_5 step %scan3A_6 iter_args(%scan3A_10 = %scan3A) -> (i32)  : i32 {
      %mul3A_11 = arith.constant 128 : i32
      %mul3A_12 = arith.muli %scan3A_9, %mul3A_11 : i32
      %add3A_13 = arith.addi %mul3A_2, %mul3A_12 : i32
      "tpu.region"() ({
        %run_scoped3A = tpu.sem_alloc : memref<!tpu.dma_semaphore, #tpu.memory_space<semaphore_mem>>
        %dma_start3A_44 = tpu.memref_slice %arg5[%add3A_13] : memref<802816xi32, #tpu.memory_space<hbm>> -> memref<128xi32, #tpu.memory_space<hbm>>
        %dma_start3A_45 = tpu.memref_slice %arg5[%add3A_13] : memref<802816xi32, #tpu.memory_space<hbm>> -> memref<128xi32, #tpu.memory_space<hbm>>
        tpu.enqueue_dma source(%dma_start3A_45 : memref<128xi32, #tpu.memory_space<hbm>>) target(%arg10 : memref<128xi32, #tpu.memory_space<vmem>>) target_semaphore(%run_scoped3A : memref<!tpu.dma_semaphore, #tpu.memory_space<semaphore_mem>>)
        %dma_wait3A_46 = tpu.memref_slice %arg5[%add3A_13] : memref<802816xi32, #tpu.memory_space<hbm>> -> memref<128xi32, #tpu.memory_space<hbm>>
        %dma_wait3A_47 = tpu.memref_slice %arg5[%add3A_13] : memref<802816xi32, #tpu.memory_space<hbm>> -> memref<128xi32, #tpu.memory_space<hbm>>
        tpu.wait_dma2 semaphore(%run_scoped3A : memref<!tpu.dma_semaphore, #tpu.memory_space<semaphore_mem>>) src(%dma_wait3A_47 : memref<128xi32, #tpu.memory_space<hbm>>) dst(%arg10 : memref<128xi32, #tpu.memory_space<vmem>>)
        tpu.yield
      }) : () -> ()
      "tpu.region"() ({
        %run_scoped3A = tpu.sem_alloc : memref<!tpu.dma_semaphore, #tpu.memory_space<semaphore_mem>>
        %dma_start3A_44 = tpu.memref_slice %arg6[%add3A_13] : memref<802816xi32, #tpu.memory_space<hbm>> -> memref<128xi32, #tpu.memory_space<hbm>>
        %dma_start3A_45 = tpu.memref_slice %arg6[%add3A_13] : memref<802816xi32, #tpu.memory_space<hbm>> -> memref<128xi32, #tpu.memory_space<hbm>>
        tpu.enqueue_dma source(%dma_start3A_45 : memref<128xi32, #tpu.memory_space<hbm>>) target(%arg11 : memref<128xi32, #tpu.memory_space<vmem>>) target_semaphore(%run_scoped3A : memref<!tpu.dma_semaphore, #tpu.memory_space<semaphore_mem>>)
        %dma_wait3A_46 = tpu.memref_slice %arg6[%add3A_13] : memref<802816xi32, #tpu.memory_space<hbm>> -> memref<128xi32, #tpu.memory_space<hbm>>
        %dma_wait3A_47 = tpu.memref_slice %arg6[%add3A_13] : memref<802816xi32, #tpu.memory_space<hbm>> -> memref<128xi32, #tpu.memory_space<hbm>>
        tpu.wait_dma2 semaphore(%run_scoped3A : memref<!tpu.dma_semaphore, #tpu.memory_space<semaphore_mem>>) src(%dma_wait3A_47 : memref<128xi32, #tpu.memory_space<hbm>>) dst(%arg11 : memref<128xi32, #tpu.memory_space<vmem>>)
        tpu.yield
      }) : () -> ()
      %dma_start3A = arith.constant 0 : i32
      %dma_start3A_14 = arith.constant 0 : i32
      %dma_start3A_15 = tpu.memref_slice %arg2[%dma_start3A, %dma_start3A_14] : memref<51200x128xf32, #tpu.memory_space<hbm>> -> memref<51200x128xf32, #tpu.memory_space<hbm>>
      tpu.enqueue_indirect_dma source(%dma_start3A_15 : memref<51200x128xf32, #tpu.memory_space<hbm>>) target(%arg12 : memref<128x128xf32, #tpu.memory_space<vmem>>) offsets(%arg10 : memref<128xi32, #tpu.memory_space<vmem>>) semaphore(%arg16 : memref<!tpu.dma_semaphore, #tpu.memory_space<semaphore_mem>>)
      %dma_start3A_16 = arith.constant 0 : i32
      %dma_start3A_17 = arith.constant 0 : i32
      %dma_start3A_18 = tpu.memref_slice %arg3[%dma_start3A_16, %dma_start3A_17] : memref<51200x128xf32, #tpu.memory_space<hbm>> -> memref<51200x128xf32, #tpu.memory_space<hbm>>
      tpu.enqueue_indirect_dma source(%dma_start3A_18 : memref<51200x128xf32, #tpu.memory_space<hbm>>) target(%arg13 : memref<128x128xf32, #tpu.memory_space<vmem>>) offsets(%arg11 : memref<128xi32, #tpu.memory_space<vmem>>) semaphore(%arg17 : memref<!tpu.dma_semaphore, #tpu.memory_space<semaphore_mem>>)
      %dma_start3A_19 = arith.constant 0 : i32
      %dma_start3A_20 = arith.constant 0 : i32
      %dma_start3A_21 = tpu.memref_slice %arg4[%dma_start3A_19, %dma_start3A_20] : memref<51200x16xf32, #tpu.memory_space<hbm>> -> memref<51200x16xf32, #tpu.memory_space<hbm>>
      tpu.enqueue_indirect_dma source(%dma_start3A_21 : memref<51200x16xf32, #tpu.memory_space<hbm>>) target(%arg14 : memref<128x16xf32, #tpu.memory_space<vmem>>) offsets(%arg10 : memref<128xi32, #tpu.memory_space<vmem>>) semaphore(%arg18 : memref<!tpu.dma_semaphore, #tpu.memory_space<semaphore_mem>>)
      %dma_start3A_22 = arith.constant 0 : i32
      %dma_start3A_23 = arith.constant 0 : i32
      %dma_start3A_24 = tpu.memref_slice %arg4[%dma_start3A_22, %dma_start3A_23] : memref<51200x16xf32, #tpu.memory_space<hbm>> -> memref<51200x16xf32, #tpu.memory_space<hbm>>
      tpu.enqueue_indirect_dma source(%dma_start3A_24 : memref<51200x16xf32, #tpu.memory_space<hbm>>) target(%arg15 : memref<128x16xf32, #tpu.memory_space<vmem>>) offsets(%arg11 : memref<128xi32, #tpu.memory_space<vmem>>) semaphore(%arg18 : memref<!tpu.dma_semaphore, #tpu.memory_space<semaphore_mem>>)
      %dma_wait3A = arith.constant 0 : i32
      %dma_wait3A_25 = arith.constant 0 : i32
      %dma_wait3A_26 = tpu.memref_slice %arg2[%dma_wait3A, %dma_wait3A_25] : memref<51200x128xf32, #tpu.memory_space<hbm>> -> memref<51200x128xf32, #tpu.memory_space<hbm>>
      tpu.wait_indirect_dma semaphore(%arg16 : memref<!tpu.dma_semaphore, #tpu.memory_space<semaphore_mem>>) src(%dma_wait3A_26 : memref<51200x128xf32, #tpu.memory_space<hbm>>) dst(%arg12 : memref<128x128xf32, #tpu.memory_space<vmem>>)
      %dma_wait3A_27 = arith.constant 0 : i32
      %dma_wait3A_28 = arith.constant 0 : i32
      %dma_wait3A_29 = tpu.memref_slice %arg3[%dma_wait3A_27, %dma_wait3A_28] : memref<51200x128xf32, #tpu.memory_space<hbm>> -> memref<51200x128xf32, #tpu.memory_space<hbm>>
      tpu.wait_indirect_dma semaphore(%arg17 : memref<!tpu.dma_semaphore, #tpu.memory_space<semaphore_mem>>) src(%dma_wait3A_29 : memref<51200x128xf32, #tpu.memory_space<hbm>>) dst(%arg13 : memref<128x128xf32, #tpu.memory_space<vmem>>)
      %dma_wait3A_30 = arith.constant 0 : i32
      %dma_wait3A_31 = arith.constant 0 : i32
      %dma_wait3A_32 = tpu.memref_slice %arg4[%dma_wait3A_30, %dma_wait3A_31] : memref<51200x16xf32, #tpu.memory_space<hbm>> -> memref<51200x16xf32, #tpu.memory_space<hbm>>
      tpu.wait_indirect_dma semaphore(%arg18 : memref<!tpu.dma_semaphore, #tpu.memory_space<semaphore_mem>>) src(%dma_wait3A_32 : memref<51200x16xf32, #tpu.memory_space<hbm>>) dst(%arg14 : memref<128x16xf32, #tpu.memory_space<vmem>>)
      %dma_wait3A_33 = arith.constant 0 : i32
      %dma_wait3A_34 = arith.constant 0 : i32
      %dma_wait3A_35 = tpu.memref_slice %arg4[%dma_wait3A_33, %dma_wait3A_34] : memref<51200x16xf32, #tpu.memory_space<hbm>> -> memref<51200x16xf32, #tpu.memory_space<hbm>>
      tpu.wait_indirect_dma semaphore(%arg18 : memref<!tpu.dma_semaphore, #tpu.memory_space<semaphore_mem>>) src(%dma_wait3A_35 : memref<51200x16xf32, #tpu.memory_space<hbm>>) dst(%arg15 : memref<128x16xf32, #tpu.memory_space<vmem>>)
      %scan3A_36 = arith.constant 0 : i32
      %scan3A_37 = arith.constant 0 : i32
      %scan3A_38 = arith.constant 128 : i32
      %scan3A_39 = arith.addi %scan3A_37, %scan3A_38 : i32
      %scan3A_40 = arith.constant 1 : i32
      %scan3A_41 = scf.for %scan3A_44 = %scan3A_37 to %scan3A_39 step %scan3A_40 iter_args(%scan3A_45 = %scan3A_36) -> (i32)  : i32 {
        %get3A = arith.index_cast %scan3A_44 : i32 to index
        %get3A_46 = arith.constant 0 : index
        %get3A_47 = tpu.vector_load %arg12[%get3A, %get3A_46] {strides = array<i32>} : memref<128x128xf32, #tpu.memory_space<vmem>>, vector<1x16xf32>,
        %get3A_48 = vector.shape_cast %get3A_47 : vector<1x16xf32> to vector<16xf32>
        %get3A_49 = arith.index_cast %scan3A_44 : i32 to index
        %get3A_50 = arith.constant 0 : index
        %get3A_51 = tpu.vector_load %arg13[%get3A_49, %get3A_50] {strides = array<i32>} : memref<128x128xf32, #tpu.memory_space<vmem>>, vector<1x16xf32>,
        %get3A_52 = vector.shape_cast %get3A_51 : vector<1x16xf32> to vector<16xf32>
        %add3A_53 = arith.addf %get3A_48, %get3A_52 : vector<16xf32>
        %swap3A = arith.index_cast %scan3A_44 : i32 to index
        %swap3A_54 = arith.constant 0 : index
        %swap3A_55 = tpu.vector_load %arg12[%swap3A, %swap3A_54] {strides = array<i32>} : memref<128x128xf32, #tpu.memory_space<vmem>>, vector<1x16xf32>,
        %swap3A_56 = vector.shape_cast %swap3A_55 : vector<1x16xf32> to vector<16xf32>
        %swap3A_57 = vector.shape_cast %add3A_53 : vector<16xf32> to vector<1x16xf32>
        tpu.vector_store %arg12[%swap3A, %swap3A_54], %swap3A_57 {strides = array<i32>} : memref<128x128xf32, #tpu.memory_space<vmem>>, vector<1x16xf32>,
        %get3A_58 = arith.index_cast %scan3A_44 : i32 to index
        %get3A_59 = arith.constant 16 : index
        %get3A_60 = tpu.vector_load %arg12[%get3A_58, %get3A_59] {strides = array<i32>} : memref<128x128xf32, #tpu.memory_space<vmem>>, vector<1x16xf32>,
        %get3A_61 = vector.shape_cast %get3A_60 : vector<1x16xf32> to vector<16xf32>
        %get3A_62 = arith.index_cast %scan3A_44 : i32 to index
        %get3A_63 = arith.constant 16 : index
        %get3A_64 = tpu.vector_load %arg13[%get3A_62, %get3A_63] {strides = array<i32>} : memref<128x128xf32, #tpu.memory_space<vmem>>, vector<1x16xf32>,
        %get3A_65 = vector.shape_cast %get3A_64 : vector<1x16xf32> to vector<16xf32>
        %add3A_66 = arith.addf %get3A_61, %get3A_65 : vector<16xf32>
        %swap3A_67 = arith.index_cast %scan3A_44 : i32 to index
        %swap3A_68 = arith.constant 16 : index
        %swap3A_69 = tpu.vector_load %arg12[%swap3A_67, %swap3A_68] {strides = array<i32>} : memref<128x128xf32, #tpu.memory_space<vmem>>, vector<1x16xf32>,
        %swap3A_70 = vector.shape_cast %swap3A_69 : vector<1x16xf32> to vector<16xf32>
        %swap3A_71 = vector.shape_cast %add3A_66 : vector<16xf32> to vector<1x16xf32>
        tpu.vector_store %arg12[%swap3A_67, %swap3A_68], %swap3A_71 {strides = array<i32>} : memref<128x128xf32, #tpu.memory_space<vmem>>, vector<1x16xf32>,
        %get3A_72 = arith.index_cast %scan3A_44 : i32 to index
        %get3A_73 = arith.constant 32 : index
        %get3A_74 = tpu.vector_load %arg12[%get3A_72, %get3A_73] {strides = array<i32>} : memref<128x128xf32, #tpu.memory_space<vmem>>, vector<1x16xf32>,
        %get3A_75 = vector.shape_cast %get3A_74 : vector<1x16xf32> to vector<16xf32>
        %get3A_76 = arith.index_cast %scan3A_44 : i32 to index
        %get3A_77 = arith.constant 32 : index
        %get3A_78 = tpu.vector_load %arg13[%get3A_76, %get3A_77] {strides = array<i32>} : memref<128x128xf32, #tpu.memory_space<vmem>>, vector<1x16xf32>,
        %get3A_79 = vector.shape_cast %get3A_78 : vector<1x16xf32> to vector<16xf32>
        %add3A_80 = arith.addf %get3A_75, %get3A_79 : vector<16xf32>
        %swap3A_81 = arith.index_cast %scan3A_44 : i32 to index
        %swap3A_82 = arith.constant 32 : index
        %swap3A_83 = tpu.vector_load %arg12[%swap3A_81, %swap3A_82] {strides = array<i32>} : memref<128x128xf32, #tpu.memory_space<vmem>>, vector<1x16xf32>,
        %swap3A_84 = vector.shape_cast %swap3A_83 : vector<1x16xf32> to vector<16xf32>
        %swap3A_85 = vector.shape_cast %add3A_80 : vector<16xf32> to vector<1x16xf32>
        tpu.vector_store %arg12[%swap3A_81, %swap3A_82], %swap3A_85 {strides = array<i32>} : memref<128x128xf32, #tpu.memory_space<vmem>>, vector<1x16xf32>,
        %get3A_86 = arith.index_cast %scan3A_44 : i32 to index
        %get3A_87 = arith.constant 48 : index
        %get3A_88 = tpu.vector_load %arg12[%get3A_86, %get3A_87] {strides = array<i32>} : memref<128x128xf32, #tpu.memory_space<vmem>>, vector<1x16xf32>,
        %get3A_89 = vector.shape_cast %get3A_88 : vector<1x16xf32> to vector<16xf32>
        %get3A_90 = arith.index_cast %scan3A_44 : i32 to index
        %get3A_91 = arith.constant 48 : index
        %get3A_92 = tpu.vector_load %arg13[%get3A_90, %get3A_91] {strides = array<i32>} : memref<128x128xf32, #tpu.memory_space<vmem>>, vector<1x16xf32>,
        %get3A_93 = vector.shape_cast %get3A_92 : vector<1x16xf32> to vector<16xf32>
        %add3A_94 = arith.addf %get3A_89, %get3A_93 : vector<16xf32>
        %swap3A_95 = arith.index_cast %scan3A_44 : i32 to index
        %swap3A_96 = arith.constant 48 : index
        %swap3A_97 = tpu.vector_load %arg12[%swap3A_95, %swap3A_96] {strides = array<i32>} : memref<128x128xf32, #tpu.memory_space<vmem>>, vector<1x16xf32>,
        %swap3A_98 = vector.shape_cast %swap3A_97 : vector<1x16xf32> to vector<16xf32>
        %swap3A_99 = vector.shape_cast %add3A_94 : vector<16xf32> to vector<1x16xf32>
        tpu.vector_store %arg12[%swap3A_95, %swap3A_96], %swap3A_99 {strides = array<i32>} : memref<128x128xf32, #tpu.memory_space<vmem>>, vector<1x16xf32>,
        %get3A_100 = arith.index_cast %scan3A_44 : i32 to index
        %get3A_101 = arith.constant 64 : index
        %get3A_102 = tpu.vector_load %arg12[%get3A_100, %get3A_101] {strides = array<i32>} : memref<128x128xf32, #tpu.memory_space<vmem>>, vector<1x16xf32>,
        %get3A_103 = vector.shape_cast %get3A_102 : vector<1x16xf32> to vector<16xf32>
        %get3A_104 = arith.index_cast %scan3A_44 : i32 to index
        %get3A_105 = arith.constant 64 : index
        %get3A_106 = tpu.vector_load %arg13[%get3A_104, %get3A_105] {strides = array<i32>} : memref<128x128xf32, #tpu.memory_space<vmem>>, vector<1x16xf32>,
        %get3A_107 = vector.shape_cast %get3A_106 : vector<1x16xf32> to vector<16xf32>
        %add3A_108 = arith.addf %get3A_103, %get3A_107 : vector<16xf32>
        %swap3A_109 = arith.index_cast %scan3A_44 : i32 to index
        %swap3A_110 = arith.constant 64 : index
        %swap3A_111 = tpu.vector_load %arg12[%swap3A_109, %swap3A_110] {strides = array<i32>} : memref<128x128xf32, #tpu.memory_space<vmem>>, vector<1x16xf32>,
        %swap3A_112 = vector.shape_cast %swap3A_111 : vector<1x16xf32> to vector<16xf32>
        %swap3A_113 = vector.shape_cast %add3A_108 : vector<16xf32> to vector<1x16xf32>
        tpu.vector_store %arg12[%swap3A_109, %swap3A_110], %swap3A_113 {strides = array<i32>} : memref<128x128xf32, #tpu.memory_space<vmem>>, vector<1x16xf32>,
        %get3A_114 = arith.index_cast %scan3A_44 : i32 to index
        %get3A_115 = arith.constant 80 : index
        %get3A_116 = tpu.vector_load %arg12[%get3A_114, %get3A_115] {strides = array<i32>} : memref<128x128xf32, #tpu.memory_space<vmem>>, vector<1x16xf32>,
        %get3A_117 = vector.shape_cast %get3A_116 : vector<1x16xf32> to vector<16xf32>
        %get3A_118 = arith.index_cast %scan3A_44 : i32 to index
        %get3A_119 = arith.constant 80 : index
        %get3A_120 = tpu.vector_load %arg13[%get3A_118, %get3A_119] {strides = array<i32>} : memref<128x128xf32, #tpu.memory_space<vmem>>, vector<1x16xf32>,
        %get3A_121 = vector.shape_cast %get3A_120 : vector<1x16xf32> to vector<16xf32>
        %add3A_122 = arith.addf %get3A_117, %get3A_121 : vector<16xf32>
        %swap3A_123 = arith.index_cast %scan3A_44 : i32 to index
        %swap3A_124 = arith.constant 80 : index
        %swap3A_125 = tpu.vector_load %arg12[%swap3A_123, %swap3A_124] {strides = array<i32>} : memref<128x128xf32, #tpu.memory_space<vmem>>, vector<1x16xf32>,
        %swap3A_126 = vector.shape_cast %swap3A_125 : vector<1x16xf32> to vector<16xf32>
        %swap3A_127 = vector.shape_cast %add3A_122 : vector<16xf32> to vector<1x16xf32>
        tpu.vector_store %arg12[%swap3A_123, %swap3A_124], %swap3A_127 {strides = array<i32>} : memref<128x128xf32, #tpu.memory_space<vmem>>, vector<1x16xf32>,
        %get3A_128 = arith.index_cast %scan3A_44 : i32 to index
        %get3A_129 = arith.constant 96 : index
        %get3A_130 = tpu.vector_load %arg12[%get3A_128, %get3A_129] {strides = array<i32>} : memref<128x128xf32, #tpu.memory_space<vmem>>, vector<1x16xf32>,
        %get3A_131 = vector.shape_cast %get3A_130 : vector<1x16xf32> to vector<16xf32>
        %get3A_132 = arith.index_cast %scan3A_44 : i32 to index
        %get3A_133 = arith.constant 96 : index
        %get3A_134 = tpu.vector_load %arg13[%get3A_132, %get3A_133] {strides = array<i32>} : memref<128x128xf32, #tpu.memory_space<vmem>>, vector<1x16xf32>,
        %get3A_135 = vector.shape_cast %get3A_134 : vector<1x16xf32> to vector<16xf32>
        %add3A_136 = arith.addf %get3A_131, %get3A_135 : vector<16xf32>
        %swap3A_137 = arith.index_cast %scan3A_44 : i32 to index
        %swap3A_138 = arith.constant 96 : index
        %swap3A_139 = tpu.vector_load %arg12[%swap3A_137, %swap3A_138] {strides = array<i32>} : memref<128x128xf32, #tpu.memory_space<vmem>>, vector<1x16xf32>,
        %swap3A_140 = vector.shape_cast %swap3A_139 : vector<1x16xf32> to vector<16xf32>
        %swap3A_141 = vector.shape_cast %add3A_136 : vector<16xf32> to vector<1x16xf32>
        tpu.vector_store %arg12[%swap3A_137, %swap3A_138], %swap3A_141 {strides = array<i32>} : memref<128x128xf32, #tpu.memory_space<vmem>>, vector<1x16xf32>,
        %get3A_142 = arith.index_cast %scan3A_44 : i32 to index
        %get3A_143 = arith.constant 112 : index
        %get3A_144 = tpu.vector_load %arg12[%get3A_142, %get3A_143] {strides = array<i32>} : memref<128x128xf32, #tpu.memory_space<vmem>>, vector<1x16xf32>,
        %get3A_145 = vector.shape_cast %get3A_144 : vector<1x16xf32> to vector<16xf32>
        %get3A_146 = arith.index_cast %scan3A_44 : i32 to index
        %get3A_147 = arith.constant 112 : index
        %get3A_148 = tpu.vector_load %arg13[%get3A_146, %get3A_147] {strides = array<i32>} : memref<128x128xf32, #tpu.memory_space<vmem>>, vector<1x16xf32>,
        %get3A_149 = vector.shape_cast %get3A_148 : vector<1x16xf32> to vector<16xf32>
        %add3A_150 = arith.addf %get3A_145, %get3A_149 : vector<16xf32>
        %swap3A_151 = arith.index_cast %scan3A_44 : i32 to index
        %swap3A_152 = arith.constant 112 : index
        %swap3A_153 = tpu.vector_load %arg12[%swap3A_151, %swap3A_152] {strides = array<i32>} : memref<128x128xf32, #tpu.memory_space<vmem>>, vector<1x16xf32>,
        %swap3A_154 = vector.shape_cast %swap3A_153 : vector<1x16xf32> to vector<16xf32>
        %swap3A_155 = vector.shape_cast %add3A_150 : vector<16xf32> to vector<1x16xf32>
        tpu.vector_store %arg12[%swap3A_151, %swap3A_152], %swap3A_155 {strides = array<i32>} : memref<128x128xf32, #tpu.memory_space<vmem>>, vector<1x16xf32>,
        %scan3A_156 = arith.constant 0 : i32
        scf.yield %scan3A_156 : i32
      }
      %scan3A_42 = arith.constant 128 : i32
      "tpu.region"() ({
        %run_scoped3A = tpu.sem_alloc : memref<!tpu.dma_semaphore, #tpu.memory_space<semaphore_mem>>
        %dma_start3A_44 = arith.constant 0 : i32
        %dma_start3A_45 = tpu.memref_slice %arg7[%add3A_13, %dma_start3A_44] : memref<802816x128xf32, #tpu.memory_space<hbm>> -> memref<128x128xf32, #tpu.memory_space<hbm>>
        %dma_start3A_46 = arith.constant 0 : i32
        %dma_start3A_47 = tpu.memref_slice %arg7[%add3A_13, %dma_start3A_46] : memref<802816x128xf32, #tpu.memory_space<hbm>> -> memref<128x128xf32, #tpu.memory_space<hbm>>
        tpu.enqueue_dma source(%arg12 : memref<128x128xf32, #tpu.memory_space<vmem>>) target(%dma_start3A_47 : memref<128x128xf32, #tpu.memory_space<hbm>>) target_semaphore(%run_scoped3A : memref<!tpu.dma_semaphore, #tpu.memory_space<semaphore_mem>>)
        %dma_wait3A_48 = arith.constant 0 : i32
        %dma_wait3A_49 = tpu.memref_slice %arg7[%add3A_13, %dma_wait3A_48] : memref<802816x128xf32, #tpu.memory_space<hbm>> -> memref<128x128xf32, #tpu.memory_space<hbm>>
        %dma_wait3A_50 = arith.constant 0 : i32
        %dma_wait3A_51 = tpu.memref_slice %arg7[%add3A_13, %dma_wait3A_50] : memref<802816x128xf32, #tpu.memory_space<hbm>> -> memref<128x128xf32, #tpu.memory_space<hbm>>
        tpu.wait_dma2 semaphore(%run_scoped3A : memref<!tpu.dma_semaphore, #tpu.memory_space<semaphore_mem>>) src(%arg12 : memref<128x128xf32, #tpu.memory_space<vmem>>) dst(%dma_wait3A_51 : memref<128x128xf32, #tpu.memory_space<hbm>>)
        tpu.yield
      }) : () -> ()
      "tpu.region"() ({
        %run_scoped3A = tpu.sem_alloc : memref<!tpu.dma_semaphore, #tpu.memory_space<semaphore_mem>>
        %dma_start3A_44 = arith.constant 0 : i32
        %dma_start3A_45 = tpu.memref_slice %arg8[%add3A_13, %dma_start3A_44] : memref<802816x16xf32, #tpu.memory_space<hbm>> -> memref<128x16xf32, #tpu.memory_space<hbm>>
        %dma_start3A_46 = arith.constant 0 : i32
        %dma_start3A_47 = tpu.memref_slice %arg8[%add3A_13, %dma_start3A_46] : memref<802816x16xf32, #tpu.memory_space<hbm>> -> memref<128x16xf32, #tpu.memory_space<hbm>>
        tpu.enqueue_dma source(%arg14 : memref<128x16xf32, #tpu.memory_space<vmem>>) target(%dma_start3A_47 : memref<128x16xf32, #tpu.memory_space<hbm>>) target_semaphore(%run_scoped3A : memref<!tpu.dma_semaphore, #tpu.memory_space<semaphore_mem>>)
        %dma_wait3A_48 = arith.constant 0 : i32
        %dma_wait3A_49 = tpu.memref_slice %arg8[%add3A_13, %dma_wait3A_48] : memref<802816x16xf32, #tpu.memory_space<hbm>> -> memref<128x16xf32, #tpu.memory_space<hbm>>
        %dma_wait3A_50 = arith.constant 0 : i32
        %dma_wait3A_51 = tpu.memref_slice %arg8[%add3A_13, %dma_wait3A_50] : memref<802816x16xf32, #tpu.memory_space<hbm>> -> memref<128x16xf32, #tpu.memory_space<hbm>>
        tpu.wait_dma2 semaphore(%run_scoped3A : memref<!tpu.dma_semaphore, #tpu.memory_space<semaphore_mem>>) src(%arg14 : memref<128x16xf32, #tpu.memory_space<vmem>>) dst(%dma_wait3A_51 : memref<128x16xf32, #tpu.memory_space<hbm>>)
        tpu.yield
      }) : () -> ()
      "tpu.region"() ({
        %run_scoped3A = tpu.sem_alloc : memref<!tpu.dma_semaphore, #tpu.memory_space<semaphore_mem>>
        %dma_start3A_44 = arith.constant 0 : i32
        %dma_start3A_45 = tpu.memref_slice %arg9[%add3A_13, %dma_start3A_44] : memref<802816x16xf32, #tpu.memory_space<hbm>> -> memref<128x16xf32, #tpu.memory_space<hbm>>
        %dma_start3A_46 = arith.constant 0 : i32
        %dma_start3A_47 = tpu.memref_slice %arg9[%add3A_13, %dma_start3A_46] : memref<802816x16xf32, #tpu.memory_space<hbm>> -> memref<128x16xf32, #tpu.memory_space<hbm>>
        tpu.enqueue_dma source(%arg15 : memref<128x16xf32, #tpu.memory_space<vmem>>) target(%dma_start3A_47 : memref<128x16xf32, #tpu.memory_space<hbm>>) target_semaphore(%run_scoped3A : memref<!tpu.dma_semaphore, #tpu.memory_space<semaphore_mem>>)
        %dma_wait3A_48 = arith.constant 0 : i32
        %dma_wait3A_49 = tpu.memref_slice %arg9[%add3A_13, %dma_wait3A_48] : memref<802816x16xf32, #tpu.memory_space<hbm>> -> memref<128x16xf32, #tpu.memory_space<hbm>>
        %dma_wait3A_50 = arith.constant 0 : i32
        %dma_wait3A_51 = tpu.memref_slice %arg9[%add3A_13, %dma_wait3A_50] : memref<802816x16xf32, #tpu.memory_space<hbm>> -> memref<128x16xf32, #tpu.memory_space<hbm>>
        tpu.wait_dma2 semaphore(%run_scoped3A : memref<!tpu.dma_semaphore, #tpu.memory_space<semaphore_mem>>) src(%arg15 : memref<128x16xf32, #tpu.memory_space<vmem>>) dst(%dma_wait3A_51 : memref<128x16xf32, #tpu.memory_space<hbm>>)
        tpu.yield
      }) : () -> ()
      %scan3A_43 = arith.constant 0 : i32
      scf.yield %scan3A_43 : i32
    }
    %scan3A_8 = arith.constant 196 : i32
    return
  }
}

#map = affine_map<(d0, d1) -> (0, 0)>
#map1 = affine_map<(d0, d1) -> (0)>
module attributes {stable_mosaic.version = 14 : i64} {
  func.func @_scatter_body(%arg0: i32, %arg1: i32, %arg2: memref<3211264x32xf32, #tpu.memory_space<hbm>>, %arg3: memref<802816xi32, #tpu.memory_space<hbm>>, %arg4: memref<3200x32xf32, #tpu.memory_space<hbm>>, %arg5: memref<204800x32xf32, #tpu.memory_space<hbm>>, %arg6: memref<51200x32xf32, #tpu.memory_space<vmem_shared>>, %arg7: memref<128xi32, #tpu.memory_space<vmem>>, %arg8: memref<128x32xf32, #tpu.memory_space<vmem>>) attributes {dimension_semantics = [#tpu.dimension_semantics<core_parallel>, #tpu.dimension_semantics<subcore_parallel>], iteration_bounds = array<i64: 2, 16>, scalar_prefetch = 0 : i64, scratch_operands = 3 : i64, tpu.core_type = #tpu.core_type<sc_vector_subcore>, window_params = [{transform_indices = #map}, {transform_indices = #map1}, {transform_indices = #map}, {transform_indices = #map}]} {
    %mul3A = arith.constant 3200 : i32
    %mul3A_0 = arith.muli %arg1, %mul3A : i32
    "tpu.region"() ({
      %run_scoped3A = tpu.sem_alloc : memref<!tpu.dma_semaphore, #tpu.memory_space<semaphore_mem>>
      %dma_start3A = arith.constant 0 : i32
      %dma_start3A_42 = tpu.memref_slice %arg6[%mul3A_0, %dma_start3A] : memref<51200x32xf32, #tpu.memory_space<vmem_shared>> -> memref<3200x32xf32, #tpu.memory_space<vmem_shared>>
      tpu.enqueue_dma source(%arg4 : memref<3200x32xf32, #tpu.memory_space<hbm>>) target(%dma_start3A_42 : memref<3200x32xf32, #tpu.memory_space<vmem_shared>>) target_semaphore(%run_scoped3A : memref<!tpu.dma_semaphore, #tpu.memory_space<semaphore_mem>>)
      %dma_wait3A = arith.constant 0 : i32
      %dma_wait3A_43 = tpu.memref_slice %arg6[%mul3A_0, %dma_wait3A] : memref<51200x32xf32, #tpu.memory_space<vmem_shared>> -> memref<3200x32xf32, #tpu.memory_space<vmem_shared>>
      tpu.wait_dma2 semaphore(%run_scoped3A : memref<!tpu.dma_semaphore, #tpu.memory_space<semaphore_mem>>) src(%arg4 : memref<3200x32xf32, #tpu.memory_space<hbm>>) dst(%dma_wait3A_43 : memref<3200x32xf32, #tpu.memory_space<vmem_shared>>)
      tpu.yield
    }) : () -> ()
    %barrier3A = arith.constant 0 : index
    tpu.barrier barrier_id(%barrier3A)
    %mul3A_1 = arith.constant 2 : i32
    %mul3A_2 = arith.muli %arg0, %mul3A_1 : i32
    %add3A = arith.constant 0 : i32
    %add3A_3 = arith.addi %mul3A_2, %add3A : i32
    %scan3A = arith.constant 0 : i32
    %scan3A_4 = arith.constant 0 : i32
    %scan3A_5 = arith.constant 392 : i32
    %scan3A_6 = arith.addi %scan3A_4, %scan3A_5 : i32
    %scan3A_7 = arith.constant 1 : i32
    %scan3A_8 = scf.for %scan3A_42 = %scan3A_4 to %scan3A_6 step %scan3A_7 iter_args(%scan3A_43 = %scan3A) -> (i32)  : i32 {
      %mul3A_44 = arith.constant 50176 : i32
      %mul3A_45 = arith.muli %arg1, %mul3A_44 : i32
      %mul3A_46 = arith.constant 128 : i32
      %mul3A_47 = arith.muli %scan3A_42, %mul3A_46 : i32
      %add3A_48 = arith.addi %mul3A_45, %mul3A_47 : i32
      "tpu.region"() ({
        %run_scoped3A = tpu.sem_alloc : memref<!tpu.dma_semaphore, #tpu.memory_space<semaphore_mem>>
        %dma_start3A = tpu.memref_slice %arg3[%add3A_48] : memref<802816xi32, #tpu.memory_space<hbm>> -> memref<128xi32, #tpu.memory_space<hbm>>
        %dma_start3A_53 = tpu.memref_slice %arg3[%add3A_48] : memref<802816xi32, #tpu.memory_space<hbm>> -> memref<128xi32, #tpu.memory_space<hbm>>
        tpu.enqueue_dma source(%dma_start3A_53 : memref<128xi32, #tpu.memory_space<hbm>>) target(%arg7 : memref<128xi32, #tpu.memory_space<vmem>>) target_semaphore(%run_scoped3A : memref<!tpu.dma_semaphore, #tpu.memory_space<semaphore_mem>>)
        %dma_wait3A = tpu.memref_slice %arg3[%add3A_48] : memref<802816xi32, #tpu.memory_space<hbm>> -> memref<128xi32, #tpu.memory_space<hbm>>
        %dma_wait3A_54 = tpu.memref_slice %arg3[%add3A_48] : memref<802816xi32, #tpu.memory_space<hbm>> -> memref<128xi32, #tpu.memory_space<hbm>>
        tpu.wait_dma2 semaphore(%run_scoped3A : memref<!tpu.dma_semaphore, #tpu.memory_space<semaphore_mem>>) src(%dma_wait3A_54 : memref<128xi32, #tpu.memory_space<hbm>>) dst(%arg7 : memref<128xi32, #tpu.memory_space<vmem>>)
        tpu.yield
      }) : () -> ()
      %mul3A_49 = arith.constant 802816 : i32
      %mul3A_50 = arith.muli %add3A_3, %mul3A_49 : i32
      %add3A_51 = arith.addi %mul3A_50, %add3A_48 : i32
      "tpu.region"() ({
        %run_scoped3A = tpu.sem_alloc : memref<!tpu.dma_semaphore, #tpu.memory_space<semaphore_mem>>
        %dma_start3A = arith.constant 0 : i32
        %dma_start3A_53 = tpu.memref_slice %arg2[%add3A_51, %dma_start3A] : memref<3211264x32xf32, #tpu.memory_space<hbm>> -> memref<128x32xf32, #tpu.memory_space<hbm>>
        %dma_start3A_54 = arith.constant 0 : i32
        %dma_start3A_55 = tpu.memref_slice %arg2[%add3A_51, %dma_start3A_54] : memref<3211264x32xf32, #tpu.memory_space<hbm>> -> memref<128x32xf32, #tpu.memory_space<hbm>>
        tpu.enqueue_dma source(%dma_start3A_55 : memref<128x32xf32, #tpu.memory_space<hbm>>) target(%arg8 : memref<128x32xf32, #tpu.memory_space<vmem>>) target_semaphore(%run_scoped3A : memref<!tpu.dma_semaphore, #tpu.memory_space<semaphore_mem>>)
        %dma_wait3A = arith.constant 0 : i32
        %dma_wait3A_56 = tpu.memref_slice %arg2[%add3A_51, %dma_wait3A] : memref<3211264x32xf32, #tpu.memory_space<hbm>> -> memref<128x32xf32, #tpu.memory_space<hbm>>
        %dma_wait3A_57 = arith.constant 0 : i32
        %dma_wait3A_58 = tpu.memref_slice %arg2[%add3A_51, %dma_wait3A_57] : memref<3211264x32xf32, #tpu.memory_space<hbm>> -> memref<128x32xf32, #tpu.memory_space<hbm>>
        tpu.wait_dma2 semaphore(%run_scoped3A : memref<!tpu.dma_semaphore, #tpu.memory_space<semaphore_mem>>) src(%dma_wait3A_58 : memref<128x32xf32, #tpu.memory_space<hbm>>) dst(%arg8 : memref<128x32xf32, #tpu.memory_space<vmem>>)
        tpu.yield
      }) : () -> ()
      "tpu.region"() ({
        %run_scoped3A = tpu.sem_alloc : memref<!tpu.dma_semaphore, #tpu.memory_space<semaphore_mem>>
        %dma_start3A = arith.constant 0 : i32
        %dma_start3A_53 = arith.constant 0 : i32
        %dma_start3A_54 = tpu.memref_slice %arg6[%dma_start3A, %dma_start3A_53] : memref<51200x32xf32, #tpu.memory_space<vmem_shared>> -> memref<51200x32xf32, #tpu.memory_space<vmem_shared>>
        tpu.enqueue_indirect_dma source(%arg8 : memref<128x32xf32, #tpu.memory_space<vmem>>) target(%dma_start3A_54 : memref<51200x32xf32, #tpu.memory_space<vmem_shared>>) offsets(%arg7 : memref<128xi32, #tpu.memory_space<vmem>>) semaphore(%run_scoped3A : memref<!tpu.dma_semaphore, #tpu.memory_space<semaphore_mem>>) {add = true}
        %dma_wait3A = arith.constant 0 : i32
        %dma_wait3A_55 = arith.constant 0 : i32
        %dma_wait3A_56 = tpu.memref_slice %arg6[%dma_wait3A, %dma_wait3A_55] : memref<51200x32xf32, #tpu.memory_space<vmem_shared>> -> memref<51200x32xf32, #tpu.memory_space<vmem_shared>>
        tpu.wait_indirect_dma semaphore(%run_scoped3A : memref<!tpu.dma_semaphore, #tpu.memory_space<semaphore_mem>>) src(%arg8 : memref<128x32xf32, #tpu.memory_space<vmem>>) dst(%dma_wait3A_56 : memref<51200x32xf32, #tpu.memory_space<vmem_shared>>)
        tpu.yield
      }) : () -> ()
      %scan3A_52 = arith.constant 0 : i32
      scf.yield %scan3A_52 : i32
    }
    %scan3A_9 = arith.constant 392 : i32
    %barrier3A_10 = arith.constant 0 : index
    tpu.barrier barrier_id(%barrier3A_10)
    %scan3A_11 = arith.constant 0 : i32
    %scan3A_12 = arith.constant 0 : i32
    %scan3A_13 = arith.constant 25 : i32
    %scan3A_14 = arith.addi %scan3A_12, %scan3A_13 : i32
    %scan3A_15 = arith.constant 1 : i32
    %scan3A_16 = scf.for %scan3A_42 = %scan3A_12 to %scan3A_14 step %scan3A_15 iter_args(%scan3A_43 = %scan3A_11) -> (i32)  : i32 {
      %mul3A_44 = arith.constant 3200 : i32
      %mul3A_45 = arith.muli %arg1, %mul3A_44 : i32
      %mul3A_46 = arith.constant 128 : i32
      %mul3A_47 = arith.muli %scan3A_42, %mul3A_46 : i32
      %add3A_48 = arith.addi %mul3A_45, %mul3A_47 : i32
      %mul3A_49 = arith.constant 51200 : i32
      %mul3A_50 = arith.muli %add3A_3, %mul3A_49 : i32
      %add3A_51 = arith.addi %mul3A_50, %add3A_48 : i32
      "tpu.region"() ({
        %run_scoped3A = tpu.sem_alloc : memref<!tpu.dma_semaphore, #tpu.memory_space<semaphore_mem>>
        %dma_start3A = arith.constant 0 : i32
        %dma_start3A_53 = tpu.memref_slice %arg5[%add3A_51, %dma_start3A] : memref<204800x32xf32, #tpu.memory_space<hbm>> -> memref<128x32xf32, #tpu.memory_space<hbm>>
        %dma_start3A_54 = arith.constant 0 : i32
        %dma_start3A_55 = tpu.memref_slice %arg6[%add3A_48, %dma_start3A_54] : memref<51200x32xf32, #tpu.memory_space<vmem_shared>> -> memref<128x32xf32, #tpu.memory_space<vmem_shared>>
        tpu.enqueue_dma source(%dma_start3A_55 : memref<128x32xf32, #tpu.memory_space<vmem_shared>>) target(%dma_start3A_53 : memref<128x32xf32, #tpu.memory_space<hbm>>) target_semaphore(%run_scoped3A : memref<!tpu.dma_semaphore, #tpu.memory_space<semaphore_mem>>)
        %dma_wait3A = arith.constant 0 : i32
        %dma_wait3A_56 = tpu.memref_slice %arg5[%add3A_51, %dma_wait3A] : memref<204800x32xf32, #tpu.memory_space<hbm>> -> memref<128x32xf32, #tpu.memory_space<hbm>>
        %dma_wait3A_57 = arith.constant 0 : i32
        %dma_wait3A_58 = tpu.memref_slice %arg6[%add3A_48, %dma_wait3A_57] : memref<51200x32xf32, #tpu.memory_space<vmem_shared>> -> memref<128x32xf32, #tpu.memory_space<vmem_shared>>
        tpu.wait_dma2 semaphore(%run_scoped3A : memref<!tpu.dma_semaphore, #tpu.memory_space<semaphore_mem>>) src(%dma_wait3A_58 : memref<128x32xf32, #tpu.memory_space<vmem_shared>>) dst(%dma_wait3A_56 : memref<128x32xf32, #tpu.memory_space<hbm>>)
        tpu.yield
      }) : () -> ()
      %scan3A_52 = arith.constant 0 : i32
      scf.yield %scan3A_52 : i32
    }
    %scan3A_17 = arith.constant 25 : i32
    %barrier3A_18 = arith.constant 0 : index
    tpu.barrier barrier_id(%barrier3A_18)
    %mul3A_19 = arith.constant 3200 : i32
    %mul3A_20 = arith.muli %arg1, %mul3A_19 : i32
    "tpu.region"() ({
      %run_scoped3A = tpu.sem_alloc : memref<!tpu.dma_semaphore, #tpu.memory_space<semaphore_mem>>
      %dma_start3A = arith.constant 0 : i32
      %dma_start3A_42 = tpu.memref_slice %arg6[%mul3A_20, %dma_start3A] : memref<51200x32xf32, #tpu.memory_space<vmem_shared>> -> memref<3200x32xf32, #tpu.memory_space<vmem_shared>>
      tpu.enqueue_dma source(%arg4 : memref<3200x32xf32, #tpu.memory_space<hbm>>) target(%dma_start3A_42 : memref<3200x32xf32, #tpu.memory_space<vmem_shared>>) target_semaphore(%run_scoped3A : memref<!tpu.dma_semaphore, #tpu.memory_space<semaphore_mem>>)
      %dma_wait3A = arith.constant 0 : i32
      %dma_wait3A_43 = tpu.memref_slice %arg6[%mul3A_20, %dma_wait3A] : memref<51200x32xf32, #tpu.memory_space<vmem_shared>> -> memref<3200x32xf32, #tpu.memory_space<vmem_shared>>
      tpu.wait_dma2 semaphore(%run_scoped3A : memref<!tpu.dma_semaphore, #tpu.memory_space<semaphore_mem>>) src(%arg4 : memref<3200x32xf32, #tpu.memory_space<hbm>>) dst(%dma_wait3A_43 : memref<3200x32xf32, #tpu.memory_space<vmem_shared>>)
      tpu.yield
    }) : () -> ()
    %barrier3A_21 = arith.constant 0 : index
    tpu.barrier barrier_id(%barrier3A_21)
    %mul3A_22 = arith.constant 2 : i32
    %mul3A_23 = arith.muli %arg0, %mul3A_22 : i32
    %add3A_24 = arith.constant 1 : i32
    %add3A_25 = arith.addi %mul3A_23, %add3A_24 : i32
    %scan3A_26 = arith.constant 0 : i32
    %scan3A_27 = arith.constant 0 : i32
    %scan3A_28 = arith.constant 392 : i32
    %scan3A_29 = arith.addi %scan3A_27, %scan3A_28 : i32
    %scan3A_30 = arith.constant 1 : i32
    %scan3A_31 = scf.for %scan3A_42 = %scan3A_27 to %scan3A_29 step %scan3A_30 iter_args(%scan3A_43 = %scan3A_26) -> (i32)  : i32 {
      %mul3A_44 = arith.constant 50176 : i32
      %mul3A_45 = arith.muli %arg1, %mul3A_44 : i32
      %mul3A_46 = arith.constant 128 : i32
      %mul3A_47 = arith.muli %scan3A_42, %mul3A_46 : i32
      %add3A_48 = arith.addi %mul3A_45, %mul3A_47 : i32
      "tpu.region"() ({
        %run_scoped3A = tpu.sem_alloc : memref<!tpu.dma_semaphore, #tpu.memory_space<semaphore_mem>>
        %dma_start3A = tpu.memref_slice %arg3[%add3A_48] : memref<802816xi32, #tpu.memory_space<hbm>> -> memref<128xi32, #tpu.memory_space<hbm>>
        %dma_start3A_53 = tpu.memref_slice %arg3[%add3A_48] : memref<802816xi32, #tpu.memory_space<hbm>> -> memref<128xi32, #tpu.memory_space<hbm>>
        tpu.enqueue_dma source(%dma_start3A_53 : memref<128xi32, #tpu.memory_space<hbm>>) target(%arg7 : memref<128xi32, #tpu.memory_space<vmem>>) target_semaphore(%run_scoped3A : memref<!tpu.dma_semaphore, #tpu.memory_space<semaphore_mem>>)
        %dma_wait3A = tpu.memref_slice %arg3[%add3A_48] : memref<802816xi32, #tpu.memory_space<hbm>> -> memref<128xi32, #tpu.memory_space<hbm>>
        %dma_wait3A_54 = tpu.memref_slice %arg3[%add3A_48] : memref<802816xi32, #tpu.memory_space<hbm>> -> memref<128xi32, #tpu.memory_space<hbm>>
        tpu.wait_dma2 semaphore(%run_scoped3A : memref<!tpu.dma_semaphore, #tpu.memory_space<semaphore_mem>>) src(%dma_wait3A_54 : memref<128xi32, #tpu.memory_space<hbm>>) dst(%arg7 : memref<128xi32, #tpu.memory_space<vmem>>)
        tpu.yield
      }) : () -> ()
      %mul3A_49 = arith.constant 802816 : i32
      %mul3A_50 = arith.muli %add3A_25, %mul3A_49 : i32
      %add3A_51 = arith.addi %mul3A_50, %add3A_48 : i32
      "tpu.region"() ({
        %run_scoped3A = tpu.sem_alloc : memref<!tpu.dma_semaphore, #tpu.memory_space<semaphore_mem>>
        %dma_start3A = arith.constant 0 : i32
        %dma_start3A_53 = tpu.memref_slice %arg2[%add3A_51, %dma_start3A] : memref<3211264x32xf32, #tpu.memory_space<hbm>> -> memref<128x32xf32, #tpu.memory_space<hbm>>
        %dma_start3A_54 = arith.constant 0 : i32
        %dma_start3A_55 = tpu.memref_slice %arg2[%add3A_51, %dma_start3A_54] : memref<3211264x32xf32, #tpu.memory_space<hbm>> -> memref<128x32xf32, #tpu.memory_space<hbm>>
        tpu.enqueue_dma source(%dma_start3A_55 : memref<128x32xf32, #tpu.memory_space<hbm>>) target(%arg8 : memref<128x32xf32, #tpu.memory_space<vmem>>) target_semaphore(%run_scoped3A : memref<!tpu.dma_semaphore, #tpu.memory_space<semaphore_mem>>)
        %dma_wait3A = arith.constant 0 : i32
        %dma_wait3A_56 = tpu.memref_slice %arg2[%add3A_51, %dma_wait3A] : memref<3211264x32xf32, #tpu.memory_space<hbm>> -> memref<128x32xf32, #tpu.memory_space<hbm>>
        %dma_wait3A_57 = arith.constant 0 : i32
        %dma_wait3A_58 = tpu.memref_slice %arg2[%add3A_51, %dma_wait3A_57] : memref<3211264x32xf32, #tpu.memory_space<hbm>> -> memref<128x32xf32, #tpu.memory_space<hbm>>
        tpu.wait_dma2 semaphore(%run_scoped3A : memref<!tpu.dma_semaphore, #tpu.memory_space<semaphore_mem>>) src(%dma_wait3A_58 : memref<128x32xf32, #tpu.memory_space<hbm>>) dst(%arg8 : memref<128x32xf32, #tpu.memory_space<vmem>>)
        tpu.yield
      }) : () -> ()
      "tpu.region"() ({
        %run_scoped3A = tpu.sem_alloc : memref<!tpu.dma_semaphore, #tpu.memory_space<semaphore_mem>>
        %dma_start3A = arith.constant 0 : i32
        %dma_start3A_53 = arith.constant 0 : i32
        %dma_start3A_54 = tpu.memref_slice %arg6[%dma_start3A, %dma_start3A_53] : memref<51200x32xf32, #tpu.memory_space<vmem_shared>> -> memref<51200x32xf32, #tpu.memory_space<vmem_shared>>
        tpu.enqueue_indirect_dma source(%arg8 : memref<128x32xf32, #tpu.memory_space<vmem>>) target(%dma_start3A_54 : memref<51200x32xf32, #tpu.memory_space<vmem_shared>>) offsets(%arg7 : memref<128xi32, #tpu.memory_space<vmem>>) semaphore(%run_scoped3A : memref<!tpu.dma_semaphore, #tpu.memory_space<semaphore_mem>>) {add = true}
        %dma_wait3A = arith.constant 0 : i32
        %dma_wait3A_55 = arith.constant 0 : i32
        %dma_wait3A_56 = tpu.memref_slice %arg6[%dma_wait3A, %dma_wait3A_55] : memref<51200x32xf32, #tpu.memory_space<vmem_shared>> -> memref<51200x32xf32, #tpu.memory_space<vmem_shared>>
        tpu.wait_indirect_dma semaphore(%run_scoped3A : memref<!tpu.dma_semaphore, #tpu.memory_space<semaphore_mem>>) src(%arg8 : memref<128x32xf32, #tpu.memory_space<vmem>>) dst(%dma_wait3A_56 : memref<51200x32xf32, #tpu.memory_space<vmem_shared>>)
        tpu.yield
      }) : () -> ()
      %scan3A_52 = arith.constant 0 : i32
      scf.yield %scan3A_52 : i32
    }
    %scan3A_32 = arith.constant 392 : i32
    %barrier3A_33 = arith.constant 0 : index
    tpu.barrier barrier_id(%barrier3A_33)
    %scan3A_34 = arith.constant 0 : i32
    %scan3A_35 = arith.constant 0 : i32
    %scan3A_36 = arith.constant 25 : i32
    %scan3A_37 = arith.addi %scan3A_35, %scan3A_36 : i32
    %scan3A_38 = arith.constant 1 : i32
    %scan3A_39 = scf.for %scan3A_42 = %scan3A_35 to %scan3A_37 step %scan3A_38 iter_args(%scan3A_43 = %scan3A_34) -> (i32)  : i32 {
      %mul3A_44 = arith.constant 3200 : i32
      %mul3A_45 = arith.muli %arg1, %mul3A_44 : i32
      %mul3A_46 = arith.constant 128 : i32
      %mul3A_47 = arith.muli %scan3A_42, %mul3A_46 : i32
      %add3A_48 = arith.addi %mul3A_45, %mul3A_47 : i32
      %mul3A_49 = arith.constant 51200 : i32
      %mul3A_50 = arith.muli %add3A_25, %mul3A_49 : i32
      %add3A_51 = arith.addi %mul3A_50, %add3A_48 : i32
      "tpu.region"() ({
        %run_scoped3A = tpu.sem_alloc : memref<!tpu.dma_semaphore, #tpu.memory_space<semaphore_mem>>
        %dma_start3A = arith.constant 0 : i32
        %dma_start3A_53 = tpu.memref_slice %arg5[%add3A_51, %dma_start3A] : memref<204800x32xf32, #tpu.memory_space<hbm>> -> memref<128x32xf32, #tpu.memory_space<hbm>>
        %dma_start3A_54 = arith.constant 0 : i32
        %dma_start3A_55 = tpu.memref_slice %arg6[%add3A_48, %dma_start3A_54] : memref<51200x32xf32, #tpu.memory_space<vmem_shared>> -> memref<128x32xf32, #tpu.memory_space<vmem_shared>>
        tpu.enqueue_dma source(%dma_start3A_55 : memref<128x32xf32, #tpu.memory_space<vmem_shared>>) target(%dma_start3A_53 : memref<128x32xf32, #tpu.memory_space<hbm>>) target_semaphore(%run_scoped3A : memref<!tpu.dma_semaphore, #tpu.memory_space<semaphore_mem>>)
        %dma_wait3A = arith.constant 0 : i32
        %dma_wait3A_56 = tpu.memref_slice %arg5[%add3A_51, %dma_wait3A] : memref<204800x32xf32, #tpu.memory_space<hbm>> -> memref<128x32xf32, #tpu.memory_space<hbm>>
        %dma_wait3A_57 = arith.constant 0 : i32
        %dma_wait3A_58 = tpu.memref_slice %arg6[%add3A_48, %dma_wait3A_57] : memref<51200x32xf32, #tpu.memory_space<vmem_shared>> -> memref<128x32xf32, #tpu.memory_space<vmem_shared>>
        tpu.wait_dma2 semaphore(%run_scoped3A : memref<!tpu.dma_semaphore, #tpu.memory_space<semaphore_mem>>) src(%dma_wait3A_58 : memref<128x32xf32, #tpu.memory_space<vmem_shared>>) dst(%dma_wait3A_56 : memref<128x32xf32, #tpu.memory_space<hbm>>)
        tpu.yield
      }) : () -> ()
      %scan3A_52 = arith.constant 0 : i32
      scf.yield %scan3A_52 : i32
    }
    %scan3A_40 = arith.constant 25 : i32
    %barrier3A_41 = arith.constant 0 : index
    tpu.barrier barrier_id(%barrier3A_41)
    return
  }
}

#map = affine_map<(d0, d1) -> (0, 0)>
#map1 = affine_map<(d0, d1) -> (0)>
module attributes {stable_mosaic.version = 14 : i64} {
  func.func @_gather_body(%arg0: i32, %arg1: i32, %arg2: memref<51200x128xf32, #tpu.memory_space<hbm>>, %arg3: memref<51200x128xf32, #tpu.memory_space<hbm>>, %arg4: memref<51200x16xf32, #tpu.memory_space<hbm>>, %arg5: memref<802816xi32, #tpu.memory_space<hbm>>, %arg6: memref<802816xi32, #tpu.memory_space<hbm>>, %arg7: memref<802816x128xf32, #tpu.memory_space<hbm>>, %arg8: memref<802816x16xf32, #tpu.memory_space<hbm>>, %arg9: memref<802816x16xf32, #tpu.memory_space<hbm>>, %arg10: memref<128xi32, #tpu.memory_space<vmem>>, %arg11: memref<128xi32, #tpu.memory_space<vmem>>, %arg12: memref<128x128xf32, #tpu.memory_space<vmem>>, %arg13: memref<128x128xf32, #tpu.memory_space<vmem>>, %arg14: memref<128x16xf32, #tpu.memory_space<vmem>>, %arg15: memref<128x16xf32, #tpu.memory_space<vmem>>, %arg16: memref<!tpu.dma_semaphore, #tpu.memory_space<semaphore_mem>>, %arg17: memref<!tpu.dma_semaphore, #tpu.memory_space<semaphore_mem>>, %arg18: memref<!tpu.dma_semaphore, #tpu.memory_space<semaphore_mem>>) attributes {dimension_semantics = [#tpu.dimension_semantics<core_parallel>, #tpu.dimension_semantics<subcore_parallel>], iteration_bounds = array<i64: 2, 16>, scalar_prefetch = 0 : i64, scratch_operands = 9 : i64, tpu.core_type = #tpu.core_type<sc_vector_subcore>, window_params = [{transform_indices = #map}, {transform_indices = #map}, {transform_indices = #map}, {transform_indices = #map1}, {transform_indices = #map1}, {transform_indices = #map}, {transform_indices = #map}, {transform_indices = #map}]} {
    %mul3A = arith.constant 2 : i32
    %mul3A_0 = arith.muli %arg1, %mul3A : i32
    %add3A = arith.addi %mul3A_0, %arg0 : i32
    %mul3A_1 = arith.constant 25088 : i32
    %mul3A_2 = arith.muli %add3A, %mul3A_1 : i32
    %scan3A = arith.constant 0 : i32
    %scan3A_3 = arith.constant 0 : i32
    %scan3A_4 = arith.constant 196 : i32
    %scan3A_5 = arith.addi %scan3A_3, %scan3A_4 : i32
    %scan3A_6 = arith.constant 1 : i32
    %scan3A_7 = scf.for %scan3A_9 = %scan3A_3 to %scan3A_5 step %scan3A_6 iter_args(%scan3A_10 = %scan3A) -> (i32)  : i32 {
      %mul3A_11 = arith.constant 128 : i32
      %mul3A_12 = arith.muli %scan3A_9, %mul3A_11 : i32
      %add3A_13 = arith.addi %mul3A_2, %mul3A_12 : i32
      "tpu.region"() ({
        %run_scoped3A = tpu.sem_alloc : memref<!tpu.dma_semaphore, #tpu.memory_space<semaphore_mem>>
        %dma_start3A_44 = tpu.memref_slice %arg5[%add3A_13] : memref<802816xi32, #tpu.memory_space<hbm>> -> memref<128xi32, #tpu.memory_space<hbm>>
        %dma_start3A_45 = tpu.memref_slice %arg5[%add3A_13] : memref<802816xi32, #tpu.memory_space<hbm>> -> memref<128xi32, #tpu.memory_space<hbm>>
        tpu.enqueue_dma source(%dma_start3A_45 : memref<128xi32, #tpu.memory_space<hbm>>) target(%arg10 : memref<128xi32, #tpu.memory_space<vmem>>) target_semaphore(%run_scoped3A : memref<!tpu.dma_semaphore, #tpu.memory_space<semaphore_mem>>)
        %dma_wait3A_46 = tpu.memref_slice %arg5[%add3A_13] : memref<802816xi32, #tpu.memory_space<hbm>> -> memref<128xi32, #tpu.memory_space<hbm>>
        %dma_wait3A_47 = tpu.memref_slice %arg5[%add3A_13] : memref<802816xi32, #tpu.memory_space<hbm>> -> memref<128xi32, #tpu.memory_space<hbm>>
        tpu.wait_dma2 semaphore(%run_scoped3A : memref<!tpu.dma_semaphore, #tpu.memory_space<semaphore_mem>>) src(%dma_wait3A_47 : memref<128xi32, #tpu.memory_space<hbm>>) dst(%arg10 : memref<128xi32, #tpu.memory_space<vmem>>)
        tpu.yield
      }) : () -> ()
      "tpu.region"() ({
        %run_scoped3A = tpu.sem_alloc : memref<!tpu.dma_semaphore, #tpu.memory_space<semaphore_mem>>
        %dma_start3A_44 = tpu.memref_slice %arg6[%add3A_13] : memref<802816xi32, #tpu.memory_space<hbm>> -> memref<128xi32, #tpu.memory_space<hbm>>
        %dma_start3A_45 = tpu.memref_slice %arg6[%add3A_13] : memref<802816xi32, #tpu.memory_space<hbm>> -> memref<128xi32, #tpu.memory_space<hbm>>
        tpu.enqueue_dma source(%dma_start3A_45 : memref<128xi32, #tpu.memory_space<hbm>>) target(%arg11 : memref<128xi32, #tpu.memory_space<vmem>>) target_semaphore(%run_scoped3A : memref<!tpu.dma_semaphore, #tpu.memory_space<semaphore_mem>>)
        %dma_wait3A_46 = tpu.memref_slice %arg6[%add3A_13] : memref<802816xi32, #tpu.memory_space<hbm>> -> memref<128xi32, #tpu.memory_space<hbm>>
        %dma_wait3A_47 = tpu.memref_slice %arg6[%add3A_13] : memref<802816xi32, #tpu.memory_space<hbm>> -> memref<128xi32, #tpu.memory_space<hbm>>
        tpu.wait_dma2 semaphore(%run_scoped3A : memref<!tpu.dma_semaphore, #tpu.memory_space<semaphore_mem>>) src(%dma_wait3A_47 : memref<128xi32, #tpu.memory_space<hbm>>) dst(%arg11 : memref<128xi32, #tpu.memory_space<vmem>>)
        tpu.yield
      }) : () -> ()
      %dma_start3A = arith.constant 0 : i32
      %dma_start3A_14 = arith.constant 0 : i32
      %dma_start3A_15 = tpu.memref_slice %arg2[%dma_start3A, %dma_start3A_14] : memref<51200x128xf32, #tpu.memory_space<hbm>> -> memref<51200x128xf32, #tpu.memory_space<hbm>>
      tpu.enqueue_indirect_dma source(%dma_start3A_15 : memref<51200x128xf32, #tpu.memory_space<hbm>>) target(%arg12 : memref<128x128xf32, #tpu.memory_space<vmem>>) offsets(%arg10 : memref<128xi32, #tpu.memory_space<vmem>>) semaphore(%arg16 : memref<!tpu.dma_semaphore, #tpu.memory_space<semaphore_mem>>)
      %dma_start3A_16 = arith.constant 0 : i32
      %dma_start3A_17 = arith.constant 0 : i32
      %dma_start3A_18 = tpu.memref_slice %arg3[%dma_start3A_16, %dma_start3A_17] : memref<51200x128xf32, #tpu.memory_space<hbm>> -> memref<51200x128xf32, #tpu.memory_space<hbm>>
      tpu.enqueue_indirect_dma source(%dma_start3A_18 : memref<51200x128xf32, #tpu.memory_space<hbm>>) target(%arg13 : memref<128x128xf32, #tpu.memory_space<vmem>>) offsets(%arg11 : memref<128xi32, #tpu.memory_space<vmem>>) semaphore(%arg17 : memref<!tpu.dma_semaphore, #tpu.memory_space<semaphore_mem>>)
      %dma_start3A_19 = arith.constant 0 : i32
      %dma_start3A_20 = arith.constant 0 : i32
      %dma_start3A_21 = tpu.memref_slice %arg4[%dma_start3A_19, %dma_start3A_20] : memref<51200x16xf32, #tpu.memory_space<hbm>> -> memref<51200x16xf32, #tpu.memory_space<hbm>>
      tpu.enqueue_indirect_dma source(%dma_start3A_21 : memref<51200x16xf32, #tpu.memory_space<hbm>>) target(%arg14 : memref<128x16xf32, #tpu.memory_space<vmem>>) offsets(%arg10 : memref<128xi32, #tpu.memory_space<vmem>>) semaphore(%arg18 : memref<!tpu.dma_semaphore, #tpu.memory_space<semaphore_mem>>)
      %dma_start3A_22 = arith.constant 0 : i32
      %dma_start3A_23 = arith.constant 0 : i32
      %dma_start3A_24 = tpu.memref_slice %arg4[%dma_start3A_22, %dma_start3A_23] : memref<51200x16xf32, #tpu.memory_space<hbm>> -> memref<51200x16xf32, #tpu.memory_space<hbm>>
      tpu.enqueue_indirect_dma source(%dma_start3A_24 : memref<51200x16xf32, #tpu.memory_space<hbm>>) target(%arg15 : memref<128x16xf32, #tpu.memory_space<vmem>>) offsets(%arg11 : memref<128xi32, #tpu.memory_space<vmem>>) semaphore(%arg18 : memref<!tpu.dma_semaphore, #tpu.memory_space<semaphore_mem>>)
      %dma_wait3A = arith.constant 0 : i32
      %dma_wait3A_25 = arith.constant 0 : i32
      %dma_wait3A_26 = tpu.memref_slice %arg2[%dma_wait3A, %dma_wait3A_25] : memref<51200x128xf32, #tpu.memory_space<hbm>> -> memref<51200x128xf32, #tpu.memory_space<hbm>>
      tpu.wait_indirect_dma semaphore(%arg16 : memref<!tpu.dma_semaphore, #tpu.memory_space<semaphore_mem>>) src(%dma_wait3A_26 : memref<51200x128xf32, #tpu.memory_space<hbm>>) dst(%arg12 : memref<128x128xf32, #tpu.memory_space<vmem>>)
      %dma_wait3A_27 = arith.constant 0 : i32
      %dma_wait3A_28 = arith.constant 0 : i32
      %dma_wait3A_29 = tpu.memref_slice %arg3[%dma_wait3A_27, %dma_wait3A_28] : memref<51200x128xf32, #tpu.memory_space<hbm>> -> memref<51200x128xf32, #tpu.memory_space<hbm>>
      tpu.wait_indirect_dma semaphore(%arg17 : memref<!tpu.dma_semaphore, #tpu.memory_space<semaphore_mem>>) src(%dma_wait3A_29 : memref<51200x128xf32, #tpu.memory_space<hbm>>) dst(%arg13 : memref<128x128xf32, #tpu.memory_space<vmem>>)
      %dma_wait3A_30 = arith.constant 0 : i32
      %dma_wait3A_31 = arith.constant 0 : i32
      %dma_wait3A_32 = tpu.memref_slice %arg4[%dma_wait3A_30, %dma_wait3A_31] : memref<51200x16xf32, #tpu.memory_space<hbm>> -> memref<51200x16xf32, #tpu.memory_space<hbm>>
      tpu.wait_indirect_dma semaphore(%arg18 : memref<!tpu.dma_semaphore, #tpu.memory_space<semaphore_mem>>) src(%dma_wait3A_32 : memref<51200x16xf32, #tpu.memory_space<hbm>>) dst(%arg14 : memref<128x16xf32, #tpu.memory_space<vmem>>)
      %dma_wait3A_33 = arith.constant 0 : i32
      %dma_wait3A_34 = arith.constant 0 : i32
      %dma_wait3A_35 = tpu.memref_slice %arg4[%dma_wait3A_33, %dma_wait3A_34] : memref<51200x16xf32, #tpu.memory_space<hbm>> -> memref<51200x16xf32, #tpu.memory_space<hbm>>
      tpu.wait_indirect_dma semaphore(%arg18 : memref<!tpu.dma_semaphore, #tpu.memory_space<semaphore_mem>>) src(%dma_wait3A_35 : memref<51200x16xf32, #tpu.memory_space<hbm>>) dst(%arg15 : memref<128x16xf32, #tpu.memory_space<vmem>>)
      %scan3A_36 = arith.constant 0 : i32
      %scan3A_37 = arith.constant 0 : i32
      %scan3A_38 = arith.constant 128 : i32
      %scan3A_39 = arith.addi %scan3A_37, %scan3A_38 : i32
      %scan3A_40 = arith.constant 1 : i32
      %scan3A_41 = scf.for %scan3A_44 = %scan3A_37 to %scan3A_39 step %scan3A_40 iter_args(%scan3A_45 = %scan3A_36) -> (i32)  : i32 {
        %get3A = arith.index_cast %scan3A_44 : i32 to index
        %get3A_46 = arith.constant 0 : index
        %get3A_47 = tpu.vector_load %arg12[%get3A, %get3A_46] {strides = array<i32>} : memref<128x128xf32, #tpu.memory_space<vmem>>, vector<1x16xf32>,
        %get3A_48 = vector.shape_cast %get3A_47 : vector<1x16xf32> to vector<16xf32>
        %get3A_49 = arith.index_cast %scan3A_44 : i32 to index
        %get3A_50 = arith.constant 0 : index
        %get3A_51 = tpu.vector_load %arg13[%get3A_49, %get3A_50] {strides = array<i32>} : memref<128x128xf32, #tpu.memory_space<vmem>>, vector<1x16xf32>,
        %get3A_52 = vector.shape_cast %get3A_51 : vector<1x16xf32> to vector<16xf32>
        %add3A_53 = arith.addf %get3A_48, %get3A_52 : vector<16xf32>
        %swap3A = arith.index_cast %scan3A_44 : i32 to index
        %swap3A_54 = arith.constant 0 : index
        %swap3A_55 = tpu.vector_load %arg12[%swap3A, %swap3A_54] {strides = array<i32>} : memref<128x128xf32, #tpu.memory_space<vmem>>, vector<1x16xf32>,
        %swap3A_56 = vector.shape_cast %swap3A_55 : vector<1x16xf32> to vector<16xf32>
        %swap3A_57 = vector.shape_cast %add3A_53 : vector<16xf32> to vector<1x16xf32>
        tpu.vector_store %arg12[%swap3A, %swap3A_54], %swap3A_57 {strides = array<i32>} : memref<128x128xf32, #tpu.memory_space<vmem>>, vector<1x16xf32>,
        %get3A_58 = arith.index_cast %scan3A_44 : i32 to index
        %get3A_59 = arith.constant 16 : index
        %get3A_60 = tpu.vector_load %arg12[%get3A_58, %get3A_59] {strides = array<i32>} : memref<128x128xf32, #tpu.memory_space<vmem>>, vector<1x16xf32>,
        %get3A_61 = vector.shape_cast %get3A_60 : vector<1x16xf32> to vector<16xf32>
        %get3A_62 = arith.index_cast %scan3A_44 : i32 to index
        %get3A_63 = arith.constant 16 : index
        %get3A_64 = tpu.vector_load %arg13[%get3A_62, %get3A_63] {strides = array<i32>} : memref<128x128xf32, #tpu.memory_space<vmem>>, vector<1x16xf32>,
        %get3A_65 = vector.shape_cast %get3A_64 : vector<1x16xf32> to vector<16xf32>
        %add3A_66 = arith.addf %get3A_61, %get3A_65 : vector<16xf32>
        %swap3A_67 = arith.index_cast %scan3A_44 : i32 to index
        %swap3A_68 = arith.constant 16 : index
        %swap3A_69 = tpu.vector_load %arg12[%swap3A_67, %swap3A_68] {strides = array<i32>} : memref<128x128xf32, #tpu.memory_space<vmem>>, vector<1x16xf32>,
        %swap3A_70 = vector.shape_cast %swap3A_69 : vector<1x16xf32> to vector<16xf32>
        %swap3A_71 = vector.shape_cast %add3A_66 : vector<16xf32> to vector<1x16xf32>
        tpu.vector_store %arg12[%swap3A_67, %swap3A_68], %swap3A_71 {strides = array<i32>} : memref<128x128xf32, #tpu.memory_space<vmem>>, vector<1x16xf32>,
        %get3A_72 = arith.index_cast %scan3A_44 : i32 to index
        %get3A_73 = arith.constant 32 : index
        %get3A_74 = tpu.vector_load %arg12[%get3A_72, %get3A_73] {strides = array<i32>} : memref<128x128xf32, #tpu.memory_space<vmem>>, vector<1x16xf32>,
        %get3A_75 = vector.shape_cast %get3A_74 : vector<1x16xf32> to vector<16xf32>
        %get3A_76 = arith.index_cast %scan3A_44 : i32 to index
        %get3A_77 = arith.constant 32 : index
        %get3A_78 = tpu.vector_load %arg13[%get3A_76, %get3A_77] {strides = array<i32>} : memref<128x128xf32, #tpu.memory_space<vmem>>, vector<1x16xf32>,
        %get3A_79 = vector.shape_cast %get3A_78 : vector<1x16xf32> to vector<16xf32>
        %add3A_80 = arith.addf %get3A_75, %get3A_79 : vector<16xf32>
        %swap3A_81 = arith.index_cast %scan3A_44 : i32 to index
        %swap3A_82 = arith.constant 32 : index
        %swap3A_83 = tpu.vector_load %arg12[%swap3A_81, %swap3A_82] {strides = array<i32>} : memref<128x128xf32, #tpu.memory_space<vmem>>, vector<1x16xf32>,
        %swap3A_84 = vector.shape_cast %swap3A_83 : vector<1x16xf32> to vector<16xf32>
        %swap3A_85 = vector.shape_cast %add3A_80 : vector<16xf32> to vector<1x16xf32>
        tpu.vector_store %arg12[%swap3A_81, %swap3A_82], %swap3A_85 {strides = array<i32>} : memref<128x128xf32, #tpu.memory_space<vmem>>, vector<1x16xf32>,
        %get3A_86 = arith.index_cast %scan3A_44 : i32 to index
        %get3A_87 = arith.constant 48 : index
        %get3A_88 = tpu.vector_load %arg12[%get3A_86, %get3A_87] {strides = array<i32>} : memref<128x128xf32, #tpu.memory_space<vmem>>, vector<1x16xf32>,
        %get3A_89 = vector.shape_cast %get3A_88 : vector<1x16xf32> to vector<16xf32>
        %get3A_90 = arith.index_cast %scan3A_44 : i32 to index
        %get3A_91 = arith.constant 48 : index
        %get3A_92 = tpu.vector_load %arg13[%get3A_90, %get3A_91] {strides = array<i32>} : memref<128x128xf32, #tpu.memory_space<vmem>>, vector<1x16xf32>,
        %get3A_93 = vector.shape_cast %get3A_92 : vector<1x16xf32> to vector<16xf32>
        %add3A_94 = arith.addf %get3A_89, %get3A_93 : vector<16xf32>
        %swap3A_95 = arith.index_cast %scan3A_44 : i32 to index
        %swap3A_96 = arith.constant 48 : index
        %swap3A_97 = tpu.vector_load %arg12[%swap3A_95, %swap3A_96] {strides = array<i32>} : memref<128x128xf32, #tpu.memory_space<vmem>>, vector<1x16xf32>,
        %swap3A_98 = vector.shape_cast %swap3A_97 : vector<1x16xf32> to vector<16xf32>
        %swap3A_99 = vector.shape_cast %add3A_94 : vector<16xf32> to vector<1x16xf32>
        tpu.vector_store %arg12[%swap3A_95, %swap3A_96], %swap3A_99 {strides = array<i32>} : memref<128x128xf32, #tpu.memory_space<vmem>>, vector<1x16xf32>,
        %get3A_100 = arith.index_cast %scan3A_44 : i32 to index
        %get3A_101 = arith.constant 64 : index
        %get3A_102 = tpu.vector_load %arg12[%get3A_100, %get3A_101] {strides = array<i32>} : memref<128x128xf32, #tpu.memory_space<vmem>>, vector<1x16xf32>,
        %get3A_103 = vector.shape_cast %get3A_102 : vector<1x16xf32> to vector<16xf32>
        %get3A_104 = arith.index_cast %scan3A_44 : i32 to index
        %get3A_105 = arith.constant 64 : index
        %get3A_106 = tpu.vector_load %arg13[%get3A_104, %get3A_105] {strides = array<i32>} : memref<128x128xf32, #tpu.memory_space<vmem>>, vector<1x16xf32>,
        %get3A_107 = vector.shape_cast %get3A_106 : vector<1x16xf32> to vector<16xf32>
        %add3A_108 = arith.addf %get3A_103, %get3A_107 : vector<16xf32>
        %swap3A_109 = arith.index_cast %scan3A_44 : i32 to index
        %swap3A_110 = arith.constant 64 : index
        %swap3A_111 = tpu.vector_load %arg12[%swap3A_109, %swap3A_110] {strides = array<i32>} : memref<128x128xf32, #tpu.memory_space<vmem>>, vector<1x16xf32>,
        %swap3A_112 = vector.shape_cast %swap3A_111 : vector<1x16xf32> to vector<16xf32>
        %swap3A_113 = vector.shape_cast %add3A_108 : vector<16xf32> to vector<1x16xf32>
        tpu.vector_store %arg12[%swap3A_109, %swap3A_110], %swap3A_113 {strides = array<i32>} : memref<128x128xf32, #tpu.memory_space<vmem>>, vector<1x16xf32>,
        %get3A_114 = arith.index_cast %scan3A_44 : i32 to index
        %get3A_115 = arith.constant 80 : index
        %get3A_116 = tpu.vector_load %arg12[%get3A_114, %get3A_115] {strides = array<i32>} : memref<128x128xf32, #tpu.memory_space<vmem>>, vector<1x16xf32>,
        %get3A_117 = vector.shape_cast %get3A_116 : vector<1x16xf32> to vector<16xf32>
        %get3A_118 = arith.index_cast %scan3A_44 : i32 to index
        %get3A_119 = arith.constant 80 : index
        %get3A_120 = tpu.vector_load %arg13[%get3A_118, %get3A_119] {strides = array<i32>} : memref<128x128xf32, #tpu.memory_space<vmem>>, vector<1x16xf32>,
        %get3A_121 = vector.shape_cast %get3A_120 : vector<1x16xf32> to vector<16xf32>
        %add3A_122 = arith.addf %get3A_117, %get3A_121 : vector<16xf32>
        %swap3A_123 = arith.index_cast %scan3A_44 : i32 to index
        %swap3A_124 = arith.constant 80 : index
        %swap3A_125 = tpu.vector_load %arg12[%swap3A_123, %swap3A_124] {strides = array<i32>} : memref<128x128xf32, #tpu.memory_space<vmem>>, vector<1x16xf32>,
        %swap3A_126 = vector.shape_cast %swap3A_125 : vector<1x16xf32> to vector<16xf32>
        %swap3A_127 = vector.shape_cast %add3A_122 : vector<16xf32> to vector<1x16xf32>
        tpu.vector_store %arg12[%swap3A_123, %swap3A_124], %swap3A_127 {strides = array<i32>} : memref<128x128xf32, #tpu.memory_space<vmem>>, vector<1x16xf32>,
        %get3A_128 = arith.index_cast %scan3A_44 : i32 to index
        %get3A_129 = arith.constant 96 : index
        %get3A_130 = tpu.vector_load %arg12[%get3A_128, %get3A_129] {strides = array<i32>} : memref<128x128xf32, #tpu.memory_space<vmem>>, vector<1x16xf32>,
        %get3A_131 = vector.shape_cast %get3A_130 : vector<1x16xf32> to vector<16xf32>
        %get3A_132 = arith.index_cast %scan3A_44 : i32 to index
        %get3A_133 = arith.constant 96 : index
        %get3A_134 = tpu.vector_load %arg13[%get3A_132, %get3A_133] {strides = array<i32>} : memref<128x128xf32, #tpu.memory_space<vmem>>, vector<1x16xf32>,
        %get3A_135 = vector.shape_cast %get3A_134 : vector<1x16xf32> to vector<16xf32>
        %add3A_136 = arith.addf %get3A_131, %get3A_135 : vector<16xf32>
        %swap3A_137 = arith.index_cast %scan3A_44 : i32 to index
        %swap3A_138 = arith.constant 96 : index
        %swap3A_139 = tpu.vector_load %arg12[%swap3A_137, %swap3A_138] {strides = array<i32>} : memref<128x128xf32, #tpu.memory_space<vmem>>, vector<1x16xf32>,
        %swap3A_140 = vector.shape_cast %swap3A_139 : vector<1x16xf32> to vector<16xf32>
        %swap3A_141 = vector.shape_cast %add3A_136 : vector<16xf32> to vector<1x16xf32>
        tpu.vector_store %arg12[%swap3A_137, %swap3A_138], %swap3A_141 {strides = array<i32>} : memref<128x128xf32, #tpu.memory_space<vmem>>, vector<1x16xf32>,
        %get3A_142 = arith.index_cast %scan3A_44 : i32 to index
        %get3A_143 = arith.constant 112 : index
        %get3A_144 = tpu.vector_load %arg12[%get3A_142, %get3A_143] {strides = array<i32>} : memref<128x128xf32, #tpu.memory_space<vmem>>, vector<1x16xf32>,
        %get3A_145 = vector.shape_cast %get3A_144 : vector<1x16xf32> to vector<16xf32>
        %get3A_146 = arith.index_cast %scan3A_44 : i32 to index
        %get3A_147 = arith.constant 112 : index
        %get3A_148 = tpu.vector_load %arg13[%get3A_146, %get3A_147] {strides = array<i32>} : memref<128x128xf32, #tpu.memory_space<vmem>>, vector<1x16xf32>,
        %get3A_149 = vector.shape_cast %get3A_148 : vector<1x16xf32> to vector<16xf32>
        %add3A_150 = arith.addf %get3A_145, %get3A_149 : vector<16xf32>
        %swap3A_151 = arith.index_cast %scan3A_44 : i32 to index
        %swap3A_152 = arith.constant 112 : index
        %swap3A_153 = tpu.vector_load %arg12[%swap3A_151, %swap3A_152] {strides = array<i32>} : memref<128x128xf32, #tpu.memory_space<vmem>>, vector<1x16xf32>,
        %swap3A_154 = vector.shape_cast %swap3A_153 : vector<1x16xf32> to vector<16xf32>
        %swap3A_155 = vector.shape_cast %add3A_150 : vector<16xf32> to vector<1x16xf32>
        tpu.vector_store %arg12[%swap3A_151, %swap3A_152], %swap3A_155 {strides = array<i32>} : memref<128x128xf32, #tpu.memory_space<vmem>>, vector<1x16xf32>,
        %scan3A_156 = arith.constant 0 : i32
        scf.yield %scan3A_156 : i32
      }
      %scan3A_42 = arith.constant 128 : i32
      "tpu.region"() ({
        %run_scoped3A = tpu.sem_alloc : memref<!tpu.dma_semaphore, #tpu.memory_space<semaphore_mem>>
        %dma_start3A_44 = arith.constant 0 : i32
        %dma_start3A_45 = tpu.memref_slice %arg7[%add3A_13, %dma_start3A_44] : memref<802816x128xf32, #tpu.memory_space<hbm>> -> memref<128x128xf32, #tpu.memory_space<hbm>>
        %dma_start3A_46 = arith.constant 0 : i32
        %dma_start3A_47 = tpu.memref_slice %arg7[%add3A_13, %dma_start3A_46] : memref<802816x128xf32, #tpu.memory_space<hbm>> -> memref<128x128xf32, #tpu.memory_space<hbm>>
        tpu.enqueue_dma source(%arg12 : memref<128x128xf32, #tpu.memory_space<vmem>>) target(%dma_start3A_47 : memref<128x128xf32, #tpu.memory_space<hbm>>) target_semaphore(%run_scoped3A : memref<!tpu.dma_semaphore, #tpu.memory_space<semaphore_mem>>)
        %dma_wait3A_48 = arith.constant 0 : i32
        %dma_wait3A_49 = tpu.memref_slice %arg7[%add3A_13, %dma_wait3A_48] : memref<802816x128xf32, #tpu.memory_space<hbm>> -> memref<128x128xf32, #tpu.memory_space<hbm>>
        %dma_wait3A_50 = arith.constant 0 : i32
        %dma_wait3A_51 = tpu.memref_slice %arg7[%add3A_13, %dma_wait3A_50] : memref<802816x128xf32, #tpu.memory_space<hbm>> -> memref<128x128xf32, #tpu.memory_space<hbm>>
        tpu.wait_dma2 semaphore(%run_scoped3A : memref<!tpu.dma_semaphore, #tpu.memory_space<semaphore_mem>>) src(%arg12 : memref<128x128xf32, #tpu.memory_space<vmem>>) dst(%dma_wait3A_51 : memref<128x128xf32, #tpu.memory_space<hbm>>)
        tpu.yield
      }) : () -> ()
      "tpu.region"() ({
        %run_scoped3A = tpu.sem_alloc : memref<!tpu.dma_semaphore, #tpu.memory_space<semaphore_mem>>
        %dma_start3A_44 = arith.constant 0 : i32
        %dma_start3A_45 = tpu.memref_slice %arg8[%add3A_13, %dma_start3A_44] : memref<802816x16xf32, #tpu.memory_space<hbm>> -> memref<128x16xf32, #tpu.memory_space<hbm>>
        %dma_start3A_46 = arith.constant 0 : i32
        %dma_start3A_47 = tpu.memref_slice %arg8[%add3A_13, %dma_start3A_46] : memref<802816x16xf32, #tpu.memory_space<hbm>> -> memref<128x16xf32, #tpu.memory_space<hbm>>
        tpu.enqueue_dma source(%arg14 : memref<128x16xf32, #tpu.memory_space<vmem>>) target(%dma_start3A_47 : memref<128x16xf32, #tpu.memory_space<hbm>>) target_semaphore(%run_scoped3A : memref<!tpu.dma_semaphore, #tpu.memory_space<semaphore_mem>>)
        %dma_wait3A_48 = arith.constant 0 : i32
        %dma_wait3A_49 = tpu.memref_slice %arg8[%add3A_13, %dma_wait3A_48] : memref<802816x16xf32, #tpu.memory_space<hbm>> -> memref<128x16xf32, #tpu.memory_space<hbm>>
        %dma_wait3A_50 = arith.constant 0 : i32
        %dma_wait3A_51 = tpu.memref_slice %arg8[%add3A_13, %dma_wait3A_50] : memref<802816x16xf32, #tpu.memory_space<hbm>> -> memref<128x16xf32, #tpu.memory_space<hbm>>
        tpu.wait_dma2 semaphore(%run_scoped3A : memref<!tpu.dma_semaphore, #tpu.memory_space<semaphore_mem>>) src(%arg14 : memref<128x16xf32, #tpu.memory_space<vmem>>) dst(%dma_wait3A_51 : memref<128x16xf32, #tpu.memory_space<hbm>>)
        tpu.yield
      }) : () -> ()
      "tpu.region"() ({
        %run_scoped3A = tpu.sem_alloc : memref<!tpu.dma_semaphore, #tpu.memory_space<semaphore_mem>>
        %dma_start3A_44 = arith.constant 0 : i32
        %dma_start3A_45 = tpu.memref_slice %arg9[%add3A_13, %dma_start3A_44] : memref<802816x16xf32, #tpu.memory_space<hbm>> -> memref<128x16xf32, #tpu.memory_space<hbm>>
        %dma_start3A_46 = arith.constant 0 : i32
        %dma_start3A_47 = tpu.memref_slice %arg9[%add3A_13, %dma_start3A_46] : memref<802816x16xf32, #tpu.memory_space<hbm>> -> memref<128x16xf32, #tpu.memory_space<hbm>>
        tpu.enqueue_dma source(%arg15 : memref<128x16xf32, #tpu.memory_space<vmem>>) target(%dma_start3A_47 : memref<128x16xf32, #tpu.memory_space<hbm>>) target_semaphore(%run_scoped3A : memref<!tpu.dma_semaphore, #tpu.memory_space<semaphore_mem>>)
        %dma_wait3A_48 = arith.constant 0 : i32
        %dma_wait3A_49 = tpu.memref_slice %arg9[%add3A_13, %dma_wait3A_48] : memref<802816x16xf32, #tpu.memory_space<hbm>> -> memref<128x16xf32, #tpu.memory_space<hbm>>
        %dma_wait3A_50 = arith.constant 0 : i32
        %dma_wait3A_51 = tpu.memref_slice %arg9[%add3A_13, %dma_wait3A_50] : memref<802816x16xf32, #tpu.memory_space<hbm>> -> memref<128x16xf32, #tpu.memory_space<hbm>>
        tpu.wait_dma2 semaphore(%run_scoped3A : memref<!tpu.dma_semaphore, #tpu.memory_space<semaphore_mem>>) src(%arg15 : memref<128x16xf32, #tpu.memory_space<vmem>>) dst(%dma_wait3A_51 : memref<128x16xf32, #tpu.memory_space<hbm>>)
        tpu.yield
      }) : () -> ()
      %scan3A_43 = arith.constant 0 : i32
      scf.yield %scan3A_43 : i32
    }
    %scan3A_8 = arith.constant 196 : i32
    return
  }
}

#map = affine_map<(d0, d1) -> (0, 0)>
#map1 = affine_map<(d0, d1) -> (0)>
module attributes {stable_mosaic.version = 14 : i64} {
  func.func @_cuscatter_body(%arg0: i32, %arg1: i32, %arg2: memref<802816x16xf32, #tpu.memory_space<hbm>>, %arg3: memref<802816xi32, #tpu.memory_space<hbm>>, %arg4: memref<3200x16xf32, #tpu.memory_space<hbm>>, %arg5: memref<102400x16xf32, #tpu.memory_space<hbm>>, %arg6: memref<51200x16xf32, #tpu.memory_space<vmem_shared>>, %arg7: memref<128xi32, #tpu.memory_space<vmem>>, %arg8: memref<128x16xf32, #tpu.memory_space<vmem>>) attributes {dimension_semantics = [#tpu.dimension_semantics<core_parallel>, #tpu.dimension_semantics<subcore_parallel>], iteration_bounds = array<i64: 2, 16>, scalar_prefetch = 0 : i64, scratch_operands = 3 : i64, tpu.core_type = #tpu.core_type<sc_vector_subcore>, window_params = [{transform_indices = #map}, {transform_indices = #map1}, {transform_indices = #map}, {transform_indices = #map}]} {
    %mul3A = arith.constant 3200 : i32
    %mul3A_0 = arith.muli %arg1, %mul3A : i32
    "tpu.region"() ({
      %run_scoped3A = tpu.sem_alloc : memref<!tpu.dma_semaphore, #tpu.memory_space<semaphore_mem>>
      %dma_start3A = arith.constant 0 : i32
      %dma_start3A_19 = tpu.memref_slice %arg6[%mul3A_0, %dma_start3A] : memref<51200x16xf32, #tpu.memory_space<vmem_shared>> -> memref<3200x16xf32, #tpu.memory_space<vmem_shared>>
      tpu.enqueue_dma source(%arg4 : memref<3200x16xf32, #tpu.memory_space<hbm>>) target(%dma_start3A_19 : memref<3200x16xf32, #tpu.memory_space<vmem_shared>>) target_semaphore(%run_scoped3A : memref<!tpu.dma_semaphore, #tpu.memory_space<semaphore_mem>>)
      %dma_wait3A = arith.constant 0 : i32
      %dma_wait3A_20 = tpu.memref_slice %arg6[%mul3A_0, %dma_wait3A] : memref<51200x16xf32, #tpu.memory_space<vmem_shared>> -> memref<3200x16xf32, #tpu.memory_space<vmem_shared>>
      tpu.wait_dma2 semaphore(%run_scoped3A : memref<!tpu.dma_semaphore, #tpu.memory_space<semaphore_mem>>) src(%arg4 : memref<3200x16xf32, #tpu.memory_space<hbm>>) dst(%dma_wait3A_20 : memref<3200x16xf32, #tpu.memory_space<vmem_shared>>)
      tpu.yield
    }) : () -> ()
    %barrier3A = arith.constant 0 : index
    tpu.barrier barrier_id(%barrier3A)
    %mul3A_1 = arith.constant 16 : i32
    %mul3A_2 = arith.muli %arg0, %mul3A_1 : i32
    %add3A = arith.addi %mul3A_2, %arg1 : i32
    %mul3A_3 = arith.constant 25088 : i32
    %mul3A_4 = arith.muli %add3A, %mul3A_3 : i32
    %scan3A = arith.constant 0 : i32
    %scan3A_5 = arith.constant 0 : i32
    %scan3A_6 = arith.constant 196 : i32
    %scan3A_7 = arith.addi %scan3A_5, %scan3A_6 : i32
    %scan3A_8 = arith.constant 1 : i32
    %scan3A_9 = scf.for %scan3A_19 = %scan3A_5 to %scan3A_7 step %scan3A_8 iter_args(%scan3A_20 = %scan3A) -> (i32)  : i32 {
      %mul3A_21 = arith.constant 128 : i32
      %mul3A_22 = arith.muli %scan3A_19, %mul3A_21 : i32
      %add3A_23 = arith.addi %mul3A_4, %mul3A_22 : i32
      "tpu.region"() ({
        %run_scoped3A = tpu.sem_alloc : memref<!tpu.dma_semaphore, #tpu.memory_space<semaphore_mem>>
        %dma_start3A = tpu.memref_slice %arg3[%add3A_23] : memref<802816xi32, #tpu.memory_space<hbm>> -> memref<128xi32, #tpu.memory_space<hbm>>
        %dma_start3A_25 = tpu.memref_slice %arg3[%add3A_23] : memref<802816xi32, #tpu.memory_space<hbm>> -> memref<128xi32, #tpu.memory_space<hbm>>
        tpu.enqueue_dma source(%dma_start3A_25 : memref<128xi32, #tpu.memory_space<hbm>>) target(%arg7 : memref<128xi32, #tpu.memory_space<vmem>>) target_semaphore(%run_scoped3A : memref<!tpu.dma_semaphore, #tpu.memory_space<semaphore_mem>>)
        %dma_wait3A = tpu.memref_slice %arg3[%add3A_23] : memref<802816xi32, #tpu.memory_space<hbm>> -> memref<128xi32, #tpu.memory_space<hbm>>
        %dma_wait3A_26 = tpu.memref_slice %arg3[%add3A_23] : memref<802816xi32, #tpu.memory_space<hbm>> -> memref<128xi32, #tpu.memory_space<hbm>>
        tpu.wait_dma2 semaphore(%run_scoped3A : memref<!tpu.dma_semaphore, #tpu.memory_space<semaphore_mem>>) src(%dma_wait3A_26 : memref<128xi32, #tpu.memory_space<hbm>>) dst(%arg7 : memref<128xi32, #tpu.memory_space<vmem>>)
        tpu.yield
      }) : () -> ()
      "tpu.region"() ({
        %run_scoped3A = tpu.sem_alloc : memref<!tpu.dma_semaphore, #tpu.memory_space<semaphore_mem>>
        %dma_start3A = arith.constant 0 : i32
        %dma_start3A_25 = tpu.memref_slice %arg2[%add3A_23, %dma_start3A] : memref<802816x16xf32, #tpu.memory_space<hbm>> -> memref<128x16xf32, #tpu.memory_space<hbm>>
        %dma_start3A_26 = arith.constant 0 : i32
        %dma_start3A_27 = tpu.memref_slice %arg2[%add3A_23, %dma_start3A_26] : memref<802816x16xf32, #tpu.memory_space<hbm>> -> memref<128x16xf32, #tpu.memory_space<hbm>>
        tpu.enqueue_dma source(%dma_start3A_27 : memref<128x16xf32, #tpu.memory_space<hbm>>) target(%arg8 : memref<128x16xf32, #tpu.memory_space<vmem>>) target_semaphore(%run_scoped3A : memref<!tpu.dma_semaphore, #tpu.memory_space<semaphore_mem>>)
        %dma_wait3A = arith.constant 0 : i32
        %dma_wait3A_28 = tpu.memref_slice %arg2[%add3A_23, %dma_wait3A] : memref<802816x16xf32, #tpu.memory_space<hbm>> -> memref<128x16xf32, #tpu.memory_space<hbm>>
        %dma_wait3A_29 = arith.constant 0 : i32
        %dma_wait3A_30 = tpu.memref_slice %arg2[%add3A_23, %dma_wait3A_29] : memref<802816x16xf32, #tpu.memory_space<hbm>> -> memref<128x16xf32, #tpu.memory_space<hbm>>
        tpu.wait_dma2 semaphore(%run_scoped3A : memref<!tpu.dma_semaphore, #tpu.memory_space<semaphore_mem>>) src(%dma_wait3A_30 : memref<128x16xf32, #tpu.memory_space<hbm>>) dst(%arg8 : memref<128x16xf32, #tpu.memory_space<vmem>>)
        tpu.yield
      }) : () -> ()
      "tpu.region"() ({
        %run_scoped3A = tpu.sem_alloc : memref<!tpu.dma_semaphore, #tpu.memory_space<semaphore_mem>>
        %dma_start3A = arith.constant 0 : i32
        %dma_start3A_25 = arith.constant 0 : i32
        %dma_start3A_26 = tpu.memref_slice %arg6[%dma_start3A, %dma_start3A_25] : memref<51200x16xf32, #tpu.memory_space<vmem_shared>> -> memref<51200x16xf32, #tpu.memory_space<vmem_shared>>
        tpu.enqueue_indirect_dma source(%arg8 : memref<128x16xf32, #tpu.memory_space<vmem>>) target(%dma_start3A_26 : memref<51200x16xf32, #tpu.memory_space<vmem_shared>>) offsets(%arg7 : memref<128xi32, #tpu.memory_space<vmem>>) semaphore(%run_scoped3A : memref<!tpu.dma_semaphore, #tpu.memory_space<semaphore_mem>>) {add = true}
        %dma_wait3A = arith.constant 0 : i32
        %dma_wait3A_27 = arith.constant 0 : i32
        %dma_wait3A_28 = tpu.memref_slice %arg6[%dma_wait3A, %dma_wait3A_27] : memref<51200x16xf32, #tpu.memory_space<vmem_shared>> -> memref<51200x16xf32, #tpu.memory_space<vmem_shared>>
        tpu.wait_indirect_dma semaphore(%run_scoped3A : memref<!tpu.dma_semaphore, #tpu.memory_space<semaphore_mem>>) src(%arg8 : memref<128x16xf32, #tpu.memory_space<vmem>>) dst(%dma_wait3A_28 : memref<51200x16xf32, #tpu.memory_space<vmem_shared>>)
        tpu.yield
      }) : () -> ()
      %scan3A_24 = arith.constant 0 : i32
      scf.yield %scan3A_24 : i32
    }
    %scan3A_10 = arith.constant 196 : i32
    %barrier3A_11 = arith.constant 0 : index
    tpu.barrier barrier_id(%barrier3A_11)
    %scan3A_12 = arith.constant 0 : i32
    %scan3A_13 = arith.constant 0 : i32
    %scan3A_14 = arith.constant 25 : i32
    %scan3A_15 = arith.addi %scan3A_13, %scan3A_14 : i32
    %scan3A_16 = arith.constant 1 : i32
    %scan3A_17 = scf.for %scan3A_19 = %scan3A_13 to %scan3A_15 step %scan3A_16 iter_args(%scan3A_20 = %scan3A_12) -> (i32)  : i32 {
      %mul3A_21 = arith.constant 3200 : i32
      %mul3A_22 = arith.muli %arg1, %mul3A_21 : i32
      %mul3A_23 = arith.constant 128 : i32
      %mul3A_24 = arith.muli %scan3A_19, %mul3A_23 : i32
      %add3A_25 = arith.addi %mul3A_22, %mul3A_24 : i32
      %mul3A_26 = arith.constant 51200 : i32
      %mul3A_27 = arith.muli %arg0, %mul3A_26 : i32
      %add3A_28 = arith.addi %mul3A_27, %add3A_25 : i32
      "tpu.region"() ({
        %run_scoped3A = tpu.sem_alloc : memref<!tpu.dma_semaphore, #tpu.memory_space<semaphore_mem>>
        %dma_start3A = arith.constant 0 : i32
        %dma_start3A_30 = tpu.memref_slice %arg5[%add3A_28, %dma_start3A] : memref<102400x16xf32, #tpu.memory_space<hbm>> -> memref<128x16xf32, #tpu.memory_space<hbm>>
        %dma_start3A_31 = arith.constant 0 : i32
        %dma_start3A_32 = tpu.memref_slice %arg6[%add3A_25, %dma_start3A_31] : memref<51200x16xf32, #tpu.memory_space<vmem_shared>> -> memref<128x16xf32, #tpu.memory_space<vmem_shared>>
        tpu.enqueue_dma source(%dma_start3A_32 : memref<128x16xf32, #tpu.memory_space<vmem_shared>>) target(%dma_start3A_30 : memref<128x16xf32, #tpu.memory_space<hbm>>) target_semaphore(%run_scoped3A : memref<!tpu.dma_semaphore, #tpu.memory_space<semaphore_mem>>)
        %dma_wait3A = arith.constant 0 : i32
        %dma_wait3A_33 = tpu.memref_slice %arg5[%add3A_28, %dma_wait3A] : memref<102400x16xf32, #tpu.memory_space<hbm>> -> memref<128x16xf32, #tpu.memory_space<hbm>>
        %dma_wait3A_34 = arith.constant 0 : i32
        %dma_wait3A_35 = tpu.memref_slice %arg6[%add3A_25, %dma_wait3A_34] : memref<51200x16xf32, #tpu.memory_space<vmem_shared>> -> memref<128x16xf32, #tpu.memory_space<vmem_shared>>
        tpu.wait_dma2 semaphore(%run_scoped3A : memref<!tpu.dma_semaphore, #tpu.memory_space<semaphore_mem>>) src(%dma_wait3A_35 : memref<128x16xf32, #tpu.memory_space<vmem_shared>>) dst(%dma_wait3A_33 : memref<128x16xf32, #tpu.memory_space<hbm>>)
        tpu.yield
      }) : () -> ()
      %scan3A_29 = arith.constant 0 : i32
      scf.yield %scan3A_29 : i32
    }
    %scan3A_18 = arith.constant 25 : i32
    return
  }
}

#map = affine_map<(d0, d1) -> (0, 0)>
#map1 = affine_map<(d0, d1) -> (0)>
module attributes {stable_mosaic.version = 14 : i64} {
  func.func @_scatter_body(%arg0: i32, %arg1: i32, %arg2: memref<3211264x32xf32, #tpu.memory_space<hbm>>, %arg3: memref<802816xi32, #tpu.memory_space<hbm>>, %arg4: memref<3200x32xf32, #tpu.memory_space<hbm>>, %arg5: memref<204800x32xf32, #tpu.memory_space<hbm>>, %arg6: memref<51200x32xf32, #tpu.memory_space<vmem_shared>>, %arg7: memref<128xi32, #tpu.memory_space<vmem>>, %arg8: memref<128x32xf32, #tpu.memory_space<vmem>>) attributes {dimension_semantics = [#tpu.dimension_semantics<core_parallel>, #tpu.dimension_semantics<subcore_parallel>], iteration_bounds = array<i64: 2, 16>, scalar_prefetch = 0 : i64, scratch_operands = 3 : i64, tpu.core_type = #tpu.core_type<sc_vector_subcore>, window_params = [{transform_indices = #map}, {transform_indices = #map1}, {transform_indices = #map}, {transform_indices = #map}]} {
    %mul3A = arith.constant 3200 : i32
    %mul3A_0 = arith.muli %arg1, %mul3A : i32
    "tpu.region"() ({
      %run_scoped3A = tpu.sem_alloc : memref<!tpu.dma_semaphore, #tpu.memory_space<semaphore_mem>>
      %dma_start3A = arith.constant 0 : i32
      %dma_start3A_42 = tpu.memref_slice %arg6[%mul3A_0, %dma_start3A] : memref<51200x32xf32, #tpu.memory_space<vmem_shared>> -> memref<3200x32xf32, #tpu.memory_space<vmem_shared>>
      tpu.enqueue_dma source(%arg4 : memref<3200x32xf32, #tpu.memory_space<hbm>>) target(%dma_start3A_42 : memref<3200x32xf32, #tpu.memory_space<vmem_shared>>) target_semaphore(%run_scoped3A : memref<!tpu.dma_semaphore, #tpu.memory_space<semaphore_mem>>)
      %dma_wait3A = arith.constant 0 : i32
      %dma_wait3A_43 = tpu.memref_slice %arg6[%mul3A_0, %dma_wait3A] : memref<51200x32xf32, #tpu.memory_space<vmem_shared>> -> memref<3200x32xf32, #tpu.memory_space<vmem_shared>>
      tpu.wait_dma2 semaphore(%run_scoped3A : memref<!tpu.dma_semaphore, #tpu.memory_space<semaphore_mem>>) src(%arg4 : memref<3200x32xf32, #tpu.memory_space<hbm>>) dst(%dma_wait3A_43 : memref<3200x32xf32, #tpu.memory_space<vmem_shared>>)
      tpu.yield
    }) : () -> ()
    %barrier3A = arith.constant 0 : index
    tpu.barrier barrier_id(%barrier3A)
    %mul3A_1 = arith.constant 2 : i32
    %mul3A_2 = arith.muli %arg0, %mul3A_1 : i32
    %add3A = arith.constant 0 : i32
    %add3A_3 = arith.addi %mul3A_2, %add3A : i32
    %scan3A = arith.constant 0 : i32
    %scan3A_4 = arith.constant 0 : i32
    %scan3A_5 = arith.constant 392 : i32
    %scan3A_6 = arith.addi %scan3A_4, %scan3A_5 : i32
    %scan3A_7 = arith.constant 1 : i32
    %scan3A_8 = scf.for %scan3A_42 = %scan3A_4 to %scan3A_6 step %scan3A_7 iter_args(%scan3A_43 = %scan3A) -> (i32)  : i32 {
      %mul3A_44 = arith.constant 50176 : i32
      %mul3A_45 = arith.muli %arg1, %mul3A_44 : i32
      %mul3A_46 = arith.constant 128 : i32
      %mul3A_47 = arith.muli %scan3A_42, %mul3A_46 : i32
      %add3A_48 = arith.addi %mul3A_45, %mul3A_47 : i32
      "tpu.region"() ({
        %run_scoped3A = tpu.sem_alloc : memref<!tpu.dma_semaphore, #tpu.memory_space<semaphore_mem>>
        %dma_start3A = tpu.memref_slice %arg3[%add3A_48] : memref<802816xi32, #tpu.memory_space<hbm>> -> memref<128xi32, #tpu.memory_space<hbm>>
        %dma_start3A_53 = tpu.memref_slice %arg3[%add3A_48] : memref<802816xi32, #tpu.memory_space<hbm>> -> memref<128xi32, #tpu.memory_space<hbm>>
        tpu.enqueue_dma source(%dma_start3A_53 : memref<128xi32, #tpu.memory_space<hbm>>) target(%arg7 : memref<128xi32, #tpu.memory_space<vmem>>) target_semaphore(%run_scoped3A : memref<!tpu.dma_semaphore, #tpu.memory_space<semaphore_mem>>)
        %dma_wait3A = tpu.memref_slice %arg3[%add3A_48] : memref<802816xi32, #tpu.memory_space<hbm>> -> memref<128xi32, #tpu.memory_space<hbm>>
        %dma_wait3A_54 = tpu.memref_slice %arg3[%add3A_48] : memref<802816xi32, #tpu.memory_space<hbm>> -> memref<128xi32, #tpu.memory_space<hbm>>
        tpu.wait_dma2 semaphore(%run_scoped3A : memref<!tpu.dma_semaphore, #tpu.memory_space<semaphore_mem>>) src(%dma_wait3A_54 : memref<128xi32, #tpu.memory_space<hbm>>) dst(%arg7 : memref<128xi32, #tpu.memory_space<vmem>>)
        tpu.yield
      }) : () -> ()
      %mul3A_49 = arith.constant 802816 : i32
      %mul3A_50 = arith.muli %add3A_3, %mul3A_49 : i32
      %add3A_51 = arith.addi %mul3A_50, %add3A_48 : i32
      "tpu.region"() ({
        %run_scoped3A = tpu.sem_alloc : memref<!tpu.dma_semaphore, #tpu.memory_space<semaphore_mem>>
        %dma_start3A = arith.constant 0 : i32
        %dma_start3A_53 = tpu.memref_slice %arg2[%add3A_51, %dma_start3A] : memref<3211264x32xf32, #tpu.memory_space<hbm>> -> memref<128x32xf32, #tpu.memory_space<hbm>>
        %dma_start3A_54 = arith.constant 0 : i32
        %dma_start3A_55 = tpu.memref_slice %arg2[%add3A_51, %dma_start3A_54] : memref<3211264x32xf32, #tpu.memory_space<hbm>> -> memref<128x32xf32, #tpu.memory_space<hbm>>
        tpu.enqueue_dma source(%dma_start3A_55 : memref<128x32xf32, #tpu.memory_space<hbm>>) target(%arg8 : memref<128x32xf32, #tpu.memory_space<vmem>>) target_semaphore(%run_scoped3A : memref<!tpu.dma_semaphore, #tpu.memory_space<semaphore_mem>>)
        %dma_wait3A = arith.constant 0 : i32
        %dma_wait3A_56 = tpu.memref_slice %arg2[%add3A_51, %dma_wait3A] : memref<3211264x32xf32, #tpu.memory_space<hbm>> -> memref<128x32xf32, #tpu.memory_space<hbm>>
        %dma_wait3A_57 = arith.constant 0 : i32
        %dma_wait3A_58 = tpu.memref_slice %arg2[%add3A_51, %dma_wait3A_57] : memref<3211264x32xf32, #tpu.memory_space<hbm>> -> memref<128x32xf32, #tpu.memory_space<hbm>>
        tpu.wait_dma2 semaphore(%run_scoped3A : memref<!tpu.dma_semaphore, #tpu.memory_space<semaphore_mem>>) src(%dma_wait3A_58 : memref<128x32xf32, #tpu.memory_space<hbm>>) dst(%arg8 : memref<128x32xf32, #tpu.memory_space<vmem>>)
        tpu.yield
      }) : () -> ()
      "tpu.region"() ({
        %run_scoped3A = tpu.sem_alloc : memref<!tpu.dma_semaphore, #tpu.memory_space<semaphore_mem>>
        %dma_start3A = arith.constant 0 : i32
        %dma_start3A_53 = arith.constant 0 : i32
        %dma_start3A_54 = tpu.memref_slice %arg6[%dma_start3A, %dma_start3A_53] : memref<51200x32xf32, #tpu.memory_space<vmem_shared>> -> memref<51200x32xf32, #tpu.memory_space<vmem_shared>>
        tpu.enqueue_indirect_dma source(%arg8 : memref<128x32xf32, #tpu.memory_space<vmem>>) target(%dma_start3A_54 : memref<51200x32xf32, #tpu.memory_space<vmem_shared>>) offsets(%arg7 : memref<128xi32, #tpu.memory_space<vmem>>) semaphore(%run_scoped3A : memref<!tpu.dma_semaphore, #tpu.memory_space<semaphore_mem>>) {add = true}
        %dma_wait3A = arith.constant 0 : i32
        %dma_wait3A_55 = arith.constant 0 : i32
        %dma_wait3A_56 = tpu.memref_slice %arg6[%dma_wait3A, %dma_wait3A_55] : memref<51200x32xf32, #tpu.memory_space<vmem_shared>> -> memref<51200x32xf32, #tpu.memory_space<vmem_shared>>
        tpu.wait_indirect_dma semaphore(%run_scoped3A : memref<!tpu.dma_semaphore, #tpu.memory_space<semaphore_mem>>) src(%arg8 : memref<128x32xf32, #tpu.memory_space<vmem>>) dst(%dma_wait3A_56 : memref<51200x32xf32, #tpu.memory_space<vmem_shared>>)
        tpu.yield
      }) : () -> ()
      %scan3A_52 = arith.constant 0 : i32
      scf.yield %scan3A_52 : i32
    }
    %scan3A_9 = arith.constant 392 : i32
    %barrier3A_10 = arith.constant 0 : index
    tpu.barrier barrier_id(%barrier3A_10)
    %scan3A_11 = arith.constant 0 : i32
    %scan3A_12 = arith.constant 0 : i32
    %scan3A_13 = arith.constant 25 : i32
    %scan3A_14 = arith.addi %scan3A_12, %scan3A_13 : i32
    %scan3A_15 = arith.constant 1 : i32
    %scan3A_16 = scf.for %scan3A_42 = %scan3A_12 to %scan3A_14 step %scan3A_15 iter_args(%scan3A_43 = %scan3A_11) -> (i32)  : i32 {
      %mul3A_44 = arith.constant 3200 : i32
      %mul3A_45 = arith.muli %arg1, %mul3A_44 : i32
      %mul3A_46 = arith.constant 128 : i32
      %mul3A_47 = arith.muli %scan3A_42, %mul3A_46 : i32
      %add3A_48 = arith.addi %mul3A_45, %mul3A_47 : i32
      %mul3A_49 = arith.constant 51200 : i32
      %mul3A_50 = arith.muli %add3A_3, %mul3A_49 : i32
      %add3A_51 = arith.addi %mul3A_50, %add3A_48 : i32
      "tpu.region"() ({
        %run_scoped3A = tpu.sem_alloc : memref<!tpu.dma_semaphore, #tpu.memory_space<semaphore_mem>>
        %dma_start3A = arith.constant 0 : i32
        %dma_start3A_53 = tpu.memref_slice %arg5[%add3A_51, %dma_start3A] : memref<204800x32xf32, #tpu.memory_space<hbm>> -> memref<128x32xf32, #tpu.memory_space<hbm>>
        %dma_start3A_54 = arith.constant 0 : i32
        %dma_start3A_55 = tpu.memref_slice %arg6[%add3A_48, %dma_start3A_54] : memref<51200x32xf32, #tpu.memory_space<vmem_shared>> -> memref<128x32xf32, #tpu.memory_space<vmem_shared>>
        tpu.enqueue_dma source(%dma_start3A_55 : memref<128x32xf32, #tpu.memory_space<vmem_shared>>) target(%dma_start3A_53 : memref<128x32xf32, #tpu.memory_space<hbm>>) target_semaphore(%run_scoped3A : memref<!tpu.dma_semaphore, #tpu.memory_space<semaphore_mem>>)
        %dma_wait3A = arith.constant 0 : i32
        %dma_wait3A_56 = tpu.memref_slice %arg5[%add3A_51, %dma_wait3A] : memref<204800x32xf32, #tpu.memory_space<hbm>> -> memref<128x32xf32, #tpu.memory_space<hbm>>
        %dma_wait3A_57 = arith.constant 0 : i32
        %dma_wait3A_58 = tpu.memref_slice %arg6[%add3A_48, %dma_wait3A_57] : memref<51200x32xf32, #tpu.memory_space<vmem_shared>> -> memref<128x32xf32, #tpu.memory_space<vmem_shared>>
        tpu.wait_dma2 semaphore(%run_scoped3A : memref<!tpu.dma_semaphore, #tpu.memory_space<semaphore_mem>>) src(%dma_wait3A_58 : memref<128x32xf32, #tpu.memory_space<vmem_shared>>) dst(%dma_wait3A_56 : memref<128x32xf32, #tpu.memory_space<hbm>>)
        tpu.yield
      }) : () -> ()
      %scan3A_52 = arith.constant 0 : i32
      scf.yield %scan3A_52 : i32
    }
    %scan3A_17 = arith.constant 25 : i32
    %barrier3A_18 = arith.constant 0 : index
    tpu.barrier barrier_id(%barrier3A_18)
    %mul3A_19 = arith.constant 3200 : i32
    %mul3A_20 = arith.muli %arg1, %mul3A_19 : i32
    "tpu.region"() ({
      %run_scoped3A = tpu.sem_alloc : memref<!tpu.dma_semaphore, #tpu.memory_space<semaphore_mem>>
      %dma_start3A = arith.constant 0 : i32
      %dma_start3A_42 = tpu.memref_slice %arg6[%mul3A_20, %dma_start3A] : memref<51200x32xf32, #tpu.memory_space<vmem_shared>> -> memref<3200x32xf32, #tpu.memory_space<vmem_shared>>
      tpu.enqueue_dma source(%arg4 : memref<3200x32xf32, #tpu.memory_space<hbm>>) target(%dma_start3A_42 : memref<3200x32xf32, #tpu.memory_space<vmem_shared>>) target_semaphore(%run_scoped3A : memref<!tpu.dma_semaphore, #tpu.memory_space<semaphore_mem>>)
      %dma_wait3A = arith.constant 0 : i32
      %dma_wait3A_43 = tpu.memref_slice %arg6[%mul3A_20, %dma_wait3A] : memref<51200x32xf32, #tpu.memory_space<vmem_shared>> -> memref<3200x32xf32, #tpu.memory_space<vmem_shared>>
      tpu.wait_dma2 semaphore(%run_scoped3A : memref<!tpu.dma_semaphore, #tpu.memory_space<semaphore_mem>>) src(%arg4 : memref<3200x32xf32, #tpu.memory_space<hbm>>) dst(%dma_wait3A_43 : memref<3200x32xf32, #tpu.memory_space<vmem_shared>>)
      tpu.yield
    }) : () -> ()
    %barrier3A_21 = arith.constant 0 : index
    tpu.barrier barrier_id(%barrier3A_21)
    %mul3A_22 = arith.constant 2 : i32
    %mul3A_23 = arith.muli %arg0, %mul3A_22 : i32
    %add3A_24 = arith.constant 1 : i32
    %add3A_25 = arith.addi %mul3A_23, %add3A_24 : i32
    %scan3A_26 = arith.constant 0 : i32
    %scan3A_27 = arith.constant 0 : i32
    %scan3A_28 = arith.constant 392 : i32
    %scan3A_29 = arith.addi %scan3A_27, %scan3A_28 : i32
    %scan3A_30 = arith.constant 1 : i32
    %scan3A_31 = scf.for %scan3A_42 = %scan3A_27 to %scan3A_29 step %scan3A_30 iter_args(%scan3A_43 = %scan3A_26) -> (i32)  : i32 {
      %mul3A_44 = arith.constant 50176 : i32
      %mul3A_45 = arith.muli %arg1, %mul3A_44 : i32
      %mul3A_46 = arith.constant 128 : i32
      %mul3A_47 = arith.muli %scan3A_42, %mul3A_46 : i32
      %add3A_48 = arith.addi %mul3A_45, %mul3A_47 : i32
      "tpu.region"() ({
        %run_scoped3A = tpu.sem_alloc : memref<!tpu.dma_semaphore, #tpu.memory_space<semaphore_mem>>
        %dma_start3A = tpu.memref_slice %arg3[%add3A_48] : memref<802816xi32, #tpu.memory_space<hbm>> -> memref<128xi32, #tpu.memory_space<hbm>>
        %dma_start3A_53 = tpu.memref_slice %arg3[%add3A_48] : memref<802816xi32, #tpu.memory_space<hbm>> -> memref<128xi32, #tpu.memory_space<hbm>>
        tpu.enqueue_dma source(%dma_start3A_53 : memref<128xi32, #tpu.memory_space<hbm>>) target(%arg7 : memref<128xi32, #tpu.memory_space<vmem>>) target_semaphore(%run_scoped3A : memref<!tpu.dma_semaphore, #tpu.memory_space<semaphore_mem>>)
        %dma_wait3A = tpu.memref_slice %arg3[%add3A_48] : memref<802816xi32, #tpu.memory_space<hbm>> -> memref<128xi32, #tpu.memory_space<hbm>>
        %dma_wait3A_54 = tpu.memref_slice %arg3[%add3A_48] : memref<802816xi32, #tpu.memory_space<hbm>> -> memref<128xi32, #tpu.memory_space<hbm>>
        tpu.wait_dma2 semaphore(%run_scoped3A : memref<!tpu.dma_semaphore, #tpu.memory_space<semaphore_mem>>) src(%dma_wait3A_54 : memref<128xi32, #tpu.memory_space<hbm>>) dst(%arg7 : memref<128xi32, #tpu.memory_space<vmem>>)
        tpu.yield
      }) : () -> ()
      %mul3A_49 = arith.constant 802816 : i32
      %mul3A_50 = arith.muli %add3A_25, %mul3A_49 : i32
      %add3A_51 = arith.addi %mul3A_50, %add3A_48 : i32
      "tpu.region"() ({
        %run_scoped3A = tpu.sem_alloc : memref<!tpu.dma_semaphore, #tpu.memory_space<semaphore_mem>>
        %dma_start3A = arith.constant 0 : i32
        %dma_start3A_53 = tpu.memref_slice %arg2[%add3A_51, %dma_start3A] : memref<3211264x32xf32, #tpu.memory_space<hbm>> -> memref<128x32xf32, #tpu.memory_space<hbm>>
        %dma_start3A_54 = arith.constant 0 : i32
        %dma_start3A_55 = tpu.memref_slice %arg2[%add3A_51, %dma_start3A_54] : memref<3211264x32xf32, #tpu.memory_space<hbm>> -> memref<128x32xf32, #tpu.memory_space<hbm>>
        tpu.enqueue_dma source(%dma_start3A_55 : memref<128x32xf32, #tpu.memory_space<hbm>>) target(%arg8 : memref<128x32xf32, #tpu.memory_space<vmem>>) target_semaphore(%run_scoped3A : memref<!tpu.dma_semaphore, #tpu.memory_space<semaphore_mem>>)
        %dma_wait3A = arith.constant 0 : i32
        %dma_wait3A_56 = tpu.memref_slice %arg2[%add3A_51, %dma_wait3A] : memref<3211264x32xf32, #tpu.memory_space<hbm>> -> memref<128x32xf32, #tpu.memory_space<hbm>>
        %dma_wait3A_57 = arith.constant 0 : i32
        %dma_wait3A_58 = tpu.memref_slice %arg2[%add3A_51, %dma_wait3A_57] : memref<3211264x32xf32, #tpu.memory_space<hbm>> -> memref<128x32xf32, #tpu.memory_space<hbm>>
        tpu.wait_dma2 semaphore(%run_scoped3A : memref<!tpu.dma_semaphore, #tpu.memory_space<semaphore_mem>>) src(%dma_wait3A_58 : memref<128x32xf32, #tpu.memory_space<hbm>>) dst(%arg8 : memref<128x32xf32, #tpu.memory_space<vmem>>)
        tpu.yield
      }) : () -> ()
      "tpu.region"() ({
        %run_scoped3A = tpu.sem_alloc : memref<!tpu.dma_semaphore, #tpu.memory_space<semaphore_mem>>
        %dma_start3A = arith.constant 0 : i32
        %dma_start3A_53 = arith.constant 0 : i32
        %dma_start3A_54 = tpu.memref_slice %arg6[%dma_start3A, %dma_start3A_53] : memref<51200x32xf32, #tpu.memory_space<vmem_shared>> -> memref<51200x32xf32, #tpu.memory_space<vmem_shared>>
        tpu.enqueue_indirect_dma source(%arg8 : memref<128x32xf32, #tpu.memory_space<vmem>>) target(%dma_start3A_54 : memref<51200x32xf32, #tpu.memory_space<vmem_shared>>) offsets(%arg7 : memref<128xi32, #tpu.memory_space<vmem>>) semaphore(%run_scoped3A : memref<!tpu.dma_semaphore, #tpu.memory_space<semaphore_mem>>) {add = true}
        %dma_wait3A = arith.constant 0 : i32
        %dma_wait3A_55 = arith.constant 0 : i32
        %dma_wait3A_56 = tpu.memref_slice %arg6[%dma_wait3A, %dma_wait3A_55] : memref<51200x32xf32, #tpu.memory_space<vmem_shared>> -> memref<51200x32xf32, #tpu.memory_space<vmem_shared>>
        tpu.wait_indirect_dma semaphore(%run_scoped3A : memref<!tpu.dma_semaphore, #tpu.memory_space<semaphore_mem>>) src(%arg8 : memref<128x32xf32, #tpu.memory_space<vmem>>) dst(%dma_wait3A_56 : memref<51200x32xf32, #tpu.memory_space<vmem_shared>>)
        tpu.yield
      }) : () -> ()
      %scan3A_52 = arith.constant 0 : i32
      scf.yield %scan3A_52 : i32
    }
    %scan3A_32 = arith.constant 392 : i32
    %barrier3A_33 = arith.constant 0 : index
    tpu.barrier barrier_id(%barrier3A_33)
    %scan3A_34 = arith.constant 0 : i32
    %scan3A_35 = arith.constant 0 : i32
    %scan3A_36 = arith.constant 25 : i32
    %scan3A_37 = arith.addi %scan3A_35, %scan3A_36 : i32
    %scan3A_38 = arith.constant 1 : i32
    %scan3A_39 = scf.for %scan3A_42 = %scan3A_35 to %scan3A_37 step %scan3A_38 iter_args(%scan3A_43 = %scan3A_34) -> (i32)  : i32 {
      %mul3A_44 = arith.constant 3200 : i32
      %mul3A_45 = arith.muli %arg1, %mul3A_44 : i32
      %mul3A_46 = arith.constant 128 : i32
      %mul3A_47 = arith.muli %scan3A_42, %mul3A_46 : i32
      %add3A_48 = arith.addi %mul3A_45, %mul3A_47 : i32
      %mul3A_49 = arith.constant 51200 : i32
      %mul3A_50 = arith.muli %add3A_25, %mul3A_49 : i32
      %add3A_51 = arith.addi %mul3A_50, %add3A_48 : i32
      "tpu.region"() ({
        %run_scoped3A = tpu.sem_alloc : memref<!tpu.dma_semaphore, #tpu.memory_space<semaphore_mem>>
        %dma_start3A = arith.constant 0 : i32
        %dma_start3A_53 = tpu.memref_slice %arg5[%add3A_51, %dma_start3A] : memref<204800x32xf32, #tpu.memory_space<hbm>> -> memref<128x32xf32, #tpu.memory_space<hbm>>
        %dma_start3A_54 = arith.constant 0 : i32
        %dma_start3A_55 = tpu.memref_slice %arg6[%add3A_48, %dma_start3A_54] : memref<51200x32xf32, #tpu.memory_space<vmem_shared>> -> memref<128x32xf32, #tpu.memory_space<vmem_shared>>
        tpu.enqueue_dma source(%dma_start3A_55 : memref<128x32xf32, #tpu.memory_space<vmem_shared>>) target(%dma_start3A_53 : memref<128x32xf32, #tpu.memory_space<hbm>>) target_semaphore(%run_scoped3A : memref<!tpu.dma_semaphore, #tpu.memory_space<semaphore_mem>>)
        %dma_wait3A = arith.constant 0 : i32
        %dma_wait3A_56 = tpu.memref_slice %arg5[%add3A_51, %dma_wait3A] : memref<204800x32xf32, #tpu.memory_space<hbm>> -> memref<128x32xf32, #tpu.memory_space<hbm>>
        %dma_wait3A_57 = arith.constant 0 : i32
        %dma_wait3A_58 = tpu.memref_slice %arg6[%add3A_48, %dma_wait3A_57] : memref<51200x32xf32, #tpu.memory_space<vmem_shared>> -> memref<128x32xf32, #tpu.memory_space<vmem_shared>>
        tpu.wait_dma2 semaphore(%run_scoped3A : memref<!tpu.dma_semaphore, #tpu.memory_space<semaphore_mem>>) src(%dma_wait3A_58 : memref<128x32xf32, #tpu.memory_space<vmem_shared>>) dst(%dma_wait3A_56 : memref<128x32xf32, #tpu.memory_space<hbm>>)
        tpu.yield
      }) : () -> ()
      %scan3A_52 = arith.constant 0 : i32
      scf.yield %scan3A_52 : i32
    }
    %scan3A_40 = arith.constant 25 : i32
    %barrier3A_41 = arith.constant 0 : index
    tpu.barrier barrier_id(%barrier3A_41)
    return
  }
}

#map = affine_map<(d0, d1) -> (0, 0)>
#map1 = affine_map<(d0, d1) -> (0)>
module attributes {stable_mosaic.version = 14 : i64} {
  func.func @_cuscatter_body(%arg0: i32, %arg1: i32, %arg2: memref<802816x16xf32, #tpu.memory_space<hbm>>, %arg3: memref<802816xi32, #tpu.memory_space<hbm>>, %arg4: memref<3200x16xf32, #tpu.memory_space<hbm>>, %arg5: memref<102400x16xf32, #tpu.memory_space<hbm>>, %arg6: memref<51200x16xf32, #tpu.memory_space<vmem_shared>>, %arg7: memref<128xi32, #tpu.memory_space<vmem>>, %arg8: memref<128x16xf32, #tpu.memory_space<vmem>>) attributes {dimension_semantics = [#tpu.dimension_semantics<core_parallel>, #tpu.dimension_semantics<subcore_parallel>], iteration_bounds = array<i64: 2, 16>, scalar_prefetch = 0 : i64, scratch_operands = 3 : i64, tpu.core_type = #tpu.core_type<sc_vector_subcore>, window_params = [{transform_indices = #map}, {transform_indices = #map1}, {transform_indices = #map}, {transform_indices = #map}]} {
    %mul3A = arith.constant 3200 : i32
    %mul3A_0 = arith.muli %arg1, %mul3A : i32
    "tpu.region"() ({
      %run_scoped3A = tpu.sem_alloc : memref<!tpu.dma_semaphore, #tpu.memory_space<semaphore_mem>>
      %dma_start3A = arith.constant 0 : i32
      %dma_start3A_19 = tpu.memref_slice %arg6[%mul3A_0, %dma_start3A] : memref<51200x16xf32, #tpu.memory_space<vmem_shared>> -> memref<3200x16xf32, #tpu.memory_space<vmem_shared>>
      tpu.enqueue_dma source(%arg4 : memref<3200x16xf32, #tpu.memory_space<hbm>>) target(%dma_start3A_19 : memref<3200x16xf32, #tpu.memory_space<vmem_shared>>) target_semaphore(%run_scoped3A : memref<!tpu.dma_semaphore, #tpu.memory_space<semaphore_mem>>)
      %dma_wait3A = arith.constant 0 : i32
      %dma_wait3A_20 = tpu.memref_slice %arg6[%mul3A_0, %dma_wait3A] : memref<51200x16xf32, #tpu.memory_space<vmem_shared>> -> memref<3200x16xf32, #tpu.memory_space<vmem_shared>>
      tpu.wait_dma2 semaphore(%run_scoped3A : memref<!tpu.dma_semaphore, #tpu.memory_space<semaphore_mem>>) src(%arg4 : memref<3200x16xf32, #tpu.memory_space<hbm>>) dst(%dma_wait3A_20 : memref<3200x16xf32, #tpu.memory_space<vmem_shared>>)
      tpu.yield
    }) : () -> ()
    %barrier3A = arith.constant 0 : index
    tpu.barrier barrier_id(%barrier3A)
    %mul3A_1 = arith.constant 16 : i32
    %mul3A_2 = arith.muli %arg0, %mul3A_1 : i32
    %add3A = arith.addi %mul3A_2, %arg1 : i32
    %mul3A_3 = arith.constant 25088 : i32
    %mul3A_4 = arith.muli %add3A, %mul3A_3 : i32
    %scan3A = arith.constant 0 : i32
    %scan3A_5 = arith.constant 0 : i32
    %scan3A_6 = arith.constant 196 : i32
    %scan3A_7 = arith.addi %scan3A_5, %scan3A_6 : i32
    %scan3A_8 = arith.constant 1 : i32
    %scan3A_9 = scf.for %scan3A_19 = %scan3A_5 to %scan3A_7 step %scan3A_8 iter_args(%scan3A_20 = %scan3A) -> (i32)  : i32 {
      %mul3A_21 = arith.constant 128 : i32
      %mul3A_22 = arith.muli %scan3A_19, %mul3A_21 : i32
      %add3A_23 = arith.addi %mul3A_4, %mul3A_22 : i32
      "tpu.region"() ({
        %run_scoped3A = tpu.sem_alloc : memref<!tpu.dma_semaphore, #tpu.memory_space<semaphore_mem>>
        %dma_start3A = tpu.memref_slice %arg3[%add3A_23] : memref<802816xi32, #tpu.memory_space<hbm>> -> memref<128xi32, #tpu.memory_space<hbm>>
        %dma_start3A_25 = tpu.memref_slice %arg3[%add3A_23] : memref<802816xi32, #tpu.memory_space<hbm>> -> memref<128xi32, #tpu.memory_space<hbm>>
        tpu.enqueue_dma source(%dma_start3A_25 : memref<128xi32, #tpu.memory_space<hbm>>) target(%arg7 : memref<128xi32, #tpu.memory_space<vmem>>) target_semaphore(%run_scoped3A : memref<!tpu.dma_semaphore, #tpu.memory_space<semaphore_mem>>)
        %dma_wait3A = tpu.memref_slice %arg3[%add3A_23] : memref<802816xi32, #tpu.memory_space<hbm>> -> memref<128xi32, #tpu.memory_space<hbm>>
        %dma_wait3A_26 = tpu.memref_slice %arg3[%add3A_23] : memref<802816xi32, #tpu.memory_space<hbm>> -> memref<128xi32, #tpu.memory_space<hbm>>
        tpu.wait_dma2 semaphore(%run_scoped3A : memref<!tpu.dma_semaphore, #tpu.memory_space<semaphore_mem>>) src(%dma_wait3A_26 : memref<128xi32, #tpu.memory_space<hbm>>) dst(%arg7 : memref<128xi32, #tpu.memory_space<vmem>>)
        tpu.yield
      }) : () -> ()
      "tpu.region"() ({
        %run_scoped3A = tpu.sem_alloc : memref<!tpu.dma_semaphore, #tpu.memory_space<semaphore_mem>>
        %dma_start3A = arith.constant 0 : i32
        %dma_start3A_25 = tpu.memref_slice %arg2[%add3A_23, %dma_start3A] : memref<802816x16xf32, #tpu.memory_space<hbm>> -> memref<128x16xf32, #tpu.memory_space<hbm>>
        %dma_start3A_26 = arith.constant 0 : i32
        %dma_start3A_27 = tpu.memref_slice %arg2[%add3A_23, %dma_start3A_26] : memref<802816x16xf32, #tpu.memory_space<hbm>> -> memref<128x16xf32, #tpu.memory_space<hbm>>
        tpu.enqueue_dma source(%dma_start3A_27 : memref<128x16xf32, #tpu.memory_space<hbm>>) target(%arg8 : memref<128x16xf32, #tpu.memory_space<vmem>>) target_semaphore(%run_scoped3A : memref<!tpu.dma_semaphore, #tpu.memory_space<semaphore_mem>>)
        %dma_wait3A = arith.constant 0 : i32
        %dma_wait3A_28 = tpu.memref_slice %arg2[%add3A_23, %dma_wait3A] : memref<802816x16xf32, #tpu.memory_space<hbm>> -> memref<128x16xf32, #tpu.memory_space<hbm>>
        %dma_wait3A_29 = arith.constant 0 : i32
        %dma_wait3A_30 = tpu.memref_slice %arg2[%add3A_23, %dma_wait3A_29] : memref<802816x16xf32, #tpu.memory_space<hbm>> -> memref<128x16xf32, #tpu.memory_space<hbm>>
        tpu.wait_dma2 semaphore(%run_scoped3A : memref<!tpu.dma_semaphore, #tpu.memory_space<semaphore_mem>>) src(%dma_wait3A_30 : memref<128x16xf32, #tpu.memory_space<hbm>>) dst(%arg8 : memref<128x16xf32, #tpu.memory_space<vmem>>)
        tpu.yield
      }) : () -> ()
      "tpu.region"() ({
        %run_scoped3A = tpu.sem_alloc : memref<!tpu.dma_semaphore, #tpu.memory_space<semaphore_mem>>
        %dma_start3A = arith.constant 0 : i32
        %dma_start3A_25 = arith.constant 0 : i32
        %dma_start3A_26 = tpu.memref_slice %arg6[%dma_start3A, %dma_start3A_25] : memref<51200x16xf32, #tpu.memory_space<vmem_shared>> -> memref<51200x16xf32, #tpu.memory_space<vmem_shared>>
        tpu.enqueue_indirect_dma source(%arg8 : memref<128x16xf32, #tpu.memory_space<vmem>>) target(%dma_start3A_26 : memref<51200x16xf32, #tpu.memory_space<vmem_shared>>) offsets(%arg7 : memref<128xi32, #tpu.memory_space<vmem>>) semaphore(%run_scoped3A : memref<!tpu.dma_semaphore, #tpu.memory_space<semaphore_mem>>) {add = true}
        %dma_wait3A = arith.constant 0 : i32
        %dma_wait3A_27 = arith.constant 0 : i32
        %dma_wait3A_28 = tpu.memref_slice %arg6[%dma_wait3A, %dma_wait3A_27] : memref<51200x16xf32, #tpu.memory_space<vmem_shared>> -> memref<51200x16xf32, #tpu.memory_space<vmem_shared>>
        tpu.wait_indirect_dma semaphore(%run_scoped3A : memref<!tpu.dma_semaphore, #tpu.memory_space<semaphore_mem>>) src(%arg8 : memref<128x16xf32, #tpu.memory_space<vmem>>) dst(%dma_wait3A_28 : memref<51200x16xf32, #tpu.memory_space<vmem_shared>>)
        tpu.yield
      }) : () -> ()
      %scan3A_24 = arith.constant 0 : i32
      scf.yield %scan3A_24 : i32
    }
    %scan3A_10 = arith.constant 196 : i32
    %barrier3A_11 = arith.constant 0 : index
    tpu.barrier barrier_id(%barrier3A_11)
    %scan3A_12 = arith.constant 0 : i32
    %scan3A_13 = arith.constant 0 : i32
    %scan3A_14 = arith.constant 25 : i32
    %scan3A_15 = arith.addi %scan3A_13, %scan3A_14 : i32
    %scan3A_16 = arith.constant 1 : i32
    %scan3A_17 = scf.for %scan3A_19 = %scan3A_13 to %scan3A_15 step %scan3A_16 iter_args(%scan3A_20 = %scan3A_12) -> (i32)  : i32 {
      %mul3A_21 = arith.constant 3200 : i32
      %mul3A_22 = arith.muli %arg1, %mul3A_21 : i32
      %mul3A_23 = arith.constant 128 : i32
      %mul3A_24 = arith.muli %scan3A_19, %mul3A_23 : i32
      %add3A_25 = arith.addi %mul3A_22, %mul3A_24 : i32
      %mul3A_26 = arith.constant 51200 : i32
      %mul3A_27 = arith.muli %arg0, %mul3A_26 : i32
      %add3A_28 = arith.addi %mul3A_27, %add3A_25 : i32
      "tpu.region"() ({
        %run_scoped3A = tpu.sem_alloc : memref<!tpu.dma_semaphore, #tpu.memory_space<semaphore_mem>>
        %dma_start3A = arith.constant 0 : i32
        %dma_start3A_30 = tpu.memref_slice %arg5[%add3A_28, %dma_start3A] : memref<102400x16xf32, #tpu.memory_space<hbm>> -> memref<128x16xf32, #tpu.memory_space<hbm>>
        %dma_start3A_31 = arith.constant 0 : i32
        %dma_start3A_32 = tpu.memref_slice %arg6[%add3A_25, %dma_start3A_31] : memref<51200x16xf32, #tpu.memory_space<vmem_shared>> -> memref<128x16xf32, #tpu.memory_space<vmem_shared>>
        tpu.enqueue_dma source(%dma_start3A_32 : memref<128x16xf32, #tpu.memory_space<vmem_shared>>) target(%dma_start3A_30 : memref<128x16xf32, #tpu.memory_space<hbm>>) target_semaphore(%run_scoped3A : memref<!tpu.dma_semaphore, #tpu.memory_space<semaphore_mem>>)
        %dma_wait3A = arith.constant 0 : i32
        %dma_wait3A_33 = tpu.memref_slice %arg5[%add3A_28, %dma_wait3A] : memref<102400x16xf32, #tpu.memory_space<hbm>> -> memref<128x16xf32, #tpu.memory_space<hbm>>
        %dma_wait3A_34 = arith.constant 0 : i32
        %dma_wait3A_35 = tpu.memref_slice %arg6[%add3A_25, %dma_wait3A_34] : memref<51200x16xf32, #tpu.memory_space<vmem_shared>> -> memref<128x16xf32, #tpu.memory_space<vmem_shared>>
        tpu.wait_dma2 semaphore(%run_scoped3A : memref<!tpu.dma_semaphore, #tpu.memory_space<semaphore_mem>>) src(%dma_wait3A_35 : memref<128x16xf32, #tpu.memory_space<vmem_shared>>) dst(%dma_wait3A_33 : memref<128x16xf32, #tpu.memory_space<hbm>>)
        tpu.yield
      }) : () -> ()
      %scan3A_29 = arith.constant 0 : i32
      scf.yield %scan3A_29 : i32
    }
    %scan3A_18 = arith.constant 25 : i32
    return
  }
}

#map = affine_map<(d0, d1) -> (0, 0)>
#map1 = affine_map<(d0, d1) -> (0)>
module attributes {stable_mosaic.version = 14 : i64} {
  func.func @_gather_body(%arg0: i32, %arg1: i32, %arg2: memref<51200x128xf32, #tpu.memory_space<hbm>>, %arg3: memref<51200x128xf32, #tpu.memory_space<hbm>>, %arg4: memref<51200x16xf32, #tpu.memory_space<hbm>>, %arg5: memref<802816xi32, #tpu.memory_space<hbm>>, %arg6: memref<802816xi32, #tpu.memory_space<hbm>>, %arg7: memref<802816x128xf32, #tpu.memory_space<hbm>>, %arg8: memref<802816x16xf32, #tpu.memory_space<hbm>>, %arg9: memref<802816x16xf32, #tpu.memory_space<hbm>>, %arg10: memref<128xi32, #tpu.memory_space<vmem>>, %arg11: memref<128xi32, #tpu.memory_space<vmem>>, %arg12: memref<128x128xf32, #tpu.memory_space<vmem>>, %arg13: memref<128x128xf32, #tpu.memory_space<vmem>>, %arg14: memref<128x16xf32, #tpu.memory_space<vmem>>, %arg15: memref<128x16xf32, #tpu.memory_space<vmem>>, %arg16: memref<!tpu.dma_semaphore, #tpu.memory_space<semaphore_mem>>, %arg17: memref<!tpu.dma_semaphore, #tpu.memory_space<semaphore_mem>>, %arg18: memref<!tpu.dma_semaphore, #tpu.memory_space<semaphore_mem>>) attributes {dimension_semantics = [#tpu.dimension_semantics<core_parallel>, #tpu.dimension_semantics<subcore_parallel>], iteration_bounds = array<i64: 2, 16>, scalar_prefetch = 0 : i64, scratch_operands = 9 : i64, tpu.core_type = #tpu.core_type<sc_vector_subcore>, window_params = [{transform_indices = #map}, {transform_indices = #map}, {transform_indices = #map}, {transform_indices = #map1}, {transform_indices = #map1}, {transform_indices = #map}, {transform_indices = #map}, {transform_indices = #map}]} {
    %mul3A = arith.constant 2 : i32
    %mul3A_0 = arith.muli %arg1, %mul3A : i32
    %add3A = arith.addi %mul3A_0, %arg0 : i32
    %mul3A_1 = arith.constant 25088 : i32
    %mul3A_2 = arith.muli %add3A, %mul3A_1 : i32
    %scan3A = arith.constant 0 : i32
    %scan3A_3 = arith.constant 0 : i32
    %scan3A_4 = arith.constant 196 : i32
    %scan3A_5 = arith.addi %scan3A_3, %scan3A_4 : i32
    %scan3A_6 = arith.constant 1 : i32
    %scan3A_7 = scf.for %scan3A_9 = %scan3A_3 to %scan3A_5 step %scan3A_6 iter_args(%scan3A_10 = %scan3A) -> (i32)  : i32 {
      %mul3A_11 = arith.constant 128 : i32
      %mul3A_12 = arith.muli %scan3A_9, %mul3A_11 : i32
      %add3A_13 = arith.addi %mul3A_2, %mul3A_12 : i32
      "tpu.region"() ({
        %run_scoped3A = tpu.sem_alloc : memref<!tpu.dma_semaphore, #tpu.memory_space<semaphore_mem>>
        %dma_start3A_44 = tpu.memref_slice %arg5[%add3A_13] : memref<802816xi32, #tpu.memory_space<hbm>> -> memref<128xi32, #tpu.memory_space<hbm>>
        %dma_start3A_45 = tpu.memref_slice %arg5[%add3A_13] : memref<802816xi32, #tpu.memory_space<hbm>> -> memref<128xi32, #tpu.memory_space<hbm>>
        tpu.enqueue_dma source(%dma_start3A_45 : memref<128xi32, #tpu.memory_space<hbm>>) target(%arg10 : memref<128xi32, #tpu.memory_space<vmem>>) target_semaphore(%run_scoped3A : memref<!tpu.dma_semaphore, #tpu.memory_space<semaphore_mem>>)
        %dma_wait3A_46 = tpu.memref_slice %arg5[%add3A_13] : memref<802816xi32, #tpu.memory_space<hbm>> -> memref<128xi32, #tpu.memory_space<hbm>>
        %dma_wait3A_47 = tpu.memref_slice %arg5[%add3A_13] : memref<802816xi32, #tpu.memory_space<hbm>> -> memref<128xi32, #tpu.memory_space<hbm>>
        tpu.wait_dma2 semaphore(%run_scoped3A : memref<!tpu.dma_semaphore, #tpu.memory_space<semaphore_mem>>) src(%dma_wait3A_47 : memref<128xi32, #tpu.memory_space<hbm>>) dst(%arg10 : memref<128xi32, #tpu.memory_space<vmem>>)
        tpu.yield
      }) : () -> ()
      "tpu.region"() ({
        %run_scoped3A = tpu.sem_alloc : memref<!tpu.dma_semaphore, #tpu.memory_space<semaphore_mem>>
        %dma_start3A_44 = tpu.memref_slice %arg6[%add3A_13] : memref<802816xi32, #tpu.memory_space<hbm>> -> memref<128xi32, #tpu.memory_space<hbm>>
        %dma_start3A_45 = tpu.memref_slice %arg6[%add3A_13] : memref<802816xi32, #tpu.memory_space<hbm>> -> memref<128xi32, #tpu.memory_space<hbm>>
        tpu.enqueue_dma source(%dma_start3A_45 : memref<128xi32, #tpu.memory_space<hbm>>) target(%arg11 : memref<128xi32, #tpu.memory_space<vmem>>) target_semaphore(%run_scoped3A : memref<!tpu.dma_semaphore, #tpu.memory_space<semaphore_mem>>)
        %dma_wait3A_46 = tpu.memref_slice %arg6[%add3A_13] : memref<802816xi32, #tpu.memory_space<hbm>> -> memref<128xi32, #tpu.memory_space<hbm>>
        %dma_wait3A_47 = tpu.memref_slice %arg6[%add3A_13] : memref<802816xi32, #tpu.memory_space<hbm>> -> memref<128xi32, #tpu.memory_space<hbm>>
        tpu.wait_dma2 semaphore(%run_scoped3A : memref<!tpu.dma_semaphore, #tpu.memory_space<semaphore_mem>>) src(%dma_wait3A_47 : memref<128xi32, #tpu.memory_space<hbm>>) dst(%arg11 : memref<128xi32, #tpu.memory_space<vmem>>)
        tpu.yield
      }) : () -> ()
      %dma_start3A = arith.constant 0 : i32
      %dma_start3A_14 = arith.constant 0 : i32
      %dma_start3A_15 = tpu.memref_slice %arg2[%dma_start3A, %dma_start3A_14] : memref<51200x128xf32, #tpu.memory_space<hbm>> -> memref<51200x128xf32, #tpu.memory_space<hbm>>
      tpu.enqueue_indirect_dma source(%dma_start3A_15 : memref<51200x128xf32, #tpu.memory_space<hbm>>) target(%arg12 : memref<128x128xf32, #tpu.memory_space<vmem>>) offsets(%arg10 : memref<128xi32, #tpu.memory_space<vmem>>) semaphore(%arg16 : memref<!tpu.dma_semaphore, #tpu.memory_space<semaphore_mem>>)
      %dma_start3A_16 = arith.constant 0 : i32
      %dma_start3A_17 = arith.constant 0 : i32
      %dma_start3A_18 = tpu.memref_slice %arg3[%dma_start3A_16, %dma_start3A_17] : memref<51200x128xf32, #tpu.memory_space<hbm>> -> memref<51200x128xf32, #tpu.memory_space<hbm>>
      tpu.enqueue_indirect_dma source(%dma_start3A_18 : memref<51200x128xf32, #tpu.memory_space<hbm>>) target(%arg13 : memref<128x128xf32, #tpu.memory_space<vmem>>) offsets(%arg11 : memref<128xi32, #tpu.memory_space<vmem>>) semaphore(%arg17 : memref<!tpu.dma_semaphore, #tpu.memory_space<semaphore_mem>>)
      %dma_start3A_19 = arith.constant 0 : i32
      %dma_start3A_20 = arith.constant 0 : i32
      %dma_start3A_21 = tpu.memref_slice %arg4[%dma_start3A_19, %dma_start3A_20] : memref<51200x16xf32, #tpu.memory_space<hbm>> -> memref<51200x16xf32, #tpu.memory_space<hbm>>
      tpu.enqueue_indirect_dma source(%dma_start3A_21 : memref<51200x16xf32, #tpu.memory_space<hbm>>) target(%arg14 : memref<128x16xf32, #tpu.memory_space<vmem>>) offsets(%arg10 : memref<128xi32, #tpu.memory_space<vmem>>) semaphore(%arg18 : memref<!tpu.dma_semaphore, #tpu.memory_space<semaphore_mem>>)
      %dma_start3A_22 = arith.constant 0 : i32
      %dma_start3A_23 = arith.constant 0 : i32
      %dma_start3A_24 = tpu.memref_slice %arg4[%dma_start3A_22, %dma_start3A_23] : memref<51200x16xf32, #tpu.memory_space<hbm>> -> memref<51200x16xf32, #tpu.memory_space<hbm>>
      tpu.enqueue_indirect_dma source(%dma_start3A_24 : memref<51200x16xf32, #tpu.memory_space<hbm>>) target(%arg15 : memref<128x16xf32, #tpu.memory_space<vmem>>) offsets(%arg11 : memref<128xi32, #tpu.memory_space<vmem>>) semaphore(%arg18 : memref<!tpu.dma_semaphore, #tpu.memory_space<semaphore_mem>>)
      %dma_wait3A = arith.constant 0 : i32
      %dma_wait3A_25 = arith.constant 0 : i32
      %dma_wait3A_26 = tpu.memref_slice %arg2[%dma_wait3A, %dma_wait3A_25] : memref<51200x128xf32, #tpu.memory_space<hbm>> -> memref<51200x128xf32, #tpu.memory_space<hbm>>
      tpu.wait_indirect_dma semaphore(%arg16 : memref<!tpu.dma_semaphore, #tpu.memory_space<semaphore_mem>>) src(%dma_wait3A_26 : memref<51200x128xf32, #tpu.memory_space<hbm>>) dst(%arg12 : memref<128x128xf32, #tpu.memory_space<vmem>>)
      %dma_wait3A_27 = arith.constant 0 : i32
      %dma_wait3A_28 = arith.constant 0 : i32
      %dma_wait3A_29 = tpu.memref_slice %arg3[%dma_wait3A_27, %dma_wait3A_28] : memref<51200x128xf32, #tpu.memory_space<hbm>> -> memref<51200x128xf32, #tpu.memory_space<hbm>>
      tpu.wait_indirect_dma semaphore(%arg17 : memref<!tpu.dma_semaphore, #tpu.memory_space<semaphore_mem>>) src(%dma_wait3A_29 : memref<51200x128xf32, #tpu.memory_space<hbm>>) dst(%arg13 : memref<128x128xf32, #tpu.memory_space<vmem>>)
      %dma_wait3A_30 = arith.constant 0 : i32
      %dma_wait3A_31 = arith.constant 0 : i32
      %dma_wait3A_32 = tpu.memref_slice %arg4[%dma_wait3A_30, %dma_wait3A_31] : memref<51200x16xf32, #tpu.memory_space<hbm>> -> memref<51200x16xf32, #tpu.memory_space<hbm>>
      tpu.wait_indirect_dma semaphore(%arg18 : memref<!tpu.dma_semaphore, #tpu.memory_space<semaphore_mem>>) src(%dma_wait3A_32 : memref<51200x16xf32, #tpu.memory_space<hbm>>) dst(%arg14 : memref<128x16xf32, #tpu.memory_space<vmem>>)
      %dma_wait3A_33 = arith.constant 0 : i32
      %dma_wait3A_34 = arith.constant 0 : i32
      %dma_wait3A_35 = tpu.memref_slice %arg4[%dma_wait3A_33, %dma_wait3A_34] : memref<51200x16xf32, #tpu.memory_space<hbm>> -> memref<51200x16xf32, #tpu.memory_space<hbm>>
      tpu.wait_indirect_dma semaphore(%arg18 : memref<!tpu.dma_semaphore, #tpu.memory_space<semaphore_mem>>) src(%dma_wait3A_35 : memref<51200x16xf32, #tpu.memory_space<hbm>>) dst(%arg15 : memref<128x16xf32, #tpu.memory_space<vmem>>)
      %scan3A_36 = arith.constant 0 : i32
      %scan3A_37 = arith.constant 0 : i32
      %scan3A_38 = arith.constant 128 : i32
      %scan3A_39 = arith.addi %scan3A_37, %scan3A_38 : i32
      %scan3A_40 = arith.constant 1 : i32
      %scan3A_41 = scf.for %scan3A_44 = %scan3A_37 to %scan3A_39 step %scan3A_40 iter_args(%scan3A_45 = %scan3A_36) -> (i32)  : i32 {
        %get3A = arith.index_cast %scan3A_44 : i32 to index
        %get3A_46 = arith.constant 0 : index
        %get3A_47 = tpu.vector_load %arg12[%get3A, %get3A_46] {strides = array<i32>} : memref<128x128xf32, #tpu.memory_space<vmem>>, vector<1x16xf32>,
        %get3A_48 = vector.shape_cast %get3A_47 : vector<1x16xf32> to vector<16xf32>
        %get3A_49 = arith.index_cast %scan3A_44 : i32 to index
        %get3A_50 = arith.constant 0 : index
        %get3A_51 = tpu.vector_load %arg13[%get3A_49, %get3A_50] {strides = array<i32>} : memref<128x128xf32, #tpu.memory_space<vmem>>, vector<1x16xf32>,
        %get3A_52 = vector.shape_cast %get3A_51 : vector<1x16xf32> to vector<16xf32>
        %add3A_53 = arith.addf %get3A_48, %get3A_52 : vector<16xf32>
        %swap3A = arith.index_cast %scan3A_44 : i32 to index
        %swap3A_54 = arith.constant 0 : index
        %swap3A_55 = tpu.vector_load %arg12[%swap3A, %swap3A_54] {strides = array<i32>} : memref<128x128xf32, #tpu.memory_space<vmem>>, vector<1x16xf32>,
        %swap3A_56 = vector.shape_cast %swap3A_55 : vector<1x16xf32> to vector<16xf32>
        %swap3A_57 = vector.shape_cast %add3A_53 : vector<16xf32> to vector<1x16xf32>
        tpu.vector_store %arg12[%swap3A, %swap3A_54], %swap3A_57 {strides = array<i32>} : memref<128x128xf32, #tpu.memory_space<vmem>>, vector<1x16xf32>,
        %get3A_58 = arith.index_cast %scan3A_44 : i32 to index
        %get3A_59 = arith.constant 16 : index
        %get3A_60 = tpu.vector_load %arg12[%get3A_58, %get3A_59] {strides = array<i32>} : memref<128x128xf32, #tpu.memory_space<vmem>>, vector<1x16xf32>,
        %get3A_61 = vector.shape_cast %get3A_60 : vector<1x16xf32> to vector<16xf32>
        %get3A_62 = arith.index_cast %scan3A_44 : i32 to index
        %get3A_63 = arith.constant 16 : index
        %get3A_64 = tpu.vector_load %arg13[%get3A_62, %get3A_63] {strides = array<i32>} : memref<128x128xf32, #tpu.memory_space<vmem>>, vector<1x16xf32>,
        %get3A_65 = vector.shape_cast %get3A_64 : vector<1x16xf32> to vector<16xf32>
        %add3A_66 = arith.addf %get3A_61, %get3A_65 : vector<16xf32>
        %swap3A_67 = arith.index_cast %scan3A_44 : i32 to index
        %swap3A_68 = arith.constant 16 : index
        %swap3A_69 = tpu.vector_load %arg12[%swap3A_67, %swap3A_68] {strides = array<i32>} : memref<128x128xf32, #tpu.memory_space<vmem>>, vector<1x16xf32>,
        %swap3A_70 = vector.shape_cast %swap3A_69 : vector<1x16xf32> to vector<16xf32>
        %swap3A_71 = vector.shape_cast %add3A_66 : vector<16xf32> to vector<1x16xf32>
        tpu.vector_store %arg12[%swap3A_67, %swap3A_68], %swap3A_71 {strides = array<i32>} : memref<128x128xf32, #tpu.memory_space<vmem>>, vector<1x16xf32>,
        %get3A_72 = arith.index_cast %scan3A_44 : i32 to index
        %get3A_73 = arith.constant 32 : index
        %get3A_74 = tpu.vector_load %arg12[%get3A_72, %get3A_73] {strides = array<i32>} : memref<128x128xf32, #tpu.memory_space<vmem>>, vector<1x16xf32>,
        %get3A_75 = vector.shape_cast %get3A_74 : vector<1x16xf32> to vector<16xf32>
        %get3A_76 = arith.index_cast %scan3A_44 : i32 to index
        %get3A_77 = arith.constant 32 : index
        %get3A_78 = tpu.vector_load %arg13[%get3A_76, %get3A_77] {strides = array<i32>} : memref<128x128xf32, #tpu.memory_space<vmem>>, vector<1x16xf32>,
        %get3A_79 = vector.shape_cast %get3A_78 : vector<1x16xf32> to vector<16xf32>
        %add3A_80 = arith.addf %get3A_75, %get3A_79 : vector<16xf32>
        %swap3A_81 = arith.index_cast %scan3A_44 : i32 to index
        %swap3A_82 = arith.constant 32 : index
        %swap3A_83 = tpu.vector_load %arg12[%swap3A_81, %swap3A_82] {strides = array<i32>} : memref<128x128xf32, #tpu.memory_space<vmem>>, vector<1x16xf32>,
        %swap3A_84 = vector.shape_cast %swap3A_83 : vector<1x16xf32> to vector<16xf32>
        %swap3A_85 = vector.shape_cast %add3A_80 : vector<16xf32> to vector<1x16xf32>
        tpu.vector_store %arg12[%swap3A_81, %swap3A_82], %swap3A_85 {strides = array<i32>} : memref<128x128xf32, #tpu.memory_space<vmem>>, vector<1x16xf32>,
        %get3A_86 = arith.index_cast %scan3A_44 : i32 to index
        %get3A_87 = arith.constant 48 : index
        %get3A_88 = tpu.vector_load %arg12[%get3A_86, %get3A_87] {strides = array<i32>} : memref<128x128xf32, #tpu.memory_space<vmem>>, vector<1x16xf32>,
        %get3A_89 = vector.shape_cast %get3A_88 : vector<1x16xf32> to vector<16xf32>
        %get3A_90 = arith.index_cast %scan3A_44 : i32 to index
        %get3A_91 = arith.constant 48 : index
        %get3A_92 = tpu.vector_load %arg13[%get3A_90, %get3A_91] {strides = array<i32>} : memref<128x128xf32, #tpu.memory_space<vmem>>, vector<1x16xf32>,
        %get3A_93 = vector.shape_cast %get3A_92 : vector<1x16xf32> to vector<16xf32>
        %add3A_94 = arith.addf %get3A_89, %get3A_93 : vector<16xf32>
        %swap3A_95 = arith.index_cast %scan3A_44 : i32 to index
        %swap3A_96 = arith.constant 48 : index
        %swap3A_97 = tpu.vector_load %arg12[%swap3A_95, %swap3A_96] {strides = array<i32>} : memref<128x128xf32, #tpu.memory_space<vmem>>, vector<1x16xf32>,
        %swap3A_98 = vector.shape_cast %swap3A_97 : vector<1x16xf32> to vector<16xf32>
        %swap3A_99 = vector.shape_cast %add3A_94 : vector<16xf32> to vector<1x16xf32>
        tpu.vector_store %arg12[%swap3A_95, %swap3A_96], %swap3A_99 {strides = array<i32>} : memref<128x128xf32, #tpu.memory_space<vmem>>, vector<1x16xf32>,
        %get3A_100 = arith.index_cast %scan3A_44 : i32 to index
        %get3A_101 = arith.constant 64 : index
        %get3A_102 = tpu.vector_load %arg12[%get3A_100, %get3A_101] {strides = array<i32>} : memref<128x128xf32, #tpu.memory_space<vmem>>, vector<1x16xf32>,
        %get3A_103 = vector.shape_cast %get3A_102 : vector<1x16xf32> to vector<16xf32>
        %get3A_104 = arith.index_cast %scan3A_44 : i32 to index
        %get3A_105 = arith.constant 64 : index
        %get3A_106 = tpu.vector_load %arg13[%get3A_104, %get3A_105] {strides = array<i32>} : memref<128x128xf32, #tpu.memory_space<vmem>>, vector<1x16xf32>,
        %get3A_107 = vector.shape_cast %get3A_106 : vector<1x16xf32> to vector<16xf32>
        %add3A_108 = arith.addf %get3A_103, %get3A_107 : vector<16xf32>
        %swap3A_109 = arith.index_cast %scan3A_44 : i32 to index
        %swap3A_110 = arith.constant 64 : index
        %swap3A_111 = tpu.vector_load %arg12[%swap3A_109, %swap3A_110] {strides = array<i32>} : memref<128x128xf32, #tpu.memory_space<vmem>>, vector<1x16xf32>,
        %swap3A_112 = vector.shape_cast %swap3A_111 : vector<1x16xf32> to vector<16xf32>
        %swap3A_113 = vector.shape_cast %add3A_108 : vector<16xf32> to vector<1x16xf32>
        tpu.vector_store %arg12[%swap3A_109, %swap3A_110], %swap3A_113 {strides = array<i32>} : memref<128x128xf32, #tpu.memory_space<vmem>>, vector<1x16xf32>,
        %get3A_114 = arith.index_cast %scan3A_44 : i32 to index
        %get3A_115 = arith.constant 80 : index
        %get3A_116 = tpu.vector_load %arg12[%get3A_114, %get3A_115] {strides = array<i32>} : memref<128x128xf32, #tpu.memory_space<vmem>>, vector<1x16xf32>,
        %get3A_117 = vector.shape_cast %get3A_116 : vector<1x16xf32> to vector<16xf32>
        %get3A_118 = arith.index_cast %scan3A_44 : i32 to index
        %get3A_119 = arith.constant 80 : index
        %get3A_120 = tpu.vector_load %arg13[%get3A_118, %get3A_119] {strides = array<i32>} : memref<128x128xf32, #tpu.memory_space<vmem>>, vector<1x16xf32>,
        %get3A_121 = vector.shape_cast %get3A_120 : vector<1x16xf32> to vector<16xf32>
        %add3A_122 = arith.addf %get3A_117, %get3A_121 : vector<16xf32>
        %swap3A_123 = arith.index_cast %scan3A_44 : i32 to index
        %swap3A_124 = arith.constant 80 : index
        %swap3A_125 = tpu.vector_load %arg12[%swap3A_123, %swap3A_124] {strides = array<i32>} : memref<128x128xf32, #tpu.memory_space<vmem>>, vector<1x16xf32>,
        %swap3A_126 = vector.shape_cast %swap3A_125 : vector<1x16xf32> to vector<16xf32>
        %swap3A_127 = vector.shape_cast %add3A_122 : vector<16xf32> to vector<1x16xf32>
        tpu.vector_store %arg12[%swap3A_123, %swap3A_124], %swap3A_127 {strides = array<i32>} : memref<128x128xf32, #tpu.memory_space<vmem>>, vector<1x16xf32>,
        %get3A_128 = arith.index_cast %scan3A_44 : i32 to index
        %get3A_129 = arith.constant 96 : index
        %get3A_130 = tpu.vector_load %arg12[%get3A_128, %get3A_129] {strides = array<i32>} : memref<128x128xf32, #tpu.memory_space<vmem>>, vector<1x16xf32>,
        %get3A_131 = vector.shape_cast %get3A_130 : vector<1x16xf32> to vector<16xf32>
        %get3A_132 = arith.index_cast %scan3A_44 : i32 to index
        %get3A_133 = arith.constant 96 : index
        %get3A_134 = tpu.vector_load %arg13[%get3A_132, %get3A_133] {strides = array<i32>} : memref<128x128xf32, #tpu.memory_space<vmem>>, vector<1x16xf32>,
        %get3A_135 = vector.shape_cast %get3A_134 : vector<1x16xf32> to vector<16xf32>
        %add3A_136 = arith.addf %get3A_131, %get3A_135 : vector<16xf32>
        %swap3A_137 = arith.index_cast %scan3A_44 : i32 to index
        %swap3A_138 = arith.constant 96 : index
        %swap3A_139 = tpu.vector_load %arg12[%swap3A_137, %swap3A_138] {strides = array<i32>} : memref<128x128xf32, #tpu.memory_space<vmem>>, vector<1x16xf32>,
        %swap3A_140 = vector.shape_cast %swap3A_139 : vector<1x16xf32> to vector<16xf32>
        %swap3A_141 = vector.shape_cast %add3A_136 : vector<16xf32> to vector<1x16xf32>
        tpu.vector_store %arg12[%swap3A_137, %swap3A_138], %swap3A_141 {strides = array<i32>} : memref<128x128xf32, #tpu.memory_space<vmem>>, vector<1x16xf32>,
        %get3A_142 = arith.index_cast %scan3A_44 : i32 to index
        %get3A_143 = arith.constant 112 : index
        %get3A_144 = tpu.vector_load %arg12[%get3A_142, %get3A_143] {strides = array<i32>} : memref<128x128xf32, #tpu.memory_space<vmem>>, vector<1x16xf32>,
        %get3A_145 = vector.shape_cast %get3A_144 : vector<1x16xf32> to vector<16xf32>
        %get3A_146 = arith.index_cast %scan3A_44 : i32 to index
        %get3A_147 = arith.constant 112 : index
        %get3A_148 = tpu.vector_load %arg13[%get3A_146, %get3A_147] {strides = array<i32>} : memref<128x128xf32, #tpu.memory_space<vmem>>, vector<1x16xf32>,
        %get3A_149 = vector.shape_cast %get3A_148 : vector<1x16xf32> to vector<16xf32>
        %add3A_150 = arith.addf %get3A_145, %get3A_149 : vector<16xf32>
        %swap3A_151 = arith.index_cast %scan3A_44 : i32 to index
        %swap3A_152 = arith.constant 112 : index
        %swap3A_153 = tpu.vector_load %arg12[%swap3A_151, %swap3A_152] {strides = array<i32>} : memref<128x128xf32, #tpu.memory_space<vmem>>, vector<1x16xf32>,
        %swap3A_154 = vector.shape_cast %swap3A_153 : vector<1x16xf32> to vector<16xf32>
        %swap3A_155 = vector.shape_cast %add3A_150 : vector<16xf32> to vector<1x16xf32>
        tpu.vector_store %arg12[%swap3A_151, %swap3A_152], %swap3A_155 {strides = array<i32>} : memref<128x128xf32, #tpu.memory_space<vmem>>, vector<1x16xf32>,
        %scan3A_156 = arith.constant 0 : i32
        scf.yield %scan3A_156 : i32
      }
      %scan3A_42 = arith.constant 128 : i32
      "tpu.region"() ({
        %run_scoped3A = tpu.sem_alloc : memref<!tpu.dma_semaphore, #tpu.memory_space<semaphore_mem>>
        %dma_start3A_44 = arith.constant 0 : i32
        %dma_start3A_45 = tpu.memref_slice %arg7[%add3A_13, %dma_start3A_44] : memref<802816x128xf32, #tpu.memory_space<hbm>> -> memref<128x128xf32, #tpu.memory_space<hbm>>
        %dma_start3A_46 = arith.constant 0 : i32
        %dma_start3A_47 = tpu.memref_slice %arg7[%add3A_13, %dma_start3A_46] : memref<802816x128xf32, #tpu.memory_space<hbm>> -> memref<128x128xf32, #tpu.memory_space<hbm>>
        tpu.enqueue_dma source(%arg12 : memref<128x128xf32, #tpu.memory_space<vmem>>) target(%dma_start3A_47 : memref<128x128xf32, #tpu.memory_space<hbm>>) target_semaphore(%run_scoped3A : memref<!tpu.dma_semaphore, #tpu.memory_space<semaphore_mem>>)
        %dma_wait3A_48 = arith.constant 0 : i32
        %dma_wait3A_49 = tpu.memref_slice %arg7[%add3A_13, %dma_wait3A_48] : memref<802816x128xf32, #tpu.memory_space<hbm>> -> memref<128x128xf32, #tpu.memory_space<hbm>>
        %dma_wait3A_50 = arith.constant 0 : i32
        %dma_wait3A_51 = tpu.memref_slice %arg7[%add3A_13, %dma_wait3A_50] : memref<802816x128xf32, #tpu.memory_space<hbm>> -> memref<128x128xf32, #tpu.memory_space<hbm>>
        tpu.wait_dma2 semaphore(%run_scoped3A : memref<!tpu.dma_semaphore, #tpu.memory_space<semaphore_mem>>) src(%arg12 : memref<128x128xf32, #tpu.memory_space<vmem>>) dst(%dma_wait3A_51 : memref<128x128xf32, #tpu.memory_space<hbm>>)
        tpu.yield
      }) : () -> ()
      "tpu.region"() ({
        %run_scoped3A = tpu.sem_alloc : memref<!tpu.dma_semaphore, #tpu.memory_space<semaphore_mem>>
        %dma_start3A_44 = arith.constant 0 : i32
        %dma_start3A_45 = tpu.memref_slice %arg8[%add3A_13, %dma_start3A_44] : memref<802816x16xf32, #tpu.memory_space<hbm>> -> memref<128x16xf32, #tpu.memory_space<hbm>>
        %dma_start3A_46 = arith.constant 0 : i32
        %dma_start3A_47 = tpu.memref_slice %arg8[%add3A_13, %dma_start3A_46] : memref<802816x16xf32, #tpu.memory_space<hbm>> -> memref<128x16xf32, #tpu.memory_space<hbm>>
        tpu.enqueue_dma source(%arg14 : memref<128x16xf32, #tpu.memory_space<vmem>>) target(%dma_start3A_47 : memref<128x16xf32, #tpu.memory_space<hbm>>) target_semaphore(%run_scoped3A : memref<!tpu.dma_semaphore, #tpu.memory_space<semaphore_mem>>)
        %dma_wait3A_48 = arith.constant 0 : i32
        %dma_wait3A_49 = tpu.memref_slice %arg8[%add3A_13, %dma_wait3A_48] : memref<802816x16xf32, #tpu.memory_space<hbm>> -> memref<128x16xf32, #tpu.memory_space<hbm>>
        %dma_wait3A_50 = arith.constant 0 : i32
        %dma_wait3A_51 = tpu.memref_slice %arg8[%add3A_13, %dma_wait3A_50] : memref<802816x16xf32, #tpu.memory_space<hbm>> -> memref<128x16xf32, #tpu.memory_space<hbm>>
        tpu.wait_dma2 semaphore(%run_scoped3A : memref<!tpu.dma_semaphore, #tpu.memory_space<semaphore_mem>>) src(%arg14 : memref<128x16xf32, #tpu.memory_space<vmem>>) dst(%dma_wait3A_51 : memref<128x16xf32, #tpu.memory_space<hbm>>)
        tpu.yield
      }) : () -> ()
      "tpu.region"() ({
        %run_scoped3A = tpu.sem_alloc : memref<!tpu.dma_semaphore, #tpu.memory_space<semaphore_mem>>
        %dma_start3A_44 = arith.constant 0 : i32
        %dma_start3A_45 = tpu.memref_slice %arg9[%add3A_13, %dma_start3A_44] : memref<802816x16xf32, #tpu.memory_space<hbm>> -> memref<128x16xf32, #tpu.memory_space<hbm>>
        %dma_start3A_46 = arith.constant 0 : i32
        %dma_start3A_47 = tpu.memref_slice %arg9[%add3A_13, %dma_start3A_46] : memref<802816x16xf32, #tpu.memory_space<hbm>> -> memref<128x16xf32, #tpu.memory_space<hbm>>
        tpu.enqueue_dma source(%arg15 : memref<128x16xf32, #tpu.memory_space<vmem>>) target(%dma_start3A_47 : memref<128x16xf32, #tpu.memory_space<hbm>>) target_semaphore(%run_scoped3A : memref<!tpu.dma_semaphore, #tpu.memory_space<semaphore_mem>>)
        %dma_wait3A_48 = arith.constant 0 : i32
        %dma_wait3A_49 = tpu.memref_slice %arg9[%add3A_13, %dma_wait3A_48] : memref<802816x16xf32, #tpu.memory_space<hbm>> -> memref<128x16xf32, #tpu.memory_space<hbm>>
        %dma_wait3A_50 = arith.constant 0 : i32
        %dma_wait3A_51 = tpu.memref_slice %arg9[%add3A_13, %dma_wait3A_50] : memref<802816x16xf32, #tpu.memory_space<hbm>> -> memref<128x16xf32, #tpu.memory_space<hbm>>
        tpu.wait_dma2 semaphore(%run_scoped3A : memref<!tpu.dma_semaphore, #tpu.memory_space<semaphore_mem>>) src(%arg15 : memref<128x16xf32, #tpu.memory_space<vmem>>) dst(%dma_wait3A_51 : memref<128x16xf32, #tpu.memory_space<hbm>>)
        tpu.yield
      }) : () -> ()
      %scan3A_43 = arith.constant 0 : i32
      scf.yield %scan3A_43 : i32
    }
    %scan3A_8 = arith.constant 196 : i32
    return
  }
}

#map = affine_map<(d0, d1) -> (0, 0)>
#map1 = affine_map<(d0, d1) -> (0)>
module attributes {stable_mosaic.version = 14 : i64} {
  func.func @_scatter_body(%arg0: i32, %arg1: i32, %arg2: memref<3211264x32xf32, #tpu.memory_space<hbm>>, %arg3: memref<802816xi32, #tpu.memory_space<hbm>>, %arg4: memref<3200x32xf32, #tpu.memory_space<hbm>>, %arg5: memref<204800x32xf32, #tpu.memory_space<hbm>>, %arg6: memref<51200x32xf32, #tpu.memory_space<vmem_shared>>, %arg7: memref<128xi32, #tpu.memory_space<vmem>>, %arg8: memref<128x32xf32, #tpu.memory_space<vmem>>) attributes {dimension_semantics = [#tpu.dimension_semantics<core_parallel>, #tpu.dimension_semantics<subcore_parallel>], iteration_bounds = array<i64: 2, 16>, scalar_prefetch = 0 : i64, scratch_operands = 3 : i64, tpu.core_type = #tpu.core_type<sc_vector_subcore>, window_params = [{transform_indices = #map}, {transform_indices = #map1}, {transform_indices = #map}, {transform_indices = #map}]} {
    %mul3A = arith.constant 3200 : i32
    %mul3A_0 = arith.muli %arg1, %mul3A : i32
    "tpu.region"() ({
      %run_scoped3A = tpu.sem_alloc : memref<!tpu.dma_semaphore, #tpu.memory_space<semaphore_mem>>
      %dma_start3A = arith.constant 0 : i32
      %dma_start3A_42 = tpu.memref_slice %arg6[%mul3A_0, %dma_start3A] : memref<51200x32xf32, #tpu.memory_space<vmem_shared>> -> memref<3200x32xf32, #tpu.memory_space<vmem_shared>>
      tpu.enqueue_dma source(%arg4 : memref<3200x32xf32, #tpu.memory_space<hbm>>) target(%dma_start3A_42 : memref<3200x32xf32, #tpu.memory_space<vmem_shared>>) target_semaphore(%run_scoped3A : memref<!tpu.dma_semaphore, #tpu.memory_space<semaphore_mem>>)
      %dma_wait3A = arith.constant 0 : i32
      %dma_wait3A_43 = tpu.memref_slice %arg6[%mul3A_0, %dma_wait3A] : memref<51200x32xf32, #tpu.memory_space<vmem_shared>> -> memref<3200x32xf32, #tpu.memory_space<vmem_shared>>
      tpu.wait_dma2 semaphore(%run_scoped3A : memref<!tpu.dma_semaphore, #tpu.memory_space<semaphore_mem>>) src(%arg4 : memref<3200x32xf32, #tpu.memory_space<hbm>>) dst(%dma_wait3A_43 : memref<3200x32xf32, #tpu.memory_space<vmem_shared>>)
      tpu.yield
    }) : () -> ()
    %barrier3A = arith.constant 0 : index
    tpu.barrier barrier_id(%barrier3A)
    %mul3A_1 = arith.constant 2 : i32
    %mul3A_2 = arith.muli %arg0, %mul3A_1 : i32
    %add3A = arith.constant 0 : i32
    %add3A_3 = arith.addi %mul3A_2, %add3A : i32
    %scan3A = arith.constant 0 : i32
    %scan3A_4 = arith.constant 0 : i32
    %scan3A_5 = arith.constant 392 : i32
    %scan3A_6 = arith.addi %scan3A_4, %scan3A_5 : i32
    %scan3A_7 = arith.constant 1 : i32
    %scan3A_8 = scf.for %scan3A_42 = %scan3A_4 to %scan3A_6 step %scan3A_7 iter_args(%scan3A_43 = %scan3A) -> (i32)  : i32 {
      %mul3A_44 = arith.constant 50176 : i32
      %mul3A_45 = arith.muli %arg1, %mul3A_44 : i32
      %mul3A_46 = arith.constant 128 : i32
      %mul3A_47 = arith.muli %scan3A_42, %mul3A_46 : i32
      %add3A_48 = arith.addi %mul3A_45, %mul3A_47 : i32
      "tpu.region"() ({
        %run_scoped3A = tpu.sem_alloc : memref<!tpu.dma_semaphore, #tpu.memory_space<semaphore_mem>>
        %dma_start3A = tpu.memref_slice %arg3[%add3A_48] : memref<802816xi32, #tpu.memory_space<hbm>> -> memref<128xi32, #tpu.memory_space<hbm>>
        %dma_start3A_53 = tpu.memref_slice %arg3[%add3A_48] : memref<802816xi32, #tpu.memory_space<hbm>> -> memref<128xi32, #tpu.memory_space<hbm>>
        tpu.enqueue_dma source(%dma_start3A_53 : memref<128xi32, #tpu.memory_space<hbm>>) target(%arg7 : memref<128xi32, #tpu.memory_space<vmem>>) target_semaphore(%run_scoped3A : memref<!tpu.dma_semaphore, #tpu.memory_space<semaphore_mem>>)
        %dma_wait3A = tpu.memref_slice %arg3[%add3A_48] : memref<802816xi32, #tpu.memory_space<hbm>> -> memref<128xi32, #tpu.memory_space<hbm>>
        %dma_wait3A_54 = tpu.memref_slice %arg3[%add3A_48] : memref<802816xi32, #tpu.memory_space<hbm>> -> memref<128xi32, #tpu.memory_space<hbm>>
        tpu.wait_dma2 semaphore(%run_scoped3A : memref<!tpu.dma_semaphore, #tpu.memory_space<semaphore_mem>>) src(%dma_wait3A_54 : memref<128xi32, #tpu.memory_space<hbm>>) dst(%arg7 : memref<128xi32, #tpu.memory_space<vmem>>)
        tpu.yield
      }) : () -> ()
      %mul3A_49 = arith.constant 802816 : i32
      %mul3A_50 = arith.muli %add3A_3, %mul3A_49 : i32
      %add3A_51 = arith.addi %mul3A_50, %add3A_48 : i32
      "tpu.region"() ({
        %run_scoped3A = tpu.sem_alloc : memref<!tpu.dma_semaphore, #tpu.memory_space<semaphore_mem>>
        %dma_start3A = arith.constant 0 : i32
        %dma_start3A_53 = tpu.memref_slice %arg2[%add3A_51, %dma_start3A] : memref<3211264x32xf32, #tpu.memory_space<hbm>> -> memref<128x32xf32, #tpu.memory_space<hbm>>
        %dma_start3A_54 = arith.constant 0 : i32
        %dma_start3A_55 = tpu.memref_slice %arg2[%add3A_51, %dma_start3A_54] : memref<3211264x32xf32, #tpu.memory_space<hbm>> -> memref<128x32xf32, #tpu.memory_space<hbm>>
        tpu.enqueue_dma source(%dma_start3A_55 : memref<128x32xf32, #tpu.memory_space<hbm>>) target(%arg8 : memref<128x32xf32, #tpu.memory_space<vmem>>) target_semaphore(%run_scoped3A : memref<!tpu.dma_semaphore, #tpu.memory_space<semaphore_mem>>)
        %dma_wait3A = arith.constant 0 : i32
        %dma_wait3A_56 = tpu.memref_slice %arg2[%add3A_51, %dma_wait3A] : memref<3211264x32xf32, #tpu.memory_space<hbm>> -> memref<128x32xf32, #tpu.memory_space<hbm>>
        %dma_wait3A_57 = arith.constant 0 : i32
        %dma_wait3A_58 = tpu.memref_slice %arg2[%add3A_51, %dma_wait3A_57] : memref<3211264x32xf32, #tpu.memory_space<hbm>> -> memref<128x32xf32, #tpu.memory_space<hbm>>
        tpu.wait_dma2 semaphore(%run_scoped3A : memref<!tpu.dma_semaphore, #tpu.memory_space<semaphore_mem>>) src(%dma_wait3A_58 : memref<128x32xf32, #tpu.memory_space<hbm>>) dst(%arg8 : memref<128x32xf32, #tpu.memory_space<vmem>>)
        tpu.yield
      }) : () -> ()
      "tpu.region"() ({
        %run_scoped3A = tpu.sem_alloc : memref<!tpu.dma_semaphore, #tpu.memory_space<semaphore_mem>>
        %dma_start3A = arith.constant 0 : i32
        %dma_start3A_53 = arith.constant 0 : i32
        %dma_start3A_54 = tpu.memref_slice %arg6[%dma_start3A, %dma_start3A_53] : memref<51200x32xf32, #tpu.memory_space<vmem_shared>> -> memref<51200x32xf32, #tpu.memory_space<vmem_shared>>
        tpu.enqueue_indirect_dma source(%arg8 : memref<128x32xf32, #tpu.memory_space<vmem>>) target(%dma_start3A_54 : memref<51200x32xf32, #tpu.memory_space<vmem_shared>>) offsets(%arg7 : memref<128xi32, #tpu.memory_space<vmem>>) semaphore(%run_scoped3A : memref<!tpu.dma_semaphore, #tpu.memory_space<semaphore_mem>>) {add = true}
        %dma_wait3A = arith.constant 0 : i32
        %dma_wait3A_55 = arith.constant 0 : i32
        %dma_wait3A_56 = tpu.memref_slice %arg6[%dma_wait3A, %dma_wait3A_55] : memref<51200x32xf32, #tpu.memory_space<vmem_shared>> -> memref<51200x32xf32, #tpu.memory_space<vmem_shared>>
        tpu.wait_indirect_dma semaphore(%run_scoped3A : memref<!tpu.dma_semaphore, #tpu.memory_space<semaphore_mem>>) src(%arg8 : memref<128x32xf32, #tpu.memory_space<vmem>>) dst(%dma_wait3A_56 : memref<51200x32xf32, #tpu.memory_space<vmem_shared>>)
        tpu.yield
      }) : () -> ()
      %scan3A_52 = arith.constant 0 : i32
      scf.yield %scan3A_52 : i32
    }
    %scan3A_9 = arith.constant 392 : i32
    %barrier3A_10 = arith.constant 0 : index
    tpu.barrier barrier_id(%barrier3A_10)
    %scan3A_11 = arith.constant 0 : i32
    %scan3A_12 = arith.constant 0 : i32
    %scan3A_13 = arith.constant 25 : i32
    %scan3A_14 = arith.addi %scan3A_12, %scan3A_13 : i32
    %scan3A_15 = arith.constant 1 : i32
    %scan3A_16 = scf.for %scan3A_42 = %scan3A_12 to %scan3A_14 step %scan3A_15 iter_args(%scan3A_43 = %scan3A_11) -> (i32)  : i32 {
      %mul3A_44 = arith.constant 3200 : i32
      %mul3A_45 = arith.muli %arg1, %mul3A_44 : i32
      %mul3A_46 = arith.constant 128 : i32
      %mul3A_47 = arith.muli %scan3A_42, %mul3A_46 : i32
      %add3A_48 = arith.addi %mul3A_45, %mul3A_47 : i32
      %mul3A_49 = arith.constant 51200 : i32
      %mul3A_50 = arith.muli %add3A_3, %mul3A_49 : i32
      %add3A_51 = arith.addi %mul3A_50, %add3A_48 : i32
      "tpu.region"() ({
        %run_scoped3A = tpu.sem_alloc : memref<!tpu.dma_semaphore, #tpu.memory_space<semaphore_mem>>
        %dma_start3A = arith.constant 0 : i32
        %dma_start3A_53 = tpu.memref_slice %arg5[%add3A_51, %dma_start3A] : memref<204800x32xf32, #tpu.memory_space<hbm>> -> memref<128x32xf32, #tpu.memory_space<hbm>>
        %dma_start3A_54 = arith.constant 0 : i32
        %dma_start3A_55 = tpu.memref_slice %arg6[%add3A_48, %dma_start3A_54] : memref<51200x32xf32, #tpu.memory_space<vmem_shared>> -> memref<128x32xf32, #tpu.memory_space<vmem_shared>>
        tpu.enqueue_dma source(%dma_start3A_55 : memref<128x32xf32, #tpu.memory_space<vmem_shared>>) target(%dma_start3A_53 : memref<128x32xf32, #tpu.memory_space<hbm>>) target_semaphore(%run_scoped3A : memref<!tpu.dma_semaphore, #tpu.memory_space<semaphore_mem>>)
        %dma_wait3A = arith.constant 0 : i32
        %dma_wait3A_56 = tpu.memref_slice %arg5[%add3A_51, %dma_wait3A] : memref<204800x32xf32, #tpu.memory_space<hbm>> -> memref<128x32xf32, #tpu.memory_space<hbm>>
        %dma_wait3A_57 = arith.constant 0 : i32
        %dma_wait3A_58 = tpu.memref_slice %arg6[%add3A_48, %dma_wait3A_57] : memref<51200x32xf32, #tpu.memory_space<vmem_shared>> -> memref<128x32xf32, #tpu.memory_space<vmem_shared>>
        tpu.wait_dma2 semaphore(%run_scoped3A : memref<!tpu.dma_semaphore, #tpu.memory_space<semaphore_mem>>) src(%dma_wait3A_58 : memref<128x32xf32, #tpu.memory_space<vmem_shared>>) dst(%dma_wait3A_56 : memref<128x32xf32, #tpu.memory_space<hbm>>)
        tpu.yield
      }) : () -> ()
      %scan3A_52 = arith.constant 0 : i32
      scf.yield %scan3A_52 : i32
    }
    %scan3A_17 = arith.constant 25 : i32
    %barrier3A_18 = arith.constant 0 : index
    tpu.barrier barrier_id(%barrier3A_18)
    %mul3A_19 = arith.constant 3200 : i32
    %mul3A_20 = arith.muli %arg1, %mul3A_19 : i32
    "tpu.region"() ({
      %run_scoped3A = tpu.sem_alloc : memref<!tpu.dma_semaphore, #tpu.memory_space<semaphore_mem>>
      %dma_start3A = arith.constant 0 : i32
      %dma_start3A_42 = tpu.memref_slice %arg6[%mul3A_20, %dma_start3A] : memref<51200x32xf32, #tpu.memory_space<vmem_shared>> -> memref<3200x32xf32, #tpu.memory_space<vmem_shared>>
      tpu.enqueue_dma source(%arg4 : memref<3200x32xf32, #tpu.memory_space<hbm>>) target(%dma_start3A_42 : memref<3200x32xf32, #tpu.memory_space<vmem_shared>>) target_semaphore(%run_scoped3A : memref<!tpu.dma_semaphore, #tpu.memory_space<semaphore_mem>>)
      %dma_wait3A = arith.constant 0 : i32
      %dma_wait3A_43 = tpu.memref_slice %arg6[%mul3A_20, %dma_wait3A] : memref<51200x32xf32, #tpu.memory_space<vmem_shared>> -> memref<3200x32xf32, #tpu.memory_space<vmem_shared>>
      tpu.wait_dma2 semaphore(%run_scoped3A : memref<!tpu.dma_semaphore, #tpu.memory_space<semaphore_mem>>) src(%arg4 : memref<3200x32xf32, #tpu.memory_space<hbm>>) dst(%dma_wait3A_43 : memref<3200x32xf32, #tpu.memory_space<vmem_shared>>)
      tpu.yield
    }) : () -> ()
    %barrier3A_21 = arith.constant 0 : index
    tpu.barrier barrier_id(%barrier3A_21)
    %mul3A_22 = arith.constant 2 : i32
    %mul3A_23 = arith.muli %arg0, %mul3A_22 : i32
    %add3A_24 = arith.constant 1 : i32
    %add3A_25 = arith.addi %mul3A_23, %add3A_24 : i32
    %scan3A_26 = arith.constant 0 : i32
    %scan3A_27 = arith.constant 0 : i32
    %scan3A_28 = arith.constant 392 : i32
    %scan3A_29 = arith.addi %scan3A_27, %scan3A_28 : i32
    %scan3A_30 = arith.constant 1 : i32
    %scan3A_31 = scf.for %scan3A_42 = %scan3A_27 to %scan3A_29 step %scan3A_30 iter_args(%scan3A_43 = %scan3A_26) -> (i32)  : i32 {
      %mul3A_44 = arith.constant 50176 : i32
      %mul3A_45 = arith.muli %arg1, %mul3A_44 : i32
      %mul3A_46 = arith.constant 128 : i32
      %mul3A_47 = arith.muli %scan3A_42, %mul3A_46 : i32
      %add3A_48 = arith.addi %mul3A_45, %mul3A_47 : i32
      "tpu.region"() ({
        %run_scoped3A = tpu.sem_alloc : memref<!tpu.dma_semaphore, #tpu.memory_space<semaphore_mem>>
        %dma_start3A = tpu.memref_slice %arg3[%add3A_48] : memref<802816xi32, #tpu.memory_space<hbm>> -> memref<128xi32, #tpu.memory_space<hbm>>
        %dma_start3A_53 = tpu.memref_slice %arg3[%add3A_48] : memref<802816xi32, #tpu.memory_space<hbm>> -> memref<128xi32, #tpu.memory_space<hbm>>
        tpu.enqueue_dma source(%dma_start3A_53 : memref<128xi32, #tpu.memory_space<hbm>>) target(%arg7 : memref<128xi32, #tpu.memory_space<vmem>>) target_semaphore(%run_scoped3A : memref<!tpu.dma_semaphore, #tpu.memory_space<semaphore_mem>>)
        %dma_wait3A = tpu.memref_slice %arg3[%add3A_48] : memref<802816xi32, #tpu.memory_space<hbm>> -> memref<128xi32, #tpu.memory_space<hbm>>
        %dma_wait3A_54 = tpu.memref_slice %arg3[%add3A_48] : memref<802816xi32, #tpu.memory_space<hbm>> -> memref<128xi32, #tpu.memory_space<hbm>>
        tpu.wait_dma2 semaphore(%run_scoped3A : memref<!tpu.dma_semaphore, #tpu.memory_space<semaphore_mem>>) src(%dma_wait3A_54 : memref<128xi32, #tpu.memory_space<hbm>>) dst(%arg7 : memref<128xi32, #tpu.memory_space<vmem>>)
        tpu.yield
      }) : () -> ()
      %mul3A_49 = arith.constant 802816 : i32
      %mul3A_50 = arith.muli %add3A_25, %mul3A_49 : i32
      %add3A_51 = arith.addi %mul3A_50, %add3A_48 : i32
      "tpu.region"() ({
        %run_scoped3A = tpu.sem_alloc : memref<!tpu.dma_semaphore, #tpu.memory_space<semaphore_mem>>
        %dma_start3A = arith.constant 0 : i32
        %dma_start3A_53 = tpu.memref_slice %arg2[%add3A_51, %dma_start3A] : memref<3211264x32xf32, #tpu.memory_space<hbm>> -> memref<128x32xf32, #tpu.memory_space<hbm>>
        %dma_start3A_54 = arith.constant 0 : i32
        %dma_start3A_55 = tpu.memref_slice %arg2[%add3A_51, %dma_start3A_54] : memref<3211264x32xf32, #tpu.memory_space<hbm>> -> memref<128x32xf32, #tpu.memory_space<hbm>>
        tpu.enqueue_dma source(%dma_start3A_55 : memref<128x32xf32, #tpu.memory_space<hbm>>) target(%arg8 : memref<128x32xf32, #tpu.memory_space<vmem>>) target_semaphore(%run_scoped3A : memref<!tpu.dma_semaphore, #tpu.memory_space<semaphore_mem>>)
        %dma_wait3A = arith.constant 0 : i32
        %dma_wait3A_56 = tpu.memref_slice %arg2[%add3A_51, %dma_wait3A] : memref<3211264x32xf32, #tpu.memory_space<hbm>> -> memref<128x32xf32, #tpu.memory_space<hbm>>
        %dma_wait3A_57 = arith.constant 0 : i32
        %dma_wait3A_58 = tpu.memref_slice %arg2[%add3A_51, %dma_wait3A_57] : memref<3211264x32xf32, #tpu.memory_space<hbm>> -> memref<128x32xf32, #tpu.memory_space<hbm>>
        tpu.wait_dma2 semaphore(%run_scoped3A : memref<!tpu.dma_semaphore, #tpu.memory_space<semaphore_mem>>) src(%dma_wait3A_58 : memref<128x32xf32, #tpu.memory_space<hbm>>) dst(%arg8 : memref<128x32xf32, #tpu.memory_space<vmem>>)
        tpu.yield
      }) : () -> ()
      "tpu.region"() ({
        %run_scoped3A = tpu.sem_alloc : memref<!tpu.dma_semaphore, #tpu.memory_space<semaphore_mem>>
        %dma_start3A = arith.constant 0 : i32
        %dma_start3A_53 = arith.constant 0 : i32
        %dma_start3A_54 = tpu.memref_slice %arg6[%dma_start3A, %dma_start3A_53] : memref<51200x32xf32, #tpu.memory_space<vmem_shared>> -> memref<51200x32xf32, #tpu.memory_space<vmem_shared>>
        tpu.enqueue_indirect_dma source(%arg8 : memref<128x32xf32, #tpu.memory_space<vmem>>) target(%dma_start3A_54 : memref<51200x32xf32, #tpu.memory_space<vmem_shared>>) offsets(%arg7 : memref<128xi32, #tpu.memory_space<vmem>>) semaphore(%run_scoped3A : memref<!tpu.dma_semaphore, #tpu.memory_space<semaphore_mem>>) {add = true}
        %dma_wait3A = arith.constant 0 : i32
        %dma_wait3A_55 = arith.constant 0 : i32
        %dma_wait3A_56 = tpu.memref_slice %arg6[%dma_wait3A, %dma_wait3A_55] : memref<51200x32xf32, #tpu.memory_space<vmem_shared>> -> memref<51200x32xf32, #tpu.memory_space<vmem_shared>>
        tpu.wait_indirect_dma semaphore(%run_scoped3A : memref<!tpu.dma_semaphore, #tpu.memory_space<semaphore_mem>>) src(%arg8 : memref<128x32xf32, #tpu.memory_space<vmem>>) dst(%dma_wait3A_56 : memref<51200x32xf32, #tpu.memory_space<vmem_shared>>)
        tpu.yield
      }) : () -> ()
      %scan3A_52 = arith.constant 0 : i32
      scf.yield %scan3A_52 : i32
    }
    %scan3A_32 = arith.constant 392 : i32
    %barrier3A_33 = arith.constant 0 : index
    tpu.barrier barrier_id(%barrier3A_33)
    %scan3A_34 = arith.constant 0 : i32
    %scan3A_35 = arith.constant 0 : i32
    %scan3A_36 = arith.constant 25 : i32
    %scan3A_37 = arith.addi %scan3A_35, %scan3A_36 : i32
    %scan3A_38 = arith.constant 1 : i32
    %scan3A_39 = scf.for %scan3A_42 = %scan3A_35 to %scan3A_37 step %scan3A_38 iter_args(%scan3A_43 = %scan3A_34) -> (i32)  : i32 {
      %mul3A_44 = arith.constant 3200 : i32
      %mul3A_45 = arith.muli %arg1, %mul3A_44 : i32
      %mul3A_46 = arith.constant 128 : i32
      %mul3A_47 = arith.muli %scan3A_42, %mul3A_46 : i32
      %add3A_48 = arith.addi %mul3A_45, %mul3A_47 : i32
      %mul3A_49 = arith.constant 51200 : i32
      %mul3A_50 = arith.muli %add3A_25, %mul3A_49 : i32
      %add3A_51 = arith.addi %mul3A_50, %add3A_48 : i32
      "tpu.region"() ({
        %run_scoped3A = tpu.sem_alloc : memref<!tpu.dma_semaphore, #tpu.memory_space<semaphore_mem>>
        %dma_start3A = arith.constant 0 : i32
        %dma_start3A_53 = tpu.memref_slice %arg5[%add3A_51, %dma_start3A] : memref<204800x32xf32, #tpu.memory_space<hbm>> -> memref<128x32xf32, #tpu.memory_space<hbm>>
        %dma_start3A_54 = arith.constant 0 : i32
        %dma_start3A_55 = tpu.memref_slice %arg6[%add3A_48, %dma_start3A_54] : memref<51200x32xf32, #tpu.memory_space<vmem_shared>> -> memref<128x32xf32, #tpu.memory_space<vmem_shared>>
        tpu.enqueue_dma source(%dma_start3A_55 : memref<128x32xf32, #tpu.memory_space<vmem_shared>>) target(%dma_start3A_53 : memref<128x32xf32, #tpu.memory_space<hbm>>) target_semaphore(%run_scoped3A : memref<!tpu.dma_semaphore, #tpu.memory_space<semaphore_mem>>)
        %dma_wait3A = arith.constant 0 : i32
        %dma_wait3A_56 = tpu.memref_slice %arg5[%add3A_51, %dma_wait3A] : memref<204800x32xf32, #tpu.memory_space<hbm>> -> memref<128x32xf32, #tpu.memory_space<hbm>>
        %dma_wait3A_57 = arith.constant 0 : i32
        %dma_wait3A_58 = tpu.memref_slice %arg6[%add3A_48, %dma_wait3A_57] : memref<51200x32xf32, #tpu.memory_space<vmem_shared>> -> memref<128x32xf32, #tpu.memory_space<vmem_shared>>
        tpu.wait_dma2 semaphore(%run_scoped3A : memref<!tpu.dma_semaphore, #tpu.memory_space<semaphore_mem>>) src(%dma_wait3A_58 : memref<128x32xf32, #tpu.memory_space<vmem_shared>>) dst(%dma_wait3A_56 : memref<128x32xf32, #tpu.memory_space<hbm>>)
        tpu.yield
      }) : () -> ()
      %scan3A_52 = arith.constant 0 : i32
      scf.yield %scan3A_52 : i32
    }
    %scan3A_40 = arith.constant 25 : i32
    %barrier3A_41 = arith.constant 0 : index
    tpu.barrier barrier_id(%barrier3A_41)
    return
  }
}

#map = affine_map<(d0, d1) -> (0, 0)>
#map1 = affine_map<(d0, d1) -> (0)>
module attributes {stable_mosaic.version = 14 : i64} {
  func.func @_cuscatter_body(%arg0: i32, %arg1: i32, %arg2: memref<802816x16xf32, #tpu.memory_space<hbm>>, %arg3: memref<802816xi32, #tpu.memory_space<hbm>>, %arg4: memref<3200x16xf32, #tpu.memory_space<hbm>>, %arg5: memref<102400x16xf32, #tpu.memory_space<hbm>>, %arg6: memref<51200x16xf32, #tpu.memory_space<vmem_shared>>, %arg7: memref<128xi32, #tpu.memory_space<vmem>>, %arg8: memref<128x16xf32, #tpu.memory_space<vmem>>) attributes {dimension_semantics = [#tpu.dimension_semantics<core_parallel>, #tpu.dimension_semantics<subcore_parallel>], iteration_bounds = array<i64: 2, 16>, scalar_prefetch = 0 : i64, scratch_operands = 3 : i64, tpu.core_type = #tpu.core_type<sc_vector_subcore>, window_params = [{transform_indices = #map}, {transform_indices = #map1}, {transform_indices = #map}, {transform_indices = #map}]} {
    %mul3A = arith.constant 3200 : i32
    %mul3A_0 = arith.muli %arg1, %mul3A : i32
    "tpu.region"() ({
      %run_scoped3A = tpu.sem_alloc : memref<!tpu.dma_semaphore, #tpu.memory_space<semaphore_mem>>
      %dma_start3A = arith.constant 0 : i32
      %dma_start3A_19 = tpu.memref_slice %arg6[%mul3A_0, %dma_start3A] : memref<51200x16xf32, #tpu.memory_space<vmem_shared>> -> memref<3200x16xf32, #tpu.memory_space<vmem_shared>>
      tpu.enqueue_dma source(%arg4 : memref<3200x16xf32, #tpu.memory_space<hbm>>) target(%dma_start3A_19 : memref<3200x16xf32, #tpu.memory_space<vmem_shared>>) target_semaphore(%run_scoped3A : memref<!tpu.dma_semaphore, #tpu.memory_space<semaphore_mem>>)
      %dma_wait3A = arith.constant 0 : i32
      %dma_wait3A_20 = tpu.memref_slice %arg6[%mul3A_0, %dma_wait3A] : memref<51200x16xf32, #tpu.memory_space<vmem_shared>> -> memref<3200x16xf32, #tpu.memory_space<vmem_shared>>
      tpu.wait_dma2 semaphore(%run_scoped3A : memref<!tpu.dma_semaphore, #tpu.memory_space<semaphore_mem>>) src(%arg4 : memref<3200x16xf32, #tpu.memory_space<hbm>>) dst(%dma_wait3A_20 : memref<3200x16xf32, #tpu.memory_space<vmem_shared>>)
      tpu.yield
    }) : () -> ()
    %barrier3A = arith.constant 0 : index
    tpu.barrier barrier_id(%barrier3A)
    %mul3A_1 = arith.constant 16 : i32
    %mul3A_2 = arith.muli %arg0, %mul3A_1 : i32
    %add3A = arith.addi %mul3A_2, %arg1 : i32
    %mul3A_3 = arith.constant 25088 : i32
    %mul3A_4 = arith.muli %add3A, %mul3A_3 : i32
    %scan3A = arith.constant 0 : i32
    %scan3A_5 = arith.constant 0 : i32
    %scan3A_6 = arith.constant 196 : i32
    %scan3A_7 = arith.addi %scan3A_5, %scan3A_6 : i32
    %scan3A_8 = arith.constant 1 : i32
    %scan3A_9 = scf.for %scan3A_19 = %scan3A_5 to %scan3A_7 step %scan3A_8 iter_args(%scan3A_20 = %scan3A) -> (i32)  : i32 {
      %mul3A_21 = arith.constant 128 : i32
      %mul3A_22 = arith.muli %scan3A_19, %mul3A_21 : i32
      %add3A_23 = arith.addi %mul3A_4, %mul3A_22 : i32
      "tpu.region"() ({
        %run_scoped3A = tpu.sem_alloc : memref<!tpu.dma_semaphore, #tpu.memory_space<semaphore_mem>>
        %dma_start3A = tpu.memref_slice %arg3[%add3A_23] : memref<802816xi32, #tpu.memory_space<hbm>> -> memref<128xi32, #tpu.memory_space<hbm>>
        %dma_start3A_25 = tpu.memref_slice %arg3[%add3A_23] : memref<802816xi32, #tpu.memory_space<hbm>> -> memref<128xi32, #tpu.memory_space<hbm>>
        tpu.enqueue_dma source(%dma_start3A_25 : memref<128xi32, #tpu.memory_space<hbm>>) target(%arg7 : memref<128xi32, #tpu.memory_space<vmem>>) target_semaphore(%run_scoped3A : memref<!tpu.dma_semaphore, #tpu.memory_space<semaphore_mem>>)
        %dma_wait3A = tpu.memref_slice %arg3[%add3A_23] : memref<802816xi32, #tpu.memory_space<hbm>> -> memref<128xi32, #tpu.memory_space<hbm>>
        %dma_wait3A_26 = tpu.memref_slice %arg3[%add3A_23] : memref<802816xi32, #tpu.memory_space<hbm>> -> memref<128xi32, #tpu.memory_space<hbm>>
        tpu.wait_dma2 semaphore(%run_scoped3A : memref<!tpu.dma_semaphore, #tpu.memory_space<semaphore_mem>>) src(%dma_wait3A_26 : memref<128xi32, #tpu.memory_space<hbm>>) dst(%arg7 : memref<128xi32, #tpu.memory_space<vmem>>)
        tpu.yield
      }) : () -> ()
      "tpu.region"() ({
        %run_scoped3A = tpu.sem_alloc : memref<!tpu.dma_semaphore, #tpu.memory_space<semaphore_mem>>
        %dma_start3A = arith.constant 0 : i32
        %dma_start3A_25 = tpu.memref_slice %arg2[%add3A_23, %dma_start3A] : memref<802816x16xf32, #tpu.memory_space<hbm>> -> memref<128x16xf32, #tpu.memory_space<hbm>>
        %dma_start3A_26 = arith.constant 0 : i32
        %dma_start3A_27 = tpu.memref_slice %arg2[%add3A_23, %dma_start3A_26] : memref<802816x16xf32, #tpu.memory_space<hbm>> -> memref<128x16xf32, #tpu.memory_space<hbm>>
        tpu.enqueue_dma source(%dma_start3A_27 : memref<128x16xf32, #tpu.memory_space<hbm>>) target(%arg8 : memref<128x16xf32, #tpu.memory_space<vmem>>) target_semaphore(%run_scoped3A : memref<!tpu.dma_semaphore, #tpu.memory_space<semaphore_mem>>)
        %dma_wait3A = arith.constant 0 : i32
        %dma_wait3A_28 = tpu.memref_slice %arg2[%add3A_23, %dma_wait3A] : memref<802816x16xf32, #tpu.memory_space<hbm>> -> memref<128x16xf32, #tpu.memory_space<hbm>>
        %dma_wait3A_29 = arith.constant 0 : i32
        %dma_wait3A_30 = tpu.memref_slice %arg2[%add3A_23, %dma_wait3A_29] : memref<802816x16xf32, #tpu.memory_space<hbm>> -> memref<128x16xf32, #tpu.memory_space<hbm>>
        tpu.wait_dma2 semaphore(%run_scoped3A : memref<!tpu.dma_semaphore, #tpu.memory_space<semaphore_mem>>) src(%dma_wait3A_30 : memref<128x16xf32, #tpu.memory_space<hbm>>) dst(%arg8 : memref<128x16xf32, #tpu.memory_space<vmem>>)
        tpu.yield
      }) : () -> ()
      "tpu.region"() ({
        %run_scoped3A = tpu.sem_alloc : memref<!tpu.dma_semaphore, #tpu.memory_space<semaphore_mem>>
        %dma_start3A = arith.constant 0 : i32
        %dma_start3A_25 = arith.constant 0 : i32
        %dma_start3A_26 = tpu.memref_slice %arg6[%dma_start3A, %dma_start3A_25] : memref<51200x16xf32, #tpu.memory_space<vmem_shared>> -> memref<51200x16xf32, #tpu.memory_space<vmem_shared>>
        tpu.enqueue_indirect_dma source(%arg8 : memref<128x16xf32, #tpu.memory_space<vmem>>) target(%dma_start3A_26 : memref<51200x16xf32, #tpu.memory_space<vmem_shared>>) offsets(%arg7 : memref<128xi32, #tpu.memory_space<vmem>>) semaphore(%run_scoped3A : memref<!tpu.dma_semaphore, #tpu.memory_space<semaphore_mem>>) {add = true}
        %dma_wait3A = arith.constant 0 : i32
        %dma_wait3A_27 = arith.constant 0 : i32
        %dma_wait3A_28 = tpu.memref_slice %arg6[%dma_wait3A, %dma_wait3A_27] : memref<51200x16xf32, #tpu.memory_space<vmem_shared>> -> memref<51200x16xf32, #tpu.memory_space<vmem_shared>>
        tpu.wait_indirect_dma semaphore(%run_scoped3A : memref<!tpu.dma_semaphore, #tpu.memory_space<semaphore_mem>>) src(%arg8 : memref<128x16xf32, #tpu.memory_space<vmem>>) dst(%dma_wait3A_28 : memref<51200x16xf32, #tpu.memory_space<vmem_shared>>)
        tpu.yield
      }) : () -> ()
      %scan3A_24 = arith.constant 0 : i32
      scf.yield %scan3A_24 : i32
    }
    %scan3A_10 = arith.constant 196 : i32
    %barrier3A_11 = arith.constant 0 : index
    tpu.barrier barrier_id(%barrier3A_11)
    %scan3A_12 = arith.constant 0 : i32
    %scan3A_13 = arith.constant 0 : i32
    %scan3A_14 = arith.constant 25 : i32
    %scan3A_15 = arith.addi %scan3A_13, %scan3A_14 : i32
    %scan3A_16 = arith.constant 1 : i32
    %scan3A_17 = scf.for %scan3A_19 = %scan3A_13 to %scan3A_15 step %scan3A_16 iter_args(%scan3A_20 = %scan3A_12) -> (i32)  : i32 {
      %mul3A_21 = arith.constant 3200 : i32
      %mul3A_22 = arith.muli %arg1, %mul3A_21 : i32
      %mul3A_23 = arith.constant 128 : i32
      %mul3A_24 = arith.muli %scan3A_19, %mul3A_23 : i32
      %add3A_25 = arith.addi %mul3A_22, %mul3A_24 : i32
      %mul3A_26 = arith.constant 51200 : i32
      %mul3A_27 = arith.muli %arg0, %mul3A_26 : i32
      %add3A_28 = arith.addi %mul3A_27, %add3A_25 : i32
      "tpu.region"() ({
        %run_scoped3A = tpu.sem_alloc : memref<!tpu.dma_semaphore, #tpu.memory_space<semaphore_mem>>
        %dma_start3A = arith.constant 0 : i32
        %dma_start3A_30 = tpu.memref_slice %arg5[%add3A_28, %dma_start3A] : memref<102400x16xf32, #tpu.memory_space<hbm>> -> memref<128x16xf32, #tpu.memory_space<hbm>>
        %dma_start3A_31 = arith.constant 0 : i32
        %dma_start3A_32 = tpu.memref_slice %arg6[%add3A_25, %dma_start3A_31] : memref<51200x16xf32, #tpu.memory_space<vmem_shared>> -> memref<128x16xf32, #tpu.memory_space<vmem_shared>>
        tpu.enqueue_dma source(%dma_start3A_32 : memref<128x16xf32, #tpu.memory_space<vmem_shared>>) target(%dma_start3A_30 : memref<128x16xf32, #tpu.memory_space<hbm>>) target_semaphore(%run_scoped3A : memref<!tpu.dma_semaphore, #tpu.memory_space<semaphore_mem>>)
        %dma_wait3A = arith.constant 0 : i32
        %dma_wait3A_33 = tpu.memref_slice %arg5[%add3A_28, %dma_wait3A] : memref<102400x16xf32, #tpu.memory_space<hbm>> -> memref<128x16xf32, #tpu.memory_space<hbm>>
        %dma_wait3A_34 = arith.constant 0 : i32
        %dma_wait3A_35 = tpu.memref_slice %arg6[%add3A_25, %dma_wait3A_34] : memref<51200x16xf32, #tpu.memory_space<vmem_shared>> -> memref<128x16xf32, #tpu.memory_space<vmem_shared>>
        tpu.wait_dma2 semaphore(%run_scoped3A : memref<!tpu.dma_semaphore, #tpu.memory_space<semaphore_mem>>) src(%dma_wait3A_35 : memref<128x16xf32, #tpu.memory_space<vmem_shared>>) dst(%dma_wait3A_33 : memref<128x16xf32, #tpu.memory_space<hbm>>)
        tpu.yield
      }) : () -> ()
      %scan3A_29 = arith.constant 0 : i32
      scf.yield %scan3A_29 : i32
    }
    %scan3A_18 = arith.constant 25 : i32
    return
  }
}

module attributes {stable_mosaic.version = 14 : i64} {
  func.func @_embed_body(%arg0: i32, %arg1: memref<2048x16xf32, #tpu.memory_space<vmem>>, %arg2: memref<16x128xf32, #tpu.memory_space<vmem>>, %arg3: memref<1x128xf32, #tpu.memory_space<vmem>>, %arg4: memref<128x128xf32, #tpu.memory_space<vmem>>, %arg5: memref<128x128xf32, #tpu.memory_space<vmem>>, %arg6: memref<2048x128xf32, #tpu.memory_space<vmem>>, %arg7: memref<2048x128xf32, #tpu.memory_space<vmem>>, %arg8: memref<2048x128xf32, #tpu.memory_space<vmem>>) attributes {dimension_semantics = [#tpu.dimension_semantics<arbitrary>], iteration_bounds = array<i64: 25>, scalar_prefetch = 0 : i64, scratch_operands = 0 : i64, tpu.core_type = #tpu.core_type<tc>, window_params = [{transform_indices = @transform_0, window_bounds = array<i64: 2048, 16>}, {pipeline_mode = #tpu.pipeline_mode<synchronous>, transform_indices = @transform_1, window_bounds = array<i64: 16, 128>}, {pipeline_mode = #tpu.pipeline_mode<synchronous>, transform_indices = @transform_2, window_bounds = array<i64: 1, 128>}, {pipeline_mode = #tpu.pipeline_mode<synchronous>, transform_indices = @transform_3, window_bounds = array<i64: 128, 128>}, {pipeline_mode = #tpu.pipeline_mode<synchronous>, transform_indices = @transform_4, window_bounds = array<i64: 128, 128>}, {transform_indices = @transform_5, window_bounds = array<i64: 2048, 128>}, {transform_indices = @transform_6, window_bounds = array<i64: 2048, 128>}, {transform_indices = @transform_7, window_bounds = array<i64: 2048, 128>}]} {
    %get3A = arith.constant 0 : index
    %get3A_0 = arith.constant 0 : index
    %get3A_1 = vector.load %arg1[%get3A, %get3A_0] : memref<2048x16xf32, #tpu.memory_space<vmem>>, vector<2048x16xf32>
    %get3A_2 = arith.constant 0 : index
    %get3A_3 = arith.constant 0 : index
    %get3A_4 = vector.load %arg2[%get3A_2, %get3A_3] : memref<16x128xf32, #tpu.memory_space<vmem>>, vector<16x128xf32>
    %dot_general3A = arith.constant dense<0.000000e+00> : vector<2048x128xf32>
    %dot_general3A_5 = tpu.matmul %get3A_1, %get3A_4, %dot_general3A {dimension_numbers = #tpu.dot_dimension_numbers<[1], [0], [0], [1], [0, 0, 1, 1], [], []>, precision = #tpu.contract_precision<fp32>, transpose_lhs_hint = false} : vector<2048x16xf32>, vector<16x128xf32>, vector<2048x128xf32> -> vector<2048x128xf32>
    %get3A_6 = arith.constant 0 : index
    %get3A_7 = arith.constant 0 : index
    %get3A_8 = vector.load %arg3[%get3A_6, %get3A_7] : memref<1x128xf32, #tpu.memory_space<vmem>>, vector<1x128xf32>
    %add3A = vector.broadcast %get3A_8 : vector<1x128xf32> to vector<2048x128xf32>
    %add3A_9 = arith.addf %dot_general3A_5, %add3A : vector<2048x128xf32>
    %swap3A = arith.constant 0 : index
    %swap3A_10 = arith.constant 0 : index
    %swap3A_11 = vector.load %arg6[%swap3A, %swap3A_10] : memref<2048x128xf32, #tpu.memory_space<vmem>>, vector<2048x128xf32>
    tpu.vector_store %arg6[%swap3A, %swap3A_10], %add3A_9 {strides = array<i32>} : memref<2048x128xf32, #tpu.memory_space<vmem>>, vector<2048x128xf32>,
    %get3A_12 = arith.constant 0 : index
    %get3A_13 = arith.constant 0 : index
    %get3A_14 = vector.load %arg4[%get3A_12, %get3A_13] : memref<128x128xf32, #tpu.memory_space<vmem>>, vector<128x128xf32>
    %dot_general3A_15 = arith.constant dense<0.000000e+00> : vector<2048x128xf32>
    %dot_general3A_16 = tpu.matmul %add3A_9, %get3A_14, %dot_general3A_15 {dimension_numbers = #tpu.dot_dimension_numbers<[1], [0], [0], [1], [0, 0, 1, 1], [], []>, precision = #tpu.contract_precision<fp32>, transpose_lhs_hint = false} : vector<2048x128xf32>, vector<128x128xf32>, vector<2048x128xf32> -> vector<2048x128xf32>
    %swap3A_17 = arith.constant 0 : index
    %swap3A_18 = arith.constant 0 : index
    %swap3A_19 = vector.load %arg7[%swap3A_17, %swap3A_18] : memref<2048x128xf32, #tpu.memory_space<vmem>>, vector<2048x128xf32>
    tpu.vector_store %arg7[%swap3A_17, %swap3A_18], %dot_general3A_16 {strides = array<i32>} : memref<2048x128xf32, #tpu.memory_space<vmem>>, vector<2048x128xf32>,
    %get3A_20 = arith.constant 0 : index
    %get3A_21 = arith.constant 0 : index
    %get3A_22 = vector.load %arg5[%get3A_20, %get3A_21] : memref<128x128xf32, #tpu.memory_space<vmem>>, vector<128x128xf32>
    %dot_general3A_23 = arith.constant dense<0.000000e+00> : vector<2048x128xf32>
    %dot_general3A_24 = tpu.matmul %add3A_9, %get3A_22, %dot_general3A_23 {dimension_numbers = #tpu.dot_dimension_numbers<[1], [0], [0], [1], [0, 0, 1, 1], [], []>, precision = #tpu.contract_precision<fp32>, transpose_lhs_hint = false} : vector<2048x128xf32>, vector<128x128xf32>, vector<2048x128xf32> -> vector<2048x128xf32>
    %swap3A_25 = arith.constant 0 : index
    %swap3A_26 = arith.constant 0 : index
    %swap3A_27 = vector.load %arg8[%swap3A_25, %swap3A_26] : memref<2048x128xf32, #tpu.memory_space<vmem>>, vector<2048x128xf32>
    tpu.vector_store %arg8[%swap3A_25, %swap3A_26], %dot_general3A_24 {strides = array<i32>} : memref<2048x128xf32, #tpu.memory_space<vmem>>, vector<2048x128xf32>,
    return
  }
  func.func @transform_0(%arg0: i32) -> (i32, i32) {
    %c0_i32 = arith.constant 0 : i32
    %c0_i32_0 = arith.constant 0 : i32
    return %arg0, %c0_i32 : i32, i32
  }
  func.func @transform_1(%arg0: i32) -> (i32, i32) {
    %c0_i32 = arith.constant 0 : i32
    %c0_i32_0 = arith.constant 0 : i32
    %c0_i32_1 = arith.constant 0 : i32
    return %c0_i32, %c0_i32_0 : i32, i32
  }
  func.func @transform_2(%arg0: i32) -> (i32, i32) {
    %c0_i32 = arith.constant 0 : i32
    %c0_i32_0 = arith.constant 0 : i32
    %c0_i32_1 = arith.constant 0 : i32
    return %c0_i32, %c0_i32_0 : i32, i32
  }
  func.func @transform_3(%arg0: i32) -> (i32, i32) {
    %c0_i32 = arith.constant 0 : i32
    %c0_i32_0 = arith.constant 0 : i32
    %c0_i32_1 = arith.constant 0 : i32
    return %c0_i32, %c0_i32_0 : i32, i32
  }
  func.func @transform_4(%arg0: i32) -> (i32, i32) {
    %c0_i32 = arith.constant 0 : i32
    %c0_i32_0 = arith.constant 0 : i32
    %c0_i32_1 = arith.constant 0 : i32
    return %c0_i32, %c0_i32_0 : i32, i32
  }
  func.func @transform_5(%arg0: i32) -> (i32, i32) {
    %c0_i32 = arith.constant 0 : i32
    %c0_i32_0 = arith.constant 0 : i32
    return %arg0, %c0_i32 : i32, i32
  }
  func.func @transform_6(%arg0: i32) -> (i32, i32) {
    %c0_i32 = arith.constant 0 : i32
    %c0_i32_0 = arith.constant 0 : i32
    return %arg0, %c0_i32 : i32, i32
  }
  func.func @transform_7(%arg0: i32) -> (i32, i32) {
    %c0_i32 = arith.constant 0 : i32
    %c0_i32_0 = arith.constant 0 : i32
    return %arg0, %c0_i32 : i32, i32
  }
}

module attributes {stable_mosaic.version = 14 : i64} {
  func.func @_edge_body(%arg0: i32, %arg1: memref<2048x128xf32, #tpu.memory_space<vmem>>, %arg2: memref<2048x16xf32, #tpu.memory_space<vmem>>, %arg3: memref<2048x16xf32, #tpu.memory_space<vmem>>, %arg4: memref<1x128xf32, #tpu.memory_space<vmem>>, %arg5: memref<1x128xf32, #tpu.memory_space<vmem>>, %arg6: memref<128x128xf32, #tpu.memory_space<vmem>>, %arg7: memref<1x128xf32, #tpu.memory_space<vmem>>, %arg8: memref<1x128xf32, #tpu.memory_space<vmem>>, %arg9: memref<1x1xf32, #tpu.memory_space<smem>>, %arg10: memref<4x2048x32xf32, #tpu.memory_space<vmem>>, %arg11: memref<2048x16xf32, #tpu.memory_space<vmem>>) attributes {dimension_semantics = [#tpu.dimension_semantics<arbitrary>], iteration_bounds = array<i64: 392>, scalar_prefetch = 0 : i64, scratch_operands = 0 : i64, tpu.core_type = #tpu.core_type<tc>, window_params = [{transform_indices = @transform_0, window_bounds = array<i64: 2048, 128>}, {transform_indices = @transform_1, window_bounds = array<i64: 2048, 16>}, {transform_indices = @transform_2, window_bounds = array<i64: 2048, 16>}, {pipeline_mode = #tpu.pipeline_mode<synchronous>, transform_indices = @transform_3, window_bounds = array<i64: 1, 128>}, {pipeline_mode = #tpu.pipeline_mode<synchronous>, transform_indices = @transform_4, window_bounds = array<i64: 1, 128>}, {pipeline_mode = #tpu.pipeline_mode<synchronous>, transform_indices = @transform_5, window_bounds = array<i64: 128, 128>}, {pipeline_mode = #tpu.pipeline_mode<synchronous>, transform_indices = @transform_6, window_bounds = array<i64: 1, 128>}, {pipeline_mode = #tpu.pipeline_mode<synchronous>, transform_indices = @transform_7, window_bounds = array<i64: 1, 128>}, {transform_indices = @transform_8, window_bounds = array<i64: 1, 1>}, {transform_indices = @transform_9, window_bounds = array<i64: 4, 2048, 32>}, {transform_indices = @transform_10, window_bounds = array<i64: 2048, 16>}]} {
    %get3A = arith.constant 0 : index
    %get3A_0 = arith.constant 0 : index
    %get3A_1 = vector.load %arg2[%get3A, %get3A_0] : memref<2048x16xf32, #tpu.memory_space<vmem>>, vector<2048x16xf32>
    %get3A_2 = arith.constant 0 : index
    %get3A_3 = arith.constant 0 : index
    %get3A_4 = vector.load %arg3[%get3A_2, %get3A_3] : memref<2048x16xf32, #tpu.memory_space<vmem>>, vector<2048x16xf32>
    %sub3A = arith.subf %get3A_1, %get3A_4 : vector<2048x16xf32>
    %mul3A = arith.mulf %sub3A, %sub3A : vector<2048x16xf32>
    %reduce_sum3A = arith.constant dense<0.000000e+00> : vector<2048xf32>
    %reduce_sum3A_5 = vector.multi_reduction <add>, %mul3A, %reduce_sum3A [1] : vector<2048x16xf32> to vector<2048xf32>
    %broadcast_in_dim3A = vector.shape_cast %reduce_sum3A_5 : vector<2048xf32> to vector<2048x1xf32>
    %get3A_6 = arith.constant 0 : index
    %get3A_7 = arith.constant 0 : index
    %get3A_8 = vector.load %arg1[%get3A_6, %get3A_7] : memref<2048x128xf32, #tpu.memory_space<vmem>>, vector<2048x128xf32>
    %get3A_9 = arith.constant 0 : index
    %get3A_10 = arith.constant 0 : index
    %get3A_11 = vector.load %arg4[%get3A_9, %get3A_10] : memref<1x128xf32, #tpu.memory_space<vmem>>, vector<1x128xf32>
    %mul3A_12 = vector.broadcast %broadcast_in_dim3A : vector<2048x1xf32> to vector<2048x128xf32>
    %mul3A_13 = vector.broadcast %get3A_11 : vector<1x128xf32> to vector<2048x128xf32>
    %mul3A_14 = arith.mulf %mul3A_12, %mul3A_13 : vector<2048x128xf32>
    %add3A = arith.addf %get3A_8, %mul3A_14 : vector<2048x128xf32>
    %get3A_15 = arith.constant 0 : index
    %get3A_16 = arith.constant 0 : index
    %get3A_17 = vector.load %arg5[%get3A_15, %get3A_16] : memref<1x128xf32, #tpu.memory_space<vmem>>, vector<1x128xf32>
    %add3A_18 = vector.broadcast %get3A_17 : vector<1x128xf32> to vector<2048x128xf32>
    %add3A_19 = arith.addf %add3A, %add3A_18 : vector<2048x128xf32>
    %logistic3A = arith.negf %add3A_19 : vector<2048x128xf32>
    %logistic3A_20 = math.exp %logistic3A : vector<2048x128xf32>
    %logistic3A_21 = arith.constant 1.000000e+00 : f32
    %logistic3A_22 = vector.broadcast %logistic3A_21 : f32 to vector<2048x128xf32>
    %logistic3A_23 = arith.addf %logistic3A_22, %logistic3A_20 : vector<2048x128xf32>
    %logistic3A_24 = arith.divf %logistic3A_22, %logistic3A_23 : vector<2048x128xf32>
    %mul3A_25 = arith.mulf %add3A_19, %logistic3A_24 : vector<2048x128xf32>
    %get3A_26 = arith.constant 0 : index
    %get3A_27 = arith.constant 0 : index
    %get3A_28 = vector.load %arg6[%get3A_26, %get3A_27] : memref<128x128xf32, #tpu.memory_space<vmem>>, vector<128x128xf32>
    %dot_general3A = arith.constant dense<0.000000e+00> : vector<2048x128xf32>
    %dot_general3A_29 = tpu.matmul %mul3A_25, %get3A_28, %dot_general3A {dimension_numbers = #tpu.dot_dimension_numbers<[1], [0], [0], [1], [0, 0, 1, 1], [], []>, precision = #tpu.contract_precision<fp32>, transpose_lhs_hint = false} : vector<2048x128xf32>, vector<128x128xf32>, vector<2048x128xf32> -> vector<2048x128xf32>
    %get3A_30 = arith.constant 0 : index
    %get3A_31 = arith.constant 0 : index
    %get3A_32 = vector.load %arg7[%get3A_30, %get3A_31] : memref<1x128xf32, #tpu.memory_space<vmem>>, vector<1x128xf32>
    %add3A_33 = vector.broadcast %get3A_32 : vector<1x128xf32> to vector<2048x128xf32>
    %add3A_34 = arith.addf %dot_general3A_29, %add3A_33 : vector<2048x128xf32>
    %logistic3A_35 = arith.negf %add3A_34 : vector<2048x128xf32>
    %logistic3A_36 = math.exp %logistic3A_35 : vector<2048x128xf32>
    %logistic3A_37 = arith.constant 1.000000e+00 : f32
    %logistic3A_38 = vector.broadcast %logistic3A_37 : f32 to vector<2048x128xf32>
    %logistic3A_39 = arith.addf %logistic3A_38, %logistic3A_36 : vector<2048x128xf32>
    %logistic3A_40 = arith.divf %logistic3A_38, %logistic3A_39 : vector<2048x128xf32>
    %mul3A_41 = arith.mulf %add3A_34, %logistic3A_40 : vector<2048x128xf32>
    %get3A_42 = arith.constant 0 : index
    %get3A_43 = arith.constant 0 : index
    %get3A_44 = vector.load %arg8[%get3A_42, %get3A_43] : memref<1x128xf32, #tpu.memory_space<vmem>>, vector<1x128xf32>
    %mul3A_45 = vector.broadcast %get3A_44 : vector<1x128xf32> to vector<2048x128xf32>
    %mul3A_46 = arith.mulf %mul3A_41, %mul3A_45 : vector<2048x128xf32>
    %reduce_sum3A_47 = arith.constant dense<0.000000e+00> : vector<2048xf32>
    %reduce_sum3A_48 = vector.multi_reduction <add>, %mul3A_46, %reduce_sum3A_47 [1] : vector<2048x128xf32> to vector<2048xf32>
    %broadcast_in_dim3A_49 = vector.shape_cast %reduce_sum3A_48 : vector<2048xf32> to vector<2048x1xf32>
    %get3A_50 = arith.constant 0 : index
    %get3A_51 = arith.constant 0 : index
    %get3A_52 = memref.load %arg9[%get3A_50, %get3A_51] : memref<1x1xf32, #tpu.memory_space<smem>>
    %add3A_53 = vector.broadcast %get3A_52 : f32 to vector<2048x1xf32>
    %add3A_54 = arith.addf %broadcast_in_dim3A_49, %add3A_53 : vector<2048x1xf32>
    %tanh3A = math.tanh %add3A_54 : vector<2048x1xf32>
    %mul3A_55 = vector.broadcast %tanh3A : vector<2048x1xf32> to vector<2048x16xf32>
    %mul3A_56 = arith.mulf %sub3A, %mul3A_55 : vector<2048x16xf32>
    %swap3A = arith.constant 0 : index
    %swap3A_57 = arith.constant 0 : index
    %swap3A_58 = vector.load %arg11[%swap3A, %swap3A_57] : memref<2048x16xf32, #tpu.memory_space<vmem>>, vector<2048x16xf32>
    tpu.vector_store %arg11[%swap3A, %swap3A_57], %mul3A_56 {strides = array<i32>} : memref<2048x16xf32, #tpu.memory_space<vmem>>, vector<2048x16xf32>,
    %slice3A = vector.extract_strided_slice %mul3A_41 {offsets = [0, 0], sizes = [2048, 32], strides = [1, 1]} : vector<2048x128xf32> to vector<2048x32xf32>
    %swap3A_59 = arith.constant 0 : index
    %swap3A_60 = arith.constant 0 : index
    %swap3A_61 = arith.constant 0 : index
    %swap3A_62 = vector.load %arg10[%swap3A_59, %swap3A_60, %swap3A_61] : memref<4x2048x32xf32, #tpu.memory_space<vmem>>, vector<1x2048x32xf32>
    %swap3A_63 = vector.shape_cast %swap3A_62 : vector<1x2048x32xf32> to vector<2048x32xf32>
    %swap3A_64 = vector.shape_cast %slice3A : vector<2048x32xf32> to vector<1x2048x32xf32>
    tpu.vector_store %arg10[%swap3A_59, %swap3A_60, %swap3A_61], %swap3A_64 {strides = array<i32>} : memref<4x2048x32xf32, #tpu.memory_space<vmem>>, vector<1x2048x32xf32>,
    %slice3A_65 = vector.extract_strided_slice %mul3A_41 {offsets = [0, 32], sizes = [2048, 32], strides = [1, 1]} : vector<2048x128xf32> to vector<2048x32xf32>
    %swap3A_66 = arith.constant 1 : index
    %swap3A_67 = arith.constant 0 : index
    %swap3A_68 = arith.constant 0 : index
    %swap3A_69 = vector.load %arg10[%swap3A_66, %swap3A_67, %swap3A_68] : memref<4x2048x32xf32, #tpu.memory_space<vmem>>, vector<1x2048x32xf32>
    %swap3A_70 = vector.shape_cast %swap3A_69 : vector<1x2048x32xf32> to vector<2048x32xf32>
    %swap3A_71 = vector.shape_cast %slice3A_65 : vector<2048x32xf32> to vector<1x2048x32xf32>
    tpu.vector_store %arg10[%swap3A_66, %swap3A_67, %swap3A_68], %swap3A_71 {strides = array<i32>} : memref<4x2048x32xf32, #tpu.memory_space<vmem>>, vector<1x2048x32xf32>,
    %slice3A_72 = vector.extract_strided_slice %mul3A_41 {offsets = [0, 64], sizes = [2048, 32], strides = [1, 1]} : vector<2048x128xf32> to vector<2048x32xf32>
    %swap3A_73 = arith.constant 2 : index
    %swap3A_74 = arith.constant 0 : index
    %swap3A_75 = arith.constant 0 : index
    %swap3A_76 = vector.load %arg10[%swap3A_73, %swap3A_74, %swap3A_75] : memref<4x2048x32xf32, #tpu.memory_space<vmem>>, vector<1x2048x32xf32>
    %swap3A_77 = vector.shape_cast %swap3A_76 : vector<1x2048x32xf32> to vector<2048x32xf32>
    %swap3A_78 = vector.shape_cast %slice3A_72 : vector<2048x32xf32> to vector<1x2048x32xf32>
    tpu.vector_store %arg10[%swap3A_73, %swap3A_74, %swap3A_75], %swap3A_78 {strides = array<i32>} : memref<4x2048x32xf32, #tpu.memory_space<vmem>>, vector<1x2048x32xf32>,
    %slice3A_79 = vector.extract_strided_slice %mul3A_41 {offsets = [0, 96], sizes = [2048, 32], strides = [1, 1]} : vector<2048x128xf32> to vector<2048x32xf32>
    %swap3A_80 = arith.constant 3 : index
    %swap3A_81 = arith.constant 0 : index
    %swap3A_82 = arith.constant 0 : index
    %swap3A_83 = vector.load %arg10[%swap3A_80, %swap3A_81, %swap3A_82] : memref<4x2048x32xf32, #tpu.memory_space<vmem>>, vector<1x2048x32xf32>
    %swap3A_84 = vector.shape_cast %swap3A_83 : vector<1x2048x32xf32> to vector<2048x32xf32>
    %swap3A_85 = vector.shape_cast %slice3A_79 : vector<2048x32xf32> to vector<1x2048x32xf32>
    tpu.vector_store %arg10[%swap3A_80, %swap3A_81, %swap3A_82], %swap3A_85 {strides = array<i32>} : memref<4x2048x32xf32, #tpu.memory_space<vmem>>, vector<1x2048x32xf32>,
    return
  }
  func.func @transform_0(%arg0: i32) -> (i32, i32) {
    %c0_i32 = arith.constant 0 : i32
    %c0_i32_0 = arith.constant 0 : i32
    return %arg0, %c0_i32 : i32, i32
  }
  func.func @transform_1(%arg0: i32) -> (i32, i32) {
    %c0_i32 = arith.constant 0 : i32
    %c0_i32_0 = arith.constant 0 : i32
    return %arg0, %c0_i32 : i32, i32
  }
  func.func @transform_2(%arg0: i32) -> (i32, i32) {
    %c0_i32 = arith.constant 0 : i32
    %c0_i32_0 = arith.constant 0 : i32
    return %arg0, %c0_i32 : i32, i32
  }
  func.func @transform_3(%arg0: i32) -> (i32, i32) {
    %c0_i32 = arith.constant 0 : i32
    %c0_i32_0 = arith.constant 0 : i32
    %c0_i32_1 = arith.constant 0 : i32
    return %c0_i32, %c0_i32_0 : i32, i32
  }
  func.func @transform_4(%arg0: i32) -> (i32, i32) {
    %c0_i32 = arith.constant 0 : i32
    %c0_i32_0 = arith.constant 0 : i32
    %c0_i32_1 = arith.constant 0 : i32
    return %c0_i32, %c0_i32_0 : i32, i32
  }
  func.func @transform_5(%arg0: i32) -> (i32, i32) {
    %c0_i32 = arith.constant 0 : i32
    %c0_i32_0 = arith.constant 0 : i32
    %c0_i32_1 = arith.constant 0 : i32
    return %c0_i32, %c0_i32_0 : i32, i32
  }
  func.func @transform_6(%arg0: i32) -> (i32, i32) {
    %c0_i32 = arith.constant 0 : i32
    %c0_i32_0 = arith.constant 0 : i32
    %c0_i32_1 = arith.constant 0 : i32
    return %c0_i32, %c0_i32_0 : i32, i32
  }
  func.func @transform_7(%arg0: i32) -> (i32, i32) {
    %c0_i32 = arith.constant 0 : i32
    %c0_i32_0 = arith.constant 0 : i32
    %c0_i32_1 = arith.constant 0 : i32
    return %c0_i32, %c0_i32_0 : i32, i32
  }
  func.func @transform_8(%arg0: i32) -> (i32, i32) {
    %c0_i32 = arith.constant 0 : i32
    %c0_i32_0 = arith.constant 0 : i32
    %c0_i32_1 = arith.constant 0 : i32
    return %c0_i32, %c0_i32_0 : i32, i32
  }
  func.func @transform_9(%arg0: i32) -> (i32, i32, i32) {
    %c0_i32 = arith.constant 0 : i32
    %c0_i32_0 = arith.constant 0 : i32
    %c0_i32_1 = arith.constant 0 : i32
    return %c0_i32, %arg0, %c0_i32_0 : i32, i32, i32
  }
  func.func @transform_10(%arg0: i32) -> (i32, i32) {
    %c0_i32 = arith.constant 0 : i32
    %c0_i32_0 = arith.constant 0 : i32
    return %arg0, %c0_i32 : i32, i32
  }
}

module attributes {stable_mosaic.version = 14 : i64} {
  func.func @_node_body(%arg0: i32, %arg1: memref<2048x128xf32, #tpu.memory_space<vmem>>, %arg2: memref<4x2048x32xf32, #tpu.memory_space<vmem>>, %arg3: memref<128x128xf32, #tpu.memory_space<vmem>>, %arg4: memref<4x32x128xf32, #tpu.memory_space<vmem>>, %arg5: memref<1x128xf32, #tpu.memory_space<vmem>>, %arg6: memref<128x128xf32, #tpu.memory_space<vmem>>, %arg7: memref<128x128xf32, #tpu.memory_space<vmem>>, %arg8: memref<2048x16xf32, #tpu.memory_space<vmem>>, %arg9: memref<2x2048x16xf32, #tpu.memory_space<vmem>>, %arg10: memref<2048x128xf32, #tpu.memory_space<vmem>>, %arg11: memref<2048x128xf32, #tpu.memory_space<vmem>>, %arg12: memref<2048x128xf32, #tpu.memory_space<vmem>>, %arg13: memref<2048x16xf32, #tpu.memory_space<vmem>>) attributes {dimension_semantics = [#tpu.dimension_semantics<arbitrary>], iteration_bounds = array<i64: 25>, scalar_prefetch = 0 : i64, scratch_operands = 0 : i64, tpu.core_type = #tpu.core_type<tc>, window_params = [{transform_indices = @transform_0, window_bounds = array<i64: 2048, 128>}, {transform_indices = @transform_1, window_bounds = array<i64: 4, 2048, 32>}, {pipeline_mode = #tpu.pipeline_mode<synchronous>, transform_indices = @transform_2, window_bounds = array<i64: 128, 128>}, {pipeline_mode = #tpu.pipeline_mode<synchronous>, transform_indices = @transform_3, window_bounds = array<i64: 4, 32, 128>}, {pipeline_mode = #tpu.pipeline_mode<synchronous>, transform_indices = @transform_4, window_bounds = array<i64: 1, 128>}, {pipeline_mode = #tpu.pipeline_mode<synchronous>, transform_indices = @transform_5, window_bounds = array<i64: 128, 128>}, {pipeline_mode = #tpu.pipeline_mode<synchronous>, transform_indices = @transform_6, window_bounds = array<i64: 128, 128>}, {transform_indices = @transform_7, window_bounds = array<i64: 2048, 16>}, {transform_indices = @transform_8, window_bounds = array<i64: 2, 2048, 16>}, {transform_indices = @transform_9, window_bounds = array<i64: 2048, 128>}, {transform_indices = @transform_10, window_bounds = array<i64: 2048, 128>}, {transform_indices = @transform_11, window_bounds = array<i64: 2048, 128>}, {transform_indices = @transform_12, window_bounds = array<i64: 2048, 16>}]} {
    %get3A = arith.constant 0 : index
    %get3A_0 = arith.constant 0 : index
    %get3A_1 = vector.load %arg1[%get3A, %get3A_0] : memref<2048x128xf32, #tpu.memory_space<vmem>>, vector<2048x128xf32>
    %get3A_2 = arith.constant 0 : index
    %get3A_3 = arith.constant 0 : index
    %get3A_4 = vector.load %arg3[%get3A_2, %get3A_3] : memref<128x128xf32, #tpu.memory_space<vmem>>, vector<128x128xf32>
    %dot_general3A = arith.constant dense<0.000000e+00> : vector<2048x128xf32>
    %dot_general3A_5 = tpu.matmul %get3A_1, %get3A_4, %dot_general3A {dimension_numbers = #tpu.dot_dimension_numbers<[1], [0], [0], [1], [0, 0, 1, 1], [], []>, precision = #tpu.contract_precision<fp32>, transpose_lhs_hint = false} : vector<2048x128xf32>, vector<128x128xf32>, vector<2048x128xf32> -> vector<2048x128xf32>
    %get3A_6 = arith.constant 0 : index
    %get3A_7 = arith.constant 0 : index
    %get3A_8 = arith.constant 0 : index
    %get3A_9 = vector.load %arg2[%get3A_6, %get3A_7, %get3A_8] : memref<4x2048x32xf32, #tpu.memory_space<vmem>>, vector<1x2048x32xf32>
    %get3A_10 = vector.shape_cast %get3A_9 : vector<1x2048x32xf32> to vector<2048x32xf32>
    %get3A_11 = arith.constant 0 : index
    %get3A_12 = arith.constant 0 : index
    %get3A_13 = arith.constant 0 : index
    %get3A_14 = vector.load %arg4[%get3A_11, %get3A_12, %get3A_13] : memref<4x32x128xf32, #tpu.memory_space<vmem>>, vector<1x32x128xf32>
    %get3A_15 = vector.shape_cast %get3A_14 : vector<1x32x128xf32> to vector<32x128xf32>
    %dot_general3A_16 = arith.constant dense<0.000000e+00> : vector<2048x128xf32>
    %dot_general3A_17 = tpu.matmul %get3A_10, %get3A_15, %dot_general3A_16 {dimension_numbers = #tpu.dot_dimension_numbers<[1], [0], [0], [1], [0, 0, 1, 1], [], []>, precision = #tpu.contract_precision<fp32>, transpose_lhs_hint = false} : vector<2048x32xf32>, vector<32x128xf32>, vector<2048x128xf32> -> vector<2048x128xf32>
    %add3A = arith.addf %dot_general3A_5, %dot_general3A_17 : vector<2048x128xf32>
    %get3A_18 = arith.constant 1 : index
    %get3A_19 = arith.constant 0 : index
    %get3A_20 = arith.constant 0 : index
    %get3A_21 = vector.load %arg2[%get3A_18, %get3A_19, %get3A_20] : memref<4x2048x32xf32, #tpu.memory_space<vmem>>, vector<1x2048x32xf32>
    %get3A_22 = vector.shape_cast %get3A_21 : vector<1x2048x32xf32> to vector<2048x32xf32>
    %get3A_23 = arith.constant 1 : index
    %get3A_24 = arith.constant 0 : index
    %get3A_25 = arith.constant 0 : index
    %get3A_26 = vector.load %arg4[%get3A_23, %get3A_24, %get3A_25] : memref<4x32x128xf32, #tpu.memory_space<vmem>>, vector<1x32x128xf32>
    %get3A_27 = vector.shape_cast %get3A_26 : vector<1x32x128xf32> to vector<32x128xf32>
    %dot_general3A_28 = arith.constant dense<0.000000e+00> : vector<2048x128xf32>
    %dot_general3A_29 = tpu.matmul %get3A_22, %get3A_27, %dot_general3A_28 {dimension_numbers = #tpu.dot_dimension_numbers<[1], [0], [0], [1], [0, 0, 1, 1], [], []>, precision = #tpu.contract_precision<fp32>, transpose_lhs_hint = false} : vector<2048x32xf32>, vector<32x128xf32>, vector<2048x128xf32> -> vector<2048x128xf32>
    %add3A_30 = arith.addf %add3A, %dot_general3A_29 : vector<2048x128xf32>
    %get3A_31 = arith.constant 2 : index
    %get3A_32 = arith.constant 0 : index
    %get3A_33 = arith.constant 0 : index
    %get3A_34 = vector.load %arg2[%get3A_31, %get3A_32, %get3A_33] : memref<4x2048x32xf32, #tpu.memory_space<vmem>>, vector<1x2048x32xf32>
    %get3A_35 = vector.shape_cast %get3A_34 : vector<1x2048x32xf32> to vector<2048x32xf32>
    %get3A_36 = arith.constant 2 : index
    %get3A_37 = arith.constant 0 : index
    %get3A_38 = arith.constant 0 : index
    %get3A_39 = vector.load %arg4[%get3A_36, %get3A_37, %get3A_38] : memref<4x32x128xf32, #tpu.memory_space<vmem>>, vector<1x32x128xf32>
    %get3A_40 = vector.shape_cast %get3A_39 : vector<1x32x128xf32> to vector<32x128xf32>
    %dot_general3A_41 = arith.constant dense<0.000000e+00> : vector<2048x128xf32>
    %dot_general3A_42 = tpu.matmul %get3A_35, %get3A_40, %dot_general3A_41 {dimension_numbers = #tpu.dot_dimension_numbers<[1], [0], [0], [1], [0, 0, 1, 1], [], []>, precision = #tpu.contract_precision<fp32>, transpose_lhs_hint = false} : vector<2048x32xf32>, vector<32x128xf32>, vector<2048x128xf32> -> vector<2048x128xf32>
    %add3A_43 = arith.addf %add3A_30, %dot_general3A_42 : vector<2048x128xf32>
    %get3A_44 = arith.constant 3 : index
    %get3A_45 = arith.constant 0 : index
    %get3A_46 = arith.constant 0 : index
    %get3A_47 = vector.load %arg2[%get3A_44, %get3A_45, %get3A_46] : memref<4x2048x32xf32, #tpu.memory_space<vmem>>, vector<1x2048x32xf32>
    %get3A_48 = vector.shape_cast %get3A_47 : vector<1x2048x32xf32> to vector<2048x32xf32>
    %get3A_49 = arith.constant 3 : index
    %get3A_50 = arith.constant 0 : index
    %get3A_51 = arith.constant 0 : index
    %get3A_52 = vector.load %arg4[%get3A_49, %get3A_50, %get3A_51] : memref<4x32x128xf32, #tpu.memory_space<vmem>>, vector<1x32x128xf32>
    %get3A_53 = vector.shape_cast %get3A_52 : vector<1x32x128xf32> to vector<32x128xf32>
    %dot_general3A_54 = arith.constant dense<0.000000e+00> : vector<2048x128xf32>
    %dot_general3A_55 = tpu.matmul %get3A_48, %get3A_53, %dot_general3A_54 {dimension_numbers = #tpu.dot_dimension_numbers<[1], [0], [0], [1], [0, 0, 1, 1], [], []>, precision = #tpu.contract_precision<fp32>, transpose_lhs_hint = false} : vector<2048x32xf32>, vector<32x128xf32>, vector<2048x128xf32> -> vector<2048x128xf32>
    %add3A_56 = arith.addf %add3A_43, %dot_general3A_55 : vector<2048x128xf32>
    %get3A_57 = arith.constant 0 : index
    %get3A_58 = arith.constant 0 : index
    %get3A_59 = vector.load %arg5[%get3A_57, %get3A_58] : memref<1x128xf32, #tpu.memory_space<vmem>>, vector<1x128xf32>
    %add3A_60 = vector.broadcast %get3A_59 : vector<1x128xf32> to vector<2048x128xf32>
    %add3A_61 = arith.addf %add3A_56, %add3A_60 : vector<2048x128xf32>
    %logistic3A = arith.negf %add3A_61 : vector<2048x128xf32>
    %logistic3A_62 = math.exp %logistic3A : vector<2048x128xf32>
    %logistic3A_63 = arith.constant 1.000000e+00 : f32
    %logistic3A_64 = vector.broadcast %logistic3A_63 : f32 to vector<2048x128xf32>
    %logistic3A_65 = arith.addf %logistic3A_64, %logistic3A_62 : vector<2048x128xf32>
    %logistic3A_66 = arith.divf %logistic3A_64, %logistic3A_65 : vector<2048x128xf32>
    %mul3A = arith.mulf %add3A_61, %logistic3A_66 : vector<2048x128xf32>
    %swap3A = arith.constant 0 : index
    %swap3A_67 = arith.constant 0 : index
    %swap3A_68 = vector.load %arg10[%swap3A, %swap3A_67] : memref<2048x128xf32, #tpu.memory_space<vmem>>, vector<2048x128xf32>
    tpu.vector_store %arg10[%swap3A, %swap3A_67], %mul3A {strides = array<i32>} : memref<2048x128xf32, #tpu.memory_space<vmem>>, vector<2048x128xf32>,
    %get3A_69 = arith.constant 0 : index
    %get3A_70 = arith.constant 0 : index
    %get3A_71 = vector.load %arg6[%get3A_69, %get3A_70] : memref<128x128xf32, #tpu.memory_space<vmem>>, vector<128x128xf32>
    %dot_general3A_72 = arith.constant dense<0.000000e+00> : vector<2048x128xf32>
    %dot_general3A_73 = tpu.matmul %mul3A, %get3A_71, %dot_general3A_72 {dimension_numbers = #tpu.dot_dimension_numbers<[1], [0], [0], [1], [0, 0, 1, 1], [], []>, precision = #tpu.contract_precision<fp32>, transpose_lhs_hint = false} : vector<2048x128xf32>, vector<128x128xf32>, vector<2048x128xf32> -> vector<2048x128xf32>
    %swap3A_74 = arith.constant 0 : index
    %swap3A_75 = arith.constant 0 : index
    %swap3A_76 = vector.load %arg11[%swap3A_74, %swap3A_75] : memref<2048x128xf32, #tpu.memory_space<vmem>>, vector<2048x128xf32>
    tpu.vector_store %arg11[%swap3A_74, %swap3A_75], %dot_general3A_73 {strides = array<i32>} : memref<2048x128xf32, #tpu.memory_space<vmem>>, vector<2048x128xf32>,
    %get3A_77 = arith.constant 0 : index
    %get3A_78 = arith.constant 0 : index
    %get3A_79 = vector.load %arg7[%get3A_77, %get3A_78] : memref<128x128xf32, #tpu.memory_space<vmem>>, vector<128x128xf32>
    %dot_general3A_80 = arith.constant dense<0.000000e+00> : vector<2048x128xf32>
    %dot_general3A_81 = tpu.matmul %mul3A, %get3A_79, %dot_general3A_80 {dimension_numbers = #tpu.dot_dimension_numbers<[1], [0], [0], [1], [0, 0, 1, 1], [], []>, precision = #tpu.contract_precision<fp32>, transpose_lhs_hint = false} : vector<2048x128xf32>, vector<128x128xf32>, vector<2048x128xf32> -> vector<2048x128xf32>
    %swap3A_82 = arith.constant 0 : index
    %swap3A_83 = arith.constant 0 : index
    %swap3A_84 = vector.load %arg12[%swap3A_82, %swap3A_83] : memref<2048x128xf32, #tpu.memory_space<vmem>>, vector<2048x128xf32>
    tpu.vector_store %arg12[%swap3A_82, %swap3A_83], %dot_general3A_81 {strides = array<i32>} : memref<2048x128xf32, #tpu.memory_space<vmem>>, vector<2048x128xf32>,
    %get3A_85 = arith.constant 0 : index
    %get3A_86 = arith.constant 0 : index
    %get3A_87 = vector.load %arg8[%get3A_85, %get3A_86] : memref<2048x16xf32, #tpu.memory_space<vmem>>, vector<2048x16xf32>
    %get3A_88 = arith.constant 0 : index
    %get3A_89 = arith.constant 0 : index
    %get3A_90 = arith.constant 0 : index
    %get3A_91 = vector.load %arg9[%get3A_88, %get3A_89, %get3A_90] : memref<2x2048x16xf32, #tpu.memory_space<vmem>>, vector<1x2048x16xf32>
    %get3A_92 = vector.shape_cast %get3A_91 : vector<1x2048x16xf32> to vector<2048x16xf32>
    %add3A_93 = arith.addf %get3A_87, %get3A_92 : vector<2048x16xf32>
    %get3A_94 = arith.constant 1 : index
    %get3A_95 = arith.constant 0 : index
    %get3A_96 = arith.constant 0 : index
    %get3A_97 = vector.load %arg9[%get3A_94, %get3A_95, %get3A_96] : memref<2x2048x16xf32, #tpu.memory_space<vmem>>, vector<1x2048x16xf32>
    %get3A_98 = vector.shape_cast %get3A_97 : vector<1x2048x16xf32> to vector<2048x16xf32>
    %add3A_99 = arith.addf %add3A_93, %get3A_98 : vector<2048x16xf32>
    %swap3A_100 = arith.constant 0 : index
    %swap3A_101 = arith.constant 0 : index
    %swap3A_102 = vector.load %arg13[%swap3A_100, %swap3A_101] : memref<2048x16xf32, #tpu.memory_space<vmem>>, vector<2048x16xf32>
    tpu.vector_store %arg13[%swap3A_100, %swap3A_101], %add3A_99 {strides = array<i32>} : memref<2048x16xf32, #tpu.memory_space<vmem>>, vector<2048x16xf32>,
    return
  }
  func.func @transform_0(%arg0: i32) -> (i32, i32) {
    %c0_i32 = arith.constant 0 : i32
    %c0_i32_0 = arith.constant 0 : i32
    return %arg0, %c0_i32 : i32, i32
  }
  func.func @transform_1(%arg0: i32) -> (i32, i32, i32) {
    %c0_i32 = arith.constant 0 : i32
    %c0_i32_0 = arith.constant 0 : i32
    %c0_i32_1 = arith.constant 0 : i32
    return %c0_i32, %arg0, %c0_i32_0 : i32, i32, i32
  }
  func.func @transform_2(%arg0: i32) -> (i32, i32) {
    %c0_i32 = arith.constant 0 : i32
    %c0_i32_0 = arith.constant 0 : i32
    %c0_i32_1 = arith.constant 0 : i32
    return %c0_i32, %c0_i32_0 : i32, i32
  }
  func.func @transform_3(%arg0: i32) -> (i32, i32, i32) {
    %c0_i32 = arith.constant 0 : i32
    %c0_i32_0 = arith.constant 0 : i32
    %c0_i32_1 = arith.constant 0 : i32
    %c0_i32_2 = arith.constant 0 : i32
    return %c0_i32, %c0_i32_0, %c0_i32_1 : i32, i32, i32
  }
  func.func @transform_4(%arg0: i32) -> (i32, i32) {
    %c0_i32 = arith.constant 0 : i32
    %c0_i32_0 = arith.constant 0 : i32
    %c0_i32_1 = arith.constant 0 : i32
    return %c0_i32, %c0_i32_0 : i32, i32
  }
  func.func @transform_5(%arg0: i32) -> (i32, i32) {
    %c0_i32 = arith.constant 0 : i32
    %c0_i32_0 = arith.constant 0 : i32
    %c0_i32_1 = arith.constant 0 : i32
    return %c0_i32, %c0_i32_0 : i32, i32
  }
  func.func @transform_6(%arg0: i32) -> (i32, i32) {
    %c0_i32 = arith.constant 0 : i32
    %c0_i32_0 = arith.constant 0 : i32
    %c0_i32_1 = arith.constant 0 : i32
    return %c0_i32, %c0_i32_0 : i32, i32
  }
  func.func @transform_7(%arg0: i32) -> (i32, i32) {
    %c0_i32 = arith.constant 0 : i32
    %c0_i32_0 = arith.constant 0 : i32
    return %arg0, %c0_i32 : i32, i32
  }
  func.func @transform_8(%arg0: i32) -> (i32, i32, i32) {
    %c0_i32 = arith.constant 0 : i32
    %c0_i32_0 = arith.constant 0 : i32
    %c0_i32_1 = arith.constant 0 : i32
    return %c0_i32, %arg0, %c0_i32_0 : i32, i32, i32
  }
  func.func @transform_9(%arg0: i32) -> (i32, i32) {
    %c0_i32 = arith.constant 0 : i32
    %c0_i32_0 = arith.constant 0 : i32
    return %arg0, %c0_i32 : i32, i32
  }
  func.func @transform_10(%arg0: i32) -> (i32, i32) {
    %c0_i32 = arith.constant 0 : i32
    %c0_i32_0 = arith.constant 0 : i32
    return %arg0, %c0_i32 : i32, i32
  }
  func.func @transform_11(%arg0: i32) -> (i32, i32) {
    %c0_i32 = arith.constant 0 : i32
    %c0_i32_0 = arith.constant 0 : i32
    return %arg0, %c0_i32 : i32, i32
  }
  func.func @transform_12(%arg0: i32) -> (i32, i32) {
    %c0_i32 = arith.constant 0 : i32
    %c0_i32_0 = arith.constant 0 : i32
    return %arg0, %c0_i32 : i32, i32
  }
}

module attributes {stable_mosaic.version = 14 : i64} {
  func.func @_pool_body(%arg0: i32, %arg1: memref<1x1x2048xi32, #tpu.memory_space<vmem>>, %arg2: memref<2048x128xf32, #tpu.memory_space<vmem>>, %arg3: memref<512x128xf32, #tpu.memory_space<vmem>>, %arg4: memref<512x128xf32, #tpu.memory_space<vmem>>) attributes {dimension_semantics = [#tpu.dimension_semantics<arbitrary>], iteration_bounds = array<i64: 25>, scalar_prefetch = 0 : i64, scratch_operands = 0 : i64, tpu.core_type = #tpu.core_type<tc>, window_params = [{transform_indices = @transform_0, window_bounds = array<i64: 1, 1, 2048>}, {transform_indices = @transform_1, window_bounds = array<i64: 2048, 128>}, {pipeline_mode = #tpu.pipeline_mode<synchronous>, transform_indices = @transform_2, window_bounds = array<i64: 512, 128>}, {pipeline_mode = #tpu.pipeline_mode<synchronous>, transform_indices = @transform_3, window_bounds = array<i64: 512, 128>}]} {
    %eq3A = arith.constant 0 : i32
    %eq3A_0 = arith.cmpi eq, %arg0, %eq3A : i32
    %convert_element_type3A = arith.extui %eq3A_0 : i1 to i32
    %cond3A = arith.constant 0 : i32
    %cond3A_1 = arith.cmpi ne, %convert_element_type3A, %cond3A : i32
    scf.if %cond3A_1 {
      %broadcast_in_dim3A_30 = arith.constant 0.000000e+00 : f32
      %broadcast_in_dim3A_31 = vector.broadcast %broadcast_in_dim3A_30 : f32 to vector<512x128xf32>
      %swap3A_32 = arith.constant 0 : index
      %swap3A_33 = arith.constant 0 : index
      %swap3A_34 = vector.load %arg3[%swap3A_32, %swap3A_33] : memref<512x128xf32, #tpu.memory_space<vmem>>, vector<512x128xf32>
      tpu.vector_store %arg3[%swap3A_32, %swap3A_33], %broadcast_in_dim3A_31 {strides = array<i32>} : memref<512x128xf32, #tpu.memory_space<vmem>>, vector<512x128xf32>,
      %broadcast_in_dim3A_35 = arith.constant 0.000000e+00 : f32
      %broadcast_in_dim3A_36 = vector.broadcast %broadcast_in_dim3A_35 : f32 to vector<512x128xf32>
      %swap3A_37 = arith.constant 0 : index
      %swap3A_38 = arith.constant 0 : index
      %swap3A_39 = vector.load %arg4[%swap3A_37, %swap3A_38] : memref<512x128xf32, #tpu.memory_space<vmem>>, vector<512x128xf32>
      tpu.vector_store %arg4[%swap3A_37, %swap3A_38], %broadcast_in_dim3A_36 {strides = array<i32>} : memref<512x128xf32, #tpu.memory_space<vmem>>, vector<512x128xf32>,
    } else {
    }
    %iota3A = tpu.iota {dimensions = array<i32: 0>} : vector<512x2048xi32>
    %get3A = arith.constant 0 : index
    %get3A_2 = arith.constant 0 : index
    %get3A_3 = arith.constant 0 : index
    %get3A_4 = vector.load %arg1[%get3A, %get3A_2, %get3A_3] : memref<1x1x2048xi32, #tpu.memory_space<vmem>>, vector<1x1x2048xi32>
    %get3A_5 = vector.shape_cast %get3A_4 : vector<1x1x2048xi32> to vector<1x2048xi32>
    %broadcast_in_dim3A = vector.shape_cast %get3A_5 : vector<1x2048xi32> to vector<1x2048xi32>
    %broadcast_in_dim3A_6 = vector.broadcast %broadcast_in_dim3A : vector<1x2048xi32> to vector<512x2048xi32>
    %eq3A_7 = arith.cmpi eq, %iota3A, %broadcast_in_dim3A_6 : vector<512x2048xi32>
    %convert_element_type3A_8 = arith.extui %eq3A_7 : vector<512x2048xi1> to vector<512x2048xi32>
    %convert_element_type3A_9 = arith.sitofp %convert_element_type3A_8 : vector<512x2048xi32> to vector<512x2048xf32>
    %get3A_10 = arith.constant 0 : index
    %get3A_11 = arith.constant 0 : index
    %get3A_12 = vector.load %arg3[%get3A_10, %get3A_11] : memref<512x128xf32, #tpu.memory_space<vmem>>, vector<512x128xf32>
    %get3A_13 = arith.constant 0 : index
    %get3A_14 = arith.constant 0 : index
    %get3A_15 = vector.load %arg2[%get3A_13, %get3A_14] : memref<2048x128xf32, #tpu.memory_space<vmem>>, vector<2048x128xf32>
    %dot_general3A = arith.constant dense<0.000000e+00> : vector<512x128xf32>
    %dot_general3A_16 = tpu.matmul %convert_element_type3A_9, %get3A_15, %dot_general3A {dimension_numbers = #tpu.dot_dimension_numbers<[1], [0], [0], [1], [0, 0, 1, 1], [], []>, precision = #tpu.contract_precision<fp32>, transpose_lhs_hint = false} : vector<512x2048xf32>, vector<2048x128xf32>, vector<512x128xf32> -> vector<512x128xf32>
    %add3A = arith.addf %get3A_12, %dot_general3A_16 : vector<512x128xf32>
    %swap3A = arith.constant 0 : index
    %swap3A_17 = arith.constant 0 : index
    %swap3A_18 = vector.load %arg3[%swap3A, %swap3A_17] : memref<512x128xf32, #tpu.memory_space<vmem>>, vector<512x128xf32>
    tpu.vector_store %arg3[%swap3A, %swap3A_17], %add3A {strides = array<i32>} : memref<512x128xf32, #tpu.memory_space<vmem>>, vector<512x128xf32>,
    %reduce_sum3A = arith.constant dense<0.000000e+00> : vector<512xf32>
    %reduce_sum3A_19 = vector.multi_reduction <add>, %convert_element_type3A_9, %reduce_sum3A [1] : vector<512x2048xf32> to vector<512xf32>
    %broadcast_in_dim3A_20 = vector.shape_cast %reduce_sum3A_19 : vector<512xf32> to vector<512x1xf32>
    %get3A_21 = arith.constant 0 : index
    %get3A_22 = arith.constant 0 : index
    %get3A_23 = vector.load %arg4[%get3A_21, %get3A_22] : memref<512x128xf32, #tpu.memory_space<vmem>>, vector<512x128xf32>
    %broadcast_in_dim3A_24 = vector.shape_cast %broadcast_in_dim3A_20 : vector<512x1xf32> to vector<512x1xf32>
    %broadcast_in_dim3A_25 = vector.broadcast %broadcast_in_dim3A_24 : vector<512x1xf32> to vector<512x128xf32>
    %add3A_26 = arith.addf %get3A_23, %broadcast_in_dim3A_25 : vector<512x128xf32>
    %swap3A_27 = arith.constant 0 : index
    %swap3A_28 = arith.constant 0 : index
    %swap3A_29 = vector.load %arg4[%swap3A_27, %swap3A_28] : memref<512x128xf32, #tpu.memory_space<vmem>>, vector<512x128xf32>
    tpu.vector_store %arg4[%swap3A_27, %swap3A_28], %add3A_26 {strides = array<i32>} : memref<512x128xf32, #tpu.memory_space<vmem>>, vector<512x128xf32>,
    return
  }
  func.func @transform_0(%arg0: i32) -> (i32, i32, i32) {
    %c0_i32 = arith.constant 0 : i32
    %c0_i32_0 = arith.constant 0 : i32
    %c0_i32_1 = arith.constant 0 : i32
    return %arg0, %c0_i32, %c0_i32_0 : i32, i32, i32
  }
  func.func @transform_1(%arg0: i32) -> (i32, i32) {
    %c0_i32 = arith.constant 0 : i32
    %c0_i32_0 = arith.constant 0 : i32
    return %arg0, %c0_i32 : i32, i32
  }
  func.func @transform_2(%arg0: i32) -> (i32, i32) {
    %c0_i32 = arith.constant 0 : i32
    %c0_i32_0 = arith.constant 0 : i32
    %c0_i32_1 = arith.constant 0 : i32
    return %c0_i32, %c0_i32_0 : i32, i32
  }
  func.func @transform_3(%arg0: i32) -> (i32, i32) {
    %c0_i32 = arith.constant 0 : i32
    %c0_i32_0 = arith.constant 0 : i32
    %c0_i32_1 = arith.constant 0 : i32
    return %c0_i32, %c0_i32_0 : i32, i32
  }
}

module attributes {stable_mosaic.version = 14 : i64} {
  func.func @_head_body(%arg0: memref<512x128xf32, #tpu.memory_space<vmem>>, %arg1: memref<512x128xf32, #tpu.memory_space<vmem>>, %arg2: memref<128x128xf32, #tpu.memory_space<vmem>>, %arg3: memref<1x128xf32, #tpu.memory_space<vmem>>, %arg4: memref<128x128xf32, #tpu.memory_space<vmem>>, %arg5: memref<1x128xf32, #tpu.memory_space<vmem>>, %arg6: memref<512x128xf32, #tpu.memory_space<vmem>>) attributes {dimension_semantics = [], scalar_prefetch = 0 : i64, scratch_operands = 0 : i64, tpu.core_type = #tpu.core_type<tc>} {
    %get3A = arith.constant 0 : index
    %get3A_0 = arith.constant 0 : index
    %get3A_1 = vector.load %arg0[%get3A, %get3A_0] : memref<512x128xf32, #tpu.memory_space<vmem>>, vector<512x128xf32>
    %get3A_2 = arith.constant 0 : index
    %get3A_3 = arith.constant 0 : index
    %get3A_4 = vector.load %arg1[%get3A_2, %get3A_3] : memref<512x128xf32, #tpu.memory_space<vmem>>, vector<512x128xf32>
    %max3A = arith.constant 1.000000e+00 : f32
    %max3A_5 = vector.broadcast %max3A : f32 to vector<512x128xf32>
    %max3A_6 = arith.maximumf %get3A_4, %max3A_5 : vector<512x128xf32>
    %div3A = arith.divf %get3A_1, %max3A_6 : vector<512x128xf32>
    %get3A_7 = arith.constant 0 : index
    %get3A_8 = arith.constant 0 : index
    %get3A_9 = vector.load %arg2[%get3A_7, %get3A_8] : memref<128x128xf32, #tpu.memory_space<vmem>>, vector<128x128xf32>
    %dot_general3A = arith.constant dense<0.000000e+00> : vector<512x128xf32>
    %dot_general3A_10 = tpu.matmul %div3A, %get3A_9, %dot_general3A {dimension_numbers = #tpu.dot_dimension_numbers<[1], [0], [0], [1], [0, 0, 1, 1], [], []>, precision = #tpu.contract_precision<fp32>, transpose_lhs_hint = false} : vector<512x128xf32>, vector<128x128xf32>, vector<512x128xf32> -> vector<512x128xf32>
    %get3A_11 = arith.constant 0 : index
    %get3A_12 = arith.constant 0 : index
    %get3A_13 = vector.load %arg3[%get3A_11, %get3A_12] : memref<1x128xf32, #tpu.memory_space<vmem>>, vector<1x128xf32>
    %add3A = vector.broadcast %get3A_13 : vector<1x128xf32> to vector<512x128xf32>
    %add3A_14 = arith.addf %dot_general3A_10, %add3A : vector<512x128xf32>
    %logistic3A = arith.negf %add3A_14 : vector<512x128xf32>
    %logistic3A_15 = math.exp %logistic3A : vector<512x128xf32>
    %logistic3A_16 = arith.constant 1.000000e+00 : f32
    %logistic3A_17 = vector.broadcast %logistic3A_16 : f32 to vector<512x128xf32>
    %logistic3A_18 = arith.addf %logistic3A_17, %logistic3A_15 : vector<512x128xf32>
    %logistic3A_19 = arith.divf %logistic3A_17, %logistic3A_18 : vector<512x128xf32>
    %mul3A = arith.mulf %add3A_14, %logistic3A_19 : vector<512x128xf32>
    %get3A_20 = arith.constant 0 : index
    %get3A_21 = arith.constant 0 : index
    %get3A_22 = vector.load %arg4[%get3A_20, %get3A_21] : memref<128x128xf32, #tpu.memory_space<vmem>>, vector<128x128xf32>
    %dot_general3A_23 = arith.constant dense<0.000000e+00> : vector<512x128xf32>
    %dot_general3A_24 = tpu.matmul %mul3A, %get3A_22, %dot_general3A_23 {dimension_numbers = #tpu.dot_dimension_numbers<[1], [0], [0], [1], [0, 0, 1, 1], [], []>, precision = #tpu.contract_precision<fp32>, transpose_lhs_hint = false} : vector<512x128xf32>, vector<128x128xf32>, vector<512x128xf32> -> vector<512x128xf32>
    %get3A_25 = arith.constant 0 : index
    %get3A_26 = arith.constant 0 : index
    %get3A_27 = vector.load %arg5[%get3A_25, %get3A_26] : memref<1x128xf32, #tpu.memory_space<vmem>>, vector<1x128xf32>
    %add3A_28 = vector.broadcast %get3A_27 : vector<1x128xf32> to vector<512x128xf32>
    %add3A_29 = arith.addf %dot_general3A_24, %add3A_28 : vector<512x128xf32>
    %swap3A = arith.constant 0 : index
    %swap3A_30 = arith.constant 0 : index
    %swap3A_31 = vector.load %arg6[%swap3A, %swap3A_30] : memref<512x128xf32, #tpu.memory_space<vmem>>, vector<512x128xf32>
    tpu.vector_store %arg6[%swap3A, %swap3A_30], %add3A_29 {strides = array<i32>} : memref<512x128xf32, #tpu.memory_space<vmem>>, vector<512x128xf32>,
    return
  }
}

</mosaic_0001>

<sc_bundles>
// kernel: kernel.25.cloned.1.call-start
scs
__scs_entry_jumppad:
0x0: {  	(pc) =	sbr.rel $0x88, $3  }
0x1: {  	(tag) =	ssettag $0x0;
	lr =	simm.s32 $0x1  }
0x2: {  	[smem:$0x3F77] =	sst lr;
	_ =	strace $0xD0000000  }
0x3: {  	_ = 	snop  }
0x4: {  	_ = 	snop  }
0x5: {  	_ = 	snop  }
0x6: {  	_ = 	snop  }
0x7: {  	_ = 	snop  }
__scs_overlays_trampoline_lowered:
0x8: {  	[smem:$0x3F86] =	sst s0  }
0x9: {  	[smem:$0x3F87] =	sst s1  }
0xa: {  	[smem:$0x3F88] =	sst s2  }
0xb: {  	[smem:$0x3F89] =	sst s3  }
0xc: {  	[smem:$0x3F8A] =	sst s4  }
0xd: {  	[smem:$0x3F8B] =	sst s5  }
0xe: {  	[smem:$0x3F8C] =	sst s6  }
0xf: {  	[smem:$0x3F8D] =	sst s7  }
0x10: {  	[smem:$0x3F8E] =	sst s8  }
0x11: {  	[smem:$0x3F8F] =	sst s9;
	s0 =	simm.s32 @!p0 $0x0  }
0x12: {  	s1 =	sld [smem:$0x3F75];
	s0 =	simm.s32 @p0 $0x1  }
0x13: {  	[smem:$0x3F90] =	sst s0;
	s0 =	simm.s32 @!p1 $0x0  }
0x14: {  	s2 =	sld [smem:$0x3F74];
	s0 =	simm.s32 @p1 $0x1  }
0x15: {  	[smem:$0x3F91] =	sst s0;
	s0 =	simm.s32 @!p2 $0x0  }
0x16: {  	s3 =	sld [smem:$0x3FDB];
	s0 =	simm.s32 @p2 $0x1  }
0x17: {  	s4 =	simm.s32 $0x1BF5;
	[smem:$0x3F93] =	sst s0  }
0x18: {  	s0 =	sld [smem:$0x3F76];
	_ =	swait.ge [sflag:s4], $0x0  }
0x19: {  	s7 =	sld [smem:$0x3F77]  }
0x1a: {  	s8 =	sadd.s32 $0xFFFFE003, lr  }
0x1b: {  	s9 =	sadd.s32 $0xFFFFFEF7, lr;
	s5 =	simm.s32 $0xFFFFFFFF;
	p2 =	slt.u32 s8, $0xFFFFF086  }
0x1c: {  	p1 =	slt.u32 s9, $0xF7A;
	s5 =	simm.s32 @!p2 $0x0  }
0x1d: {  	s5 =	simm.s32 @p1 $0x1;
	p0 =	seq.s32 s7, s2  }
0x1e: {  	s7 =	smul.u32 @!p0 $0xF7A, s2;
	p2 =	seq.s32 @!p0 s5, $0x0  }
0x1f: {  	s9 =	smul.u32 $0xF7A, s1;
	s8 =	simm.s32 @!p0 $0x1BF5;
	p2 =	por !p2, p0  }
0x20: {  	[sflag:s8] =	ssyncset.s32 @!p0 $0xFFFFF086;
	s6 =	sadd.s32 @!p0 s3, s7;
	s7 =	simm.s32 @!p0 $0x108  }
0x21: {  	s3 =	sadd.s32 s3, s9;
	s6 =	sadd.s32 @!p0 $0x88, s6;
	s7 =	simm.s32 @p2 $0x1082  }
0x22: {  	[simem:s7], [sflag:s8] =	dma.local @!p0 [hbm:s6], $0xF7A  }
0x23: {  	s9 =	sor.u32 $0xD0000000, s2;
	s6 =	simm.s32 $0x108;
	_ =	swait.ge @!p0 [sflag:s8], $0x0  }
0x24: {  	s3 =	sadd.s32 $0x88, s3;
	s6 =	simm.s32 @!p1 $0x1082;
	[sflag:s4] =	ssyncset.s32 $0xFFFFF086  }
0x25: {  	[simem:s6], [sflag:s4] =	dma.local [hbm:s3], $0xF7A  }
0x26: {  	[smem:$0x3F77] =	sst s1;
	(tag) =	ssettag s2;
	_ =	strace s9  }
0x27: {  	s1 =	sld [smem:$0x3F87]  }
0x28: {  	s2 =	sld [smem:$0x3F88]  }
0x29: {  	s4 =	sld [smem:$0x3F8A]  }
0x2a: {  	p0 =	seq.s32 s5, $0x0;
	s5 =	sld [smem:$0x3F8B]  }
0x2b: {  	s6 =	sld [smem:$0x3F8C]  }
0x2c: {  	s7 =	sld [smem:$0x3F8D]  }
0x2d: {  	s3 =	simm.s32 $0x108;
	s8 =	sld [smem:$0x3F8E]  }
0x2e: {  	s3 =	simm.s32 @!p0 $0x1082;
	s9 =	sld [smem:$0x3F8F]  }
0x2f: {  	lr =	sadd.s32 s0, s3;
	s0 =	sld [smem:$0x3F86]  }
0x30: {  	s3 =	sld [smem:$0x3F89]  }
0x31: {  	[smem:$0x3F92] =	sst s10  }
0x32: {  	s10 =	sld [smem:$0x3F90];
	_ =	sdelay $0x3  }
0x33: {  	p0 =	seq.s32 s10, $0x1;
	s10 =	sld [smem:$0x3F92];
	_ =	sdelay $0x3  }
0x34: {  	[smem:$0x3F92] =	sst s10  }
0x35: {  	s10 =	sld [smem:$0x3F91];
	_ =	sdelay $0x3  }
0x36: {  	p1 =	seq.s32 s10, $0x1;
	s10 =	sld [smem:$0x3F92];
	_ =	sdelay $0x3  }
0x37: {  	[smem:$0x3F92] =	sst s10  }
0x38: {  	s10 =	sld [smem:$0x3F93]  }
0x39: {  	_ = 	snop;
	(pc) =	sbr.ind lr, $3  }
0x3a: {  	_ = 	snop  }
0x3b: {  	_ = 	snop  }
0x3c: {  	p2 =	seq.s32 s10, $0x1;
	s10 =	sld [smem:$0x3F92]  }
0x3d: {  	_ =	shalt  }
0x3e: {  	_ =	shalt  }
0x3f: {  	_ =	shalt  }
0x40: {  	_ =	shalt  }
0x41: {  	_ =	shalt  }
0x42: {  	_ =	shalt  }
0x43: {  	_ =	shalt  }
0x44: {  	_ =	shalt  }
0x45: {  	_ =	shalt  }
0x46: {  	_ =	shalt  }
0x47: {  	_ =	shalt  }
0x48: {  	_ =	shalt  }
0x49: {  	_ =	shalt  }
0x4a: {  	_ =	shalt  }
0x4b: {  	_ =	shalt  }
0x4c: {  	_ =	shalt  }
0x4d: {  	_ =	shalt  }
0x4e: {  	_ =	shalt  }
0x4f: {  	_ =	shalt  }
0x50: {  	_ =	shalt  }
0x51: {  	_ =	shalt  }
0x52: {  	_ =	shalt  }
0x53: {  	_ =	shalt  }
0x54: {  	_ =	shalt  }
0x55: {  	_ =	shalt  }
0x56: {  	_ =	shalt  }
0x57: {  	_ =	shalt  }
0x58: {  	_ =	shalt  }
0x59: {  	_ =	shalt  }
0x5a: {  	_ =	shalt  }
0x5b: {  	_ =	shalt  }
0x5c: {  	_ =	shalt  }
0x5d: {  	_ =	shalt  }
0x5e: {  	_ =	shalt  }
0x5f: {  	_ =	shalt  }
0x60: {  	_ =	shalt  }
0x61: {  	_ =	shalt  }
0x62: {  	_ =	shalt  }
0x63: {  	_ =	shalt  }
0x64: {  	_ =	shalt  }
0x65: {  	_ =	shalt  }
0x66: {  	_ =	shalt  }
0x67: {  	_ =	shalt  }
0x68: {  	_ =	shalt  }
0x69: {  	_ =	shalt  }
0x6a: {  	_ =	shalt  }
0x6b: {  	_ =	shalt  }
0x6c: {  	_ =	shalt  }
0x6d: {  	_ =	shalt  }
0x6e: {  	_ =	shalt  }
0x6f: {  	_ =	shalt  }
0x70: {  	_ =	shalt  }
0x71: {  	_ =	shalt  }
0x72: {  	_ =	shalt  }
0x73: {  	_ =	shalt  }
0x74: {  	_ =	shalt  }
0x75: {  	_ =	shalt  }
0x76: {  	_ =	shalt  }
0x77: {  	_ =	shalt  }
0x78: {  	_ =	shalt  }
0x79: {  	_ =	shalt  }
0x7a: {  	_ =	shalt  }
0x7b: {  	_ =	shalt  }
0x7c: {  	_ =	shalt  }
0x7d: {  	_ =	shalt  }
0x7e: {  	_ =	shalt  }
0x7f: {  	_ =	shalt  }
0x80: {  	_ =	shalt  }
0x81: {  	_ =	shalt  }
0x82: {  	_ =	shalt  }
0x83: {  	_ =	shalt  }
0x84: {  	_ =	shalt  }
0x85: {  	_ =	shalt  }
0x86: {  	_ =	shalt  }
0x87: {  	_ =	shalt  }
.Lfunc_end0:
.L_simem_size_0:
called_computation_lowered:
.L_overlay_start_0:
0x88: {  	s2 =	sld [smem:$0x3FD9]  }
0x89: {  	s3 =	sld [smem:$0x3FFE];
	_ =	sdelay $0x1  }
0x8a: {  	s1 =	srdreg.scid  }
0x8b: {  	s0 =	sand.u32 $0x1, s1  }
0x8c: {  	s16 =	sshll.u32 s0, $0xA;
	s2 =	sadd.s32 s3, s2  }
0x8d: {  	s2 =	sadd.s32 s2, s16  }
0x8e: {  	[smem:$0x3F9E] =	sst s2  }
0x8f: {  	_ = 	snop  }
0x90: {  	(tm) =	ssettm $0x1  }
0x91: {  	s17 =	sld [smem:$0x3FFB];
	_ =	sdelay $0x3  }
0x92: {  	_ =	strace s17  }
0x93: {  	s2 =	sld [smem:$0x3FFC];
	_ =	sdelay $0x3  }
0x94: {  	_ =	strace s2  }
0x95: {  	s2 =	sld [smem:$0x3FFD];
	_ =	sdelay $0x3  }
0x96: {  	_ =	strace s2  }
0x97: {  	_ =	strace $0x8FFFFFFF  }
0x98: {  	s18 =	sld [smem:$0x3FDB];
	_ =	sdelay $0x1  }
0x99: {  	s19 =	simm.s32 $_scs_section_size  }
0x9a: {  	s4 =	simm.s32 $_size__tile_overlayer_lowered;
	s5 =	simm.s32 $_tile_overlayer_lowered  }
0x9b: {  	s22 =	simm.s32 $0x1BFF;
	s21 =	sshll.u32 s5, $0x1;
	s2 =	sadd.s32 s19, s18  }
0x9c: {  	s6 =	simm.s32 $0x0;
	s20 =	sshll.u32 s4, $0x1;
	s4 =	sadd.s32 s21, s2  }
0x9d: {  	[timem:s6], [sflag:s22] =	dma.local [hbm:s4], s20  }
0x9e: {  	_ =	swait.ge [sflag:s22], s20  }
0x9f: {  	s3 =	ssub.s32 $0x0, s20;
	[sflag:s22] =	ssyncset.done $0x0  }
0xa0: {  	[sflag:s22] =	ssyncadd.s32 s3;
	_ =	sdelay $0x1  }
0xa1: {  	s23 =	simm.s32 $0x1B8B  }
0xa2: {  	_ =	swait.ge [sflag:s23], $0x1  }
0xa3: {  	[sflag:s23] =	ssyncset.done $0x0  }
0xa4: {  	s25 =	simm.s32 $0x1B8E;
	s24 =	sld [smem:$0x3FFE];
	[sflag:s23] =	ssyncadd.s32 $0xFFFFFFFF  }
0xa5: {  	s26 =	simm.s32 $execute0_lowered;
	[smem:$0x3FD2] =	sst s25  }
0xa6: {  	s4 =	sshll.u32 s26, $0x1;
	_ =	strace $0x80000046;
	[dreg:$0x1] =	wrdreg $0xFFFFFFFF  }
0xa7: {  	s28 =	simm.s32 $_size_execute0_lowered;
	s2 =	sadd.s32 s2, s4;
	[dreg:$0x0] =	wrdreg $0x0  }
0xa8: {  	s4 =	sshll.u32 s28, $0x1;
	[dreg:$0x2] =	wrdreg s2  }
0xa9: {  	[dreg:$0x3] =	wrdreg s4  }
0xaa: {  	[dreg:$0x4] =	wrdreg $0xC0  }
0xab: {  	_ =	task [dreg:s6], $0x5FFFF  }
0xac: {  	[dreg:$0x1] =	wrdreg $0xFFFFFFFF  }
0xad: {  	[dreg:$0x0] =	wrdreg $0x60  }
0xae: {  	[dreg:$0x2] =	wrdreg s24  }
0xaf: {  	[dreg:$0x3] =	wrdreg $0x9  }
0xb0: {  	_ =	task.clear_ibuf [dreg:s6], $0x4FFFF;
	_ =	strace $0x90000046  }
0xb1: {  	s29 =	simm.s32 $0x9;
	_ =	strace $0x80000048  }
0xb2: {  	_ =	swait.ge [sflag:s29], $0x1  }
0xb3: {  	[sflag:s29] =	ssyncadd.s32 $0xFFFFFFFF  }
0xb4: {  	_ =	strace $0x90000048  }
0xb5: {  	_ =	sfence  }
0xb6: {  	s30 =	sld [smem:$0x0];
	_ =	sdelay $0x2  }
0xb7: {  	s31 =	sshll.u32 s1, $0xD;
	s1 =	sshrl.u32 s1, $0x2  }
0xb8: {  	s3 =	sand.u32 $0x4000, s31;
	s1 =	sadd.s32 s1, s30  }
0xb9: {  	s0 =	sor.u32 s3, s0;
	s1 =	sshll.u32 s1, $0x11  }
0xba: {  	s0 =	sor.u32 s1, s0  }
0xbb: {  	s0 =	sadd.s32 $0x8F2B, s0  }
0xbc: {  	[sflag:s0] =	ssyncadd.remote.s32 $0x1  }
0xbd: {  	_ =	sfence.sel $0xFFFF  }
0xbe: {  	[dreg:$0x0] =	wrdreg $0xFFFFFFFF;
	(pc) =	sbr.abs _section_cstart, $3  }
0xbf: {  	[dreg:$0x1] =	wrdreg $0xFFFFFFFF  }
0xc0: {  	_ =	task.clear_ibuf [dreg:s6], $0x2FFFF;
	_ =	strace $0x9FFFFFFF  }
0xc1: {  	(tm) =	ssettm $0x7FFFFFFF  }
tec
execute0_lowered:
.L_overlay_start_1:
0x0: {  	(tag) =	ssettag $0x1  }
0x1: {  	s10 =	rddreg [dreg:$0x0]  }
0x2: {  	s0 =	rddreg [dreg:$0x1];
	s1 =	simm.s32 $0x0  }
0x3: {  	s5 =	srdreg.scid;
	s15 =	simm.s32 $0x100;
	s16 =	simm.s32 $0x4100  }
0x4: {  	s17 =	simm.s32 $0x8100;
	s18 =	simm.s32 $0x8900;
	s19 =	simm.s32 $0x1  }
0x5: {  	s20 =	simm.s32 $0x2;
	s21 =	simm.s32 $0x3;
	[smem:$0x7FF] =	sst s1  }
0x6: {  	s22 =	simm.s32 $0x0;
	s2 =	sadd.s32 $0x1E3E00, s10;
	s3 =	sadd.s32 $0x2ABE00, s10  }
0x7: {  	s4 =	sadd.s32 $0x1CAE00, s10;
	s6 =	sadd.s32 $0xD1E00, s10;
	s7 =	sadd.s32 $0xEA600, s10  }
0x8: {  	s11 =	sand.u32 $0x1, s5;
	s8 =	sadd.s32 $0x74BE00, s10;
	s5 =	stileid.u32  }
0x9: {  	s9 =	sadd.s32 $0x5C3E00, s10;
	s10 =	sadd.s32 $0x43BE00, s10;
	s12 =	ssub.s32 $0x2, s11  }
0xa: {  	_ =	strace $0x80000047;
	s14 =	sshll.u32 s5, $0x1;
	s13 =	sshrl.u32 s12, $0x1  }
0xb: {  	s11 =	sor.u32 s11, s14;
	s14 =	simm.s32 $0x80;
	s12 =	ssub.s32 s12, s13  }
0xc: {  	s11 =	smul.u32 $0x6200, s11;
	s13 =	simm.s32 $0x4;
	s12 =	smax.u32 s12, $0x1  }
.LBB2_1:
0xd: {  	s23 =	simm.s32 $0x0  }
.LBB2_2:
0xe: {  	s24 =	sshll.u32 s23, $0x7  }
0xf: {  	s24 =	sadd.s32 s11, s24  }
0x10: {  	s25 =	sshrl.u32 s24, $0x3  }
0x11: {  	s28 =	simm.s32 $0x0;
	s26 =	sadd.s32 s6, s25  }
0x12: {  	[tilespmem:s28], [sflag:$0x4] =	stream.linear.gather [hbm4b:s26+s28], $0x80, $0x38;
	[tilespmem:$0x9100] =	vst v63  }
0x13: {  	_ =	swait.ge [sflag:s13], $0x80  }
0x14: {  	[sflag:s13] =	ssyncset.done $0x0  }
0x15: {  	s25 =	sadd.s32 s7, s25;
	[sflag:s13] =	ssyncadd.s32 $0xFFFFFF80  }
0x16: {  	[tilespmem:s14], [sflag:$0x4] =	stream.linear.gather [hbm4b:s25+s28], $0x80, $0x38;
	[tilespmem:$0x9100] =	vst v63  }
0x17: {  	_ =	swait.ge [sflag:s13], $0x80  }
0x18: {  	[sflag:s13] =	ssyncset.done $0x0  }
0x19: {  	[sflag:s13] =	ssyncadd.s32 $0xFFFFFF80  }
0x1a: {  	[tilespmem:s15], [sflag:$0x1] =	stream.indirect.gather [hbm4b:s2+s14], $0x80, s28, s14, $0xb8;
	[tilespmem:$0x9100] =	vst v63  }
0x1b: {  	_ = 	snop  }
0x1c: {  	[tilespmem:s16], [sflag:$0x2] =	stream.indirect.gather [hbm4b:s3+s14], $0x80, s14, s14, $0xb8;
	[tilespmem:$0x9100] =	vst v63  }
0x1d: {  	_ = 	snop  }
0x1e: {  	[tilespmem:s17], [sflag:$0x3] =	stream.indirect.gather [hbm4b:s4+s14], $0x10, s28, s14, $0xb8;
	[tilespmem:$0x9100] =	vst v63  }
0x1f: {  	_ = 	snop  }
0x20: {  	[tilespmem:s18], [sflag:$0x3] =	stream.indirect.gather [hbm4b:s4+s14], $0x10, s14, s14, $0xb8;
	[tilespmem:$0x9100] =	vst v63  }
0x21: {  	_ =	swait.ge [sflag:s19], $0x4000  }
0x22: {  	[sflag:s19] =	ssyncset.done $0x0  }
0x23: {  	[sflag:s19] =	ssyncadd.s32 $0xFFFFC000  }
0x24: {  	_ =	swait.ge [sflag:s20], $0x4000  }
0x25: {  	[sflag:s20] =	ssyncset.done $0x0  }
0x26: {  	[sflag:s20] =	ssyncadd.s32 $0xFFFFC000  }
0x27: {  	_ =	swait.ge [sflag:s21], $0x800  }
0x28: {  	[sflag:s21] =	ssyncset.done $0x0  }
0x29: {  	[sflag:s21] =	ssyncadd.s32 $0xFFFFF800  }
0x2a: {  	_ =	swait.ge [sflag:s21], $0x800  }
0x2b: {  	[sflag:s21] =	ssyncset.done $0x0  }
0x2c: {  	s25 =	simm.s32 $0x0;
	[sflag:s21] =	ssyncadd.s32 $0xFFFFF800  }
0x2d: {  	v7 =	vld [tilespmem:s25+$0x4100]  }
0x2e: {  	v11 =	vld [tilespmem:s25+$0x4110]  }
0x2f: {  	v5 =	vld [tilespmem:s25+$0x4120]  }
0x30: {  	v4 =	vld [tilespmem:s25+$0x4130]  }
0x31: {  	v3 =	vld [tilespmem:s25+$0x4140]  }
0x32: {  	v2 =	vld [tilespmem:s25+$0x4150]  }
0x33: {  	v1 =	vld [tilespmem:s25+$0x4160]  }
0x34: {  	v0 =	vld [tilespmem:s25+$0x4170]  }
0x35: {  	v12 =	vld [tilespmem:s25+$0x100]  }
0x36: {  	v13 =	vld [tilespmem:s25+$0x110]  }
0x37: {  	v10 =	vld [tilespmem:s25+$0x120]  }
0x38: {  	v9 =	vld [tilespmem:s25+$0x130]  }
0x39: {  	v8 =	vld [tilespmem:s25+$0x140]  }
0x3a: {  	v6 =	vld [tilespmem:s25+$0x150];
	v12 =	vadd.f32 v7, v12  }
0x3b: {  	s26 =	simm.s32 $0x200;
	v11 =	vadd.f32 v11, v13;
	v7 =	vld [tilespmem:s25+$0x160]  }
.LBB2_3:
0x3c: {  	s28 =	sshra.s32 s26, $0x2;
	p0 =	sne.s32 s26, $0xFE00;
	[tilespmem:s25+$0x100] =	vst v12;
	v5 =	vadd.f32 v5, v10;
	v10 =	vld [tilespmem:s25+$0x170]  }
0x3d: {  	v12 =	vld [tilespmem:s28+$0x4100];
	[tilespmem:s25+$0x110] =	vst v11;
	v4 =	vadd.f32 v4, v9  }
0x3e: {  	v11 =	vld [tilespmem:s28+$0x4110];
	[tilespmem:s25+$0x120] =	vst v5;
	v3 =	vadd.f32 v3, v8  }
0x3f: {  	v5 =	vld [tilespmem:s28+$0x4120];
	[tilespmem:s25+$0x130] =	vst v4;
	v2 =	vadd.f32 v2, v6  }
0x40: {  	v4 =	vld [tilespmem:s28+$0x4130];
	[tilespmem:s25+$0x140] =	vst v3;
	v1 =	vadd.f32 v1, v7  }
0x41: {  	v3 =	vld [tilespmem:s28+$0x4140];
	[tilespmem:s25+$0x150] =	vst v2;
	v0 =	vadd.f32 v0, v10  }
0x42: {  	v2 =	vld [tilespmem:s28+$0x4150];
	[tilespmem:s25+$0x160] =	vst v1  }
0x43: {  	v1 =	vld [tilespmem:s28+$0x4160];
	[tilespmem:s25+$0x170] =	vst v0;
	s25 =	smov.u32 s28  }
0x44: {  	v0 =	vld [tilespmem:s25+$0x4170]  }
0x45: {  	v6 =	vld [tilespmem:s25+$0x100]  }
0x46: {  	v7 =	vld [tilespmem:s25+$0x110]  }
.Ltmp0:
0x47: {  	v10 =	vld [tilespmem:s25+$0x120];
	(pc) =	sbr.rel @p0 .LBB2_3-.Ltmp0, $4  }
0x48: {  	v9 =	vld [tilespmem:s25+$0x130]  }
0x49: {  	v8 =	vld [tilespmem:s25+$0x140]  }
0x4a: {  	v12 =	vadd.f32 v12, v6;
	v6 =	vld [tilespmem:s25+$0x150]  }
0x4b: {  	s26 =	sadd.s32 $0x200, s26;
	v11 =	vadd.f32 v11, v7;
	v7 =	vld [tilespmem:s25+$0x160]  }
0x4c: {  	[tilespmem:s25+$0x100] =	vst v12;
	v5 =	vadd.f32 v5, v10;
	v63 =	vld [tilespmem:s25+$0x170]  }
0x4d: {  	[tilespmem:s25+$0x110] =	vst v11;
	v4 =	vadd.f32 v4, v9  }
0x4e: {  	[tilespmem:s25+$0x120] =	vst v5;
	v3 =	vadd.f32 v3, v8  }
0x4f: {  	[tilespmem:s25+$0x130] =	vst v4;
	v2 =	vadd.f32 v2, v6  }
0x50: {  	[tilespmem:s25+$0x140] =	vst v3;
	v1 =	vadd.f32 v1, v7  }
0x51: {  	[tilespmem:s25+$0x150] =	vst v2;
	v0 =	vadd.f32 v0, v63  }
0x52: {  	s26 =	sshll.u32 s24, $0x4;
	[tilespmem:s25+$0x160] =	vst v1  }
0x53: {  	s29 =	sadd.s32 s8, s26;
	[tilespmem:s25+$0x170] =	vst v0  }
0x54: {  	[hbm4b:s29+s1] =	stream.linear.scatter [tilespmem:s15], [sflag:$0x4], $0x4000, $0x38;
	[tilespmem:$0x9100] =	vst v63  }
0x55: {  	_ =	swait.ge [sflag:s13], $0x4000  }
0x56: {  	s30 =	sshll.u32 s24, $0x1;
	[sflag:s13] =	ssyncset.done $0x0  }
0x57: {  	s31 =	sadd.s32 s9, s30;
	[sflag:s13] =	ssyncadd.s32 $0xFFFFC000  }
0x58: {  	[hbm4b:s31+s1] =	stream.linear.scatter [tilespmem:s17], [sflag:$0x4], $0x800, $0x38;
	[tilespmem:$0x9100] =	vst v63  }
0x59: {  	s23 =	sadd.s32 $0x1, s23;
	_ =	swait.ge [sflag:s13], $0x800  }
0x5a: {  	p0 =	sne.s32 s23, $0xC4;
	[sflag:s13] =	ssyncset.done $0x0  }
.Ltmp1:
0x5b: {  	s24 =	sadd.s32 s10, s30;
	[sflag:s13] =	ssyncadd.s32 $0xFFFFF800;
	(pc) =	sbr.rel @p0 .LBB2_2-.Ltmp1, $4  }
0x5c: {  	[hbm4b:s24+s1] =	stream.linear.scatter [tilespmem:s18], [sflag:$0x4], $0x800, $0x38;
	[tilespmem:$0x9100] =	vst v63  }
0x5d: {  	_ =	swait.ge [sflag:s13], $0x800  }
0x5e: {  	[sflag:s13] =	ssyncset.done $0x0  }
0x5f: {  	[sflag:s13] =	ssyncadd.s32 $0xFFFFF800  }
0x60: {  	s22 =	sadd.s32 $0x1, s22  }
0x61: {  	p0 =	sne.s32 s22, s12  }
.Ltmp2:
0x62: {  	_ = 	snop;
	(pc) =	sbr.rel @p0 .LBB2_1-.Ltmp2, $1  }
0x63: {  	_ =	sdelay $0x3  }
0x64: {  	_ =	sfence.sel $0x180000  }
0x65: {  	[bflag:$0x0] =	sbarrier.arrive $0xFFFF  }
0x66: {  	p0 =	sne.s32 s5, $0x0;
	_ =	strace $0x90000047  }
0x67: {  	s0 =	sadd.s32 @!p0 $0x100000, s0;
	[bflag:$0x2] =	sbarrier.arrive $0xFFFF  }
0x68: {  	[sflag:s0] =	ssyncadd.tile.s32 @!p0 $0x1;
	_ =	shalt  }
.Lfunc_end2:
_tile_overlayer_lowered:
.L_overlay_start_2:
0x69: {  	(tag) =	ssettag $0x2  }
0x6a: {  	s0 =	rddreg [dreg:$0x0];
	s2 =	stileid.u32  }
0x6b: {  	s1 =	rddreg [dreg:$0x1];
	p0 =	sne.s32 s2, $0x0  }
0x6c: {  	s3 =	rddreg [dreg:$0x2];
	[bflag:$0x3] =	sbarrier.arrive $0xFFFF;
	s2 =	simm.s32 @!p0 $0x1C04  }
0x6d: {  	[timem:s3], [sflag:s2] =	dma.local @!p0 [hbm:s0], s1  }
0x6e: {  	s0 =	simm.s32 @!p0 $0x4  }
0x6f: {  	_ =	swait.ge @!p0 [sflag:s0], s1  }
0x70: {  	s1 =	ssub.s32 @!p0 $0x0, s1;
	[sflag:s0] =	ssyncset.done @!p0 $0x0  }
0x71: {  	[sflag:s0] =	ssyncadd.s32 @!p0 s1  }
0x72: {  	[bflag:$0x3] =	sbarrier.arrive $0xFFFF  }
0x73: {  	_ =	shalt  }

// kernel: kernel.28.cloned.1.call-start
scs
__scs_entry_jumppad:
0x0: {  	(pc) =	sbr.rel $0x88, $3  }
0x1: {  	(tag) =	ssettag $0x0;
	lr =	simm.s32 $0x1  }
0x2: {  	[smem:$0x3F77] =	sst lr;
	_ =	strace $0xD0000000  }
0x3: {  	_ = 	snop  }
0x4: {  	_ = 	snop  }
0x5: {  	_ = 	snop  }
0x6: {  	_ = 	snop  }
0x7: {  	_ = 	snop  }
__scs_overlays_trampoline_lowered:
0x8: {  	[smem:$0x3F86] =	sst s0  }
0x9: {  	[smem:$0x3F87] =	sst s1  }
0xa: {  	[smem:$0x3F88] =	sst s2  }
0xb: {  	[smem:$0x3F89] =	sst s3  }
0xc: {  	[smem:$0x3F8A] =	sst s4  }
0xd: {  	[smem:$0x3F8B] =	sst s5  }
0xe: {  	[smem:$0x3F8C] =	sst s6  }
0xf: {  	[smem:$0x3F8D] =	sst s7  }
0x10: {  	[smem:$0x3F8E] =	sst s8  }
0x11: {  	[smem:$0x3F8F] =	sst s9;
	s0 =	simm.s32 @!p0 $0x0  }
0x12: {  	s1 =	sld [smem:$0x3F75];
	s0 =	simm.s32 @p0 $0x1  }
0x13: {  	[smem:$0x3F90] =	sst s0;
	s0 =	simm.s32 @!p1 $0x0  }
0x14: {  	s2 =	sld [smem:$0x3F74];
	s0 =	simm.s32 @p1 $0x1  }
0x15: {  	[smem:$0x3F91] =	sst s0;
	s0 =	simm.s32 @!p2 $0x0  }
0x16: {  	s3 =	sld [smem:$0x3FDB];
	s0 =	simm.s32 @p2 $0x1  }
0x17: {  	s4 =	simm.s32 $0x1BF5;
	[smem:$0x3F93] =	sst s0  }
0x18: {  	s0 =	sld [smem:$0x3F76];
	_ =	swait.ge [sflag:s4], $0x0  }
0x19: {  	s7 =	sld [smem:$0x3F77]  }
0x1a: {  	s8 =	sadd.s32 $0xFFFFE003, lr  }
0x1b: {  	s9 =	sadd.s32 $0xFFFFFEF7, lr;
	s5 =	simm.s32 $0xFFFFFFFF;
	p2 =	slt.u32 s8, $0xFFFFF086  }
0x1c: {  	p1 =	slt.u32 s9, $0xF7A;
	s5 =	simm.s32 @!p2 $0x0  }
0x1d: {  	s5 =	simm.s32 @p1 $0x1;
	p0 =	seq.s32 s7, s2  }
0x1e: {  	s7 =	smul.u32 @!p0 $0xF7A, s2;
	p2 =	seq.s32 @!p0 s5, $0x0  }
0x1f: {  	s9 =	smul.u32 $0xF7A, s1;
	s8 =	simm.s32 @!p0 $0x1BF5;
	p2 =	por !p2, p0  }
0x20: {  	[sflag:s8] =	ssyncset.s32 @!p0 $0xFFFFF086;
	s6 =	sadd.s32 @!p0 s3, s7;
	s7 =	simm.s32 @!p0 $0x108  }
0x21: {  	s3 =	sadd.s32 s3, s9;
	s6 =	sadd.s32 @!p0 $0x88, s6;
	s7 =	simm.s32 @p2 $0x1082  }
0x22: {  	[simem:s7], [sflag:s8] =	dma.local @!p0 [hbm:s6], $0xF7A  }
0x23: {  	s9 =	sor.u32 $0xD0000000, s2;
	s6 =	simm.s32 $0x108;
	_ =	swait.ge @!p0 [sflag:s8], $0x0  }
0x24: {  	s3 =	sadd.s32 $0x88, s3;
	s6 =	simm.s32 @!p1 $0x1082;
	[sflag:s4] =	ssyncset.s32 $0xFFFFF086  }
0x25: {  	[simem:s6], [sflag:s4] =	dma.local [hbm:s3], $0xF7A  }
0x26: {  	[smem:$0x3F77] =	sst s1;
	(tag) =	ssettag s2;
	_ =	strace s9  }
0x27: {  	s1 =	sld [smem:$0x3F87]  }
0x28: {  	s2 =	sld [smem:$0x3F88]  }
0x29: {  	s4 =	sld [smem:$0x3F8A]  }
0x2a: {  	p0 =	seq.s32 s5, $0x0;
	s5 =	sld [smem:$0x3F8B]  }
0x2b: {  	s6 =	sld [smem:$0x3F8C]  }
0x2c: {  	s7 =	sld [smem:$0x3F8D]  }
0x2d: {  	s3 =	simm.s32 $0x108;
	s8 =	sld [smem:$0x3F8E]  }
0x2e: {  	s3 =	simm.s32 @!p0 $0x1082;
	s9 =	sld [smem:$0x3F8F]  }
0x2f: {  	lr =	sadd.s32 s0, s3;
	s0 =	sld [smem:$0x3F86]  }
0x30: {  	s3 =	sld [smem:$0x3F89]  }
0x31: {  	[smem:$0x3F92] =	sst s10  }
0x32: {  	s10 =	sld [smem:$0x3F90];
	_ =	sdelay $0x3  }
0x33: {  	p0 =	seq.s32 s10, $0x1;
	s10 =	sld [smem:$0x3F92];
	_ =	sdelay $0x3  }
0x34: {  	[smem:$0x3F92] =	sst s10  }
0x35: {  	s10 =	sld [smem:$0x3F91];
	_ =	sdelay $0x3  }
0x36: {  	p1 =	seq.s32 s10, $0x1;
	s10 =	sld [smem:$0x3F92];
	_ =	sdelay $0x3  }
0x37: {  	[smem:$0x3F92] =	sst s10  }
0x38: {  	s10 =	sld [smem:$0x3F93]  }
0x39: {  	_ = 	snop;
	(pc) =	sbr.ind lr, $3  }
0x3a: {  	_ = 	snop  }
0x3b: {  	_ = 	snop  }
0x3c: {  	p2 =	seq.s32 s10, $0x1;
	s10 =	sld [smem:$0x3F92]  }
0x3d: {  	_ =	shalt  }
0x3e: {  	_ =	shalt  }
0x3f: {  	_ =	shalt  }
0x40: {  	_ =	shalt  }
0x41: {  	_ =	shalt  }
0x42: {  	_ =	shalt  }
0x43: {  	_ =	shalt  }
0x44: {  	_ =	shalt  }
0x45: {  	_ =	shalt  }
0x46: {  	_ =	shalt  }
0x47: {  	_ =	shalt  }
0x48: {  	_ =	shalt  }
0x49: {  	_ =	shalt  }
0x4a: {  	_ =	shalt  }
0x4b: {  	_ =	shalt  }
0x4c: {  	_ =	shalt  }
0x4d: {  	_ =	shalt  }
0x4e: {  	_ =	shalt  }
0x4f: {  	_ =	shalt  }
0x50: {  	_ =	shalt  }
0x51: {  	_ =	shalt  }
0x52: {  	_ =	shalt  }
0x53: {  	_ =	shalt  }
0x54: {  	_ =	shalt  }
0x55: {  	_ =	shalt  }
0x56: {  	_ =	shalt  }
0x57: {  	_ =	shalt  }
0x58: {  	_ =	shalt  }
0x59: {  	_ =	shalt  }
0x5a: {  	_ =	shalt  }
0x5b: {  	_ =	shalt  }
0x5c: {  	_ =	shalt  }
0x5d: {  	_ =	shalt  }
0x5e: {  	_ =	shalt  }
0x5f: {  	_ =	shalt  }
0x60: {  	_ =	shalt  }
0x61: {  	_ =	shalt  }
0x62: {  	_ =	shalt  }
0x63: {  	_ =	shalt  }
0x64: {  	_ =	shalt  }
0x65: {  	_ =	shalt  }
0x66: {  	_ =	shalt  }
0x67: {  	_ =	shalt  }
0x68: {  	_ =	shalt  }
0x69: {  	_ =	shalt  }
0x6a: {  	_ =	shalt  }
0x6b: {  	_ =	shalt  }
0x6c: {  	_ =	shalt  }
0x6d: {  	_ =	shalt  }
0x6e: {  	_ =	shalt  }
0x6f: {  	_ =	shalt  }
0x70: {  	_ =	shalt  }
0x71: {  	_ =	shalt  }
0x72: {  	_ =	shalt  }
0x73: {  	_ =	shalt  }
0x74: {  	_ =	shalt  }
0x75: {  	_ =	shalt  }
0x76: {  	_ =	shalt  }
0x77: {  	_ =	shalt  }
0x78: {  	_ =	shalt  }
0x79: {  	_ =	shalt  }
0x7a: {  	_ =	shalt  }
0x7b: {  	_ =	shalt  }
0x7c: {  	_ =	shalt  }
0x7d: {  	_ =	shalt  }
0x7e: {  	_ =	shalt  }
0x7f: {  	_ =	shalt  }
0x80: {  	_ =	shalt  }
0x81: {  	_ =	shalt  }
0x82: {  	_ =	shalt  }
0x83: {  	_ =	shalt  }
0x84: {  	_ =	shalt  }
0x85: {  	_ =	shalt  }
0x86: {  	_ =	shalt  }
0x87: {  	_ =	shalt  }
.Lfunc_end0:
.L_simem_size_0:
called_computation.1_lowered:
.L_overlay_start_0:
0x88: {  	s2 =	sld [smem:$0x3FD9]  }
0x89: {  	s3 =	sld [smem:$0x3FFE];
	_ =	sdelay $0x1  }
0x8a: {  	s1 =	srdreg.scid  }
0x8b: {  	s0 =	sand.u32 $0x1, s1  }
0x8c: {  	s16 =	sshll.u32 s0, $0xA;
	s2 =	sadd.s32 s3, s2  }
0x8d: {  	s2 =	sadd.s32 s2, s16  }
0x8e: {  	[smem:$0x3F9E] =	sst s2  }
0x8f: {  	_ = 	snop  }
0x90: {  	(tm) =	ssettm $0x1  }
0x91: {  	s17 =	sld [smem:$0x3FFB];
	_ =	sdelay $0x3  }
0x92: {  	_ =	strace s17  }
0x93: {  	s2 =	sld [smem:$0x3FFC];
	_ =	sdelay $0x3  }
0x94: {  	_ =	strace s2  }
0x95: {  	s2 =	sld [smem:$0x3FFD];
	_ =	sdelay $0x3  }
0x96: {  	_ =	strace s2  }
0x97: {  	_ =	strace $0x8FFFFFFF  }
0x98: {  	s18 =	sld [smem:$0x3FDB];
	_ =	sdelay $0x1  }
0x99: {  	s19 =	simm.s32 $_scs_section_size  }
0x9a: {  	s4 =	simm.s32 $_size__tile_overlayer_lowered;
	s5 =	simm.s32 $_tile_overlayer_lowered  }
0x9b: {  	s22 =	simm.s32 $0x1BFF;
	s21 =	sshll.u32 s5, $0x1;
	s2 =	sadd.s32 s19, s18  }
0x9c: {  	s6 =	simm.s32 $0x0;
	s20 =	sshll.u32 s4, $0x1;
	s4 =	sadd.s32 s21, s2  }
0x9d: {  	[timem:s6], [sflag:s22] =	dma.local [hbm:s4], s20  }
0x9e: {  	_ =	swait.ge [sflag:s22], s20  }
0x9f: {  	s3 =	ssub.s32 $0x0, s20;
	[sflag:s22] =	ssyncset.done $0x0  }
0xa0: {  	[sflag:s22] =	ssyncadd.s32 s3;
	_ =	sdelay $0x1  }
0xa1: {  	s23 =	simm.s32 $0x1B8B  }
0xa2: {  	_ =	swait.ge [sflag:s23], $0x1  }
0xa3: {  	[sflag:s23] =	ssyncset.done $0x0  }
0xa4: {  	s25 =	simm.s32 $0x1B8E;
	s24 =	sld [smem:$0x3FFE];
	[sflag:s23] =	ssyncadd.s32 $0xFFFFFFFF  }
0xa5: {  	s26 =	simm.s32 $execute0_lowered;
	[smem:$0x3FD2] =	sst s25  }
0xa6: {  	s4 =	sshll.u32 s26, $0x1;
	_ =	strace $0x80000049;
	[dreg:$0x1] =	wrdreg $0xFFFFFFFF  }
0xa7: {  	s28 =	simm.s32 $_size_execute0_lowered;
	s2 =	sadd.s32 s2, s4;
	[dreg:$0x0] =	wrdreg $0x0  }
0xa8: {  	s4 =	sshll.u32 s28, $0x1;
	[dreg:$0x2] =	wrdreg s2  }
0xa9: {  	[dreg:$0x3] =	wrdreg s4  }
0xaa: {  	[dreg:$0x4] =	wrdreg $0xC0  }
0xab: {  	_ =	task [dreg:s6], $0x5FFFF  }
0xac: {  	[dreg:$0x1] =	wrdreg $0xFFFFFFFF  }
0xad: {  	[dreg:$0x0] =	wrdreg $0x60  }
0xae: {  	[dreg:$0x2] =	wrdreg s24  }
0xaf: {  	[dreg:$0x3] =	wrdreg $0x0  }
0xb0: {  	[dreg:$0x4] =	wrdreg $0x9  }
0xb1: {  	_ =	task.clear_ibuf [dreg:s6], $0x5FFFF;
	_ =	strace $0x90000049  }
0xb2: {  	s29 =	simm.s32 $0x9;
	_ =	strace $0x8000004B  }
0xb3: {  	_ =	swait.ge [sflag:s29], $0x1  }
0xb4: {  	[sflag:s29] =	ssyncadd.s32 $0xFFFFFFFF  }
0xb5: {  	_ =	strace $0x9000004B  }
0xb6: {  	_ =	sfence  }
0xb7: {  	s30 =	sld [smem:$0x0];
	_ =	sdelay $0x2  }
0xb8: {  	s31 =	sshll.u32 s1, $0xD;
	s1 =	sshrl.u32 s1, $0x2  }
0xb9: {  	s3 =	sand.u32 $0x4000, s31;
	s1 =	sadd.s32 s1, s30  }
0xba: {  	s0 =	sor.u32 s3, s0;
	s1 =	sshll.u32 s1, $0x11  }
0xbb: {  	s0 =	sor.u32 s1, s0  }
0xbc: {  	s0 =	sadd.s32 $0x8F2B, s0  }
0xbd: {  	[sflag:s0] =	ssyncadd.remote.s32 $0x1  }
0xbe: {  	_ =	sfence.sel $0xFFFF  }
0xbf: {  	[dreg:$0x0] =	wrdreg $0xFFFFFFFF;
	(pc) =	sbr.abs _section_cstart, $3  }
0xc0: {  	[dreg:$0x1] =	wrdreg $0xFFFFFFFF  }
0xc1: {  	_ =	task.clear_ibuf [dreg:s6], $0x2FFFF;
	_ =	strace $0x9FFFFFFF  }
0xc2: {  	(tm) =	ssettm $0x7FFFFFFF  }
0xc3: {  	_ =	shalt  }
tec
execute0_lowered:
.L_overlay_start_1:
0x0: {  	(tag) =	ssettag $0x1  }
0x1: {  	s2 =	srdreg.scid  }
0x2: {  	s5 =	rddreg [dreg:$0x0];
	s9 =	sand.u32 $0x1, s2  }
0x3: {  	s2 =	stileid.u32;
	s4 =	smul.u32 $0x620000, s9  }
0x4: {  	s1 =	rddreg [dreg:$0x1];
	s6 =	smul.u32 $0x1880, s2  }
0x5: {  	s0 =	rddreg [dreg:$0x2];
	s7 =	smul.u32 $0x64000, s2  }
0x6: {  	s3 =	simm.s32 $0x0;
	s16 =	simm.s32 $0x19080;
	s13 =	smul.u32 $0xC80, s2  }
0x7: {  	s17 =	simm.s32 $0x80;
	s18 =	simm.s32 $0x0;
	s14 =	smul.u32 $0x19000, s9  }
0x8: {  	[smem:$0x7FF] =	sst s3;
	s11 =	sadd.s32 $0x1CAE00, s5;
	s28 =	smul.u32 $0x31000, s2  }
0x9: {  	_ =	strace $0x8000004A;
	s23 =	ssub.s32 $0x2, s9;
	s15 =	smul.u32 $0x64000, s9  }
0xa: {  	s26 =	sshll.u32 s2, $0x6;
	s30 =	smul.u32 $0x3200, s2;
	s24 =	sshrl.u32 s23, $0x1  }
0xb: {  	s10 =	sadd.s32 s4, s5;
	s8 =	sadd.s32 s6, s5;
	s4 =	sadd.s32 $0x9E00, s5  }
0xc: {  	s12 =	ssub.s32 s23, s24;
	s25 =	sshrl.u32 s7, $0x2;
	s6 =	sor.u32 $0x1C01, s26  }
0xd: {  	s29 =	sadd.s32 s13, s14;
	s31 =	sadd.s32 s15, s11;
	s14 =	simm.s32 $0x1  }
0xe: {  	s15 =	simm.s32 $0x19000;
	s5 =	sadd.s32 s25, s1;
	s7 =	smax.u32 s12, $0x1  }
0xf: {  	s8 =	sadd.s32 $0xD1E00, s8;
	s12 =	sadd.s32 s28, s10;
	s13 =	sshll.u32 s29, $0x2  }
0x10: {  	s10 =	sadd.s32 s30, s31;
	s9 =	sadd.s32 $0x43BE00, s12;
	s13 =	sadd.s32 s11, s13  }
0x11: {  	s11 =	sadd.s32 $0x74BE00, s12;
	s12 =	sadd.s32 $0x32000, s13;
	s13 =	sshrl.u32 s5, $0x3  }
.LBB2_1:
0x12: {  	[spmem:s13], [sflag:s6] =	dma.local [hbm:s4], $0x3200  }
0x13: {  	_ =	swait.ge [sflag:s14], $0x3200  }
0x14: {  	[sflag:s14] =	ssyncset.done $0x0  }
0x15: {  	[sflag:s14] =	ssyncadd.s32 $0xFFFFCE00  }
0x16: {  	s19 =	sadd.s32 $0x0, s8;
	[bflag:$0x0] =	sbarrier.arrive $0xFFFF  }
0x17: {  	[tilespmem:s15], [sflag:$0x1] =	stream.linear.gather [hbm4b:s19+s3], $0x80, $0x38;
	[tilespmem:$0x1A080] =	vst v63  }
0x18: {  	_ =	swait.ge [sflag:s14], $0x80  }
0x19: {  	[sflag:s14] =	ssyncset.done $0x0  }
0x1a: {  	[sflag:s14] =	ssyncadd.s32 $0xFFFFFF80  }
0x1b: {  	[tilespmem:s16], [sflag:$0x1] =	stream.linear.gather [hbm4b:s9+s3], $0x1000, $0x38;
	[tilespmem:$0x1A080] =	vst v63  }
0x1c: {  	_ =	swait.ge [sflag:s14], $0x1000  }
0x1d: {  	[sflag:s14] =	ssyncset.done $0x0  }
0x1e: {  	[sflag:s14] =	ssyncadd.s32 $0xFFFFF000  }
0x1f: {  	[spmem:s1] =	stream.indirect.scatter.add.f32 [tilespmem:s16], [sflag:$0x1], $0x20, s15, s17, $0xb8;
	[tilespmem:$0x1A080] =	vst v63  }
0x20: {  	s20 =	simm.s32 $0x10;
	_ =	swait.ge [sflag:s14], $0x1000  }
0x21: {  	s21 =	simm.s32 $0x20;
	s19 =	sadd.s32 $0x200, s9;
	[sflag:s14] =	ssyncset.done $0x0  }
.LBB2_2:
0x22: {  	s22 =	sadd.s32 s20, s8  }
0x23: {  	[sflag:s14] =	ssyncadd.s32 $0xFFFFF000;
	s20 =	smov.u32 s21;
	s23 =	sadd.s32 $0x10, s21  }
0x24: {  	[tilespmem:s15], [sflag:$0x1] =	stream.linear.gather [hbm4b:s22+s3], $0x80, $0x38;
	[tilespmem:$0x1A080] =	vst v63  }
0x25: {  	p0 =	sne.s32 s21, $0x1870;
	_ =	swait.ge [sflag:s14], $0x80  }
0x26: {  	[sflag:s14] =	ssyncset.done $0x0  }
0x27: {  	[sflag:s14] =	ssyncadd.s32 $0xFFFFFF80  }
0x28: {  	[tilespmem:s16], [sflag:$0x1] =	stream.linear.gather [hbm4b:s19+s3], $0x1000, $0x38;
	[tilespmem:$0x1A080] =	vst v63  }
0x29: {  	_ =	swait.ge [sflag:s14], $0x1000  }
.Ltmp0:
0x2a: {  	[sflag:s14] =	ssyncset.done $0x0;
	(pc) =	sbr.rel @p0 .LBB2_2-.Ltmp0, $4  }
0x2b: {  	[sflag:s14] =	ssyncadd.s32 $0xFFFFF000  }
0x2c: {  	[spmem:s1] =	stream.indirect.scatter.add.f32 [tilespmem:s16], [sflag:$0x1], $0x20, s15, s17, $0xb8;
	[tilespmem:$0x1A080] =	vst v63  }
0x2d: {  	_ =	swait.ge [sflag:s14], $0x1000  }
0x2e: {  	s21 =	smov.u32 s23;
	s19 =	sadd.s32 $0x200, s19;
	[sflag:s14] =	ssyncset.done $0x0  }
0x2f: {  	s20 =	sadd.s32 s20, s8;
	[sflag:s14] =	ssyncadd.s32 $0xFFFFF000  }
0x30: {  	[tilespmem:s15], [sflag:$0x1] =	stream.linear.gather [hbm4b:s20+s3], $0x80, $0x38;
	[tilespmem:$0x1A080] =	vst v63  }
0x31: {  	_ =	swait.ge [sflag:s14], $0x80  }
0x32: {  	[sflag:s14] =	ssyncset.done $0x0  }
0x33: {  	[sflag:s14] =	ssyncadd.s32 $0xFFFFFF80  }
0x34: {  	[tilespmem:s16], [sflag:$0x1] =	stream.linear.gather [hbm4b:s19+s3], $0x1000, $0x38;
	[tilespmem:$0x1A080] =	vst v63  }
0x35: {  	_ =	swait.ge [sflag:s14], $0x1000  }
0x36: {  	[sflag:s14] =	ssyncset.done $0x0  }
0x37: {  	[sflag:s14] =	ssyncadd.s32 $0xFFFFF000  }
0x38: {  	[spmem:s1] =	stream.indirect.scatter.add.f32 [tilespmem:s16], [sflag:$0x1], $0x20, s15, s17, $0xb8;
	[tilespmem:$0x1A080] =	vst v63  }
0x39: {  	_ =	swait.ge [sflag:s14], $0x1000  }
0x3a: {  	[sflag:s14] =	ssyncset.done $0x0  }
0x3b: {  	[sflag:s14] =	ssyncadd.s32 $0xFFFFF000  }
0x3c: {  	s31 =	sadd.s32 $0x0, s10;
	[bflag:$0x0] =	sbarrier.arrive $0xFFFF  }
0x3d: {  	[hbm:s31], [sflag:s6] =	dma.local [spmem:s13], $0x200  }
0x3e: {  	_ =	swait.ge [sflag:s14], $0x200  }
0x3f: {  	s20 =	sadd.s32 $0x1000, s5;
	s19 =	simm.s32 $0x200;
	[sflag:s14] =	ssyncset.done $0x0  }
.LBB2_4:
0x40: {  	s21 =	sadd.s32 s19, s10  }
0x41: {  	s22 =	sshrl.u32 s20, $0x3;
	[sflag:s14] =	ssyncadd.s32 $0xFFFFFE00;
	p0 =	sne.s32 s19, $0x3000  }
0x42: {  	[hbm:s21], [sflag:s6] =	dma.local [spmem:s22], $0x200  }
.Ltmp1:
0x43: {  	_ = 	snop;
	(pc) =	sbr.rel @p0 .LBB2_4-.Ltmp1, $4  }
0x44: {  	_ = 	snop  }
0x45: {  	s19 =	sadd.s32 $0x200, s19  }
0x46: {  	_ =	swait.ge [sflag:s14], $0x200  }
0x47: {  	s20 =	sadd.s32 $0x1000, s20;
	[sflag:s14] =	ssyncset.done $0x0  }
0x48: {  	[sflag:s14] =	ssyncadd.s32 $0xFFFFFE00  }
0x49: {  	[bflag:$0x0] =	sbarrier.arrive $0xFFFF  }
0x4a: {  	[spmem:s13], [sflag:s6] =	dma.local [hbm:s4], $0x3200  }
0x4b: {  	_ =	swait.ge [sflag:s14], $0x3200  }
0x4c: {  	[sflag:s14] =	ssyncset.done $0x0  }
0x4d: {  	[sflag:s14] =	ssyncadd.s32 $0xFFFFCE00  }
0x4e: {  	s19 =	sadd.s32 $0x0, s8;
	[bflag:$0x0] =	sbarrier.arrive $0xFFFF  }
0x4f: {  	[tilespmem:s15], [sflag:$0x1] =	stream.linear.gather [hbm4b:s19+s3], $0x80, $0x38;
	[tilespmem:$0x1A080] =	vst v63  }
0x50: {  	_ =	swait.ge [sflag:s14], $0x80  }
0x51: {  	[sflag:s14] =	ssyncset.done $0x0  }
0x52: {  	[sflag:s14] =	ssyncadd.s32 $0xFFFFFF80  }
0x53: {  	[tilespmem:s16], [sflag:$0x1] =	stream.linear.gather [hbm4b:s11+s3], $0x1000, $0x38;
	[tilespmem:$0x1A080] =	vst v63  }
0x54: {  	_ =	swait.ge [sflag:s14], $0x1000  }
0x55: {  	[sflag:s14] =	ssyncset.done $0x0  }
0x56: {  	[sflag:s14] =	ssyncadd.s32 $0xFFFFF000  }
0x57: {  	[spmem:s1] =	stream.indirect.scatter.add.f32 [tilespmem:s16], [sflag:$0x1], $0x20, s15, s17, $0xb8;
	[tilespmem:$0x1A080] =	vst v63  }
0x58: {  	s20 =	simm.s32 $0x10;
	_ =	swait.ge [sflag:s14], $0x1000  }
0x59: {  	s21 =	simm.s32 $0x20;
	s19 =	sadd.s32 $0x200, s11;
	[sflag:s14] =	ssyncset.done $0x0  }
.LBB2_6:
0x5a: {  	s22 =	sadd.s32 s20, s8  }
0x5b: {  	[sflag:s14] =	ssyncadd.s32 $0xFFFFF000;
	s20 =	smov.u32 s21;
	s23 =	sadd.s32 $0x10, s21  }
0x5c: {  	[tilespmem:s15], [sflag:$0x1] =	stream.linear.gather [hbm4b:s22+s3], $0x80, $0x38;
	[tilespmem:$0x1A080] =	vst v63  }
0x5d: {  	p0 =	sne.s32 s21, $0x1870;
	_ =	swait.ge [sflag:s14], $0x80  }
0x5e: {  	[sflag:s14] =	ssyncset.done $0x0  }
0x5f: {  	[sflag:s14] =	ssyncadd.s32 $0xFFFFFF80  }
0x60: {  	[tilespmem:s16], [sflag:$0x1] =	stream.linear.gather [hbm4b:s19+s3], $0x1000, $0x38;
	[tilespmem:$0x1A080] =	vst v63  }
0x61: {  	_ =	swait.ge [sflag:s14], $0x1000  }
.Ltmp2:
0x62: {  	[sflag:s14] =	ssyncset.done $0x0;
	(pc) =	sbr.rel @p0 .LBB2_6-.Ltmp2, $4  }
0x63: {  	[sflag:s14] =	ssyncadd.s32 $0xFFFFF000  }
0x64: {  	[spmem:s1] =	stream.indirect.scatter.add.f32 [tilespmem:s16], [sflag:$0x1], $0x20, s15, s17, $0xb8;
	[tilespmem:$0x1A080] =	vst v63  }
0x65: {  	_ =	swait.ge [sflag:s14], $0x1000  }
0x66: {  	s21 =	smov.u32 s23;
	s19 =	sadd.s32 $0x200, s19;
	[sflag:s14] =	ssyncset.done $0x0  }
0x67: {  	s20 =	sadd.s32 s20, s8;
	[sflag:s14] =	ssyncadd.s32 $0xFFFFF000  }
0x68: {  	[tilespmem:s15], [sflag:$0x1] =	stream.linear.gather [hbm4b:s20+s3], $0x80, $0x38;
	[tilespmem:$0x1A080] =	vst v63  }
0x69: {  	_ =	swait.ge [sflag:s14], $0x80  }
0x6a: {  	[sflag:s14] =	ssyncset.done $0x0  }
0x6b: {  	[sflag:s14] =	ssyncadd.s32 $0xFFFFFF80  }
0x6c: {  	[tilespmem:s16], [sflag:$0x1] =	stream.linear.gather [hbm4b:s19+s3], $0x1000, $0x38;
	[tilespmem:$0x1A080] =	vst v63  }
0x6d: {  	_ =	swait.ge [sflag:s14], $0x1000  }
0x6e: {  	[sflag:s14] =	ssyncset.done $0x0  }
0x6f: {  	[sflag:s14] =	ssyncadd.s32 $0xFFFFF000  }
0x70: {  	[spmem:s1] =	stream.indirect.scatter.add.f32 [tilespmem:s16], [sflag:$0x1], $0x20, s15, s17, $0xb8;
	[tilespmem:$0x1A080] =	vst v63  }
0x71: {  	_ =	swait.ge [sflag:s14], $0x1000  }
0x72: {  	[sflag:s14] =	ssyncset.done $0x0  }
0x73: {  	[sflag:s14] =	ssyncadd.s32 $0xFFFFF000  }
0x74: {  	s31 =	sadd.s32 $0x0, s12;
	[bflag:$0x0] =	sbarrier.arrive $0xFFFF  }
0x75: {  	[hbm:s31], [sflag:s6] =	dma.local [spmem:s13], $0x200  }
0x76: {  	_ =	swait.ge [sflag:s14], $0x200  }
0x77: {  	s20 =	sadd.s32 $0x1000, s5;
	s19 =	simm.s32 $0x200;
	[sflag:s14] =	ssyncset.done $0x0  }
.LBB2_8:
0x78: {  	s21 =	sadd.s32 s19, s12  }
0x79: {  	s22 =	sshrl.u32 s20, $0x3;
	[sflag:s14] =	ssyncadd.s32 $0xFFFFFE00;
	p0 =	sne.s32 s19, $0x3000  }
0x7a: {  	[hbm:s21], [sflag:s6] =	dma.local [spmem:s22], $0x200  }
.Ltmp3:
0x7b: {  	_ = 	snop;
	(pc) =	sbr.rel @p0 .LBB2_8-.Ltmp3, $4  }
0x7c: {  	_ = 	snop  }
0x7d: {  	s19 =	sadd.s32 $0x200, s19  }
0x7e: {  	_ =	swait.ge [sflag:s14], $0x200  }
0x7f: {  	s20 =	sadd.s32 $0x1000, s20;
	[sflag:s14] =	ssyncset.done $0x0  }
0x80: {  	s18 =	sadd.s32 $0x1, s18  }
0x81: {  	p0 =	sne.s32 s18, s7  }
.Ltmp4:
0x82: {  	_ = 	snop;
	(pc) =	sbr.rel @p0 .LBB2_1-.Ltmp4, $3  }
0x83: {  	_ = 	snop  }
0x84: {  	[sflag:s14] =	ssyncadd.s32 $0xFFFFFE00  }
0x85: {  	[bflag:$0x0] =	sbarrier.arrive $0xFFFF;
	_ =	sdelay $0x1  }
0x86: {  	_ =	sfence.sel $0x180000  }
0x87: {  	[bflag:$0x0] =	sbarrier.arrive $0xFFFF  }
0x88: {  	p0 =	sne.s32 s2, $0x0;
	_ =	strace $0x9000004A  }
0x89: {  	s0 =	sadd.s32 @!p0 $0x100000, s0;
	[bflag:$0x2] =	sbarrier.arrive $0xFFFF  }
0x8a: {  	[sflag:s0] =	ssyncadd.tile.s32 @!p0 $0x1;
	_ =	shalt  }
.Lfunc_end2:
_tile_overlayer_lowered:
.L_overlay_start_2:
0x8b: {  	(tag) =	ssettag $0x2  }
0x8c: {  	s0 =	rddreg [dreg:$0x0];
	s2 =	stileid.u32  }
0x8d: {  	s1 =	rddreg [dreg:$0x1];
	p0 =	sne.s32 s2, $0x0  }
0x8e: {  	s3 =	rddreg [dreg:$0x2];
	[bflag:$0x3] =	sbarrier.arrive $0xFFFF;
	s2 =	simm.s32 @!p0 $0x1C01  }
0x8f: {  	[timem:s3], [sflag:s2] =	dma.local @!p0 [hbm:s0], s1  }
0x90: {  	s0 =	simm.s32 @!p0 $0x1  }
0x91: {  	_ =	swait.ge @!p0 [sflag:s0], s1  }
0x92: {  	s1 =	ssub.s32 @!p0 $0x0, s1;
	[sflag:s0] =	ssyncset.done @!p0 $0x0  }
0x93: {  	[sflag:s0] =	ssyncadd.s32 @!p0 s1  }
0x94: {  	[bflag:$0x3] =	sbarrier.arrive $0xFFFF  }
0x95: {  	_ =	shalt  }

// kernel: kernel.31.cloned.1.call-start
scs
__scs_entry_jumppad:
0x0: {  	(pc) =	sbr.rel $0x88, $3  }
0x1: {  	(tag) =	ssettag $0x0;
	lr =	simm.s32 $0x1  }
0x2: {  	[smem:$0x3F77] =	sst lr;
	_ =	strace $0xD0000000  }
0x3: {  	_ = 	snop  }
0x4: {  	_ = 	snop  }
0x5: {  	_ = 	snop  }
0x6: {  	_ = 	snop  }
0x7: {  	_ = 	snop  }
__scs_overlays_trampoline_lowered:
0x8: {  	[smem:$0x3F86] =	sst s0  }
0x9: {  	[smem:$0x3F87] =	sst s1  }
0xa: {  	[smem:$0x3F88] =	sst s2  }
0xb: {  	[smem:$0x3F89] =	sst s3  }
0xc: {  	[smem:$0x3F8A] =	sst s4  }
0xd: {  	[smem:$0x3F8B] =	sst s5  }
0xe: {  	[smem:$0x3F8C] =	sst s6  }
0xf: {  	[smem:$0x3F8D] =	sst s7  }
0x10: {  	[smem:$0x3F8E] =	sst s8  }
0x11: {  	[smem:$0x3F8F] =	sst s9;
	s0 =	simm.s32 @!p0 $0x0  }
0x12: {  	s1 =	sld [smem:$0x3F75];
	s0 =	simm.s32 @p0 $0x1  }
0x13: {  	[smem:$0x3F90] =	sst s0;
	s0 =	simm.s32 @!p1 $0x0  }
0x14: {  	s2 =	sld [smem:$0x3F74];
	s0 =	simm.s32 @p1 $0x1  }
0x15: {  	[smem:$0x3F91] =	sst s0;
	s0 =	simm.s32 @!p2 $0x0  }
0x16: {  	s3 =	sld [smem:$0x3FDB];
	s0 =	simm.s32 @p2 $0x1  }
0x17: {  	s4 =	simm.s32 $0x1BF5;
	[smem:$0x3F93] =	sst s0  }
0x18: {  	s0 =	sld [smem:$0x3F76];
	_ =	swait.ge [sflag:s4], $0x0  }
0x19: {  	s7 =	sld [smem:$0x3F77]  }
0x1a: {  	s8 =	sadd.s32 $0xFFFFE003, lr  }
0x1b: {  	s9 =	sadd.s32 $0xFFFFFEF7, lr;
	s5 =	simm.s32 $0xFFFFFFFF;
	p2 =	slt.u32 s8, $0xFFFFF086  }
0x1c: {  	p1 =	slt.u32 s9, $0xF7A;
	s5 =	simm.s32 @!p2 $0x0  }
0x1d: {  	s5 =	simm.s32 @p1 $0x1;
	p0 =	seq.s32 s7, s2  }
0x1e: {  	s7 =	smul.u32 @!p0 $0xF7A, s2;
	p2 =	seq.s32 @!p0 s5, $0x0  }
0x1f: {  	s9 =	smul.u32 $0xF7A, s1;
	s8 =	simm.s32 @!p0 $0x1BF5;
	p2 =	por !p2, p0  }
0x20: {  	[sflag:s8] =	ssyncset.s32 @!p0 $0xFFFFF086;
	s6 =	sadd.s32 @!p0 s3, s7;
	s7 =	simm.s32 @!p0 $0x108  }
0x21: {  	s3 =	sadd.s32 s3, s9;
	s6 =	sadd.s32 @!p0 $0x88, s6;
	s7 =	simm.s32 @p2 $0x1082  }
0x22: {  	[simem:s7], [sflag:s8] =	dma.local @!p0 [hbm:s6], $0xF7A  }
0x23: {  	s9 =	sor.u32 $0xD0000000, s2;
	s6 =	simm.s32 $0x108;
	_ =	swait.ge @!p0 [sflag:s8], $0x0  }
0x24: {  	s3 =	sadd.s32 $0x88, s3;
	s6 =	simm.s32 @!p1 $0x1082;
	[sflag:s4] =	ssyncset.s32 $0xFFFFF086  }
0x25: {  	[simem:s6], [sflag:s4] =	dma.local [hbm:s3], $0xF7A  }
0x26: {  	[smem:$0x3F77] =	sst s1;
	(tag) =	ssettag s2;
	_ =	strace s9  }
0x27: {  	s1 =	sld [smem:$0x3F87]  }
0x28: {  	s2 =	sld [smem:$0x3F88]  }
0x29: {  	s4 =	sld [smem:$0x3F8A]  }
0x2a: {  	p0 =	seq.s32 s5, $0x0;
	s5 =	sld [smem:$0x3F8B]  }
0x2b: {  	s6 =	sld [smem:$0x3F8C]  }
0x2c: {  	s7 =	sld [smem:$0x3F8D]  }
0x2d: {  	s3 =	simm.s32 $0x108;
	s8 =	sld [smem:$0x3F8E]  }
0x2e: {  	s3 =	simm.s32 @!p0 $0x1082;
	s9 =	sld [smem:$0x3F8F]  }
0x2f: {  	lr =	sadd.s32 s0, s3;
	s0 =	sld [smem:$0x3F86]  }
0x30: {  	s3 =	sld [smem:$0x3F89]  }
0x31: {  	[smem:$0x3F92] =	sst s10  }
0x32: {  	s10 =	sld [smem:$0x3F90];
	_ =	sdelay $0x3  }
0x33: {  	p0 =	seq.s32 s10, $0x1;
	s10 =	sld [smem:$0x3F92];
	_ =	sdelay $0x3  }
0x34: {  	[smem:$0x3F92] =	sst s10  }
0x35: {  	s10 =	sld [smem:$0x3F91];
	_ =	sdelay $0x3  }
0x36: {  	p1 =	seq.s32 s10, $0x1;
	s10 =	sld [smem:$0x3F92];
	_ =	sdelay $0x3  }
0x37: {  	[smem:$0x3F92] =	sst s10  }
0x38: {  	s10 =	sld [smem:$0x3F93]  }
0x39: {  	_ = 	snop;
	(pc) =	sbr.ind lr, $3  }
0x3a: {  	_ = 	snop  }
0x3b: {  	_ = 	snop  }
0x3c: {  	p2 =	seq.s32 s10, $0x1;
	s10 =	sld [smem:$0x3F92]  }
0x3d: {  	_ =	shalt  }
0x3e: {  	_ =	shalt  }
0x3f: {  	_ =	shalt  }
0x40: {  	_ =	shalt  }
0x41: {  	_ =	shalt  }
0x42: {  	_ =	shalt  }
0x43: {  	_ =	shalt  }
0x44: {  	_ =	shalt  }
0x45: {  	_ =	shalt  }
0x46: {  	_ =	shalt  }
0x47: {  	_ =	shalt  }
0x48: {  	_ =	shalt  }
0x49: {  	_ =	shalt  }
0x4a: {  	_ =	shalt  }
0x4b: {  	_ =	shalt  }
0x4c: {  	_ =	shalt  }
0x4d: {  	_ =	shalt  }
0x4e: {  	_ =	shalt  }
0x4f: {  	_ =	shalt  }
0x50: {  	_ =	shalt  }
0x51: {  	_ =	shalt  }
0x52: {  	_ =	shalt  }
0x53: {  	_ =	shalt  }
0x54: {  	_ =	shalt  }
0x55: {  	_ =	shalt  }
0x56: {  	_ =	shalt  }
0x57: {  	_ =	shalt  }
0x58: {  	_ =	shalt  }
0x59: {  	_ =	shalt  }
0x5a: {  	_ =	shalt  }
0x5b: {  	_ =	shalt  }
0x5c: {  	_ =	shalt  }
0x5d: {  	_ =	shalt  }
0x5e: {  	_ =	shalt  }
0x5f: {  	_ =	shalt  }
0x60: {  	_ =	shalt  }
0x61: {  	_ =	shalt  }
0x62: {  	_ =	shalt  }
0x63: {  	_ =	shalt  }
0x64: {  	_ =	shalt  }
0x65: {  	_ =	shalt  }
0x66: {  	_ =	shalt  }
0x67: {  	_ =	shalt  }
0x68: {  	_ =	shalt  }
0x69: {  	_ =	shalt  }
0x6a: {  	_ =	shalt  }
0x6b: {  	_ =	shalt  }
0x6c: {  	_ =	shalt  }
0x6d: {  	_ =	shalt  }
0x6e: {  	_ =	shalt  }
0x6f: {  	_ =	shalt  }
0x70: {  	_ =	shalt  }
0x71: {  	_ =	shalt  }
0x72: {  	_ =	shalt  }
0x73: {  	_ =	shalt  }
0x74: {  	_ =	shalt  }
0x75: {  	_ =	shalt  }
0x76: {  	_ =	shalt  }
0x77: {  	_ =	shalt  }
0x78: {  	_ =	shalt  }
0x79: {  	_ =	shalt  }
0x7a: {  	_ =	shalt  }
0x7b: {  	_ =	shalt  }
0x7c: {  	_ =	shalt  }
0x7d: {  	_ =	shalt  }
0x7e: {  	_ =	shalt  }
0x7f: {  	_ =	shalt  }
0x80: {  	_ =	shalt  }
0x81: {  	_ =	shalt  }
0x82: {  	_ =	shalt  }
0x83: {  	_ =	shalt  }
0x84: {  	_ =	shalt  }
0x85: {  	_ =	shalt  }
0x86: {  	_ =	shalt  }
0x87: {  	_ =	shalt  }
.Lfunc_end0:
.L_simem_size_0:
called_computation.2_lowered:
.L_overlay_start_0:
0x88: {  	s2 =	sld [smem:$0x3FD9]  }
0x89: {  	s3 =	sld [smem:$0x3FFE];
	_ =	sdelay $0x1  }
0x8a: {  	s1 =	srdreg.scid  }
0x8b: {  	s0 =	sand.u32 $0x1, s1  }
0x8c: {  	s17 =	sshll.u32 s0, $0xA;
	s2 =	sadd.s32 s3, s2  }
0x8d: {  	s2 =	sadd.s32 s2, s17  }
0x8e: {  	[smem:$0x3F9E] =	sst s2  }
0x8f: {  	_ = 	snop  }
0x90: {  	(tm) =	ssettm $0x1  }
0x91: {  	s18 =	sld [smem:$0x3FFB];
	_ =	sdelay $0x3  }
0x92: {  	_ =	strace s18  }
0x93: {  	s2 =	sld [smem:$0x3FFC];
	_ =	sdelay $0x3  }
0x94: {  	_ =	strace s2  }
0x95: {  	s2 =	sld [smem:$0x3FFD];
	_ =	sdelay $0x3  }
0x96: {  	_ =	strace s2  }
0x97: {  	_ =	strace $0x8FFFFFFF  }
0x98: {  	s19 =	sld [smem:$0x3FDB];
	_ =	sdelay $0x1  }
0x99: {  	s20 =	simm.s32 $_scs_section_size  }
0x9a: {  	s4 =	simm.s32 $_size__tile_overlayer_lowered;
	s5 =	simm.s32 $_tile_overlayer_lowered  }
0x9b: {  	s6 =	simm.s32 $0x1BFF;
	s21 =	sshll.u32 s5, $0x1;
	s3 =	sadd.s32 s20, s19  }
0x9c: {  	s22 =	simm.s32 $0x0;
	s4 =	sshll.u32 s4, $0x1;
	s5 =	sadd.s32 s21, s3  }
0x9d: {  	[timem:s22], [sflag:s6] =	dma.local [hbm:s5], s4  }
0x9e: {  	_ =	swait.ge [sflag:s6], s4  }
0x9f: {  	s4 =	ssub.s32 $0x0, s4;
	[sflag:s6] =	ssyncset.done $0x0  }
0xa0: {  	[sflag:s6] =	ssyncadd.s32 s4;
	_ =	sdelay $0x1  }
0xa1: {  	s23 =	simm.s32 $0x1B8B  }
0xa2: {  	_ =	swait.ge [sflag:s23], $0x1  }
0xa3: {  	[sflag:s23] =	ssyncset.done $0x0  }
0xa4: {  	[sflag:s23] =	ssyncadd.s32 $0xFFFFFFFF  }
0xa5: {  	s4 =	sld [smem:$0x0]  }
0xa6: {  	s5 =	sand.u32 $0xFFFFFFFE, s1  }
0xa7: {  	p0 =	sne.s32 s1, s5  }
0xa8: {  	s5 =	sshll.u32 @p0 s5, $0xE  }
0xa9: {  	s5 =	sadd.s32 @p0 $0x11B8D, s5;
	s6 =	sshll.u32 @p0 s4, $0x11  }
0xaa: {  	s5 =	sor.u32 @p0 s6, s5  }
0xab: {  	[sflag:s5] =	ssyncadd.remote.s32 @p0 $0x1;
	_ =	sdelay $0x1  }
0xac: {  	s5 =	simm.s32 @p0 $0x1B8D  }
0xad: {  	_ =	swait.eq @p0 [sflag:s5], $0x1  }
0xae: {  	[sflag:s5] =	ssyncadd.s32 @p0 $0xFFFFFFFF  }
0xaf: {  	s6 =	sshll.u32 @!p0 s1, $0xE  }
0xb0: {  	s6 =	sor.u32 @!p0 $0x4000, s6;
	s5 =	simm.s32 @!p0 $0x1B8D  }
0xb1: {  	s4 =	sshll.u32 @!p0 s4, $0x11;
	s6 =	sadd.s32 @!p0 $0x11B8D, s6;
	_ =	swait.eq @!p0 [sflag:s5], $0x1  }
0xb2: {  	s4 =	sor.u32 @!p0 s4, s6;
	[sflag:s5] =	ssyncadd.s32 @!p0 $0xFFFFFFFF  }
0xb3: {  	s25 =	simm.s32 $0x1B8E;
	s24 =	sld [smem:$0x3FFE];
	[sflag:s4] =	ssyncadd.remote.s32 @!p0 $0x1  }
0xb4: {  	s26 =	simm.s32 $execute0_lowered;
	[smem:$0x3FD2] =	sst s25  }
0xb5: {  	s5 =	sshll.u32 s26, $0x1;
	_ =	strace $0x8000004C;
	[dreg:$0x1] =	wrdreg $0xFFFFFFFF  }
0xb6: {  	s28 =	simm.s32 $_size_execute0_lowered;
	s3 =	sadd.s32 s3, s5;
	[dreg:$0x0] =	wrdreg $0x0  }
0xb7: {  	s5 =	sshll.u32 s28, $0x1;
	[dreg:$0x2] =	wrdreg s3  }
0xb8: {  	[dreg:$0x3] =	wrdreg s5  }
0xb9: {  	[dreg:$0x4] =	wrdreg $0xC0  }
0xba: {  	_ =	task [dreg:s22], $0x5FFFF  }
0xbb: {  	[dreg:$0x1] =	wrdreg $0xFFFFFFFF  }
0xbc: {  	[dreg:$0x0] =	wrdreg $0x60  }
0xbd: {  	[dreg:$0x2] =	wrdreg s24  }
0xbe: {  	[dreg:$0x3] =	wrdreg $0x0  }
0xbf: {  	[dreg:$0x4] =	wrdreg $0xA  }
0xc0: {  	_ =	task.clear_ibuf [dreg:s22], $0x5FFFF;
	_ =	strace $0x9000004C  }
0xc1: {  	s29 =	simm.s32 $0xA;
	_ =	strace $0x8000004E  }
0xc2: {  	_ =	swait.ge [sflag:s29], $0x1  }
0xc3: {  	[sflag:s29] =	ssyncadd.s32 $0xFFFFFFFF  }
0xc4: {  	_ =	strace $0x9000004E  }
0xc5: {  	_ =	sfence  }
0xc6: {  	s30 =	sld [smem:$0x0];
	_ =	sdelay $0x2  }
0xc7: {  	s31 =	sshll.u32 s1, $0xD;
	s1 =	sshrl.u32 s1, $0x2  }
0xc8: {  	s4 =	sand.u32 $0x4000, s31;
	s1 =	sadd.s32 s1, s30  }
0xc9: {  	s0 =	sor.u32 s4, s0;
	s1 =	sshll.u32 s1, $0x11  }
0xca: {  	s0 =	sor.u32 s1, s0  }
0xcb: {  	s0 =	sadd.s32 $0x8F2B, s0  }
0xcc: {  	[sflag:s0] =	ssyncadd.remote.s32 $0x1  }
0xcd: {  	_ =	sfence.sel $0xFFFF  }
0xce: {  	[dreg:$0x0] =	wrdreg $0xFFFFFFFF;
	(pc) =	sbr.abs _section_cstart, $3  }
0xcf: {  	[dreg:$0x1] =	wrdreg $0xFFFFFFFF  }
0xd0: {  	_ =	task.clear_ibuf [dreg:s22], $0x2FFFF;
	_ =	strace $0x9FFFFFFF  }
0xd1: {  	(tm) =	ssettm $0x7FFFFFFF  }
tec
execute0_lowered:
.L_overlay_start_1:
0x0: {  	(tag) =	ssettag $0x1  }
0x1: {  	s0 =	srdreg.scid  }
0x2: {  	s6 =	sand.u32 $0x1, s0  }
0x3: {  	s0 =	stileid.u32;
	s4 =	smul.u32 $0x62000, s6  }
0x4: {  	s5 =	rddreg [dreg:$0x0];
	s7 =	smul.u32 $0x6200, s0  }
0x5: {  	s2 =	rddreg [dreg:$0x1];
	s8 =	smul.u32 $0xC4000, s6  }
0x6: {  	s1 =	rddreg [dreg:$0x2];
	s3 =	simm.s32 $0x0;
	s26 =	smul.u32 $0x19000, s6  }
0x7: {  	s15 =	simm.s32 $0x80;
	[smem:$0x7FF] =	sst s3;
	s10 =	smul.u32 $0x32000, s0  }
0x8: {  	s16 =	simm.s32 $0x0;
	_ =	strace $0x8000004D;
	s12 =	smul.u32 $0xC400, s0  }
0x9: {  	s6 =	ssub.s32 $0x2, s6;
	s30 =	sshll.u32 s0, $0x6;
	s13 =	smul.u32 $0x1900, s0  }
0xa: {  	s28 =	sshrl.u32 s6, $0x1;
	s4 =	sadd.s32 s7, s4;
	s8 =	sadd.s32 s8, s5  }
0xb: {  	s11 =	sadd.s32 s26, s5;
	s29 =	sshrl.u32 s10, $0x2;
	s14 =	ssub.s32 s6, s28  }
0xc: {  	s6 =	sor.u32 $0x1C01, s30;
	s4 =	sshrl.u32 s4, $0x3;
	s7 =	smax.u32 s14, $0x1  }
0xd: {  	s8 =	sadd.s32 s12, s8;
	s31 =	sadd.s32 s13, s11;
	s12 =	simm.s32 $0x1  }
0xe: {  	s13 =	simm.s32 $0xC800;
	s14 =	simm.s32 $0xC880;
	s9 =	sadd.s32 s4, s5  }
0xf: {  	s4 =	sadd.s32 $0xD000, s5;
	s5 =	sadd.s32 s29, s2;
	s8 =	sadd.s32 $0x107BE00, s8  }
0x10: {  	s10 =	sadd.s32 $0xEA00, s31;
	s9 =	sadd.s32 $0xD1E00, s9;
	s11 =	sshrl.u32 s5, $0x3  }
.LBB2_1:
0x11: {  	[spmem:s11], [sflag:s6] =	dma.local [hbm:s4], $0x1900  }
0x12: {  	_ =	swait.ge [sflag:s12], $0x1900  }
0x13: {  	[sflag:s12] =	ssyncset.done $0x0  }
0x14: {  	[sflag:s12] =	ssyncadd.s32 $0xFFFFE700  }
0x15: {  	s17 =	sadd.s32 $0x0, s9;
	[bflag:$0x0] =	sbarrier.arrive $0xFFFF  }
0x16: {  	[tilespmem:s13], [sflag:$0x1] =	stream.linear.gather [hbm4b:s17+s3], $0x80, $0x38;
	[tilespmem:$0xD080] =	vst v63  }
0x17: {  	_ =	swait.ge [sflag:s12], $0x80  }
0x18: {  	[sflag:s12] =	ssyncset.done $0x0  }
0x19: {  	[sflag:s12] =	ssyncadd.s32 $0xFFFFFF80  }
0x1a: {  	[tilespmem:s14], [sflag:$0x1] =	stream.linear.gather [hbm4b:s8+s3], $0x800, $0x38;
	[tilespmem:$0xD080] =	vst v63  }
0x1b: {  	_ =	swait.ge [sflag:s12], $0x800  }
0x1c: {  	[sflag:s12] =	ssyncset.done $0x0  }
0x1d: {  	[sflag:s12] =	ssyncadd.s32 $0xFFFFF800  }
0x1e: {  	[spmem:s2] =	stream.indirect.scatter.add.f32 [tilespmem:s14], [sflag:$0x1], $0x10, s13, s15, $0xb8;
	[tilespmem:$0xD080] =	vst v63  }
0x1f: {  	s18 =	simm.s32 $0x10;
	_ =	swait.ge [sflag:s12], $0x800  }
0x20: {  	s19 =	simm.s32 $0x20;
	s17 =	sadd.s32 $0x100, s8;
	[sflag:s12] =	ssyncset.done $0x0  }
.LBB2_2:
0x21: {  	s20 =	sadd.s32 s18, s9  }
0x22: {  	[sflag:s12] =	ssyncadd.s32 $0xFFFFF800;
	s18 =	smov.u32 s19;
	s21 =	sadd.s32 $0x10, s19  }
0x23: {  	[tilespmem:s13], [sflag:$0x1] =	stream.linear.gather [hbm4b:s20+s3], $0x80, $0x38;
	[tilespmem:$0xD080] =	vst v63  }
0x24: {  	p0 =	sne.s32 s19, $0xC30;
	_ =	swait.ge [sflag:s12], $0x80  }
0x25: {  	[sflag:s12] =	ssyncset.done $0x0  }
0x26: {  	[sflag:s12] =	ssyncadd.s32 $0xFFFFFF80  }
0x27: {  	[tilespmem:s14], [sflag:$0x1] =	stream.linear.gather [hbm4b:s17+s3], $0x800, $0x38;
	[tilespmem:$0xD080] =	vst v63  }
0x28: {  	_ =	swait.ge [sflag:s12], $0x800  }
.Ltmp0:
0x29: {  	[sflag:s12] =	ssyncset.done $0x0;
	(pc) =	sbr.rel @p0 .LBB2_2-.Ltmp0, $4  }
0x2a: {  	[sflag:s12] =	ssyncadd.s32 $0xFFFFF800  }
0x2b: {  	[spmem:s2] =	stream.indirect.scatter.add.f32 [tilespmem:s14], [sflag:$0x1], $0x10, s13, s15, $0xb8;
	[tilespmem:$0xD080] =	vst v63  }
0x2c: {  	_ =	swait.ge [sflag:s12], $0x800  }
0x2d: {  	s19 =	smov.u32 s21;
	s17 =	sadd.s32 $0x100, s17;
	[sflag:s12] =	ssyncset.done $0x0  }
0x2e: {  	s18 =	sadd.s32 s18, s9;
	[sflag:s12] =	ssyncadd.s32 $0xFFFFF800  }
0x2f: {  	[tilespmem:s13], [sflag:$0x1] =	stream.linear.gather [hbm4b:s18+s3], $0x80, $0x38;
	[tilespmem:$0xD080] =	vst v63  }
0x30: {  	_ =	swait.ge [sflag:s12], $0x80  }
0x31: {  	[sflag:s12] =	ssyncset.done $0x0  }
0x32: {  	[sflag:s12] =	ssyncadd.s32 $0xFFFFFF80  }
0x33: {  	[tilespmem:s14], [sflag:$0x1] =	stream.linear.gather [hbm4b:s17+s3], $0x800, $0x38;
	[tilespmem:$0xD080] =	vst v63  }
0x34: {  	_ =	swait.ge [sflag:s12], $0x800  }
0x35: {  	[sflag:s12] =	ssyncset.done $0x0  }
0x36: {  	[sflag:s12] =	ssyncadd.s32 $0xFFFFF800  }
0x37: {  	[spmem:s2] =	stream.indirect.scatter.add.f32 [tilespmem:s14], [sflag:$0x1], $0x10, s13, s15, $0xb8;
	[tilespmem:$0xD080] =	vst v63  }
0x38: {  	_ =	swait.ge [sflag:s12], $0x800  }
0x39: {  	[sflag:s12] =	ssyncset.done $0x0  }
0x3a: {  	[sflag:s12] =	ssyncadd.s32 $0xFFFFF800  }
0x3b: {  	s31 =	sadd.s32 $0x0, s10;
	[bflag:$0x0] =	sbarrier.arrive $0xFFFF  }
0x3c: {  	[hbm:s31], [sflag:s6] =	dma.local [spmem:s11], $0x100  }
0x3d: {  	_ =	swait.ge [sflag:s12], $0x100  }
0x3e: {  	s18 =	sadd.s32 $0x800, s5;
	s17 =	simm.s32 $0x100;
	[sflag:s12] =	ssyncset.done $0x0  }
.LBB2_4:
0x3f: {  	s19 =	sadd.s32 s17, s10  }
0x40: {  	s20 =	sshrl.u32 s18, $0x3;
	[sflag:s12] =	ssyncadd.s32 $0xFFFFFF00;
	p0 =	sne.s32 s17, $0x1800  }
0x41: {  	[hbm:s19], [sflag:s6] =	dma.local [spmem:s20], $0x100  }
.Ltmp1:
0x42: {  	_ = 	snop;
	(pc) =	sbr.rel @p0 .LBB2_4-.Ltmp1, $4  }
0x43: {  	_ = 	snop  }
0x44: {  	s17 =	sadd.s32 $0x100, s17  }
0x45: {  	_ =	swait.ge [sflag:s12], $0x100  }
0x46: {  	s18 =	sadd.s32 $0x800, s18;
	[sflag:s12] =	ssyncset.done $0x0  }
0x47: {  	s16 =	sadd.s32 $0x1, s16  }
0x48: {  	p0 =	sne.s32 s16, s7  }
.Ltmp2:
0x49: {  	_ = 	snop;
	(pc) =	sbr.rel @p0 .LBB2_1-.Ltmp2, $2  }
0x4a: {  	_ =	sdelay $0x2  }
0x4b: {  	[sflag:s12] =	ssyncadd.s32 $0xFFFFFF00  }
0x4c: {  	_ =	sfence.sel $0x180000  }
0x4d: {  	[bflag:$0x0] =	sbarrier.arrive $0xFFFF  }
0x4e: {  	p0 =	sne.s32 s0, $0x0;
	_ =	strace $0x9000004D  }
0x4f: {  	s0 =	sadd.s32 @!p0 $0x100000, s1;
	[bflag:$0x2] =	sbarrier.arrive $0xFFFF  }
0x50: {  	[sflag:s0] =	ssyncadd.tile.s32 @!p0 $0x1;
	_ =	shalt  }
.Lfunc_end2:
_tile_overlayer_lowered:
.L_overlay_start_2:
0x51: {  	(tag) =	ssettag $0x2  }
0x52: {  	s0 =	rddreg [dreg:$0x0];
	s2 =	stileid.u32  }
0x53: {  	s1 =	rddreg [dreg:$0x1];
	p0 =	sne.s32 s2, $0x0  }
0x54: {  	s3 =	rddreg [dreg:$0x2];
	[bflag:$0x3] =	sbarrier.arrive $0xFFFF;
	s2 =	simm.s32 @!p0 $0x1C01  }
0x55: {  	[timem:s3], [sflag:s2] =	dma.local @!p0 [hbm:s0], s1  }
0x56: {  	s0 =	simm.s32 @!p0 $0x1  }
0x57: {  	_ =	swait.ge @!p0 [sflag:s0], s1  }
0x58: {  	s1 =	ssub.s32 @!p0 $0x0, s1;
	[sflag:s0] =	ssyncset.done @!p0 $0x0  }
0x59: {  	[sflag:s0] =	ssyncadd.s32 @!p0 s1  }
0x5a: {  	[bflag:$0x3] =	sbarrier.arrive $0xFFFF  }
0x5b: {  	_ =	shalt  }

// kernel: kernel.34.cloned.1.call-start
scs
__scs_entry_jumppad:
0x0: {  	(pc) =	sbr.rel $0x88, $3  }
0x1: {  	(tag) =	ssettag $0x0;
	lr =	simm.s32 $0x1  }
0x2: {  	[smem:$0x3F77] =	sst lr;
	_ =	strace $0xD0000000  }
0x3: {  	_ = 	snop  }
0x4: {  	_ = 	snop  }
0x5: {  	_ = 	snop  }
0x6: {  	_ = 	snop  }
0x7: {  	_ = 	snop  }
__scs_overlays_trampoline_lowered:
0x8: {  	[smem:$0x3F86] =	sst s0  }
0x9: {  	[smem:$0x3F87] =	sst s1  }
0xa: {  	[smem:$0x3F88] =	sst s2  }
0xb: {  	[smem:$0x3F89] =	sst s3  }
0xc: {  	[smem:$0x3F8A] =	sst s4  }
0xd: {  	[smem:$0x3F8B] =	sst s5  }
0xe: {  	[smem:$0x3F8C] =	sst s6  }
0xf: {  	[smem:$0x3F8D] =	sst s7  }
0x10: {  	[smem:$0x3F8E] =	sst s8  }
0x11: {  	[smem:$0x3F8F] =	sst s9;
	s0 =	simm.s32 @!p0 $0x0  }
0x12: {  	s1 =	sld [smem:$0x3F75];
	s0 =	simm.s32 @p0 $0x1  }
0x13: {  	[smem:$0x3F90] =	sst s0;
	s0 =	simm.s32 @!p1 $0x0  }
0x14: {  	s2 =	sld [smem:$0x3F74];
	s0 =	simm.s32 @p1 $0x1  }
0x15: {  	[smem:$0x3F91] =	sst s0;
	s0 =	simm.s32 @!p2 $0x0  }
0x16: {  	s3 =	sld [smem:$0x3FDB];
	s0 =	simm.s32 @p2 $0x1  }
0x17: {  	s4 =	simm.s32 $0x1BF5;
	[smem:$0x3F93] =	sst s0  }
0x18: {  	s0 =	sld [smem:$0x3F76];
	_ =	swait.ge [sflag:s4], $0x0  }
0x19: {  	s7 =	sld [smem:$0x3F77]  }
0x1a: {  	s8 =	sadd.s32 $0xFFFFE003, lr  }
0x1b: {  	s9 =	sadd.s32 $0xFFFFFEF7, lr;
	s5 =	simm.s32 $0xFFFFFFFF;
	p2 =	slt.u32 s8, $0xFFFFF086  }
0x1c: {  	p1 =	slt.u32 s9, $0xF7A;
	s5 =	simm.s32 @!p2 $0x0  }
0x1d: {  	s5 =	simm.s32 @p1 $0x1;
	p0 =	seq.s32 s7, s2  }
0x1e: {  	s7 =	smul.u32 @!p0 $0xF7A, s2;
	p2 =	seq.s32 @!p0 s5, $0x0  }
0x1f: {  	s9 =	smul.u32 $0xF7A, s1;
	s8 =	simm.s32 @!p0 $0x1BF5;
	p2 =	por !p2, p0  }
0x20: {  	[sflag:s8] =	ssyncset.s32 @!p0 $0xFFFFF086;
	s6 =	sadd.s32 @!p0 s3, s7;
	s7 =	simm.s32 @!p0 $0x108  }
0x21: {  	s3 =	sadd.s32 s3, s9;
	s6 =	sadd.s32 @!p0 $0x88, s6;
	s7 =	simm.s32 @p2 $0x1082  }
0x22: {  	[simem:s7], [sflag:s8] =	dma.local @!p0 [hbm:s6], $0xF7A  }
0x23: {  	s9 =	sor.u32 $0xD0000000, s2;
	s6 =	simm.s32 $0x108;
	_ =	swait.ge @!p0 [sflag:s8], $0x0  }
0x24: {  	s3 =	sadd.s32 $0x88, s3;
	s6 =	simm.s32 @!p1 $0x1082;
	[sflag:s4] =	ssyncset.s32 $0xFFFFF086  }
0x25: {  	[simem:s6], [sflag:s4] =	dma.local [hbm:s3], $0xF7A  }
0x26: {  	[smem:$0x3F77] =	sst s1;
	(tag) =	ssettag s2;
	_ =	strace s9  }
0x27: {  	s1 =	sld [smem:$0x3F87]  }
0x28: {  	s2 =	sld [smem:$0x3F88]  }
0x29: {  	s4 =	sld [smem:$0x3F8A]  }
0x2a: {  	p0 =	seq.s32 s5, $0x0;
	s5 =	sld [smem:$0x3F8B]  }
0x2b: {  	s6 =	sld [smem:$0x3F8C]  }
0x2c: {  	s7 =	sld [smem:$0x3F8D]  }
0x2d: {  	s3 =	simm.s32 $0x108;
	s8 =	sld [smem:$0x3F8E]  }
0x2e: {  	s3 =	simm.s32 @!p0 $0x1082;
	s9 =	sld [smem:$0x3F8F]  }
0x2f: {  	lr =	sadd.s32 s0, s3;
	s0 =	sld [smem:$0x3F86]  }
0x30: {  	s3 =	sld [smem:$0x3F89]  }
0x31: {  	[smem:$0x3F92] =	sst s10  }
0x32: {  	s10 =	sld [smem:$0x3F90];
	_ =	sdelay $0x3  }
0x33: {  	p0 =	seq.s32 s10, $0x1;
	s10 =	sld [smem:$0x3F92];
	_ =	sdelay $0x3  }
0x34: {  	[smem:$0x3F92] =	sst s10  }
0x35: {  	s10 =	sld [smem:$0x3F91];
	_ =	sdelay $0x3  }
0x36: {  	p1 =	seq.s32 s10, $0x1;
	s10 =	sld [smem:$0x3F92];
	_ =	sdelay $0x3  }
0x37: {  	[smem:$0x3F92] =	sst s10  }
0x38: {  	s10 =	sld [smem:$0x3F93]  }
0x39: {  	_ = 	snop;
	(pc) =	sbr.ind lr, $3  }
0x3a: {  	_ = 	snop  }
0x3b: {  	_ = 	snop  }
0x3c: {  	p2 =	seq.s32 s10, $0x1;
	s10 =	sld [smem:$0x3F92]  }
0x3d: {  	_ =	shalt  }
0x3e: {  	_ =	shalt  }
0x3f: {  	_ =	shalt  }
0x40: {  	_ =	shalt  }
0x41: {  	_ =	shalt  }
0x42: {  	_ =	shalt  }
0x43: {  	_ =	shalt  }
0x44: {  	_ =	shalt  }
0x45: {  	_ =	shalt  }
0x46: {  	_ =	shalt  }
0x47: {  	_ =	shalt  }
0x48: {  	_ =	shalt  }
0x49: {  	_ =	shalt  }
0x4a: {  	_ =	shalt  }
0x4b: {  	_ =	shalt  }
0x4c: {  	_ =	shalt  }
0x4d: {  	_ =	shalt  }
0x4e: {  	_ =	shalt  }
0x4f: {  	_ =	shalt  }
0x50: {  	_ =	shalt  }
0x51: {  	_ =	shalt  }
0x52: {  	_ =	shalt  }
0x53: {  	_ =	shalt  }
0x54: {  	_ =	shalt  }
0x55: {  	_ =	shalt  }
0x56: {  	_ =	shalt  }
0x57: {  	_ =	shalt  }
0x58: {  	_ =	shalt  }
0x59: {  	_ =	shalt  }
0x5a: {  	_ =	shalt  }
0x5b: {  	_ =	shalt  }
0x5c: {  	_ =	shalt  }
0x5d: {  	_ =	shalt  }
0x5e: {  	_ =	shalt  }
0x5f: {  	_ =	shalt  }
0x60: {  	_ =	shalt  }
0x61: {  	_ =	shalt  }
0x62: {  	_ =	shalt  }
0x63: {  	_ =	shalt  }
0x64: {  	_ =	shalt  }
0x65: {  	_ =	shalt  }
0x66: {  	_ =	shalt  }
0x67: {  	_ =	shalt  }
0x68: {  	_ =	shalt  }
0x69: {  	_ =	shalt  }
0x6a: {  	_ =	shalt  }
0x6b: {  	_ =	shalt  }
0x6c: {  	_ =	shalt  }
0x6d: {  	_ =	shalt  }
0x6e: {  	_ =	shalt  }
0x6f: {  	_ =	shalt  }
0x70: {  	_ =	shalt  }
0x71: {  	_ =	shalt  }
0x72: {  	_ =	shalt  }
0x73: {  	_ =	shalt  }
0x74: {  	_ =	shalt  }
0x75: {  	_ =	shalt  }
0x76: {  	_ =	shalt  }
0x77: {  	_ =	shalt  }
0x78: {  	_ =	shalt  }
0x79: {  	_ =	shalt  }
0x7a: {  	_ =	shalt  }
0x7b: {  	_ =	shalt  }
0x7c: {  	_ =	shalt  }
0x7d: {  	_ =	shalt  }
0x7e: {  	_ =	shalt  }
0x7f: {  	_ =	shalt  }
0x80: {  	_ =	shalt  }
0x81: {  	_ =	shalt  }
0x82: {  	_ =	shalt  }
0x83: {  	_ =	shalt  }
0x84: {  	_ =	shalt  }
0x85: {  	_ =	shalt  }
0x86: {  	_ =	shalt  }
0x87: {  	_ =	shalt  }
.Lfunc_end0:
.L_simem_size_0:
called_computation.3_lowered:
.L_overlay_start_0:
0x88: {  	s2 =	sld [smem:$0x3FD9]  }
0x89: {  	s3 =	sld [smem:$0x3FFE];
	_ =	sdelay $0x1  }
0x8a: {  	s1 =	srdreg.scid  }
0x8b: {  	s0 =	sand.u32 $0x1, s1  }
0x8c: {  	s16 =	sshll.u32 s0, $0xA;
	s2 =	sadd.s32 s3, s2  }
0x8d: {  	s2 =	sadd.s32 s2, s16  }
0x8e: {  	[smem:$0x3F9E] =	sst s2  }
0x8f: {  	_ = 	snop  }
0x90: {  	(tm) =	ssettm $0x1  }
0x91: {  	s17 =	sld [smem:$0x3FFB];
	_ =	sdelay $0x3  }
0x92: {  	_ =	strace s17  }
0x93: {  	s2 =	sld [smem:$0x3FFC];
	_ =	sdelay $0x3  }
0x94: {  	_ =	strace s2  }
0x95: {  	s2 =	sld [smem:$0x3FFD];
	_ =	sdelay $0x3  }
0x96: {  	_ =	strace s2  }
0x97: {  	_ =	strace $0x8FFFFFFF  }
0x98: {  	s18 =	sld [smem:$0x3FDB];
	_ =	sdelay $0x1  }
0x99: {  	s19 =	simm.s32 $_scs_section_size  }
0x9a: {  	s4 =	simm.s32 $_size__tile_overlayer_lowered;
	s5 =	simm.s32 $_tile_overlayer_lowered  }
0x9b: {  	s22 =	simm.s32 $0x1BFF;
	s21 =	sshll.u32 s5, $0x1;
	s2 =	sadd.s32 s19, s18  }
0x9c: {  	s6 =	simm.s32 $0x0;
	s20 =	sshll.u32 s4, $0x1;
	s4 =	sadd.s32 s21, s2  }
0x9d: {  	[timem:s6], [sflag:s22] =	dma.local [hbm:s4], s20  }
0x9e: {  	_ =	swait.ge [sflag:s22], s20  }
0x9f: {  	s3 =	ssub.s32 $0x0, s20;
	[sflag:s22] =	ssyncset.done $0x0  }
0xa0: {  	[sflag:s22] =	ssyncadd.s32 s3;
	_ =	sdelay $0x1  }
0xa1: {  	s23 =	simm.s32 $0x1B8B  }
0xa2: {  	_ =	swait.ge [sflag:s23], $0x1  }
0xa3: {  	[sflag:s23] =	ssyncset.done $0x0  }
0xa4: {  	s25 =	simm.s32 $0x1B8E;
	s24 =	sld [smem:$0x3FFE];
	[sflag:s23] =	ssyncadd.s32 $0xFFFFFFFF  }
0xa5: {  	s26 =	simm.s32 $execute0_lowered;
	[smem:$0x3FD2] =	sst s25  }
0xa6: {  	s4 =	sshll.u32 s26, $0x1;
	_ =	strace $0x8000004F;
	[dreg:$0x1] =	wrdreg $0xFFFFFFFF  }
0xa7: {  	s28 =	simm.s32 $_size_execute0_lowered;
	s2 =	sadd.s32 s2, s4;
	[dreg:$0x0] =	wrdreg $0x0  }
0xa8: {  	s4 =	sshll.u32 s28, $0x1;
	[dreg:$0x2] =	wrdreg s2  }
0xa9: {  	[dreg:$0x3] =	wrdreg s4  }
0xaa: {  	[dreg:$0x4] =	wrdreg $0xC0  }
0xab: {  	_ =	task [dreg:s6], $0x5FFFF  }
0xac: {  	[dreg:$0x1] =	wrdreg $0xFFFFFFFF  }
0xad: {  	[dreg:$0x0] =	wrdreg $0x60  }
0xae: {  	[dreg:$0x2] =	wrdreg s24  }
0xaf: {  	[dreg:$0x3] =	wrdreg $0x9  }
0xb0: {  	_ =	task.clear_ibuf [dreg:s6], $0x4FFFF;
	_ =	strace $0x9000004F  }
0xb1: {  	s29 =	simm.s32 $0x9;
	_ =	strace $0x80000051  }
0xb2: {  	_ =	swait.ge [sflag:s29], $0x1  }
0xb3: {  	[sflag:s29] =	ssyncadd.s32 $0xFFFFFFFF  }
0xb4: {  	_ =	strace $0x90000051  }
0xb5: {  	_ =	sfence  }
0xb6: {  	s30 =	sld [smem:$0x0];
	_ =	sdelay $0x2  }
0xb7: {  	s31 =	sshll.u32 s1, $0xD;
	s1 =	sshrl.u32 s1, $0x2  }
0xb8: {  	s3 =	sand.u32 $0x4000, s31;
	s1 =	sadd.s32 s1, s30  }
0xb9: {  	s0 =	sor.u32 s3, s0;
	s1 =	sshll.u32 s1, $0x11  }
0xba: {  	s0 =	sor.u32 s1, s0  }
0xbb: {  	s0 =	sadd.s32 $0x8F2B, s0  }
0xbc: {  	[sflag:s0] =	ssyncadd.remote.s32 $0x1  }
0xbd: {  	_ =	sfence.sel $0xFFFF  }
0xbe: {  	[dreg:$0x0] =	wrdreg $0xFFFFFFFF;
	(pc) =	sbr.abs _section_cstart, $3  }
0xbf: {  	[dreg:$0x1] =	wrdreg $0xFFFFFFFF  }
0xc0: {  	_ =	task.clear_ibuf [dreg:s6], $0x2FFFF;
	_ =	strace $0x9FFFFFFF  }
0xc1: {  	(tm) =	ssettm $0x7FFFFFFF  }
tec
execute0_lowered:
.L_overlay_start_1:
0x0: {  	(tag) =	ssettag $0x1  }
0x1: {  	s10 =	rddreg [dreg:$0x0]  }
0x2: {  	s0 =	rddreg [dreg:$0x1];
	s1 =	simm.s32 $0x0  }
0x3: {  	s5 =	srdreg.scid;
	s15 =	simm.s32 $0x100;
	s16 =	simm.s32 $0x4100  }
0x4: {  	s17 =	simm.s32 $0x8100;
	s18 =	simm.s32 $0x8900;
	s19 =	simm.s32 $0x1  }
0x5: {  	s20 =	simm.s32 $0x2;
	s21 =	simm.s32 $0x3;
	[smem:$0x7FF] =	sst s1  }
0x6: {  	s22 =	simm.s32 $0x0;
	s2 =	sadd.s32 $0x75BE00, s10;
	s3 =	sadd.s32 $0x823E00, s10  }
0x7: {  	s4 =	sadd.s32 $0xEA00, s10;
	s6 =	sadd.s32 $0xD1E00, s10;
	s7 =	sadd.s32 $0xEA600, s10  }
0x8: {  	s11 =	sand.u32 $0x1, s5;
	s8 =	sadd.s32 $0xA7BE00, s10;
	s5 =	stileid.u32  }
0x9: {  	s9 =	sadd.s32 $0x28AE00, s10;
	s10 =	sadd.s32 $0x102E00, s10;
	s12 =	ssub.s32 $0x2, s11  }
0xa: {  	_ =	strace $0x80000050;
	s14 =	sshll.u32 s5, $0x1;
	s13 =	sshrl.u32 s12, $0x1  }
0xb: {  	s11 =	sor.u32 s11, s14;
	s14 =	simm.s32 $0x80;
	s12 =	ssub.s32 s12, s13  }
0xc: {  	s11 =	smul.u32 $0x6200, s11;
	s13 =	simm.s32 $0x4;
	s12 =	smax.u32 s12, $0x1  }
.LBB2_1:
0xd: {  	s23 =	simm.s32 $0x0  }
.LBB2_2:
0xe: {  	s24 =	sshll.u32 s23, $0x7  }
0xf: {  	s24 =	sadd.s32 s11, s24  }
0x10: {  	s25 =	sshrl.u32 s24, $0x3  }
0x11: {  	s28 =	simm.s32 $0x0;
	s26 =	sadd.s32 s6, s25  }
0x12: {  	[tilespmem:s28], [sflag:$0x4] =	stream.linear.gather [hbm4b:s26+s28], $0x80, $0x38;
	[tilespmem:$0x9100] =	vst v63  }
0x13: {  	_ =	swait.ge [sflag:s13], $0x80  }
0x14: {  	[sflag:s13] =	ssyncset.done $0x0  }
0x15: {  	s25 =	sadd.s32 s7, s25;
	[sflag:s13] =	ssyncadd.s32 $0xFFFFFF80  }
0x16: {  	[tilespmem:s14], [sflag:$0x4] =	stream.linear.gather [hbm4b:s25+s28], $0x80, $0x38;
	[tilespmem:$0x9100] =	vst v63  }
0x17: {  	_ =	swait.ge [sflag:s13], $0x80  }
0x18: {  	[sflag:s13] =	ssyncset.done $0x0  }
0x19: {  	[sflag:s13] =	ssyncadd.s32 $0xFFFFFF80  }
0x1a: {  	[tilespmem:s15], [sflag:$0x1] =	stream.indirect.gather [hbm4b:s2+s14], $0x80, s28, s14, $0xb8;
	[tilespmem:$0x9100] =	vst v63  }
0x1b: {  	_ = 	snop  }
0x1c: {  	[tilespmem:s16], [sflag:$0x2] =	stream.indirect.gather [hbm4b:s3+s14], $0x80, s14, s14, $0xb8;
	[tilespmem:$0x9100] =	vst v63  }
0x1d: {  	_ = 	snop  }
0x1e: {  	[tilespmem:s17], [sflag:$0x3] =	stream.indirect.gather [hbm4b:s4+s14], $0x10, s28, s14, $0xb8;
	[tilespmem:$0x9100] =	vst v63  }
0x1f: {  	_ = 	snop  }
0x20: {  	[tilespmem:s18], [sflag:$0x3] =	stream.indirect.gather [hbm4b:s4+s14], $0x10, s14, s14, $0xb8;
	[tilespmem:$0x9100] =	vst v63  }
0x21: {  	_ =	swait.ge [sflag:s19], $0x4000  }
0x22: {  	[sflag:s19] =	ssyncset.done $0x0  }
0x23: {  	[sflag:s19] =	ssyncadd.s32 $0xFFFFC000  }
0x24: {  	_ =	swait.ge [sflag:s20], $0x4000  }
0x25: {  	[sflag:s20] =	ssyncset.done $0x0  }
0x26: {  	[sflag:s20] =	ssyncadd.s32 $0xFFFFC000  }
0x27: {  	_ =	swait.ge [sflag:s21], $0x800  }
0x28: {  	[sflag:s21] =	ssyncset.done $0x0  }
0x29: {  	[sflag:s21] =	ssyncadd.s32 $0xFFFFF800  }
0x2a: {  	_ =	swait.ge [sflag:s21], $0x800  }
0x2b: {  	[sflag:s21] =	ssyncset.done $0x0  }
0x2c: {  	s25 =	simm.s32 $0x0;
	[sflag:s21] =	ssyncadd.s32 $0xFFFFF800  }
0x2d: {  	v7 =	vld [tilespmem:s25+$0x4100]  }
0x2e: {  	v11 =	vld [tilespmem:s25+$0x4110]  }
0x2f: {  	v5 =	vld [tilespmem:s25+$0x4120]  }
0x30: {  	v4 =	vld [tilespmem:s25+$0x4130]  }
0x31: {  	v3 =	vld [tilespmem:s25+$0x4140]  }
0x32: {  	v2 =	vld [tilespmem:s25+$0x4150]  }
0x33: {  	v1 =	vld [tilespmem:s25+$0x4160]  }
0x34: {  	v0 =	vld [tilespmem:s25+$0x4170]  }
0x35: {  	v12 =	vld [tilespmem:s25+$0x100]  }
0x36: {  	v13 =	vld [tilespmem:s25+$0x110]  }
0x37: {  	v10 =	vld [tilespmem:s25+$0x120]  }
0x38: {  	v9 =	vld [tilespmem:s25+$0x130]  }
0x39: {  	v8 =	vld [tilespmem:s25+$0x140]  }
0x3a: {  	v6 =	vld [tilespmem:s25+$0x150];
	v12 =	vadd.f32 v7, v12  }
0x3b: {  	s26 =	simm.s32 $0x200;
	v11 =	vadd.f32 v11, v13;
	v7 =	vld [tilespmem:s25+$0x160]  }
.LBB2_3:
0x3c: {  	s28 =	sshra.s32 s26, $0x2;
	p0 =	sne.s32 s26, $0xFE00;
	[tilespmem:s25+$0x100] =	vst v12;
	v5 =	vadd.f32 v5, v10;
	v10 =	vld [tilespmem:s25+$0x170]  }
0x3d: {  	v12 =	vld [tilespmem:s28+$0x4100];
	[tilespmem:s25+$0x110] =	vst v11;
	v4 =	vadd.f32 v4, v9  }
0x3e: {  	v11 =	vld [tilespmem:s28+$0x4110];
	[tilespmem:s25+$0x120] =	vst v5;
	v3 =	vadd.f32 v3, v8  }
0x3f: {  	v5 =	vld [tilespmem:s28+$0x4120];
	[tilespmem:s25+$0x130] =	vst v4;
	v2 =	vadd.f32 v2, v6  }
0x40: {  	v4 =	vld [tilespmem:s28+$0x4130];
	[tilespmem:s25+$0x140] =	vst v3;
	v1 =	vadd.f32 v1, v7  }
0x41: {  	v3 =	vld [tilespmem:s28+$0x4140];
	[tilespmem:s25+$0x150] =	vst v2;
	v0 =	vadd.f32 v0, v10  }
0x42: {  	v2 =	vld [tilespmem:s28+$0x4150];
	[tilespmem:s25+$0x160] =	vst v1  }
0x43: {  	v1 =	vld [tilespmem:s28+$0x4160];
	[tilespmem:s25+$0x170] =	vst v0;
	s25 =	smov.u32 s28  }
0x44: {  	v0 =	vld [tilespmem:s25+$0x4170]  }
0x45: {  	v6 =	vld [tilespmem:s25+$0x100]  }
0x46: {  	v7 =	vld [tilespmem:s25+$0x110]  }
.Ltmp0:
0x47: {  	v10 =	vld [tilespmem:s25+$0x120];
	(pc) =	sbr.rel @p0 .LBB2_3-.Ltmp0, $4  }
0x48: {  	v9 =	vld [tilespmem:s25+$0x130]  }
0x49: {  	v8 =	vld [tilespmem:s25+$0x140]  }
0x4a: {  	v12 =	vadd.f32 v12, v6;
	v6 =	vld [tilespmem:s25+$0x150]  }
0x4b: {  	s26 =	sadd.s32 $0x200, s26;
	v11 =	vadd.f32 v11, v7;
	v7 =	vld [tilespmem:s25+$0x160]  }
0x4c: {  	[tilespmem:s25+$0x100] =	vst v12;
	v5 =	vadd.f32 v5, v10;
	v63 =	vld [tilespmem:s25+$0x170]  }
0x4d: {  	[tilespmem:s25+$0x110] =	vst v11;
	v4 =	vadd.f32 v4, v9  }
0x4e: {  	[tilespmem:s25+$0x120] =	vst v5;
	v3 =	vadd.f32 v3, v8  }
0x4f: {  	[tilespmem:s25+$0x130] =	vst v4;
	v2 =	vadd.f32 v2, v6  }
0x50: {  	[tilespmem:s25+$0x140] =	vst v3;
	v1 =	vadd.f32 v1, v7  }
0x51: {  	[tilespmem:s25+$0x150] =	vst v2;
	v0 =	vadd.f32 v0, v63  }
0x52: {  	s26 =	sshll.u32 s24, $0x4;
	[tilespmem:s25+$0x160] =	vst v1  }
0x53: {  	s29 =	sadd.s32 s8, s26;
	[tilespmem:s25+$0x170] =	vst v0  }
0x54: {  	[hbm4b:s29+s1] =	stream.linear.scatter [tilespmem:s15], [sflag:$0x4], $0x4000, $0x38;
	[tilespmem:$0x9100] =	vst v63  }
0x55: {  	_ =	swait.ge [sflag:s13], $0x4000  }
0x56: {  	s30 =	sshll.u32 s24, $0x1;
	[sflag:s13] =	ssyncset.done $0x0  }
0x57: {  	s31 =	sadd.s32 s9, s30;
	[sflag:s13] =	ssyncadd.s32 $0xFFFFC000  }
0x58: {  	[hbm4b:s31+s1] =	stream.linear.scatter [tilespmem:s17], [sflag:$0x4], $0x800, $0x38;
	[tilespmem:$0x9100] =	vst v63  }
0x59: {  	s23 =	sadd.s32 $0x1, s23;
	_ =	swait.ge [sflag:s13], $0x800  }
0x5a: {  	p0 =	sne.s32 s23, $0xC4;
	[sflag:s13] =	ssyncset.done $0x0  }
.Ltmp1:
0x5b: {  	s24 =	sadd.s32 s10, s30;
	[sflag:s13] =	ssyncadd.s32 $0xFFFFF800;
	(pc) =	sbr.rel @p0 .LBB2_2-.Ltmp1, $4  }
0x5c: {  	[hbm4b:s24+s1] =	stream.linear.scatter [tilespmem:s18], [sflag:$0x4], $0x800, $0x38;
	[tilespmem:$0x9100] =	vst v63  }
0x5d: {  	_ =	swait.ge [sflag:s13], $0x800  }
0x5e: {  	[sflag:s13] =	ssyncset.done $0x0  }
0x5f: {  	[sflag:s13] =	ssyncadd.s32 $0xFFFFF800  }
0x60: {  	s22 =	sadd.s32 $0x1, s22  }
0x61: {  	p0 =	sne.s32 s22, s12  }
.Ltmp2:
0x62: {  	_ = 	snop;
	(pc) =	sbr.rel @p0 .LBB2_1-.Ltmp2, $1  }
0x63: {  	_ =	sdelay $0x3  }
0x64: {  	_ =	sfence.sel $0x180000  }
0x65: {  	[bflag:$0x0] =	sbarrier.arrive $0xFFFF  }
0x66: {  	p0 =	sne.s32 s5, $0x0;
	_ =	strace $0x90000050  }
0x67: {  	s0 =	sadd.s32 @!p0 $0x100000, s0;
	[bflag:$0x2] =	sbarrier.arrive $0xFFFF  }
0x68: {  	[sflag:s0] =	ssyncadd.tile.s32 @!p0 $0x1;
	_ =	shalt  }
.Lfunc_end2:
_tile_overlayer_lowered:
.L_overlay_start_2:
0x69: {  	(tag) =	ssettag $0x2  }
0x6a: {  	s0 =	rddreg [dreg:$0x0];
	s2 =	stileid.u32  }
0x6b: {  	s1 =	rddreg [dreg:$0x1];
	p0 =	sne.s32 s2, $0x0  }
0x6c: {  	s3 =	rddreg [dreg:$0x2];
	[bflag:$0x3] =	sbarrier.arrive $0xFFFF;
	s2 =	simm.s32 @!p0 $0x1C04  }
0x6d: {  	[timem:s3], [sflag:s2] =	dma.local @!p0 [hbm:s0], s1  }
0x6e: {  	s0 =	simm.s32 @!p0 $0x4  }
0x6f: {  	_ =	swait.ge @!p0 [sflag:s0], s1  }
0x70: {  	s1 =	ssub.s32 @!p0 $0x0, s1;
	[sflag:s0] =	ssyncset.done @!p0 $0x0  }
0x71: {  	[sflag:s0] =	ssyncadd.s32 @!p0 s1  }
0x72: {  	[bflag:$0x3] =	sbarrier.arrive $0xFFFF  }
0x73: {  	_ =	shalt  }

// kernel: kernel.37.cloned.1.call-start
scs
__scs_entry_jumppad:
0x0: {  	(pc) =	sbr.rel $0x88, $3  }
0x1: {  	(tag) =	ssettag $0x0;
	lr =	simm.s32 $0x1  }
0x2: {  	[smem:$0x3F77] =	sst lr;
	_ =	strace $0xD0000000  }
0x3: {  	_ = 	snop  }
0x4: {  	_ = 	snop  }
0x5: {  	_ = 	snop  }
0x6: {  	_ = 	snop  }
0x7: {  	_ = 	snop  }
__scs_overlays_trampoline_lowered:
0x8: {  	[smem:$0x3F86] =	sst s0  }
0x9: {  	[smem:$0x3F87] =	sst s1  }
0xa: {  	[smem:$0x3F88] =	sst s2  }
0xb: {  	[smem:$0x3F89] =	sst s3  }
0xc: {  	[smem:$0x3F8A] =	sst s4  }
0xd: {  	[smem:$0x3F8B] =	sst s5  }
0xe: {  	[smem:$0x3F8C] =	sst s6  }
0xf: {  	[smem:$0x3F8D] =	sst s7  }
0x10: {  	[smem:$0x3F8E] =	sst s8  }
0x11: {  	[smem:$0x3F8F] =	sst s9;
	s0 =	simm.s32 @!p0 $0x0  }
0x12: {  	s1 =	sld [smem:$0x3F75];
	s0 =	simm.s32 @p0 $0x1  }
0x13: {  	[smem:$0x3F90] =	sst s0;
	s0 =	simm.s32 @!p1 $0x0  }
0x14: {  	s2 =	sld [smem:$0x3F74];
	s0 =	simm.s32 @p1 $0x1  }
0x15: {  	[smem:$0x3F91] =	sst s0;
	s0 =	simm.s32 @!p2 $0x0  }
0x16: {  	s3 =	sld [smem:$0x3FDB];
	s0 =	simm.s32 @p2 $0x1  }
0x17: {  	s4 =	simm.s32 $0x1BF5;
	[smem:$0x3F93] =	sst s0  }
0x18: {  	s0 =	sld [smem:$0x3F76];
	_ =	swait.ge [sflag:s4], $0x0  }
0x19: {  	s7 =	sld [smem:$0x3F77]  }
0x1a: {  	s8 =	sadd.s32 $0xFFFFE003, lr  }
0x1b: {  	s9 =	sadd.s32 $0xFFFFFEF7, lr;
	s5 =	simm.s32 $0xFFFFFFFF;
	p2 =	slt.u32 s8, $0xFFFFF086  }
0x1c: {  	p1 =	slt.u32 s9, $0xF7A;
	s5 =	simm.s32 @!p2 $0x0  }
0x1d: {  	s5 =	simm.s32 @p1 $0x1;
	p0 =	seq.s32 s7, s2  }
0x1e: {  	s7 =	smul.u32 @!p0 $0xF7A, s2;
	p2 =	seq.s32 @!p0 s5, $0x0  }
0x1f: {  	s9 =	smul.u32 $0xF7A, s1;
	s8 =	simm.s32 @!p0 $0x1BF5;
	p2 =	por !p2, p0  }
0x20: {  	[sflag:s8] =	ssyncset.s32 @!p0 $0xFFFFF086;
	s6 =	sadd.s32 @!p0 s3, s7;
	s7 =	simm.s32 @!p0 $0x108  }
0x21: {  	s3 =	sadd.s32 s3, s9;
	s6 =	sadd.s32 @!p0 $0x88, s6;
	s7 =	simm.s32 @p2 $0x1082  }
0x22: {  	[simem:s7], [sflag:s8] =	dma.local @!p0 [hbm:s6], $0xF7A  }
0x23: {  	s9 =	sor.u32 $0xD0000000, s2;
	s6 =	simm.s32 $0x108;
	_ =	swait.ge @!p0 [sflag:s8], $0x0  }
0x24: {  	s3 =	sadd.s32 $0x88, s3;
	s6 =	simm.s32 @!p1 $0x1082;
	[sflag:s4] =	ssyncset.s32 $0xFFFFF086  }
0x25: {  	[simem:s6], [sflag:s4] =	dma.local [hbm:s3], $0xF7A  }
0x26: {  	[smem:$0x3F77] =	sst s1;
	(tag) =	ssettag s2;
	_ =	strace s9  }
0x27: {  	s1 =	sld [smem:$0x3F87]  }
0x28: {  	s2 =	sld [smem:$0x3F88]  }
0x29: {  	s4 =	sld [smem:$0x3F8A]  }
0x2a: {  	p0 =	seq.s32 s5, $0x0;
	s5 =	sld [smem:$0x3F8B]  }
0x2b: {  	s6 =	sld [smem:$0x3F8C]  }
0x2c: {  	s7 =	sld [smem:$0x3F8D]  }
0x2d: {  	s3 =	simm.s32 $0x108;
	s8 =	sld [smem:$0x3F8E]  }
0x2e: {  	s3 =	simm.s32 @!p0 $0x1082;
	s9 =	sld [smem:$0x3F8F]  }
0x2f: {  	lr =	sadd.s32 s0, s3;
	s0 =	sld [smem:$0x3F86]  }
0x30: {  	s3 =	sld [smem:$0x3F89]  }
0x31: {  	[smem:$0x3F92] =	sst s10  }
0x32: {  	s10 =	sld [smem:$0x3F90];
	_ =	sdelay $0x3  }
0x33: {  	p0 =	seq.s32 s10, $0x1;
	s10 =	sld [smem:$0x3F92];
	_ =	sdelay $0x3  }
0x34: {  	[smem:$0x3F92] =	sst s10  }
0x35: {  	s10 =	sld [smem:$0x3F91];
	_ =	sdelay $0x3  }
0x36: {  	p1 =	seq.s32 s10, $0x1;
	s10 =	sld [smem:$0x3F92];
	_ =	sdelay $0x3  }
0x37: {  	[smem:$0x3F92] =	sst s10  }
0x38: {  	s10 =	sld [smem:$0x3F93]  }
0x39: {  	_ = 	snop;
	(pc) =	sbr.ind lr, $3  }
0x3a: {  	_ = 	snop  }
0x3b: {  	_ = 	snop  }
0x3c: {  	p2 =	seq.s32 s10, $0x1;
	s10 =	sld [smem:$0x3F92]  }
0x3d: {  	_ =	shalt  }
0x3e: {  	_ =	shalt  }
0x3f: {  	_ =	shalt  }
0x40: {  	_ =	shalt  }
0x41: {  	_ =	shalt  }
0x42: {  	_ =	shalt  }
0x43: {  	_ =	shalt  }
0x44: {  	_ =	shalt  }
0x45: {  	_ =	shalt  }
0x46: {  	_ =	shalt  }
0x47: {  	_ =	shalt  }
0x48: {  	_ =	shalt  }
0x49: {  	_ =	shalt  }
0x4a: {  	_ =	shalt  }
0x4b: {  	_ =	shalt  }
0x4c: {  	_ =	shalt  }
0x4d: {  	_ =	shalt  }
0x4e: {  	_ =	shalt  }
0x4f: {  	_ =	shalt  }
0x50: {  	_ =	shalt  }
0x51: {  	_ =	shalt  }
0x52: {  	_ =	shalt  }
0x53: {  	_ =	shalt  }
0x54: {  	_ =	shalt  }
0x55: {  	_ =	shalt  }
0x56: {  	_ =	shalt  }
0x57: {  	_ =	shalt  }
0x58: {  	_ =	shalt  }
0x59: {  	_ =	shalt  }
0x5a: {  	_ =	shalt  }
0x5b: {  	_ =	shalt  }
0x5c: {  	_ =	shalt  }
0x5d: {  	_ =	shalt  }
0x5e: {  	_ =	shalt  }
0x5f: {  	_ =	shalt  }
0x60: {  	_ =	shalt  }
0x61: {  	_ =	shalt  }
0x62: {  	_ =	shalt  }
0x63: {  	_ =	shalt  }
0x64: {  	_ =	shalt  }
0x65: {  	_ =	shalt  }
0x66: {  	_ =	shalt  }
0x67: {  	_ =	shalt  }
0x68: {  	_ =	shalt  }
0x69: {  	_ =	shalt  }
0x6a: {  	_ =	shalt  }
0x6b: {  	_ =	shalt  }
0x6c: {  	_ =	shalt  }
0x6d: {  	_ =	shalt  }
0x6e: {  	_ =	shalt  }
0x6f: {  	_ =	shalt  }
0x70: {  	_ =	shalt  }
0x71: {  	_ =	shalt  }
0x72: {  	_ =	shalt  }
0x73: {  	_ =	shalt  }
0x74: {  	_ =	shalt  }
0x75: {  	_ =	shalt  }
0x76: {  	_ =	shalt  }
0x77: {  	_ =	shalt  }
0x78: {  	_ =	shalt  }
0x79: {  	_ =	shalt  }
0x7a: {  	_ =	shalt  }
0x7b: {  	_ =	shalt  }
0x7c: {  	_ =	shalt  }
0x7d: {  	_ =	shalt  }
0x7e: {  	_ =	shalt  }
0x7f: {  	_ =	shalt  }
0x80: {  	_ =	shalt  }
0x81: {  	_ =	shalt  }
0x82: {  	_ =	shalt  }
0x83: {  	_ =	shalt  }
0x84: {  	_ =	shalt  }
0x85: {  	_ =	shalt  }
0x86: {  	_ =	shalt  }
0x87: {  	_ =	shalt  }
.Lfunc_end0:
.L_simem_size_0:
called_computation.4_lowered:
.L_overlay_start_0:
0x88: {  	s2 =	sld [smem:$0x3FD9]  }
0x89: {  	s3 =	sld [smem:$0x3FFE];
	_ =	sdelay $0x1  }
0x8a: {  	s1 =	srdreg.scid  }
0x8b: {  	s0 =	sand.u32 $0x1, s1  }
0x8c: {  	s16 =	sshll.u32 s0, $0xA;
	s2 =	sadd.s32 s3, s2  }
0x8d: {  	s2 =	sadd.s32 s2, s16  }
0x8e: {  	[smem:$0x3F9E] =	sst s2  }
0x8f: {  	_ = 	snop  }
0x90: {  	(tm) =	ssettm $0x1  }
0x91: {  	s17 =	sld [smem:$0x3FFB];
	_ =	sdelay $0x3  }
0x92: {  	_ =	strace s17  }
0x93: {  	s2 =	sld [smem:$0x3FFC];
	_ =	sdelay $0x3  }
0x94: {  	_ =	strace s2  }
0x95: {  	s2 =	sld [smem:$0x3FFD];
	_ =	sdelay $0x3  }
0x96: {  	_ =	strace s2  }
0x97: {  	_ =	strace $0x8FFFFFFF  }
0x98: {  	s18 =	sld [smem:$0x3FDB];
	_ =	sdelay $0x1  }
0x99: {  	s19 =	simm.s32 $_scs_section_size  }
0x9a: {  	s4 =	simm.s32 $_size__tile_overlayer_lowered;
	s5 =	simm.s32 $_tile_overlayer_lowered  }
0x9b: {  	s22 =	simm.s32 $0x1BFF;
	s21 =	sshll.u32 s5, $0x1;
	s2 =	sadd.s32 s19, s18  }
0x9c: {  	s6 =	simm.s32 $0x0;
	s20 =	sshll.u32 s4, $0x1;
	s4 =	sadd.s32 s21, s2  }
0x9d: {  	[timem:s6], [sflag:s22] =	dma.local [hbm:s4], s20  }
0x9e: {  	_ =	swait.ge [sflag:s22], s20  }
0x9f: {  	s3 =	ssub.s32 $0x0, s20;
	[sflag:s22] =	ssyncset.done $0x0  }
0xa0: {  	[sflag:s22] =	ssyncadd.s32 s3;
	_ =	sdelay $0x1  }
0xa1: {  	s23 =	simm.s32 $0x1B8B  }
0xa2: {  	_ =	swait.ge [sflag:s23], $0x1  }
0xa3: {  	[sflag:s23] =	ssyncset.done $0x0  }
0xa4: {  	s25 =	simm.s32 $0x1B8E;
	s24 =	sld [smem:$0x3FFE];
	[sflag:s23] =	ssyncadd.s32 $0xFFFFFFFF  }
0xa5: {  	s26 =	simm.s32 $execute0_lowered;
	[smem:$0x3FD2] =	sst s25  }
0xa6: {  	s4 =	sshll.u32 s26, $0x1;
	_ =	strace $0x80000052;
	[dreg:$0x1] =	wrdreg $0xFFFFFFFF  }
0xa7: {  	s28 =	simm.s32 $_size_execute0_lowered;
	s2 =	sadd.s32 s2, s4;
	[dreg:$0x0] =	wrdreg $0x0  }
0xa8: {  	s4 =	sshll.u32 s28, $0x1;
	[dreg:$0x2] =	wrdreg s2  }
0xa9: {  	[dreg:$0x3] =	wrdreg s4  }
0xaa: {  	[dreg:$0x4] =	wrdreg $0xC0  }
0xab: {  	_ =	task [dreg:s6], $0x5FFFF  }
0xac: {  	[dreg:$0x1] =	wrdreg $0xFFFFFFFF  }
0xad: {  	[dreg:$0x0] =	wrdreg $0x60  }
0xae: {  	[dreg:$0x2] =	wrdreg s24  }
0xaf: {  	[dreg:$0x3] =	wrdreg $0x0  }
0xb0: {  	[dreg:$0x4] =	wrdreg $0x9  }
0xb1: {  	_ =	task.clear_ibuf [dreg:s6], $0x5FFFF;
	_ =	strace $0x90000052  }
0xb2: {  	s29 =	simm.s32 $0x9;
	_ =	strace $0x80000054  }
0xb3: {  	_ =	swait.ge [sflag:s29], $0x1  }
0xb4: {  	[sflag:s29] =	ssyncadd.s32 $0xFFFFFFFF  }
0xb5: {  	_ =	strace $0x90000054  }
0xb6: {  	_ =	sfence  }
0xb7: {  	s30 =	sld [smem:$0x0];
	_ =	sdelay $0x2  }
0xb8: {  	s31 =	sshll.u32 s1, $0xD;
	s1 =	sshrl.u32 s1, $0x2  }
0xb9: {  	s3 =	sand.u32 $0x4000, s31;
	s1 =	sadd.s32 s1, s30  }
0xba: {  	s0 =	sor.u32 s3, s0;
	s1 =	sshll.u32 s1, $0x11  }
0xbb: {  	s0 =	sor.u32 s1, s0  }
0xbc: {  	s0 =	sadd.s32 $0x8F2B, s0  }
0xbd: {  	[sflag:s0] =	ssyncadd.remote.s32 $0x1  }
0xbe: {  	_ =	sfence.sel $0xFFFF  }
0xbf: {  	[dreg:$0x0] =	wrdreg $0xFFFFFFFF;
	(pc) =	sbr.abs _section_cstart, $3  }
0xc0: {  	[dreg:$0x1] =	wrdreg $0xFFFFFFFF  }
0xc1: {  	_ =	task.clear_ibuf [dreg:s6], $0x2FFFF;
	_ =	strace $0x9FFFFFFF  }
0xc2: {  	(tm) =	ssettm $0x7FFFFFFF  }
0xc3: {  	_ =	shalt  }
tec
execute0_lowered:
.L_overlay_start_1:
0x0: {  	(tag) =	ssettag $0x1  }
0x1: {  	s2 =	srdreg.scid  }
0x2: {  	s5 =	rddreg [dreg:$0x0];
	s9 =	sand.u32 $0x1, s2  }
0x3: {  	s2 =	stileid.u32;
	s4 =	smul.u32 $0x620000, s9  }
0x4: {  	s1 =	rddreg [dreg:$0x1];
	s6 =	smul.u32 $0x1880, s2  }
0x5: {  	s0 =	rddreg [dreg:$0x2];
	s7 =	smul.u32 $0x64000, s2  }
0x6: {  	s3 =	simm.s32 $0x0;
	s16 =	simm.s32 $0x19080;
	s13 =	smul.u32 $0xC80, s2  }
0x7: {  	s17 =	simm.s32 $0x80;
	s18 =	simm.s32 $0x0;
	s14 =	smul.u32 $0x19000, s9  }
0x8: {  	[smem:$0x7FF] =	sst s3;
	s11 =	sadd.s32 $0x102E00, s5;
	s28 =	smul.u32 $0x31000, s2  }
0x9: {  	_ =	strace $0x80000053;
	s23 =	ssub.s32 $0x2, s9;
	s15 =	smul.u32 $0x64000, s9  }
0xa: {  	s26 =	sshll.u32 s2, $0x6;
	s30 =	smul.u32 $0x3200, s2;
	s24 =	sshrl.u32 s23, $0x1  }
0xb: {  	s10 =	sadd.s32 s4, s5;
	s8 =	sadd.s32 s6, s5;
	s4 =	sadd.s32 $0x9E00, s5  }
0xc: {  	s12 =	ssub.s32 s23, s24;
	s25 =	sshrl.u32 s7, $0x2;
	s6 =	sor.u32 $0x1C01, s26  }
0xd: {  	s29 =	sadd.s32 s13, s14;
	s31 =	sadd.s32 s15, s11;
	s14 =	simm.s32 $0x1  }
0xe: {  	s15 =	simm.s32 $0x19000;
	s5 =	sadd.s32 s25, s1;
	s7 =	smax.u32 s12, $0x1  }
0xf: {  	s8 =	sadd.s32 $0xD1E00, s8;
	s12 =	sadd.s32 s28, s10;
	s13 =	sshll.u32 s29, $0x2  }
0x10: {  	s10 =	sadd.s32 s30, s31;
	s9 =	sadd.s32 $0xA7BE00, s12;
	s13 =	sadd.s32 s11, s13  }
0x11: {  	s11 =	sadd.s32 $0xD8BE00, s12;
	s12 =	sadd.s32 $0x32000, s13;
	s13 =	sshrl.u32 s5, $0x3  }
.LBB2_1:
0x12: {  	[spmem:s13], [sflag:s6] =	dma.local [hbm:s4], $0x3200  }
0x13: {  	_ =	swait.ge [sflag:s14], $0x3200  }
0x14: {  	[sflag:s14] =	ssyncset.done $0x0  }
0x15: {  	[sflag:s14] =	ssyncadd.s32 $0xFFFFCE00  }
0x16: {  	s19 =	sadd.s32 $0x0, s8;
	[bflag:$0x0] =	sbarrier.arrive $0xFFFF  }
0x17: {  	[tilespmem:s15], [sflag:$0x1] =	stream.linear.gather [hbm4b:s19+s3], $0x80, $0x38;
	[tilespmem:$0x1A080] =	vst v63  }
0x18: {  	_ =	swait.ge [sflag:s14], $0x80  }
0x19: {  	[sflag:s14] =	ssyncset.done $0x0  }
0x1a: {  	[sflag:s14] =	ssyncadd.s32 $0xFFFFFF80  }
0x1b: {  	[tilespmem:s16], [sflag:$0x1] =	stream.linear.gather [hbm4b:s9+s3], $0x1000, $0x38;
	[tilespmem:$0x1A080] =	vst v63  }
0x1c: {  	_ =	swait.ge [sflag:s14], $0x1000  }
0x1d: {  	[sflag:s14] =	ssyncset.done $0x0  }
0x1e: {  	[sflag:s14] =	ssyncadd.s32 $0xFFFFF000  }
0x1f: {  	[spmem:s1] =	stream.indirect.scatter.add.f32 [tilespmem:s16], [sflag:$0x1], $0x20, s15, s17, $0xb8;
	[tilespmem:$0x1A080] =	vst v63  }
0x20: {  	s20 =	simm.s32 $0x10;
	_ =	swait.ge [sflag:s14], $0x1000  }
0x21: {  	s21 =	simm.s32 $0x20;
	s19 =	sadd.s32 $0x200, s9;
	[sflag:s14] =	ssyncset.done $0x0  }
.LBB2_2:
0x22: {  	s22 =	sadd.s32 s20, s8  }
0x23: {  	[sflag:s14] =	ssyncadd.s32 $0xFFFFF000;
	s20 =	smov.u32 s21;
	s23 =	sadd.s32 $0x10, s21  }
0x24: {  	[tilespmem:s15], [sflag:$0x1] =	stream.linear.gather [hbm4b:s22+s3], $0x80, $0x38;
	[tilespmem:$0x1A080] =	vst v63  }
0x25: {  	p0 =	sne.s32 s21, $0x1870;
	_ =	swait.ge [sflag:s14], $0x80  }
0x26: {  	[sflag:s14] =	ssyncset.done $0x0  }
0x27: {  	[sflag:s14] =	ssyncadd.s32 $0xFFFFFF80  }
0x28: {  	[tilespmem:s16], [sflag:$0x1] =	stream.linear.gather [hbm4b:s19+s3], $0x1000, $0x38;
	[tilespmem:$0x1A080] =	vst v63  }
0x29: {  	_ =	swait.ge [sflag:s14], $0x1000  }
.Ltmp0:
0x2a: {  	[sflag:s14] =	ssyncset.done $0x0;
	(pc) =	sbr.rel @p0 .LBB2_2-.Ltmp0, $4  }
0x2b: {  	[sflag:s14] =	ssyncadd.s32 $0xFFFFF000  }
0x2c: {  	[spmem:s1] =	stream.indirect.scatter.add.f32 [tilespmem:s16], [sflag:$0x1], $0x20, s15, s17, $0xb8;
	[tilespmem:$0x1A080] =	vst v63  }
0x2d: {  	_ =	swait.ge [sflag:s14], $0x1000  }
0x2e: {  	s21 =	smov.u32 s23;
	s19 =	sadd.s32 $0x200, s19;
	[sflag:s14] =	ssyncset.done $0x0  }
0x2f: {  	s20 =	sadd.s32 s20, s8;
	[sflag:s14] =	ssyncadd.s32 $0xFFFFF000  }
0x30: {  	[tilespmem:s15], [sflag:$0x1] =	stream.linear.gather [hbm4b:s20+s3], $0x80, $0x38;
	[tilespmem:$0x1A080] =	vst v63  }
0x31: {  	_ =	swait.ge [sflag:s14], $0x80  }
0x32: {  	[sflag:s14] =	ssyncset.done $0x0  }
0x33: {  	[sflag:s14] =	ssyncadd.s32 $0xFFFFFF80  }
0x34: {  	[tilespmem:s16], [sflag:$0x1] =	stream.linear.gather [hbm4b:s19+s3], $0x1000, $0x38;
	[tilespmem:$0x1A080] =	vst v63  }
0x35: {  	_ =	swait.ge [sflag:s14], $0x1000  }
0x36: {  	[sflag:s14] =	ssyncset.done $0x0  }
0x37: {  	[sflag:s14] =	ssyncadd.s32 $0xFFFFF000  }
0x38: {  	[spmem:s1] =	stream.indirect.scatter.add.f32 [tilespmem:s16], [sflag:$0x1], $0x20, s15, s17, $0xb8;
	[tilespmem:$0x1A080] =	vst v63  }
0x39: {  	_ =	swait.ge [sflag:s14], $0x1000  }
0x3a: {  	[sflag:s14] =	ssyncset.done $0x0  }
0x3b: {  	[sflag:s14] =	ssyncadd.s32 $0xFFFFF000  }
0x3c: {  	s31 =	sadd.s32 $0x0, s10;
	[bflag:$0x0] =	sbarrier.arrive $0xFFFF  }
0x3d: {  	[hbm:s31], [sflag:s6] =	dma.local [spmem:s13], $0x200  }
0x3e: {  	_ =	swait.ge [sflag:s14], $0x200  }
0x3f: {  	s20 =	sadd.s32 $0x1000, s5;
	s19 =	simm.s32 $0x200;
	[sflag:s14] =	ssyncset.done $0x0  }
.LBB2_4:
0x40: {  	s21 =	sadd.s32 s19, s10  }
0x41: {  	s22 =	sshrl.u32 s20, $0x3;
	[sflag:s14] =	ssyncadd.s32 $0xFFFFFE00;
	p0 =	sne.s32 s19, $0x3000  }
0x42: {  	[hbm:s21], [sflag:s6] =	dma.local [spmem:s22], $0x200  }
.Ltmp1:
0x43: {  	_ = 	snop;
	(pc) =	sbr.rel @p0 .LBB2_4-.Ltmp1, $4  }
0x44: {  	_ = 	snop  }
0x45: {  	s19 =	sadd.s32 $0x200, s19  }
0x46: {  	_ =	swait.ge [sflag:s14], $0x200  }
0x47: {  	s20 =	sadd.s32 $0x1000, s20;
	[sflag:s14] =	ssyncset.done $0x0  }
0x48: {  	[sflag:s14] =	ssyncadd.s32 $0xFFFFFE00  }
0x49: {  	[bflag:$0x0] =	sbarrier.arrive $0xFFFF  }
0x4a: {  	[spmem:s13], [sflag:s6] =	dma.local [hbm:s4], $0x3200  }
0x4b: {  	_ =	swait.ge [sflag:s14], $0x3200  }
0x4c: {  	[sflag:s14] =	ssyncset.done $0x0  }
0x4d: {  	[sflag:s14] =	ssyncadd.s32 $0xFFFFCE00  }
0x4e: {  	s19 =	sadd.s32 $0x0, s8;
	[bflag:$0x0] =	sbarrier.arrive $0xFFFF  }
0x4f: {  	[tilespmem:s15], [sflag:$0x1] =	stream.linear.gather [hbm4b:s19+s3], $0x80, $0x38;
	[tilespmem:$0x1A080] =	vst v63  }
0x50: {  	_ =	swait.ge [sflag:s14], $0x80  }
0x51: {  	[sflag:s14] =	ssyncset.done $0x0  }
0x52: {  	[sflag:s14] =	ssyncadd.s32 $0xFFFFFF80  }
0x53: {  	[tilespmem:s16], [sflag:$0x1] =	stream.linear.gather [hbm4b:s11+s3], $0x1000, $0x38;
	[tilespmem:$0x1A080] =	vst v63  }
0x54: {  	_ =	swait.ge [sflag:s14], $0x1000  }
0x55: {  	[sflag:s14] =	ssyncset.done $0x0  }
0x56: {  	[sflag:s14] =	ssyncadd.s32 $0xFFFFF000  }
0x57: {  	[spmem:s1] =	stream.indirect.scatter.add.f32 [tilespmem:s16], [sflag:$0x1], $0x20, s15, s17, $0xb8;
	[tilespmem:$0x1A080] =	vst v63  }
0x58: {  	s20 =	simm.s32 $0x10;
	_ =	swait.ge [sflag:s14], $0x1000  }
0x59: {  	s21 =	simm.s32 $0x20;
	s19 =	sadd.s32 $0x200, s11;
	[sflag:s14] =	ssyncset.done $0x0  }
.LBB2_6:
0x5a: {  	s22 =	sadd.s32 s20, s8  }
0x5b: {  	[sflag:s14] =	ssyncadd.s32 $0xFFFFF000;
	s20 =	smov.u32 s21;
	s23 =	sadd.s32 $0x10, s21  }
0x5c: {  	[tilespmem:s15], [sflag:$0x1] =	stream.linear.gather [hbm4b:s22+s3], $0x80, $0x38;
	[tilespmem:$0x1A080] =	vst v63  }
0x5d: {  	p0 =	sne.s32 s21, $0x1870;
	_ =	swait.ge [sflag:s14], $0x80  }
0x5e: {  	[sflag:s14] =	ssyncset.done $0x0  }
0x5f: {  	[sflag:s14] =	ssyncadd.s32 $0xFFFFFF80  }
0x60: {  	[tilespmem:s16], [sflag:$0x1] =	stream.linear.gather [hbm4b:s19+s3], $0x1000, $0x38;
	[tilespmem:$0x1A080] =	vst v63  }
0x61: {  	_ =	swait.ge [sflag:s14], $0x1000  }
.Ltmp2:
0x62: {  	[sflag:s14] =	ssyncset.done $0x0;
	(pc) =	sbr.rel @p0 .LBB2_6-.Ltmp2, $4  }
0x63: {  	[sflag:s14] =	ssyncadd.s32 $0xFFFFF000  }
0x64: {  	[spmem:s1] =	stream.indirect.scatter.add.f32 [tilespmem:s16], [sflag:$0x1], $0x20, s15, s17, $0xb8;
	[tilespmem:$0x1A080] =	vst v63  }
0x65: {  	_ =	swait.ge [sflag:s14], $0x1000  }
0x66: {  	s21 =	smov.u32 s23;
	s19 =	sadd.s32 $0x200, s19;
	[sflag:s14] =	ssyncset.done $0x0  }
0x67: {  	s20 =	sadd.s32 s20, s8;
	[sflag:s14] =	ssyncadd.s32 $0xFFFFF000  }
0x68: {  	[tilespmem:s15], [sflag:$0x1] =	stream.linear.gather [hbm4b:s20+s3], $0x80, $0x38;
	[tilespmem:$0x1A080] =	vst v63  }
0x69: {  	_ =	swait.ge [sflag:s14], $0x80  }
0x6a: {  	[sflag:s14] =	ssyncset.done $0x0  }
0x6b: {  	[sflag:s14] =	ssyncadd.s32 $0xFFFFFF80  }
0x6c: {  	[tilespmem:s16], [sflag:$0x1] =	stream.linear.gather [hbm4b:s19+s3], $0x1000, $0x38;
	[tilespmem:$0x1A080] =	vst v63  }
0x6d: {  	_ =	swait.ge [sflag:s14], $0x1000  }
0x6e: {  	[sflag:s14] =	ssyncset.done $0x0  }
0x6f: {  	[sflag:s14] =	ssyncadd.s32 $0xFFFFF000  }
0x70: {  	[spmem:s1] =	stream.indirect.scatter.add.f32 [tilespmem:s16], [sflag:$0x1], $0x20, s15, s17, $0xb8;
	[tilespmem:$0x1A080] =	vst v63  }
0x71: {  	_ =	swait.ge [sflag:s14], $0x1000  }
0x72: {  	[sflag:s14] =	ssyncset.done $0x0  }
0x73: {  	[sflag:s14] =	ssyncadd.s32 $0xFFFFF000  }
0x74: {  	s31 =	sadd.s32 $0x0, s12;
	[bflag:$0x0] =	sbarrier.arrive $0xFFFF  }
0x75: {  	[hbm:s31], [sflag:s6] =	dma.local [spmem:s13], $0x200  }
0x76: {  	_ =	swait.ge [sflag:s14], $0x200  }
0x77: {  	s20 =	sadd.s32 $0x1000, s5;
	s19 =	simm.s32 $0x200;
	[sflag:s14] =	ssyncset.done $0x0  }
.LBB2_8:
0x78: {  	s21 =	sadd.s32 s19, s12  }
0x79: {  	s22 =	sshrl.u32 s20, $0x3;
	[sflag:s14] =	ssyncadd.s32 $0xFFFFFE00;
	p0 =	sne.s32 s19, $0x3000  }
0x7a: {  	[hbm:s21], [sflag:s6] =	dma.local [spmem:s22], $0x200  }
.Ltmp3:
0x7b: {  	_ = 	snop;
	(pc) =	sbr.rel @p0 .LBB2_8-.Ltmp3, $4  }
0x7c: {  	_ = 	snop  }
0x7d: {  	s19 =	sadd.s32 $0x200, s19  }
0x7e: {  	_ =	swait.ge [sflag:s14], $0x200  }
0x7f: {  	s20 =	sadd.s32 $0x1000, s20;
	[sflag:s14] =	ssyncset.done $0x0  }
0x80: {  	s18 =	sadd.s32 $0x1, s18  }
0x81: {  	p0 =	sne.s32 s18, s7  }
.Ltmp4:
0x82: {  	_ = 	snop;
	(pc) =	sbr.rel @p0 .LBB2_1-.Ltmp4, $3  }
0x83: {  	_ = 	snop  }
0x84: {  	[sflag:s14] =	ssyncadd.s32 $0xFFFFFE00  }
0x85: {  	[bflag:$0x0] =	sbarrier.arrive $0xFFFF;
	_ =	sdelay $0x1  }
0x86: {  	_ =	sfence.sel $0x180000  }
0x87: {  	[bflag:$0x0] =	sbarrier.arrive $0xFFFF  }
0x88: {  	p0 =	sne.s32 s2, $0x0;
	_ =	strace $0x90000053  }
0x89: {  	s0 =	sadd.s32 @!p0 $0x100000, s0;
	[bflag:$0x2] =	sbarrier.arrive $0xFFFF  }
0x8a: {  	[sflag:s0] =	ssyncadd.tile.s32 @!p0 $0x1;
	_ =	shalt  }
.Lfunc_end2:
_tile_overlayer_lowered:
.L_overlay_start_2:
0x8b: {  	(tag) =	ssettag $0x2  }
0x8c: {  	s0 =	rddreg [dreg:$0x0];
	s2 =	stileid.u32  }
0x8d: {  	s1 =	rddreg [dreg:$0x1];
	p0 =	sne.s32 s2, $0x0  }
0x8e: {  	s3 =	rddreg [dreg:$0x2];
	[bflag:$0x3] =	sbarrier.arrive $0xFFFF;
	s2 =	simm.s32 @!p0 $0x1C01  }
0x8f: {  	[timem:s3], [sflag:s2] =	dma.local @!p0 [hbm:s0], s1  }
0x90: {  	s0 =	simm.s32 @!p0 $0x1  }
0x91: {  	_ =	swait.ge @!p0 [sflag:s0], s1  }
0x92: {  	s1 =	ssub.s32 @!p0 $0x0, s1;
	[sflag:s0] =	ssyncset.done @!p0 $0x0  }
0x93: {  	[sflag:s0] =	ssyncadd.s32 @!p0 s1  }
0x94: {  	[bflag:$0x3] =	sbarrier.arrive $0xFFFF  }
0x95: {  	_ =	shalt  }

// kernel: kernel.40.cloned.1.call-start
scs
__scs_entry_jumppad:
0x0: {  	(pc) =	sbr.rel $0x88, $3  }
0x1: {  	(tag) =	ssettag $0x0;
	lr =	simm.s32 $0x1  }
0x2: {  	[smem:$0x3F77] =	sst lr;
	_ =	strace $0xD0000000  }
0x3: {  	_ = 	snop  }
0x4: {  	_ = 	snop  }
0x5: {  	_ = 	snop  }
0x6: {  	_ = 	snop  }
0x7: {  	_ = 	snop  }
__scs_overlays_trampoline_lowered:
0x8: {  	[smem:$0x3F86] =	sst s0  }
0x9: {  	[smem:$0x3F87] =	sst s1  }
0xa: {  	[smem:$0x3F88] =	sst s2  }
0xb: {  	[smem:$0x3F89] =	sst s3  }
0xc: {  	[smem:$0x3F8A] =	sst s4  }
0xd: {  	[smem:$0x3F8B] =	sst s5  }
0xe: {  	[smem:$0x3F8C] =	sst s6  }
0xf: {  	[smem:$0x3F8D] =	sst s7  }
0x10: {  	[smem:$0x3F8E] =	sst s8  }
0x11: {  	[smem:$0x3F8F] =	sst s9;
	s0 =	simm.s32 @!p0 $0x0  }
0x12: {  	s1 =	sld [smem:$0x3F75];
	s0 =	simm.s32 @p0 $0x1  }
0x13: {  	[smem:$0x3F90] =	sst s0;
	s0 =	simm.s32 @!p1 $0x0  }
0x14: {  	s2 =	sld [smem:$0x3F74];
	s0 =	simm.s32 @p1 $0x1  }
0x15: {  	[smem:$0x3F91] =	sst s0;
	s0 =	simm.s32 @!p2 $0x0  }
0x16: {  	s3 =	sld [smem:$0x3FDB];
	s0 =	simm.s32 @p2 $0x1  }
0x17: {  	s4 =	simm.s32 $0x1BF5;
	[smem:$0x3F93] =	sst s0  }
0x18: {  	s0 =	sld [smem:$0x3F76];
	_ =	swait.ge [sflag:s4], $0x0  }
0x19: {  	s7 =	sld [smem:$0x3F77]  }
0x1a: {  	s8 =	sadd.s32 $0xFFFFE003, lr  }
0x1b: {  	s9 =	sadd.s32 $0xFFFFFEF7, lr;
	s5 =	simm.s32 $0xFFFFFFFF;
	p2 =	slt.u32 s8, $0xFFFFF086  }
0x1c: {  	p1 =	slt.u32 s9, $0xF7A;
	s5 =	simm.s32 @!p2 $0x0  }
0x1d: {  	s5 =	simm.s32 @p1 $0x1;
	p0 =	seq.s32 s7, s2  }
0x1e: {  	s7 =	smul.u32 @!p0 $0xF7A, s2;
	p2 =	seq.s32 @!p0 s5, $0x0  }
0x1f: {  	s9 =	smul.u32 $0xF7A, s1;
	s8 =	simm.s32 @!p0 $0x1BF5;
	p2 =	por !p2, p0  }
0x20: {  	[sflag:s8] =	ssyncset.s32 @!p0 $0xFFFFF086;
	s6 =	sadd.s32 @!p0 s3, s7;
	s7 =	simm.s32 @!p0 $0x108  }
0x21: {  	s3 =	sadd.s32 s3, s9;
	s6 =	sadd.s32 @!p0 $0x88, s6;
	s7 =	simm.s32 @p2 $0x1082  }
0x22: {  	[simem:s7], [sflag:s8] =	dma.local @!p0 [hbm:s6], $0xF7A  }
0x23: {  	s9 =	sor.u32 $0xD0000000, s2;
	s6 =	simm.s32 $0x108;
	_ =	swait.ge @!p0 [sflag:s8], $0x0  }
0x24: {  	s3 =	sadd.s32 $0x88, s3;
	s6 =	simm.s32 @!p1 $0x1082;
	[sflag:s4] =	ssyncset.s32 $0xFFFFF086  }
0x25: {  	[simem:s6], [sflag:s4] =	dma.local [hbm:s3], $0xF7A  }
0x26: {  	[smem:$0x3F77] =	sst s1;
	(tag) =	ssettag s2;
	_ =	strace s9  }
0x27: {  	s1 =	sld [smem:$0x3F87]  }
0x28: {  	s2 =	sld [smem:$0x3F88]  }
0x29: {  	s4 =	sld [smem:$0x3F8A]  }
0x2a: {  	p0 =	seq.s32 s5, $0x0;
	s5 =	sld [smem:$0x3F8B]  }
0x2b: {  	s6 =	sld [smem:$0x3F8C]  }
0x2c: {  	s7 =	sld [smem:$0x3F8D]  }
0x2d: {  	s3 =	simm.s32 $0x108;
	s8 =	sld [smem:$0x3F8E]  }
0x2e: {  	s3 =	simm.s32 @!p0 $0x1082;
	s9 =	sld [smem:$0x3F8F]  }
0x2f: {  	lr =	sadd.s32 s0, s3;
	s0 =	sld [smem:$0x3F86]  }
0x30: {  	s3 =	sld [smem:$0x3F89]  }
0x31: {  	[smem:$0x3F92] =	sst s10  }
0x32: {  	s10 =	sld [smem:$0x3F90];
	_ =	sdelay $0x3  }
0x33: {  	p0 =	seq.s32 s10, $0x1;
	s10 =	sld [smem:$0x3F92];
	_ =	sdelay $0x3  }
0x34: {  	[smem:$0x3F92] =	sst s10  }
0x35: {  	s10 =	sld [smem:$0x3F91];
	_ =	sdelay $0x3  }
0x36: {  	p1 =	seq.s32 s10, $0x1;
	s10 =	sld [smem:$0x3F92];
	_ =	sdelay $0x3  }
0x37: {  	[smem:$0x3F92] =	sst s10  }
0x38: {  	s10 =	sld [smem:$0x3F93]  }
0x39: {  	_ = 	snop;
	(pc) =	sbr.ind lr, $3  }
0x3a: {  	_ = 	snop  }
0x3b: {  	_ = 	snop  }
0x3c: {  	p2 =	seq.s32 s10, $0x1;
	s10 =	sld [smem:$0x3F92]  }
0x3d: {  	_ =	shalt  }
0x3e: {  	_ =	shalt  }
0x3f: {  	_ =	shalt  }
0x40: {  	_ =	shalt  }
0x41: {  	_ =	shalt  }
0x42: {  	_ =	shalt  }
0x43: {  	_ =	shalt  }
0x44: {  	_ =	shalt  }
0x45: {  	_ =	shalt  }
0x46: {  	_ =	shalt  }
0x47: {  	_ =	shalt  }
0x48: {  	_ =	shalt  }
0x49: {  	_ =	shalt  }
0x4a: {  	_ =	shalt  }
0x4b: {  	_ =	shalt  }
0x4c: {  	_ =	shalt  }
0x4d: {  	_ =	shalt  }
0x4e: {  	_ =	shalt  }
0x4f: {  	_ =	shalt  }
0x50: {  	_ =	shalt  }
0x51: {  	_ =	shalt  }
0x52: {  	_ =	shalt  }
0x53: {  	_ =	shalt  }
0x54: {  	_ =	shalt  }
0x55: {  	_ =	shalt  }
0x56: {  	_ =	shalt  }
0x57: {  	_ =	shalt  }
0x58: {  	_ =	shalt  }
0x59: {  	_ =	shalt  }
0x5a: {  	_ =	shalt  }
0x5b: {  	_ =	shalt  }
0x5c: {  	_ =	shalt  }
0x5d: {  	_ =	shalt  }
0x5e: {  	_ =	shalt  }
0x5f: {  	_ =	shalt  }
0x60: {  	_ =	shalt  }
0x61: {  	_ =	shalt  }
0x62: {  	_ =	shalt  }
0x63: {  	_ =	shalt  }
0x64: {  	_ =	shalt  }
0x65: {  	_ =	shalt  }
0x66: {  	_ =	shalt  }
0x67: {  	_ =	shalt  }
0x68: {  	_ =	shalt  }
0x69: {  	_ =	shalt  }
0x6a: {  	_ =	shalt  }
0x6b: {  	_ =	shalt  }
0x6c: {  	_ =	shalt  }
0x6d: {  	_ =	shalt  }
0x6e: {  	_ =	shalt  }
0x6f: {  	_ =	shalt  }
0x70: {  	_ =	shalt  }
0x71: {  	_ =	shalt  }
0x72: {  	_ =	shalt  }
0x73: {  	_ =	shalt  }
0x74: {  	_ =	shalt  }
0x75: {  	_ =	shalt  }
0x76: {  	_ =	shalt  }
0x77: {  	_ =	shalt  }
0x78: {  	_ =	shalt  }
0x79: {  	_ =	shalt  }
0x7a: {  	_ =	shalt  }
0x7b: {  	_ =	shalt  }
0x7c: {  	_ =	shalt  }
0x7d: {  	_ =	shalt  }
0x7e: {  	_ =	shalt  }
0x7f: {  	_ =	shalt  }
0x80: {  	_ =	shalt  }
0x81: {  	_ =	shalt  }
0x82: {  	_ =	shalt  }
0x83: {  	_ =	shalt  }
0x84: {  	_ =	shalt  }
0x85: {  	_ =	shalt  }
0x86: {  	_ =	shalt  }
0x87: {  	_ =	shalt  }
.Lfunc_end0:
.L_simem_size_0:
called_computation.5_lowered:
.L_overlay_start_0:
0x88: {  	s2 =	sld [smem:$0x3FD9]  }
0x89: {  	s3 =	sld [smem:$0x3FFE];
	_ =	sdelay $0x1  }
0x8a: {  	s1 =	srdreg.scid  }
0x8b: {  	s0 =	sand.u32 $0x1, s1  }
0x8c: {  	s17 =	sshll.u32 s0, $0xA;
	s2 =	sadd.s32 s3, s2  }
0x8d: {  	s2 =	sadd.s32 s2, s17  }
0x8e: {  	[smem:$0x3F9E] =	sst s2  }
0x8f: {  	_ = 	snop  }
0x90: {  	(tm) =	ssettm $0x1  }
0x91: {  	s18 =	sld [smem:$0x3FFB];
	_ =	sdelay $0x3  }
0x92: {  	_ =	strace s18  }
0x93: {  	s2 =	sld [smem:$0x3FFC];
	_ =	sdelay $0x3  }
0x94: {  	_ =	strace s2  }
0x95: {  	s2 =	sld [smem:$0x3FFD];
	_ =	sdelay $0x3  }
0x96: {  	_ =	strace s2  }
0x97: {  	_ =	strace $0x8FFFFFFF  }
0x98: {  	s19 =	sld [smem:$0x3FDB];
	_ =	sdelay $0x1  }
0x99: {  	s20 =	simm.s32 $_scs_section_size  }
0x9a: {  	s4 =	simm.s32 $_size__tile_overlayer_lowered;
	s5 =	simm.s32 $_tile_overlayer_lowered  }
0x9b: {  	s6 =	simm.s32 $0x1BFF;
	s21 =	sshll.u32 s5, $0x1;
	s3 =	sadd.s32 s20, s19  }
0x9c: {  	s22 =	simm.s32 $0x0;
	s4 =	sshll.u32 s4, $0x1;
	s5 =	sadd.s32 s21, s3  }
0x9d: {  	[timem:s22], [sflag:s6] =	dma.local [hbm:s5], s4  }
0x9e: {  	_ =	swait.ge [sflag:s6], s4  }
0x9f: {  	s4 =	ssub.s32 $0x0, s4;
	[sflag:s6] =	ssyncset.done $0x0  }
0xa0: {  	[sflag:s6] =	ssyncadd.s32 s4;
	_ =	sdelay $0x1  }
0xa1: {  	s23 =	simm.s32 $0x1B8B  }
0xa2: {  	_ =	swait.ge [sflag:s23], $0x1  }
0xa3: {  	[sflag:s23] =	ssyncset.done $0x0  }
0xa4: {  	[sflag:s23] =	ssyncadd.s32 $0xFFFFFFFF  }
0xa5: {  	s4 =	sld [smem:$0x0]  }
0xa6: {  	s5 =	sand.u32 $0xFFFFFFFE, s1  }
0xa7: {  	p0 =	sne.s32 s1, s5  }
0xa8: {  	s5 =	sshll.u32 @p0 s5, $0xE  }
0xa9: {  	s5 =	sadd.s32 @p0 $0x11B8D, s5;
	s6 =	sshll.u32 @p0 s4, $0x11  }
0xaa: {  	s5 =	sor.u32 @p0 s6, s5  }
0xab: {  	[sflag:s5] =	ssyncadd.remote.s32 @p0 $0x1;
	_ =	sdelay $0x1  }
0xac: {  	s5 =	simm.s32 @p0 $0x1B8D  }
0xad: {  	_ =	swait.eq @p0 [sflag:s5], $0x1  }
0xae: {  	[sflag:s5] =	ssyncadd.s32 @p0 $0xFFFFFFFF  }
0xaf: {  	s6 =	sshll.u32 @!p0 s1, $0xE  }
0xb0: {  	s6 =	sor.u32 @!p0 $0x4000, s6;
	s5 =	simm.s32 @!p0 $0x1B8D  }
0xb1: {  	s4 =	sshll.u32 @!p0 s4, $0x11;
	s6 =	sadd.s32 @!p0 $0x11B8D, s6;
	_ =	swait.eq @!p0 [sflag:s5], $0x1  }
0xb2: {  	s4 =	sor.u32 @!p0 s4, s6;
	[sflag:s5] =	ssyncadd.s32 @!p0 $0xFFFFFFFF  }
0xb3: {  	s25 =	simm.s32 $0x1B8E;
	s24 =	sld [smem:$0x3FFE];
	[sflag:s4] =	ssyncadd.remote.s32 @!p0 $0x1  }
0xb4: {  	s26 =	simm.s32 $execute0_lowered;
	[smem:$0x3FD2] =	sst s25  }
0xb5: {  	s5 =	sshll.u32 s26, $0x1;
	_ =	strace $0x80000055;
	[dreg:$0x1] =	wrdreg $0xFFFFFFFF  }
0xb6: {  	s28 =	simm.s32 $_size_execute0_lowered;
	s3 =	sadd.s32 s3, s5;
	[dreg:$0x0] =	wrdreg $0x0  }
0xb7: {  	s5 =	sshll.u32 s28, $0x1;
	[dreg:$0x2] =	wrdreg s3  }
0xb8: {  	[dreg:$0x3] =	wrdreg s5  }
0xb9: {  	[dreg:$0x4] =	wrdreg $0xC0  }
0xba: {  	_ =	task [dreg:s22], $0x5FFFF  }
0xbb: {  	[dreg:$0x1] =	wrdreg $0xFFFFFFFF  }
0xbc: {  	[dreg:$0x0] =	wrdreg $0x60  }
0xbd: {  	[dreg:$0x2] =	wrdreg s24  }
0xbe: {  	[dreg:$0x3] =	wrdreg $0x0  }
0xbf: {  	[dreg:$0x4] =	wrdreg $0xA  }
0xc0: {  	_ =	task.clear_ibuf [dreg:s22], $0x5FFFF;
	_ =	strace $0x90000055  }
0xc1: {  	s29 =	simm.s32 $0xA;
	_ =	strace $0x80000057  }
0xc2: {  	_ =	swait.ge [sflag:s29], $0x1  }
0xc3: {  	[sflag:s29] =	ssyncadd.s32 $0xFFFFFFFF  }
0xc4: {  	_ =	strace $0x90000057  }
0xc5: {  	_ =	sfence  }
0xc6: {  	s30 =	sld [smem:$0x0];
	_ =	sdelay $0x2  }
0xc7: {  	s31 =	sshll.u32 s1, $0xD;
	s1 =	sshrl.u32 s1, $0x2  }
0xc8: {  	s4 =	sand.u32 $0x4000, s31;
	s1 =	sadd.s32 s1, s30  }
0xc9: {  	s0 =	sor.u32 s4, s0;
	s1 =	sshll.u32 s1, $0x11  }
0xca: {  	s0 =	sor.u32 s1, s0  }
0xcb: {  	s0 =	sadd.s32 $0x8F2B, s0  }
0xcc: {  	[sflag:s0] =	ssyncadd.remote.s32 $0x1  }
0xcd: {  	_ =	sfence.sel $0xFFFF  }
0xce: {  	[dreg:$0x0] =	wrdreg $0xFFFFFFFF;
	(pc) =	sbr.abs _section_cstart, $3  }
0xcf: {  	[dreg:$0x1] =	wrdreg $0xFFFFFFFF  }
0xd0: {  	_ =	task.clear_ibuf [dreg:s22], $0x2FFFF;
	_ =	strace $0x9FFFFFFF  }
0xd1: {  	(tm) =	ssettm $0x7FFFFFFF  }
tec
execute0_lowered:
.L_overlay_start_1:
0x0: {  	(tag) =	ssettag $0x1  }
0x1: {  	s0 =	srdreg.scid  }
0x2: {  	s6 =	sand.u32 $0x1, s0  }
0x3: {  	s0 =	stileid.u32;
	s4 =	smul.u32 $0x62000, s6  }
0x4: {  	s5 =	rddreg [dreg:$0x0];
	s7 =	smul.u32 $0x6200, s0  }
0x5: {  	s2 =	rddreg [dreg:$0x1];
	s8 =	smul.u32 $0xC4000, s6  }
0x6: {  	s1 =	rddreg [dreg:$0x2];
	s3 =	simm.s32 $0x0;
	s26 =	smul.u32 $0x19000, s6  }
0x7: {  	s15 =	simm.s32 $0x80;
	[smem:$0x7FF] =	sst s3;
	s10 =	smul.u32 $0x32000, s0  }
0x8: {  	s16 =	simm.s32 $0x0;
	_ =	strace $0x80000056;
	s12 =	smul.u32 $0xC400, s0  }
0x9: {  	s6 =	ssub.s32 $0x2, s6;
	s30 =	sshll.u32 s0, $0x6;
	s13 =	smul.u32 $0x1900, s0  }
0xa: {  	s28 =	sshrl.u32 s6, $0x1;
	s4 =	sadd.s32 s7, s4;
	s8 =	sadd.s32 s8, s5  }
0xb: {  	s11 =	sadd.s32 s26, s5;
	s29 =	sshrl.u32 s10, $0x2;
	s14 =	ssub.s32 s6, s28  }
0xc: {  	s6 =	sor.u32 $0x1C01, s30;
	s4 =	sshrl.u32 s4, $0x3;
	s7 =	smax.u32 s14, $0x1  }
0xd: {  	s8 =	sadd.s32 s12, s8;
	s31 =	sadd.s32 s13, s11;
	s12 =	simm.s32 $0x1  }
0xe: {  	s13 =	simm.s32 $0xC800;
	s14 =	simm.s32 $0xC880;
	s9 =	sadd.s32 s4, s5  }
0xf: {  	s4 =	sadd.s32 $0xD000, s5;
	s5 =	sadd.s32 s29, s2;
	s8 =	sadd.s32 $0x1CAE00, s8  }
0x10: {  	s10 =	sadd.s32 $0xEA00, s31;
	s9 =	sadd.s32 $0xD1E00, s9;
	s11 =	sshrl.u32 s5, $0x3  }
.LBB2_1:
0x11: {  	[spmem:s11], [sflag:s6] =	dma.local [hbm:s4], $0x1900  }
0x12: {  	_ =	swait.ge [sflag:s12], $0x1900  }
0x13: {  	[sflag:s12] =	ssyncset.done $0x0  }
0x14: {  	[sflag:s12] =	ssyncadd.s32 $0xFFFFE700  }
0x15: {  	s17 =	sadd.s32 $0x0, s9;
	[bflag:$0x0] =	sbarrier.arrive $0xFFFF  }
0x16: {  	[tilespmem:s13], [sflag:$0x1] =	stream.linear.gather [hbm4b:s17+s3], $0x80, $0x38;
	[tilespmem:$0xD080] =	vst v63  }
0x17: {  	_ =	swait.ge [sflag:s12], $0x80  }
0x18: {  	[sflag:s12] =	ssyncset.done $0x0  }
0x19: {  	[sflag:s12] =	ssyncadd.s32 $0xFFFFFF80  }
0x1a: {  	[tilespmem:s14], [sflag:$0x1] =	stream.linear.gather [hbm4b:s8+s3], $0x800, $0x38;
	[tilespmem:$0xD080] =	vst v63  }
0x1b: {  	_ =	swait.ge [sflag:s12], $0x800  }
0x1c: {  	[sflag:s12] =	ssyncset.done $0x0  }
0x1d: {  	[sflag:s12] =	ssyncadd.s32 $0xFFFFF800  }
0x1e: {  	[spmem:s2] =	stream.indirect.scatter.add.f32 [tilespmem:s14], [sflag:$0x1], $0x10, s13, s15, $0xb8;
	[tilespmem:$0xD080] =	vst v63  }
0x1f: {  	s18 =	simm.s32 $0x10;
	_ =	swait.ge [sflag:s12], $0x800  }
0x20: {  	s19 =	simm.s32 $0x20;
	s17 =	sadd.s32 $0x100, s8;
	[sflag:s12] =	ssyncset.done $0x0  }
.LBB2_2:
0x21: {  	s20 =	sadd.s32 s18, s9  }
0x22: {  	[sflag:s12] =	ssyncadd.s32 $0xFFFFF800;
	s18 =	smov.u32 s19;
	s21 =	sadd.s32 $0x10, s19  }
0x23: {  	[tilespmem:s13], [sflag:$0x1] =	stream.linear.gather [hbm4b:s20+s3], $0x80, $0x38;
	[tilespmem:$0xD080] =	vst v63  }
0x24: {  	p0 =	sne.s32 s19, $0xC30;
	_ =	swait.ge [sflag:s12], $0x80  }
0x25: {  	[sflag:s12] =	ssyncset.done $0x0  }
0x26: {  	[sflag:s12] =	ssyncadd.s32 $0xFFFFFF80  }
0x27: {  	[tilespmem:s14], [sflag:$0x1] =	stream.linear.gather [hbm4b:s17+s3], $0x800, $0x38;
	[tilespmem:$0xD080] =	vst v63  }
0x28: {  	_ =	swait.ge [sflag:s12], $0x800  }
.Ltmp0:
0x29: {  	[sflag:s12] =	ssyncset.done $0x0;
	(pc) =	sbr.rel @p0 .LBB2_2-.Ltmp0, $4  }
0x2a: {  	[sflag:s12] =	ssyncadd.s32 $0xFFFFF800  }
0x2b: {  	[spmem:s2] =	stream.indirect.scatter.add.f32 [tilespmem:s14], [sflag:$0x1], $0x10, s13, s15, $0xb8;
	[tilespmem:$0xD080] =	vst v63  }
0x2c: {  	_ =	swait.ge [sflag:s12], $0x800  }
0x2d: {  	s19 =	smov.u32 s21;
	s17 =	sadd.s32 $0x100, s17;
	[sflag:s12] =	ssyncset.done $0x0  }
0x2e: {  	s18 =	sadd.s32 s18, s9;
	[sflag:s12] =	ssyncadd.s32 $0xFFFFF800  }
0x2f: {  	[tilespmem:s13], [sflag:$0x1] =	stream.linear.gather [hbm4b:s18+s3], $0x80, $0x38;
	[tilespmem:$0xD080] =	vst v63  }
0x30: {  	_ =	swait.ge [sflag:s12], $0x80  }
0x31: {  	[sflag:s12] =	ssyncset.done $0x0  }
0x32: {  	[sflag:s12] =	ssyncadd.s32 $0xFFFFFF80  }
0x33: {  	[tilespmem:s14], [sflag:$0x1] =	stream.linear.gather [hbm4b:s17+s3], $0x800, $0x38;
	[tilespmem:$0xD080] =	vst v63  }
0x34: {  	_ =	swait.ge [sflag:s12], $0x800  }
0x35: {  	[sflag:s12] =	ssyncset.done $0x0  }
0x36: {  	[sflag:s12] =	ssyncadd.s32 $0xFFFFF800  }
0x37: {  	[spmem:s2] =	stream.indirect.scatter.add.f32 [tilespmem:s14], [sflag:$0x1], $0x10, s13, s15, $0xb8;
	[tilespmem:$0xD080] =	vst v63  }
0x38: {  	_ =	swait.ge [sflag:s12], $0x800  }
0x39: {  	[sflag:s12] =	ssyncset.done $0x0  }
0x3a: {  	[sflag:s12] =	ssyncadd.s32 $0xFFFFF800  }
0x3b: {  	s31 =	sadd.s32 $0x0, s10;
	[bflag:$0x0] =	sbarrier.arrive $0xFFFF  }
0x3c: {  	[hbm:s31], [sflag:s6] =	dma.local [spmem:s11], $0x100  }
0x3d: {  	_ =	swait.ge [sflag:s12], $0x100  }
0x3e: {  	s18 =	sadd.s32 $0x800, s5;
	s17 =	simm.s32 $0x100;
	[sflag:s12] =	ssyncset.done $0x0  }
.LBB2_4:
0x3f: {  	s19 =	sadd.s32 s17, s10  }
0x40: {  	s20 =	sshrl.u32 s18, $0x3;
	[sflag:s12] =	ssyncadd.s32 $0xFFFFFF00;
	p0 =	sne.s32 s17, $0x1800  }
0x41: {  	[hbm:s19], [sflag:s6] =	dma.local [spmem:s20], $0x100  }
.Ltmp1:
0x42: {  	_ = 	snop;
	(pc) =	sbr.rel @p0 .LBB2_4-.Ltmp1, $4  }
0x43: {  	_ = 	snop  }
0x44: {  	s17 =	sadd.s32 $0x100, s17  }
0x45: {  	_ =	swait.ge [sflag:s12], $0x100  }
0x46: {  	s18 =	sadd.s32 $0x800, s18;
	[sflag:s12] =	ssyncset.done $0x0  }
0x47: {  	s16 =	sadd.s32 $0x1, s16  }
0x48: {  	p0 =	sne.s32 s16, s7  }
.Ltmp2:
0x49: {  	_ = 	snop;
	(pc) =	sbr.rel @p0 .LBB2_1-.Ltmp2, $2  }
0x4a: {  	_ =	sdelay $0x2  }
0x4b: {  	[sflag:s12] =	ssyncadd.s32 $0xFFFFFF00  }
0x4c: {  	_ =	sfence.sel $0x180000  }
0x4d: {  	[bflag:$0x0] =	sbarrier.arrive $0xFFFF  }
0x4e: {  	p0 =	sne.s32 s0, $0x0;
	_ =	strace $0x90000056  }
0x4f: {  	s0 =	sadd.s32 @!p0 $0x100000, s1;
	[bflag:$0x2] =	sbarrier.arrive $0xFFFF  }
0x50: {  	[sflag:s0] =	ssyncadd.tile.s32 @!p0 $0x1;
	_ =	shalt  }
.Lfunc_end2:
_tile_overlayer_lowered:
.L_overlay_start_2:
0x51: {  	(tag) =	ssettag $0x2  }
0x52: {  	s0 =	rddreg [dreg:$0x0];
	s2 =	stileid.u32  }
0x53: {  	s1 =	rddreg [dreg:$0x1];
	p0 =	sne.s32 s2, $0x0  }
0x54: {  	s3 =	rddreg [dreg:$0x2];
	[bflag:$0x3] =	sbarrier.arrive $0xFFFF;
	s2 =	simm.s32 @!p0 $0x1C01  }
0x55: {  	[timem:s3], [sflag:s2] =	dma.local @!p0 [hbm:s0], s1  }
0x56: {  	s0 =	simm.s32 @!p0 $0x1  }
0x57: {  	_ =	swait.ge @!p0 [sflag:s0], s1  }
0x58: {  	s1 =	ssub.s32 @!p0 $0x0, s1;
	[sflag:s0] =	ssyncset.done @!p0 $0x0  }
0x59: {  	[sflag:s0] =	ssyncadd.s32 @!p0 s1  }
0x5a: {  	[bflag:$0x3] =	sbarrier.arrive $0xFFFF  }
0x5b: {  	_ =	shalt  }

// kernel: kernel.43.cloned.1.call-start
scs
__scs_entry_jumppad:
0x0: {  	(pc) =	sbr.rel $0x88, $3  }
0x1: {  	(tag) =	ssettag $0x0;
	lr =	simm.s32 $0x1  }
0x2: {  	[smem:$0x3F77] =	sst lr;
	_ =	strace $0xD0000000  }
0x3: {  	_ = 	snop  }
0x4: {  	_ = 	snop  }
0x5: {  	_ = 	snop  }
0x6: {  	_ = 	snop  }
0x7: {  	_ = 	snop  }
__scs_overlays_trampoline_lowered:
0x8: {  	[smem:$0x3F86] =	sst s0  }
0x9: {  	[smem:$0x3F87] =	sst s1  }
0xa: {  	[smem:$0x3F88] =	sst s2  }
0xb: {  	[smem:$0x3F89] =	sst s3  }
0xc: {  	[smem:$0x3F8A] =	sst s4  }
0xd: {  	[smem:$0x3F8B] =	sst s5  }
0xe: {  	[smem:$0x3F8C] =	sst s6  }
0xf: {  	[smem:$0x3F8D] =	sst s7  }
0x10: {  	[smem:$0x3F8E] =	sst s8  }
0x11: {  	[smem:$0x3F8F] =	sst s9;
	s0 =	simm.s32 @!p0 $0x0  }
0x12: {  	s1 =	sld [smem:$0x3F75];
	s0 =	simm.s32 @p0 $0x1  }
0x13: {  	[smem:$0x3F90] =	sst s0;
	s0 =	simm.s32 @!p1 $0x0  }
0x14: {  	s2 =	sld [smem:$0x3F74];
	s0 =	simm.s32 @p1 $0x1  }
0x15: {  	[smem:$0x3F91] =	sst s0;
	s0 =	simm.s32 @!p2 $0x0  }
0x16: {  	s3 =	sld [smem:$0x3FDB];
	s0 =	simm.s32 @p2 $0x1  }
0x17: {  	s4 =	simm.s32 $0x1BF5;
	[smem:$0x3F93] =	sst s0  }
0x18: {  	s0 =	sld [smem:$0x3F76];
	_ =	swait.ge [sflag:s4], $0x0  }
0x19: {  	s7 =	sld [smem:$0x3F77]  }
0x1a: {  	s8 =	sadd.s32 $0xFFFFE003, lr  }
0x1b: {  	s9 =	sadd.s32 $0xFFFFFEF7, lr;
	s5 =	simm.s32 $0xFFFFFFFF;
	p2 =	slt.u32 s8, $0xFFFFF086  }
0x1c: {  	p1 =	slt.u32 s9, $0xF7A;
	s5 =	simm.s32 @!p2 $0x0  }
0x1d: {  	s5 =	simm.s32 @p1 $0x1;
	p0 =	seq.s32 s7, s2  }
0x1e: {  	s7 =	smul.u32 @!p0 $0xF7A, s2;
	p2 =	seq.s32 @!p0 s5, $0x0  }
0x1f: {  	s9 =	smul.u32 $0xF7A, s1;
	s8 =	simm.s32 @!p0 $0x1BF5;
	p2 =	por !p2, p0  }
0x20: {  	[sflag:s8] =	ssyncset.s32 @!p0 $0xFFFFF086;
	s6 =	sadd.s32 @!p0 s3, s7;
	s7 =	simm.s32 @!p0 $0x108  }
0x21: {  	s3 =	sadd.s32 s3, s9;
	s6 =	sadd.s32 @!p0 $0x88, s6;
	s7 =	simm.s32 @p2 $0x1082  }
0x22: {  	[simem:s7], [sflag:s8] =	dma.local @!p0 [hbm:s6], $0xF7A  }
0x23: {  	s9 =	sor.u32 $0xD0000000, s2;
	s6 =	simm.s32 $0x108;
	_ =	swait.ge @!p0 [sflag:s8], $0x0  }
0x24: {  	s3 =	sadd.s32 $0x88, s3;
	s6 =	simm.s32 @!p1 $0x1082;
	[sflag:s4] =	ssyncset.s32 $0xFFFFF086  }
0x25: {  	[simem:s6], [sflag:s4] =	dma.local [hbm:s3], $0xF7A  }
0x26: {  	[smem:$0x3F77] =	sst s1;
	(tag) =	ssettag s2;
	_ =	strace s9  }
0x27: {  	s1 =	sld [smem:$0x3F87]  }
0x28: {  	s2 =	sld [smem:$0x3F88]  }
0x29: {  	s4 =	sld [smem:$0x3F8A]  }
0x2a: {  	p0 =	seq.s32 s5, $0x0;
	s5 =	sld [smem:$0x3F8B]  }
0x2b: {  	s6 =	sld [smem:$0x3F8C]  }
0x2c: {  	s7 =	sld [smem:$0x3F8D]  }
0x2d: {  	s3 =	simm.s32 $0x108;
	s8 =	sld [smem:$0x3F8E]  }
0x2e: {  	s3 =	simm.s32 @!p0 $0x1082;
	s9 =	sld [smem:$0x3F8F]  }
0x2f: {  	lr =	sadd.s32 s0, s3;
	s0 =	sld [smem:$0x3F86]  }
0x30: {  	s3 =	sld [smem:$0x3F89]  }
0x31: {  	[smem:$0x3F92] =	sst s10  }
0x32: {  	s10 =	sld [smem:$0x3F90];
	_ =	sdelay $0x3  }
0x33: {  	p0 =	seq.s32 s10, $0x1;
	s10 =	sld [smem:$0x3F92];
	_ =	sdelay $0x3  }
0x34: {  	[smem:$0x3F92] =	sst s10  }
0x35: {  	s10 =	sld [smem:$0x3F91];
	_ =	sdelay $0x3  }
0x36: {  	p1 =	seq.s32 s10, $0x1;
	s10 =	sld [smem:$0x3F92];
	_ =	sdelay $0x3  }
0x37: {  	[smem:$0x3F92] =	sst s10  }
0x38: {  	s10 =	sld [smem:$0x3F93]  }
0x39: {  	_ = 	snop;
	(pc) =	sbr.ind lr, $3  }
0x3a: {  	_ = 	snop  }
0x3b: {  	_ = 	snop  }
0x3c: {  	p2 =	seq.s32 s10, $0x1;
	s10 =	sld [smem:$0x3F92]  }
0x3d: {  	_ =	shalt  }
0x3e: {  	_ =	shalt  }
0x3f: {  	_ =	shalt  }
0x40: {  	_ =	shalt  }
0x41: {  	_ =	shalt  }
0x42: {  	_ =	shalt  }
0x43: {  	_ =	shalt  }
0x44: {  	_ =	shalt  }
0x45: {  	_ =	shalt  }
0x46: {  	_ =	shalt  }
0x47: {  	_ =	shalt  }
0x48: {  	_ =	shalt  }
0x49: {  	_ =	shalt  }
0x4a: {  	_ =	shalt  }
0x4b: {  	_ =	shalt  }
0x4c: {  	_ =	shalt  }
0x4d: {  	_ =	shalt  }
0x4e: {  	_ =	shalt  }
0x4f: {  	_ =	shalt  }
0x50: {  	_ =	shalt  }
0x51: {  	_ =	shalt  }
0x52: {  	_ =	shalt  }
0x53: {  	_ =	shalt  }
0x54: {  	_ =	shalt  }
0x55: {  	_ =	shalt  }
0x56: {  	_ =	shalt  }
0x57: {  	_ =	shalt  }
0x58: {  	_ =	shalt  }
0x59: {  	_ =	shalt  }
0x5a: {  	_ =	shalt  }
0x5b: {  	_ =	shalt  }
0x5c: {  	_ =	shalt  }
0x5d: {  	_ =	shalt  }
0x5e: {  	_ =	shalt  }
0x5f: {  	_ =	shalt  }
0x60: {  	_ =	shalt  }
0x61: {  	_ =	shalt  }
0x62: {  	_ =	shalt  }
0x63: {  	_ =	shalt  }
0x64: {  	_ =	shalt  }
0x65: {  	_ =	shalt  }
0x66: {  	_ =	shalt  }
0x67: {  	_ =	shalt  }
0x68: {  	_ =	shalt  }
0x69: {  	_ =	shalt  }
0x6a: {  	_ =	shalt  }
0x6b: {  	_ =	shalt  }
0x6c: {  	_ =	shalt  }
0x6d: {  	_ =	shalt  }
0x6e: {  	_ =	shalt  }
0x6f: {  	_ =	shalt  }
0x70: {  	_ =	shalt  }
0x71: {  	_ =	shalt  }
0x72: {  	_ =	shalt  }
0x73: {  	_ =	shalt  }
0x74: {  	_ =	shalt  }
0x75: {  	_ =	shalt  }
0x76: {  	_ =	shalt  }
0x77: {  	_ =	shalt  }
0x78: {  	_ =	shalt  }
0x79: {  	_ =	shalt  }
0x7a: {  	_ =	shalt  }
0x7b: {  	_ =	shalt  }
0x7c: {  	_ =	shalt  }
0x7d: {  	_ =	shalt  }
0x7e: {  	_ =	shalt  }
0x7f: {  	_ =	shalt  }
0x80: {  	_ =	shalt  }
0x81: {  	_ =	shalt  }
0x82: {  	_ =	shalt  }
0x83: {  	_ =	shalt  }
0x84: {  	_ =	shalt  }
0x85: {  	_ =	shalt  }
0x86: {  	_ =	shalt  }
0x87: {  	_ =	shalt  }
.Lfunc_end0:
.L_simem_size_0:
called_computation.6_lowered:
.L_overlay_start_0:
0x88: {  	s2 =	sld [smem:$0x3FD9]  }
0x89: {  	s3 =	sld [smem:$0x3FFE];
	_ =	sdelay $0x1  }
0x8a: {  	s1 =	srdreg.scid  }
0x8b: {  	s0 =	sand.u32 $0x1, s1  }
0x8c: {  	s16 =	sshll.u32 s0, $0xA;
	s2 =	sadd.s32 s3, s2  }
0x8d: {  	s2 =	sadd.s32 s2, s16  }
0x8e: {  	[smem:$0x3F9E] =	sst s2  }
0x8f: {  	_ = 	snop  }
0x90: {  	(tm) =	ssettm $0x1  }
0x91: {  	s17 =	sld [smem:$0x3FFB];
	_ =	sdelay $0x3  }
0x92: {  	_ =	strace s17  }
0x93: {  	s2 =	sld [smem:$0x3FFC];
	_ =	sdelay $0x3  }
0x94: {  	_ =	strace s2  }
0x95: {  	s2 =	sld [smem:$0x3FFD];
	_ =	sdelay $0x3  }
0x96: {  	_ =	strace s2  }
0x97: {  	_ =	strace $0x8FFFFFFF  }
0x98: {  	s18 =	sld [smem:$0x3FDB];
	_ =	sdelay $0x1  }
0x99: {  	s19 =	simm.s32 $_scs_section_size  }
0x9a: {  	s4 =	simm.s32 $_size__tile_overlayer_lowered;
	s5 =	simm.s32 $_tile_overlayer_lowered  }
0x9b: {  	s22 =	simm.s32 $0x1BFF;
	s21 =	sshll.u32 s5, $0x1;
	s2 =	sadd.s32 s19, s18  }
0x9c: {  	s6 =	simm.s32 $0x0;
	s20 =	sshll.u32 s4, $0x1;
	s4 =	sadd.s32 s21, s2  }
0x9d: {  	[timem:s6], [sflag:s22] =	dma.local [hbm:s4], s20  }
0x9e: {  	_ =	swait.ge [sflag:s22], s20  }
0x9f: {  	s3 =	ssub.s32 $0x0, s20;
	[sflag:s22] =	ssyncset.done $0x0  }
0xa0: {  	[sflag:s22] =	ssyncadd.s32 s3;
	_ =	sdelay $0x1  }
0xa1: {  	s23 =	simm.s32 $0x1B8B  }
0xa2: {  	_ =	swait.ge [sflag:s23], $0x1  }
0xa3: {  	[sflag:s23] =	ssyncset.done $0x0  }
0xa4: {  	s25 =	simm.s32 $0x1B8E;
	s24 =	sld [smem:$0x3FFE];
	[sflag:s23] =	ssyncadd.s32 $0xFFFFFFFF  }
0xa5: {  	s26 =	simm.s32 $execute0_lowered;
	[smem:$0x3FD2] =	sst s25  }
0xa6: {  	s4 =	sshll.u32 s26, $0x1;
	_ =	strace $0x80000058;
	[dreg:$0x1] =	wrdreg $0xFFFFFFFF  }
0xa7: {  	s28 =	simm.s32 $_size_execute0_lowered;
	s2 =	sadd.s32 s2, s4;
	[dreg:$0x0] =	wrdreg $0x0  }
0xa8: {  	s4 =	sshll.u32 s28, $0x1;
	[dreg:$0x2] =	wrdreg s2  }
0xa9: {  	[dreg:$0x3] =	wrdreg s4  }
0xaa: {  	[dreg:$0x4] =	wrdreg $0xC0  }
0xab: {  	_ =	task [dreg:s6], $0x5FFFF  }
0xac: {  	[dreg:$0x1] =	wrdreg $0xFFFFFFFF  }
0xad: {  	[dreg:$0x0] =	wrdreg $0x60  }
0xae: {  	[dreg:$0x2] =	wrdreg s24  }
0xaf: {  	[dreg:$0x3] =	wrdreg $0x9  }
0xb0: {  	_ =	task.clear_ibuf [dreg:s6], $0x4FFFF;
	_ =	strace $0x90000058  }
0xb1: {  	s29 =	simm.s32 $0x9;
	_ =	strace $0x8000005A  }
0xb2: {  	_ =	swait.ge [sflag:s29], $0x1  }
0xb3: {  	[sflag:s29] =	ssyncadd.s32 $0xFFFFFFFF  }
0xb4: {  	_ =	strace $0x9000005A  }
0xb5: {  	_ =	sfence  }
0xb6: {  	s30 =	sld [smem:$0x0];
	_ =	sdelay $0x2  }
0xb7: {  	s31 =	sshll.u32 s1, $0xD;
	s1 =	sshrl.u32 s1, $0x2  }
0xb8: {  	s3 =	sand.u32 $0x4000, s31;
	s1 =	sadd.s32 s1, s30  }
0xb9: {  	s0 =	sor.u32 s3, s0;
	s1 =	sshll.u32 s1, $0x11  }
0xba: {  	s0 =	sor.u32 s1, s0  }
0xbb: {  	s0 =	sadd.s32 $0x8F2B, s0  }
0xbc: {  	[sflag:s0] =	ssyncadd.remote.s32 $0x1  }
0xbd: {  	_ =	sfence.sel $0xFFFF  }
0xbe: {  	[dreg:$0x0] =	wrdreg $0xFFFFFFFF;
	(pc) =	sbr.abs _section_cstart, $3  }
0xbf: {  	[dreg:$0x1] =	wrdreg $0xFFFFFFFF  }
0xc0: {  	_ =	task.clear_ibuf [dreg:s6], $0x2FFFF;
	_ =	strace $0x9FFFFFFF  }
0xc1: {  	(tm) =	ssettm $0x7FFFFFFF  }
tec
execute0_lowered:
.L_overlay_start_1:
0x0: {  	(tag) =	ssettag $0x1  }
0x1: {  	s10 =	rddreg [dreg:$0x0]  }
0x2: {  	s0 =	rddreg [dreg:$0x1];
	s1 =	simm.s32 $0x0  }
0x3: {  	s5 =	srdreg.scid;
	s15 =	simm.s32 $0x100;
	s16 =	simm.s32 $0x4100  }
0x4: {  	s17 =	simm.s32 $0x8100;
	s18 =	simm.s32 $0x8900;
	s19 =	simm.s32 $0x1  }
0x5: {  	s20 =	simm.s32 $0x2;
	s21 =	simm.s32 $0x3;
	[smem:$0x7FF] =	sst s1  }
0x6: {  	s22 =	simm.s32 $0x0;
	s2 =	sadd.s32 $0x672E00, s10;
	s3 =	sadd.s32 $0x73AE00, s10  }
0x7: {  	s4 =	sadd.s32 $0xEA00, s10;
	s6 =	sadd.s32 $0xD1E00, s10;
	s7 =	sadd.s32 $0xEA600, s10  }
0x8: {  	s11 =	sand.u32 $0x1, s5;
	s8 =	sadd.s32 $0xB43E00, s10;
	s5 =	stileid.u32  }
0x9: {  	s9 =	sadd.s32 $0x102E00, s10;
	s10 =	sadd.s32 $0x8CAE00, s10;
	s12 =	ssub.s32 $0x2, s11  }
0xa: {  	_ =	strace $0x80000059;
	s14 =	sshll.u32 s5, $0x1;
	s13 =	sshrl.u32 s12, $0x1  }
0xb: {  	s11 =	sor.u32 s11, s14;
	s14 =	simm.s32 $0x80;
	s12 =	ssub.s32 s12, s13  }
0xc: {  	s11 =	smul.u32 $0x6200, s11;
	s13 =	simm.s32 $0x4;
	s12 =	smax.u32 s12, $0x1  }
.LBB2_1:
0xd: {  	s23 =	simm.s32 $0x0  }
.LBB2_2:
0xe: {  	s24 =	sshll.u32 s23, $0x7  }
0xf: {  	s24 =	sadd.s32 s11, s24  }
0x10: {  	s25 =	sshrl.u32 s24, $0x3  }
0x11: {  	s28 =	simm.s32 $0x0;
	s26 =	sadd.s32 s6, s25  }
0x12: {  	[tilespmem:s28], [sflag:$0x4] =	stream.linear.gather [hbm4b:s26+s28], $0x80, $0x38;
	[tilespmem:$0x9100] =	vst v63  }
0x13: {  	_ =	swait.ge [sflag:s13], $0x80  }
0x14: {  	[sflag:s13] =	ssyncset.done $0x0  }
0x15: {  	s25 =	sadd.s32 s7, s25;
	[sflag:s13] =	ssyncadd.s32 $0xFFFFFF80  }
0x16: {  	[tilespmem:s14], [sflag:$0x4] =	stream.linear.gather [hbm4b:s25+s28], $0x80, $0x38;
	[tilespmem:$0x9100] =	vst v63  }
0x17: {  	_ =	swait.ge [sflag:s13], $0x80  }
0x18: {  	[sflag:s13] =	ssyncset.done $0x0  }
0x19: {  	[sflag:s13] =	ssyncadd.s32 $0xFFFFFF80  }
0x1a: {  	[tilespmem:s15], [sflag:$0x1] =	stream.indirect.gather [hbm4b:s2+s14], $0x80, s28, s14, $0xb8;
	[tilespmem:$0x9100] =	vst v63  }
0x1b: {  	_ = 	snop  }
0x1c: {  	[tilespmem:s16], [sflag:$0x2] =	stream.indirect.gather [hbm4b:s3+s14], $0x80, s14, s14, $0xb8;
	[tilespmem:$0x9100] =	vst v63  }
0x1d: {  	_ = 	snop  }
0x1e: {  	[tilespmem:s17], [sflag:$0x3] =	stream.indirect.gather [hbm4b:s4+s14], $0x10, s28, s14, $0xb8;
	[tilespmem:$0x9100] =	vst v63  }
0x1f: {  	_ = 	snop  }
0x20: {  	[tilespmem:s18], [sflag:$0x3] =	stream.indirect.gather [hbm4b:s4+s14], $0x10, s14, s14, $0xb8;
	[tilespmem:$0x9100] =	vst v63  }
0x21: {  	_ =	swait.ge [sflag:s19], $0x4000  }
0x22: {  	[sflag:s19] =	ssyncset.done $0x0  }
0x23: {  	[sflag:s19] =	ssyncadd.s32 $0xFFFFC000  }
0x24: {  	_ =	swait.ge [sflag:s20], $0x4000  }
0x25: {  	[sflag:s20] =	ssyncset.done $0x0  }
0x26: {  	[sflag:s20] =	ssyncadd.s32 $0xFFFFC000  }
0x27: {  	_ =	swait.ge [sflag:s21], $0x800  }
0x28: {  	[sflag:s21] =	ssyncset.done $0x0  }
0x29: {  	[sflag:s21] =	ssyncadd.s32 $0xFFFFF800  }
0x2a: {  	_ =	swait.ge [sflag:s21], $0x800  }
0x2b: {  	[sflag:s21] =	ssyncset.done $0x0  }
0x2c: {  	s25 =	simm.s32 $0x0;
	[sflag:s21] =	ssyncadd.s32 $0xFFFFF800  }
0x2d: {  	v7 =	vld [tilespmem:s25+$0x4100]  }
0x2e: {  	v11 =	vld [tilespmem:s25+$0x4110]  }
0x2f: {  	v5 =	vld [tilespmem:s25+$0x4120]  }
0x30: {  	v4 =	vld [tilespmem:s25+$0x4130]  }
0x31: {  	v3 =	vld [tilespmem:s25+$0x4140]  }
0x32: {  	v2 =	vld [tilespmem:s25+$0x4150]  }
0x33: {  	v1 =	vld [tilespmem:s25+$0x4160]  }
0x34: {  	v0 =	vld [tilespmem:s25+$0x4170]  }
0x35: {  	v12 =	vld [tilespmem:s25+$0x100]  }
0x36: {  	v13 =	vld [tilespmem:s25+$0x110]  }
0x37: {  	v10 =	vld [tilespmem:s25+$0x120]  }
0x38: {  	v9 =	vld [tilespmem:s25+$0x130]  }
0x39: {  	v8 =	vld [tilespmem:s25+$0x140]  }
0x3a: {  	v6 =	vld [tilespmem:s25+$0x150];
	v12 =	vadd.f32 v7, v12  }
0x3b: {  	s26 =	simm.s32 $0x200;
	v11 =	vadd.f32 v11, v13;
	v7 =	vld [tilespmem:s25+$0x160]  }
.LBB2_3:
0x3c: {  	s28 =	sshra.s32 s26, $0x2;
	p0 =	sne.s32 s26, $0xFE00;
	[tilespmem:s25+$0x100] =	vst v12;
	v5 =	vadd.f32 v5, v10;
	v10 =	vld [tilespmem:s25+$0x170]  }
0x3d: {  	v12 =	vld [tilespmem:s28+$0x4100];
	[tilespmem:s25+$0x110] =	vst v11;
	v4 =	vadd.f32 v4, v9  }
0x3e: {  	v11 =	vld [tilespmem:s28+$0x4110];
	[tilespmem:s25+$0x120] =	vst v5;
	v3 =	vadd.f32 v3, v8  }
0x3f: {  	v5 =	vld [tilespmem:s28+$0x4120];
	[tilespmem:s25+$0x130] =	vst v4;
	v2 =	vadd.f32 v2, v6  }
0x40: {  	v4 =	vld [tilespmem:s28+$0x4130];
	[tilespmem:s25+$0x140] =	vst v3;
	v1 =	vadd.f32 v1, v7  }
0x41: {  	v3 =	vld [tilespmem:s28+$0x4140];
	[tilespmem:s25+$0x150] =	vst v2;
	v0 =	vadd.f32 v0, v10  }
0x42: {  	v2 =	vld [tilespmem:s28+$0x4150];
	[tilespmem:s25+$0x160] =	vst v1  }
0x43: {  	v1 =	vld [tilespmem:s28+$0x4160];
	[tilespmem:s25+$0x170] =	vst v0;
	s25 =	smov.u32 s28  }
0x44: {  	v0 =	vld [tilespmem:s25+$0x4170]  }
0x45: {  	v6 =	vld [tilespmem:s25+$0x100]  }
0x46: {  	v7 =	vld [tilespmem:s25+$0x110]  }
.Ltmp0:
0x47: {  	v10 =	vld [tilespmem:s25+$0x120];
	(pc) =	sbr.rel @p0 .LBB2_3-.Ltmp0, $4  }
0x48: {  	v9 =	vld [tilespmem:s25+$0x130]  }
0x49: {  	v8 =	vld [tilespmem:s25+$0x140]  }
0x4a: {  	v12 =	vadd.f32 v12, v6;
	v6 =	vld [tilespmem:s25+$0x150]  }
0x4b: {  	s26 =	sadd.s32 $0x200, s26;
	v11 =	vadd.f32 v11, v7;
	v7 =	vld [tilespmem:s25+$0x160]  }
0x4c: {  	[tilespmem:s25+$0x100] =	vst v12;
	v5 =	vadd.f32 v5, v10;
	v63 =	vld [tilespmem:s25+$0x170]  }
0x4d: {  	[tilespmem:s25+$0x110] =	vst v11;
	v4 =	vadd.f32 v4, v9  }
0x4e: {  	[tilespmem:s25+$0x120] =	vst v5;
	v3 =	vadd.f32 v3, v8  }
0x4f: {  	[tilespmem:s25+$0x130] =	vst v4;
	v2 =	vadd.f32 v2, v6  }
0x50: {  	[tilespmem:s25+$0x140] =	vst v3;
	v1 =	vadd.f32 v1, v7  }
0x51: {  	[tilespmem:s25+$0x150] =	vst v2;
	v0 =	vadd.f32 v0, v63  }
0x52: {  	s26 =	sshll.u32 s24, $0x4;
	[tilespmem:s25+$0x160] =	vst v1  }
0x53: {  	s29 =	sadd.s32 s8, s26;
	[tilespmem:s25+$0x170] =	vst v0  }
0x54: {  	[hbm4b:s29+s1] =	stream.linear.scatter [tilespmem:s15], [sflag:$0x4], $0x4000, $0x38;
	[tilespmem:$0x9100] =	vst v63  }
0x55: {  	_ =	swait.ge [sflag:s13], $0x4000  }
0x56: {  	s30 =	sshll.u32 s24, $0x1;
	[sflag:s13] =	ssyncset.done $0x0  }
0x57: {  	s31 =	sadd.s32 s9, s30;
	[sflag:s13] =	ssyncadd.s32 $0xFFFFC000  }
0x58: {  	[hbm4b:s31+s1] =	stream.linear.scatter [tilespmem:s17], [sflag:$0x4], $0x800, $0x38;
	[tilespmem:$0x9100] =	vst v63  }
0x59: {  	s23 =	sadd.s32 $0x1, s23;
	_ =	swait.ge [sflag:s13], $0x800  }
0x5a: {  	p0 =	sne.s32 s23, $0xC4;
	[sflag:s13] =	ssyncset.done $0x0  }
.Ltmp1:
0x5b: {  	s24 =	sadd.s32 s10, s30;
	[sflag:s13] =	ssyncadd.s32 $0xFFFFF800;
	(pc) =	sbr.rel @p0 .LBB2_2-.Ltmp1, $4  }
0x5c: {  	[hbm4b:s24+s1] =	stream.linear.scatter [tilespmem:s18], [sflag:$0x4], $0x800, $0x38;
	[tilespmem:$0x9100] =	vst v63  }
0x5d: {  	_ =	swait.ge [sflag:s13], $0x800  }
0x5e: {  	[sflag:s13] =	ssyncset.done $0x0  }
0x5f: {  	[sflag:s13] =	ssyncadd.s32 $0xFFFFF800  }
0x60: {  	s22 =	sadd.s32 $0x1, s22  }
0x61: {  	p0 =	sne.s32 s22, s12  }
.Ltmp2:
0x62: {  	_ = 	snop;
	(pc) =	sbr.rel @p0 .LBB2_1-.Ltmp2, $1  }
0x63: {  	_ =	sdelay $0x3  }
0x64: {  	_ =	sfence.sel $0x180000  }
0x65: {  	[bflag:$0x0] =	sbarrier.arrive $0xFFFF  }
0x66: {  	p0 =	sne.s32 s5, $0x0;
	_ =	strace $0x90000059  }
0x67: {  	s0 =	sadd.s32 @!p0 $0x100000, s0;
	[bflag:$0x2] =	sbarrier.arrive $0xFFFF  }
0x68: {  	[sflag:s0] =	ssyncadd.tile.s32 @!p0 $0x1;
	_ =	shalt  }
.Lfunc_end2:
_tile_overlayer_lowered:
.L_overlay_start_2:
0x69: {  	(tag) =	ssettag $0x2  }
0x6a: {  	s0 =	rddreg [dreg:$0x0];
	s2 =	stileid.u32  }
0x6b: {  	s1 =	rddreg [dreg:$0x1];
	p0 =	sne.s32 s2, $0x0  }
0x6c: {  	s3 =	rddreg [dreg:$0x2];
	[bflag:$0x3] =	sbarrier.arrive $0xFFFF;
	s2 =	simm.s32 @!p0 $0x1C04  }
0x6d: {  	[timem:s3], [sflag:s2] =	dma.local @!p0 [hbm:s0], s1  }
0x6e: {  	s0 =	simm.s32 @!p0 $0x4  }
0x6f: {  	_ =	swait.ge @!p0 [sflag:s0], s1  }
0x70: {  	s1 =	ssub.s32 @!p0 $0x0, s1;
	[sflag:s0] =	ssyncset.done @!p0 $0x0  }
0x71: {  	[sflag:s0] =	ssyncadd.s32 @!p0 s1  }
0x72: {  	[bflag:$0x3] =	sbarrier.arrive $0xFFFF  }
0x73: {  	_ =	shalt  }

// kernel: kernel.46.cloned.1.call-start
scs
__scs_entry_jumppad:
0x0: {  	(pc) =	sbr.rel $0x88, $3  }
0x1: {  	(tag) =	ssettag $0x0;
	lr =	simm.s32 $0x1  }
0x2: {  	[smem:$0x3F77] =	sst lr;
	_ =	strace $0xD0000000  }
0x3: {  	_ = 	snop  }
0x4: {  	_ = 	snop  }
0x5: {  	_ = 	snop  }
0x6: {  	_ = 	snop  }
0x7: {  	_ = 	snop  }
__scs_overlays_trampoline_lowered:
0x8: {  	[smem:$0x3F86] =	sst s0  }
0x9: {  	[smem:$0x3F87] =	sst s1  }
0xa: {  	[smem:$0x3F88] =	sst s2  }
0xb: {  	[smem:$0x3F89] =	sst s3  }
0xc: {  	[smem:$0x3F8A] =	sst s4  }
0xd: {  	[smem:$0x3F8B] =	sst s5  }
0xe: {  	[smem:$0x3F8C] =	sst s6  }
0xf: {  	[smem:$0x3F8D] =	sst s7  }
0x10: {  	[smem:$0x3F8E] =	sst s8  }
0x11: {  	[smem:$0x3F8F] =	sst s9;
	s0 =	simm.s32 @!p0 $0x0  }
0x12: {  	s1 =	sld [smem:$0x3F75];
	s0 =	simm.s32 @p0 $0x1  }
0x13: {  	[smem:$0x3F90] =	sst s0;
	s0 =	simm.s32 @!p1 $0x0  }
0x14: {  	s2 =	sld [smem:$0x3F74];
	s0 =	simm.s32 @p1 $0x1  }
0x15: {  	[smem:$0x3F91] =	sst s0;
	s0 =	simm.s32 @!p2 $0x0  }
0x16: {  	s3 =	sld [smem:$0x3FDB];
	s0 =	simm.s32 @p2 $0x1  }
0x17: {  	s4 =	simm.s32 $0x1BF5;
	[smem:$0x3F93] =	sst s0  }
0x18: {  	s0 =	sld [smem:$0x3F76];
	_ =	swait.ge [sflag:s4], $0x0  }
0x19: {  	s7 =	sld [smem:$0x3F77]  }
0x1a: {  	s8 =	sadd.s32 $0xFFFFE003, lr  }
0x1b: {  	s9 =	sadd.s32 $0xFFFFFEF7, lr;
	s5 =	simm.s32 $0xFFFFFFFF;
	p2 =	slt.u32 s8, $0xFFFFF086  }
0x1c: {  	p1 =	slt.u32 s9, $0xF7A;
	s5 =	simm.s32 @!p2 $0x0  }
0x1d: {  	s5 =	simm.s32 @p1 $0x1;
	p0 =	seq.s32 s7, s2  }
0x1e: {  	s7 =	smul.u32 @!p0 $0xF7A, s2;
	p2 =	seq.s32 @!p0 s5, $0x0  }
0x1f: {  	s9 =	smul.u32 $0xF7A, s1;
	s8 =	simm.s32 @!p0 $0x1BF5;
	p2 =	por !p2, p0  }
0x20: {  	[sflag:s8] =	ssyncset.s32 @!p0 $0xFFFFF086;
	s6 =	sadd.s32 @!p0 s3, s7;
	s7 =	simm.s32 @!p0 $0x108  }
0x21: {  	s3 =	sadd.s32 s3, s9;
	s6 =	sadd.s32 @!p0 $0x88, s6;
	s7 =	simm.s32 @p2 $0x1082  }
0x22: {  	[simem:s7], [sflag:s8] =	dma.local @!p0 [hbm:s6], $0xF7A  }
0x23: {  	s9 =	sor.u32 $0xD0000000, s2;
	s6 =	simm.s32 $0x108;
	_ =	swait.ge @!p0 [sflag:s8], $0x0  }
0x24: {  	s3 =	sadd.s32 $0x88, s3;
	s6 =	simm.s32 @!p1 $0x1082;
	[sflag:s4] =	ssyncset.s32 $0xFFFFF086  }
0x25: {  	[simem:s6], [sflag:s4] =	dma.local [hbm:s3], $0xF7A  }
0x26: {  	[smem:$0x3F77] =	sst s1;
	(tag) =	ssettag s2;
	_ =	strace s9  }
0x27: {  	s1 =	sld [smem:$0x3F87]  }
0x28: {  	s2 =	sld [smem:$0x3F88]  }
0x29: {  	s4 =	sld [smem:$0x3F8A]  }
0x2a: {  	p0 =	seq.s32 s5, $0x0;
	s5 =	sld [smem:$0x3F8B]  }
0x2b: {  	s6 =	sld [smem:$0x3F8C]  }
0x2c: {  	s7 =	sld [smem:$0x3F8D]  }
0x2d: {  	s3 =	simm.s32 $0x108;
	s8 =	sld [smem:$0x3F8E]  }
0x2e: {  	s3 =	simm.s32 @!p0 $0x1082;
	s9 =	sld [smem:$0x3F8F]  }
0x2f: {  	lr =	sadd.s32 s0, s3;
	s0 =	sld [smem:$0x3F86]  }
0x30: {  	s3 =	sld [smem:$0x3F89]  }
0x31: {  	[smem:$0x3F92] =	sst s10  }
0x32: {  	s10 =	sld [smem:$0x3F90];
	_ =	sdelay $0x3  }
0x33: {  	p0 =	seq.s32 s10, $0x1;
	s10 =	sld [smem:$0x3F92];
	_ =	sdelay $0x3  }
0x34: {  	[smem:$0x3F92] =	sst s10  }
0x35: {  	s10 =	sld [smem:$0x3F91];
	_ =	sdelay $0x3  }
0x36: {  	p1 =	seq.s32 s10, $0x1;
	s10 =	sld [smem:$0x3F92];
	_ =	sdelay $0x3  }
0x37: {  	[smem:$0x3F92] =	sst s10  }
0x38: {  	s10 =	sld [smem:$0x3F93]  }
0x39: {  	_ = 	snop;
	(pc) =	sbr.ind lr, $3  }
0x3a: {  	_ = 	snop  }
0x3b: {  	_ = 	snop  }
0x3c: {  	p2 =	seq.s32 s10, $0x1;
	s10 =	sld [smem:$0x3F92]  }
0x3d: {  	_ =	shalt  }
0x3e: {  	_ =	shalt  }
0x3f: {  	_ =	shalt  }
0x40: {  	_ =	shalt  }
0x41: {  	_ =	shalt  }
0x42: {  	_ =	shalt  }
0x43: {  	_ =	shalt  }
0x44: {  	_ =	shalt  }
0x45: {  	_ =	shalt  }
0x46: {  	_ =	shalt  }
0x47: {  	_ =	shalt  }
0x48: {  	_ =	shalt  }
0x49: {  	_ =	shalt  }
0x4a: {  	_ =	shalt  }
0x4b: {  	_ =	shalt  }
0x4c: {  	_ =	shalt  }
0x4d: {  	_ =	shalt  }
0x4e: {  	_ =	shalt  }
0x4f: {  	_ =	shalt  }
0x50: {  	_ =	shalt  }
0x51: {  	_ =	shalt  }
0x52: {  	_ =	shalt  }
0x53: {  	_ =	shalt  }
0x54: {  	_ =	shalt  }
0x55: {  	_ =	shalt  }
0x56: {  	_ =	shalt  }
0x57: {  	_ =	shalt  }
0x58: {  	_ =	shalt  }
0x59: {  	_ =	shalt  }
0x5a: {  	_ =	shalt  }
0x5b: {  	_ =	shalt  }
0x5c: {  	_ =	shalt  }
0x5d: {  	_ =	shalt  }
0x5e: {  	_ =	shalt  }
0x5f: {  	_ =	shalt  }
0x60: {  	_ =	shalt  }
0x61: {  	_ =	shalt  }
0x62: {  	_ =	shalt  }
0x63: {  	_ =	shalt  }
0x64: {  	_ =	shalt  }
0x65: {  	_ =	shalt  }
0x66: {  	_ =	shalt  }
0x67: {  	_ =	shalt  }
0x68: {  	_ =	shalt  }
0x69: {  	_ =	shalt  }
0x6a: {  	_ =	shalt  }
0x6b: {  	_ =	shalt  }
0x6c: {  	_ =	shalt  }
0x6d: {  	_ =	shalt  }
0x6e: {  	_ =	shalt  }
0x6f: {  	_ =	shalt  }
0x70: {  	_ =	shalt  }
0x71: {  	_ =	shalt  }
0x72: {  	_ =	shalt  }
0x73: {  	_ =	shalt  }
0x74: {  	_ =	shalt  }
0x75: {  	_ =	shalt  }
0x76: {  	_ =	shalt  }
0x77: {  	_ =	shalt  }
0x78: {  	_ =	shalt  }
0x79: {  	_ =	shalt  }
0x7a: {  	_ =	shalt  }
0x7b: {  	_ =	shalt  }
0x7c: {  	_ =	shalt  }
0x7d: {  	_ =	shalt  }
0x7e: {  	_ =	shalt  }
0x7f: {  	_ =	shalt  }
0x80: {  	_ =	shalt  }
0x81: {  	_ =	shalt  }
0x82: {  	_ =	shalt  }
0x83: {  	_ =	shalt  }
0x84: {  	_ =	shalt  }
0x85: {  	_ =	shalt  }
0x86: {  	_ =	shalt  }
0x87: {  	_ =	shalt  }
.Lfunc_end0:
.L_simem_size_0:
called_computation.7_lowered:
.L_overlay_start_0:
0x88: {  	s2 =	sld [smem:$0x3FD9]  }
0x89: {  	s3 =	sld [smem:$0x3FFE];
	_ =	sdelay $0x1  }
0x8a: {  	s1 =	srdreg.scid  }
0x8b: {  	s0 =	sand.u32 $0x1, s1  }
0x8c: {  	s16 =	sshll.u32 s0, $0xA;
	s2 =	sadd.s32 s3, s2  }
0x8d: {  	s2 =	sadd.s32 s2, s16  }
0x8e: {  	[smem:$0x3F9E] =	sst s2  }
0x8f: {  	_ = 	snop  }
0x90: {  	(tm) =	ssettm $0x1  }
0x91: {  	s17 =	sld [smem:$0x3FFB];
	_ =	sdelay $0x3  }
0x92: {  	_ =	strace s17  }
0x93: {  	s2 =	sld [smem:$0x3FFC];
	_ =	sdelay $0x3  }
0x94: {  	_ =	strace s2  }
0x95: {  	s2 =	sld [smem:$0x3FFD];
	_ =	sdelay $0x3  }
0x96: {  	_ =	strace s2  }
0x97: {  	_ =	strace $0x8FFFFFFF  }
0x98: {  	s18 =	sld [smem:$0x3FDB];
	_ =	sdelay $0x1  }
0x99: {  	s19 =	simm.s32 $_scs_section_size  }
0x9a: {  	s4 =	simm.s32 $_size__tile_overlayer_lowered;
	s5 =	simm.s32 $_tile_overlayer_lowered  }
0x9b: {  	s22 =	simm.s32 $0x1BFF;
	s21 =	sshll.u32 s5, $0x1;
	s2 =	sadd.s32 s19, s18  }
0x9c: {  	s6 =	simm.s32 $0x0;
	s20 =	sshll.u32 s4, $0x1;
	s4 =	sadd.s32 s21, s2  }
0x9d: {  	[timem:s6], [sflag:s22] =	dma.local [hbm:s4], s20  }
0x9e: {  	_ =	swait.ge [sflag:s22], s20  }
0x9f: {  	s3 =	ssub.s32 $0x0, s20;
	[sflag:s22] =	ssyncset.done $0x0  }
0xa0: {  	[sflag:s22] =	ssyncadd.s32 s3;
	_ =	sdelay $0x1  }
0xa1: {  	s23 =	simm.s32 $0x1B8B  }
0xa2: {  	_ =	swait.ge [sflag:s23], $0x1  }
0xa3: {  	[sflag:s23] =	ssyncset.done $0x0  }
0xa4: {  	s25 =	simm.s32 $0x1B8E;
	s24 =	sld [smem:$0x3FFE];
	[sflag:s23] =	ssyncadd.s32 $0xFFFFFFFF  }
0xa5: {  	s26 =	simm.s32 $execute0_lowered;
	[smem:$0x3FD2] =	sst s25  }
0xa6: {  	s4 =	sshll.u32 s26, $0x1;
	_ =	strace $0x8000005B;
	[dreg:$0x1] =	wrdreg $0xFFFFFFFF  }
0xa7: {  	s28 =	simm.s32 $_size_execute0_lowered;
	s2 =	sadd.s32 s2, s4;
	[dreg:$0x0] =	wrdreg $0x0  }
0xa8: {  	s4 =	sshll.u32 s28, $0x1;
	[dreg:$0x2] =	wrdreg s2  }
0xa9: {  	[dreg:$0x3] =	wrdreg s4  }
0xaa: {  	[dreg:$0x4] =	wrdreg $0xC0  }
0xab: {  	_ =	task [dreg:s6], $0x5FFFF  }
0xac: {  	[dreg:$0x1] =	wrdreg $0xFFFFFFFF  }
0xad: {  	[dreg:$0x0] =	wrdreg $0x60  }
0xae: {  	[dreg:$0x2] =	wrdreg s24  }
0xaf: {  	[dreg:$0x3] =	wrdreg $0x0  }
0xb0: {  	[dreg:$0x4] =	wrdreg $0x9  }
0xb1: {  	_ =	task.clear_ibuf [dreg:s6], $0x5FFFF;
	_ =	strace $0x9000005B  }
0xb2: {  	s29 =	simm.s32 $0x9;
	_ =	strace $0x8000005D  }
0xb3: {  	_ =	swait.ge [sflag:s29], $0x1  }
0xb4: {  	[sflag:s29] =	ssyncadd.s32 $0xFFFFFFFF  }
0xb5: {  	_ =	strace $0x9000005D  }
0xb6: {  	_ =	sfence  }
0xb7: {  	s30 =	sld [smem:$0x0];
	_ =	sdelay $0x2  }
0xb8: {  	s31 =	sshll.u32 s1, $0xD;
	s1 =	sshrl.u32 s1, $0x2  }
0xb9: {  	s3 =	sand.u32 $0x4000, s31;
	s1 =	sadd.s32 s1, s30  }
0xba: {  	s0 =	sor.u32 s3, s0;
	s1 =	sshll.u32 s1, $0x11  }
0xbb: {  	s0 =	sor.u32 s1, s0  }
0xbc: {  	s0 =	sadd.s32 $0x8F2B, s0  }
0xbd: {  	[sflag:s0] =	ssyncadd.remote.s32 $0x1  }
0xbe: {  	_ =	sfence.sel $0xFFFF  }
0xbf: {  	[dreg:$0x0] =	wrdreg $0xFFFFFFFF;
	(pc) =	sbr.abs _section_cstart, $3  }
0xc0: {  	[dreg:$0x1] =	wrdreg $0xFFFFFFFF  }
0xc1: {  	_ =	task.clear_ibuf [dreg:s6], $0x2FFFF;
	_ =	strace $0x9FFFFFFF  }
0xc2: {  	(tm) =	ssettm $0x7FFFFFFF  }
0xc3: {  	_ =	shalt  }
tec
execute0_lowered:
.L_overlay_start_1:
0x0: {  	(tag) =	ssettag $0x1  }
0x1: {  	s2 =	srdreg.scid  }
0x2: {  	s5 =	rddreg [dreg:$0x0];
	s9 =	sand.u32 $0x1, s2  }
0x3: {  	s2 =	stileid.u32;
	s4 =	smul.u32 $0x620000, s9  }
0x4: {  	s1 =	rddreg [dreg:$0x1];
	s6 =	smul.u32 $0x1880, s2  }
0x5: {  	s0 =	rddreg [dreg:$0x2];
	s7 =	smul.u32 $0x64000, s2  }
0x6: {  	s3 =	simm.s32 $0x0;
	s16 =	simm.s32 $0x19080;
	s13 =	smul.u32 $0xC80, s2  }
0x7: {  	s17 =	simm.s32 $0x80;
	s18 =	simm.s32 $0x0;
	s14 =	smul.u32 $0x19000, s9  }
0x8: {  	[smem:$0x7FF] =	sst s3;
	s11 =	sadd.s32 $0x8CAE00, s5;
	s28 =	smul.u32 $0x31000, s2  }
0x9: {  	_ =	strace $0x8000005C;
	s23 =	ssub.s32 $0x2, s9;
	s15 =	smul.u32 $0x64000, s9  }
0xa: {  	s26 =	sshll.u32 s2, $0x6;
	s30 =	smul.u32 $0x3200, s2;
	s24 =	sshrl.u32 s23, $0x1  }
0xb: {  	s10 =	sadd.s32 s4, s5;
	s8 =	sadd.s32 s6, s5;
	s4 =	sadd.s32 $0x9E00, s5  }
0xc: {  	s12 =	ssub.s32 s23, s24;
	s25 =	sshrl.u32 s7, $0x2;
	s6 =	sor.u32 $0x1C01, s26  }
0xd: {  	s29 =	sadd.s32 s13, s14;
	s31 =	sadd.s32 s15, s11;
	s14 =	simm.s32 $0x1  }
0xe: {  	s15 =	simm.s32 $0x19000;
	s5 =	sadd.s32 s25, s1;
	s7 =	smax.u32 s12, $0x1  }
0xf: {  	s8 =	sadd.s32 $0xD1E00, s8;
	s12 =	sadd.s32 s28, s10;
	s13 =	sshll.u32 s29, $0x2  }
0x10: {  	s10 =	sadd.s32 s30, s31;
	s9 =	sadd.s32 $0xB43E00, s12;
	s13 =	sadd.s32 s11, s13  }
0x11: {  	s11 =	sadd.s32 $0xE53E00, s12;
	s12 =	sadd.s32 $0x32000, s13;
	s13 =	sshrl.u32 s5, $0x3  }
.LBB2_1:
0x12: {  	[spmem:s13], [sflag:s6] =	dma.local [hbm:s4], $0x3200  }
0x13: {  	_ =	swait.ge [sflag:s14], $0x3200  }
0x14: {  	[sflag:s14] =	ssyncset.done $0x0  }
0x15: {  	[sflag:s14] =	ssyncadd.s32 $0xFFFFCE00  }
0x16: {  	s19 =	sadd.s32 $0x0, s8;
	[bflag:$0x0] =	sbarrier.arrive $0xFFFF  }
0x17: {  	[tilespmem:s15], [sflag:$0x1] =	stream.linear.gather [hbm4b:s19+s3], $0x80, $0x38;
	[tilespmem:$0x1A080] =	vst v63  }
0x18: {  	_ =	swait.ge [sflag:s14], $0x80  }
0x19: {  	[sflag:s14] =	ssyncset.done $0x0  }
0x1a: {  	[sflag:s14] =	ssyncadd.s32 $0xFFFFFF80  }
0x1b: {  	[tilespmem:s16], [sflag:$0x1] =	stream.linear.gather [hbm4b:s9+s3], $0x1000, $0x38;
	[tilespmem:$0x1A080] =	vst v63  }
0x1c: {  	_ =	swait.ge [sflag:s14], $0x1000  }
0x1d: {  	[sflag:s14] =	ssyncset.done $0x0  }
0x1e: {  	[sflag:s14] =	ssyncadd.s32 $0xFFFFF000  }
0x1f: {  	[spmem:s1] =	stream.indirect.scatter.add.f32 [tilespmem:s16], [sflag:$0x1], $0x20, s15, s17, $0xb8;
	[tilespmem:$0x1A080] =	vst v63  }
0x20: {  	s20 =	simm.s32 $0x10;
	_ =	swait.ge [sflag:s14], $0x1000  }
0x21: {  	s21 =	simm.s32 $0x20;
	s19 =	sadd.s32 $0x200, s9;
	[sflag:s14] =	ssyncset.done $0x0  }
.LBB2_2:
0x22: {  	s22 =	sadd.s32 s20, s8  }
0x23: {  	[sflag:s14] =	ssyncadd.s32 $0xFFFFF000;
	s20 =	smov.u32 s21;
	s23 =	sadd.s32 $0x10, s21  }
0x24: {  	[tilespmem:s15], [sflag:$0x1] =	stream.linear.gather [hbm4b:s22+s3], $0x80, $0x38;
	[tilespmem:$0x1A080] =	vst v63  }
0x25: {  	p0 =	sne.s32 s21, $0x1870;
	_ =	swait.ge [sflag:s14], $0x80  }
0x26: {  	[sflag:s14] =	ssyncset.done $0x0  }
0x27: {  	[sflag:s14] =	ssyncadd.s32 $0xFFFFFF80  }
0x28: {  	[tilespmem:s16], [sflag:$0x1] =	stream.linear.gather [hbm4b:s19+s3], $0x1000, $0x38;
	[tilespmem:$0x1A080] =	vst v63  }
0x29: {  	_ =	swait.ge [sflag:s14], $0x1000  }
.Ltmp0:
0x2a: {  	[sflag:s14] =	ssyncset.done $0x0;
	(pc) =	sbr.rel @p0 .LBB2_2-.Ltmp0, $4  }
0x2b: {  	[sflag:s14] =	ssyncadd.s32 $0xFFFFF000  }
0x2c: {  	[spmem:s1] =	stream.indirect.scatter.add.f32 [tilespmem:s16], [sflag:$0x1], $0x20, s15, s17, $0xb8;
	[tilespmem:$0x1A080] =	vst v63  }
0x2d: {  	_ =	swait.ge [sflag:s14], $0x1000  }
0x2e: {  	s21 =	smov.u32 s23;
	s19 =	sadd.s32 $0x200, s19;
	[sflag:s14] =	ssyncset.done $0x0  }
0x2f: {  	s20 =	sadd.s32 s20, s8;
	[sflag:s14] =	ssyncadd.s32 $0xFFFFF000  }
0x30: {  	[tilespmem:s15], [sflag:$0x1] =	stream.linear.gather [hbm4b:s20+s3], $0x80, $0x38;
	[tilespmem:$0x1A080] =	vst v63  }
0x31: {  	_ =	swait.ge [sflag:s14], $0x80  }
0x32: {  	[sflag:s14] =	ssyncset.done $0x0  }
0x33: {  	[sflag:s14] =	ssyncadd.s32 $0xFFFFFF80  }
0x34: {  	[tilespmem:s16], [sflag:$0x1] =	stream.linear.gather [hbm4b:s19+s3], $0x1000, $0x38;
	[tilespmem:$0x1A080] =	vst v63  }
0x35: {  	_ =	swait.ge [sflag:s14], $0x1000  }
0x36: {  	[sflag:s14] =	ssyncset.done $0x0  }
0x37: {  	[sflag:s14] =	ssyncadd.s32 $0xFFFFF000  }
0x38: {  	[spmem:s1] =	stream.indirect.scatter.add.f32 [tilespmem:s16], [sflag:$0x1], $0x20, s15, s17, $0xb8;
	[tilespmem:$0x1A080] =	vst v63  }
0x39: {  	_ =	swait.ge [sflag:s14], $0x1000  }
0x3a: {  	[sflag:s14] =	ssyncset.done $0x0  }
0x3b: {  	[sflag:s14] =	ssyncadd.s32 $0xFFFFF000  }
0x3c: {  	s31 =	sadd.s32 $0x0, s10;
	[bflag:$0x0] =	sbarrier.arrive $0xFFFF  }
0x3d: {  	[hbm:s31], [sflag:s6] =	dma.local [spmem:s13], $0x200  }
0x3e: {  	_ =	swait.ge [sflag:s14], $0x200  }
0x3f: {  	s20 =	sadd.s32 $0x1000, s5;
	s19 =	simm.s32 $0x200;
	[sflag:s14] =	ssyncset.done $0x0  }
.LBB2_4:
0x40: {  	s21 =	sadd.s32 s19, s10  }
0x41: {  	s22 =	sshrl.u32 s20, $0x3;
	[sflag:s14] =	ssyncadd.s32 $0xFFFFFE00;
	p0 =	sne.s32 s19, $0x3000  }
0x42: {  	[hbm:s21], [sflag:s6] =	dma.local [spmem:s22], $0x200  }
.Ltmp1:
0x43: {  	_ = 	snop;
	(pc) =	sbr.rel @p0 .LBB2_4-.Ltmp1, $4  }
0x44: {  	_ = 	snop  }
0x45: {  	s19 =	sadd.s32 $0x200, s19  }
0x46: {  	_ =	swait.ge [sflag:s14], $0x200  }
0x47: {  	s20 =	sadd.s32 $0x1000, s20;
	[sflag:s14] =	ssyncset.done $0x0  }
0x48: {  	[sflag:s14] =	ssyncadd.s32 $0xFFFFFE00  }
0x49: {  	[bflag:$0x0] =	sbarrier.arrive $0xFFFF  }
0x4a: {  	[spmem:s13], [sflag:s6] =	dma.local [hbm:s4], $0x3200  }
0x4b: {  	_ =	swait.ge [sflag:s14], $0x3200  }
0x4c: {  	[sflag:s14] =	ssyncset.done $0x0  }
0x4d: {  	[sflag:s14] =	ssyncadd.s32 $0xFFFFCE00  }
0x4e: {  	s19 =	sadd.s32 $0x0, s8;
	[bflag:$0x0] =	sbarrier.arrive $0xFFFF  }
0x4f: {  	[tilespmem:s15], [sflag:$0x1] =	stream.linear.gather [hbm4b:s19+s3], $0x80, $0x38;
	[tilespmem:$0x1A080] =	vst v63  }
0x50: {  	_ =	swait.ge [sflag:s14], $0x80  }
0x51: {  	[sflag:s14] =	ssyncset.done $0x0  }
0x52: {  	[sflag:s14] =	ssyncadd.s32 $0xFFFFFF80  }
0x53: {  	[tilespmem:s16], [sflag:$0x1] =	stream.linear.gather [hbm4b:s11+s3], $0x1000, $0x38;
	[tilespmem:$0x1A080] =	vst v63  }
0x54: {  	_ =	swait.ge [sflag:s14], $0x1000  }
0x55: {  	[sflag:s14] =	ssyncset.done $0x0  }
0x56: {  	[sflag:s14] =	ssyncadd.s32 $0xFFFFF000  }
0x57: {  	[spmem:s1] =	stream.indirect.scatter.add.f32 [tilespmem:s16], [sflag:$0x1], $0x20, s15, s17, $0xb8;
	[tilespmem:$0x1A080] =	vst v63  }
0x58: {  	s20 =	simm.s32 $0x10;
	_ =	swait.ge [sflag:s14], $0x1000  }
0x59: {  	s21 =	simm.s32 $0x20;
	s19 =	sadd.s32 $0x200, s11;
	[sflag:s14] =	ssyncset.done $0x0  }
.LBB2_6:
0x5a: {  	s22 =	sadd.s32 s20, s8  }
0x5b: {  	[sflag:s14] =	ssyncadd.s32 $0xFFFFF000;
	s20 =	smov.u32 s21;
	s23 =	sadd.s32 $0x10, s21  }
0x5c: {  	[tilespmem:s15], [sflag:$0x1] =	stream.linear.gather [hbm4b:s22+s3], $0x80, $0x38;
	[tilespmem:$0x1A080] =	vst v63  }
0x5d: {  	p0 =	sne.s32 s21, $0x1870;
	_ =	swait.ge [sflag:s14], $0x80  }
0x5e: {  	[sflag:s14] =	ssyncset.done $0x0  }
0x5f: {  	[sflag:s14] =	ssyncadd.s32 $0xFFFFFF80  }
0x60: {  	[tilespmem:s16], [sflag:$0x1] =	stream.linear.gather [hbm4b:s19+s3], $0x1000, $0x38;
	[tilespmem:$0x1A080] =	vst v63  }
0x61: {  	_ =	swait.ge [sflag:s14], $0x1000  }
.Ltmp2:
0x62: {  	[sflag:s14] =	ssyncset.done $0x0;
	(pc) =	sbr.rel @p0 .LBB2_6-.Ltmp2, $4  }
0x63: {  	[sflag:s14] =	ssyncadd.s32 $0xFFFFF000  }
0x64: {  	[spmem:s1] =	stream.indirect.scatter.add.f32 [tilespmem:s16], [sflag:$0x1], $0x20, s15, s17, $0xb8;
	[tilespmem:$0x1A080] =	vst v63  }
0x65: {  	_ =	swait.ge [sflag:s14], $0x1000  }
0x66: {  	s21 =	smov.u32 s23;
	s19 =	sadd.s32 $0x200, s19;
	[sflag:s14] =	ssyncset.done $0x0  }
0x67: {  	s20 =	sadd.s32 s20, s8;
	[sflag:s14] =	ssyncadd.s32 $0xFFFFF000  }
0x68: {  	[tilespmem:s15], [sflag:$0x1] =	stream.linear.gather [hbm4b:s20+s3], $0x80, $0x38;
	[tilespmem:$0x1A080] =	vst v63  }
0x69: {  	_ =	swait.ge [sflag:s14], $0x80  }
0x6a: {  	[sflag:s14] =	ssyncset.done $0x0  }
0x6b: {  	[sflag:s14] =	ssyncadd.s32 $0xFFFFFF80  }
0x6c: {  	[tilespmem:s16], [sflag:$0x1] =	stream.linear.gather [hbm4b:s19+s3], $0x1000, $0x38;
	[tilespmem:$0x1A080] =	vst v63  }
0x6d: {  	_ =	swait.ge [sflag:s14], $0x1000  }
0x6e: {  	[sflag:s14] =	ssyncset.done $0x0  }
0x6f: {  	[sflag:s14] =	ssyncadd.s32 $0xFFFFF000  }
0x70: {  	[spmem:s1] =	stream.indirect.scatter.add.f32 [tilespmem:s16], [sflag:$0x1], $0x20, s15, s17, $0xb8;
	[tilespmem:$0x1A080] =	vst v63  }
0x71: {  	_ =	swait.ge [sflag:s14], $0x1000  }
0x72: {  	[sflag:s14] =	ssyncset.done $0x0  }
0x73: {  	[sflag:s14] =	ssyncadd.s32 $0xFFFFF000  }
0x74: {  	s31 =	sadd.s32 $0x0, s12;
	[bflag:$0x0] =	sbarrier.arrive $0xFFFF  }
0x75: {  	[hbm:s31], [sflag:s6] =	dma.local [spmem:s13], $0x200  }
0x76: {  	_ =	swait.ge [sflag:s14], $0x200  }
0x77: {  	s20 =	sadd.s32 $0x1000, s5;
	s19 =	simm.s32 $0x200;
	[sflag:s14] =	ssyncset.done $0x0  }
.LBB2_8:
0x78: {  	s21 =	sadd.s32 s19, s12  }
0x79: {  	s22 =	sshrl.u32 s20, $0x3;
	[sflag:s14] =	ssyncadd.s32 $0xFFFFFE00;
	p0 =	sne.s32 s19, $0x3000  }
0x7a: {  	[hbm:s21], [sflag:s6] =	dma.local [spmem:s22], $0x200  }
.Ltmp3:
0x7b: {  	_ = 	snop;
	(pc) =	sbr.rel @p0 .LBB2_8-.Ltmp3, $4  }
0x7c: {  	_ = 	snop  }
0x7d: {  	s19 =	sadd.s32 $0x200, s19  }
0x7e: {  	_ =	swait.ge [sflag:s14], $0x200  }
0x7f: {  	s20 =	sadd.s32 $0x1000, s20;
	[sflag:s14] =	ssyncset.done $0x0  }
0x80: {  	s18 =	sadd.s32 $0x1, s18  }
0x81: {  	p0 =	sne.s32 s18, s7  }
.Ltmp4:
0x82: {  	_ = 	snop;
	(pc) =	sbr.rel @p0 .LBB2_1-.Ltmp4, $3  }
0x83: {  	_ = 	snop  }
0x84: {  	[sflag:s14] =	ssyncadd.s32 $0xFFFFFE00  }
0x85: {  	[bflag:$0x0] =	sbarrier.arrive $0xFFFF;
	_ =	sdelay $0x1  }
0x86: {  	_ =	sfence.sel $0x180000  }
0x87: {  	[bflag:$0x0] =	sbarrier.arrive $0xFFFF  }
0x88: {  	p0 =	sne.s32 s2, $0x0;
	_ =	strace $0x9000005C  }
0x89: {  	s0 =	sadd.s32 @!p0 $0x100000, s0;
	[bflag:$0x2] =	sbarrier.arrive $0xFFFF  }
0x8a: {  	[sflag:s0] =	ssyncadd.tile.s32 @!p0 $0x1;
	_ =	shalt  }
.Lfunc_end2:
_tile_overlayer_lowered:
.L_overlay_start_2:
0x8b: {  	(tag) =	ssettag $0x2  }
0x8c: {  	s0 =	rddreg [dreg:$0x0];
	s2 =	stileid.u32  }
0x8d: {  	s1 =	rddreg [dreg:$0x1];
	p0 =	sne.s32 s2, $0x0  }
0x8e: {  	s3 =	rddreg [dreg:$0x2];
	[bflag:$0x3] =	sbarrier.arrive $0xFFFF;
	s2 =	simm.s32 @!p0 $0x1C01  }
0x8f: {  	[timem:s3], [sflag:s2] =	dma.local @!p0 [hbm:s0], s1  }
0x90: {  	s0 =	simm.s32 @!p0 $0x1  }
0x91: {  	_ =	swait.ge @!p0 [sflag:s0], s1  }
0x92: {  	s1 =	ssub.s32 @!p0 $0x0, s1;
	[sflag:s0] =	ssyncset.done @!p0 $0x0  }
0x93: {  	[sflag:s0] =	ssyncadd.s32 @!p0 s1  }
0x94: {  	[bflag:$0x3] =	sbarrier.arrive $0xFFFF  }
0x95: {  	_ =	shalt  }

// kernel: kernel.49.cloned.1.call-start
scs
__scs_entry_jumppad:
0x0: {  	(pc) =	sbr.rel $0x88, $3  }
0x1: {  	(tag) =	ssettag $0x0;
	lr =	simm.s32 $0x1  }
0x2: {  	[smem:$0x3F77] =	sst lr;
	_ =	strace $0xD0000000  }
0x3: {  	_ = 	snop  }
0x4: {  	_ = 	snop  }
0x5: {  	_ = 	snop  }
0x6: {  	_ = 	snop  }
0x7: {  	_ = 	snop  }
__scs_overlays_trampoline_lowered:
0x8: {  	[smem:$0x3F86] =	sst s0  }
0x9: {  	[smem:$0x3F87] =	sst s1  }
0xa: {  	[smem:$0x3F88] =	sst s2  }
0xb: {  	[smem:$0x3F89] =	sst s3  }
0xc: {  	[smem:$0x3F8A] =	sst s4  }
0xd: {  	[smem:$0x3F8B] =	sst s5  }
0xe: {  	[smem:$0x3F8C] =	sst s6  }
0xf: {  	[smem:$0x3F8D] =	sst s7  }
0x10: {  	[smem:$0x3F8E] =	sst s8  }
0x11: {  	[smem:$0x3F8F] =	sst s9;
	s0 =	simm.s32 @!p0 $0x0  }
0x12: {  	s1 =	sld [smem:$0x3F75];
	s0 =	simm.s32 @p0 $0x1  }
0x13: {  	[smem:$0x3F90] =	sst s0;
	s0 =	simm.s32 @!p1 $0x0  }
0x14: {  	s2 =	sld [smem:$0x3F74];
	s0 =	simm.s32 @p1 $0x1  }
0x15: {  	[smem:$0x3F91] =	sst s0;
	s0 =	simm.s32 @!p2 $0x0  }
0x16: {  	s3 =	sld [smem:$0x3FDB];
	s0 =	simm.s32 @p2 $0x1  }
0x17: {  	s4 =	simm.s32 $0x1BF5;
	[smem:$0x3F93] =	sst s0  }
0x18: {  	s0 =	sld [smem:$0x3F76];
	_ =	swait.ge [sflag:s4], $0x0  }
0x19: {  	s7 =	sld [smem:$0x3F77]  }
0x1a: {  	s8 =	sadd.s32 $0xFFFFE003, lr  }
0x1b: {  	s9 =	sadd.s32 $0xFFFFFEF7, lr;
	s5 =	simm.s32 $0xFFFFFFFF;
	p2 =	slt.u32 s8, $0xFFFFF086  }
0x1c: {  	p1 =	slt.u32 s9, $0xF7A;
	s5 =	simm.s32 @!p2 $0x0  }
0x1d: {  	s5 =	simm.s32 @p1 $0x1;
	p0 =	seq.s32 s7, s2  }
0x1e: {  	s7 =	smul.u32 @!p0 $0xF7A, s2;
	p2 =	seq.s32 @!p0 s5, $0x0  }
0x1f: {  	s9 =	smul.u32 $0xF7A, s1;
	s8 =	simm.s32 @!p0 $0x1BF5;
	p2 =	por !p2, p0  }
0x20: {  	[sflag:s8] =	ssyncset.s32 @!p0 $0xFFFFF086;
	s6 =	sadd.s32 @!p0 s3, s7;
	s7 =	simm.s32 @!p0 $0x108  }
0x21: {  	s3 =	sadd.s32 s3, s9;
	s6 =	sadd.s32 @!p0 $0x88, s6;
	s7 =	simm.s32 @p2 $0x1082  }
0x22: {  	[simem:s7], [sflag:s8] =	dma.local @!p0 [hbm:s6], $0xF7A  }
0x23: {  	s9 =	sor.u32 $0xD0000000, s2;
	s6 =	simm.s32 $0x108;
	_ =	swait.ge @!p0 [sflag:s8], $0x0  }
0x24: {  	s3 =	sadd.s32 $0x88, s3;
	s6 =	simm.s32 @!p1 $0x1082;
	[sflag:s4] =	ssyncset.s32 $0xFFFFF086  }
0x25: {  	[simem:s6], [sflag:s4] =	dma.local [hbm:s3], $0xF7A  }
0x26: {  	[smem:$0x3F77] =	sst s1;
	(tag) =	ssettag s2;
	_ =	strace s9  }
0x27: {  	s1 =	sld [smem:$0x3F87]  }
0x28: {  	s2 =	sld [smem:$0x3F88]  }
0x29: {  	s4 =	sld [smem:$0x3F8A]  }
0x2a: {  	p0 =	seq.s32 s5, $0x0;
	s5 =	sld [smem:$0x3F8B]  }
0x2b: {  	s6 =	sld [smem:$0x3F8C]  }
0x2c: {  	s7 =	sld [smem:$0x3F8D]  }
0x2d: {  	s3 =	simm.s32 $0x108;
	s8 =	sld [smem:$0x3F8E]  }
0x2e: {  	s3 =	simm.s32 @!p0 $0x1082;
	s9 =	sld [smem:$0x3F8F]  }
0x2f: {  	lr =	sadd.s32 s0, s3;
	s0 =	sld [smem:$0x3F86]  }
0x30: {  	s3 =	sld [smem:$0x3F89]  }
0x31: {  	[smem:$0x3F92] =	sst s10  }
0x32: {  	s10 =	sld [smem:$0x3F90];
	_ =	sdelay $0x3  }
0x33: {  	p0 =	seq.s32 s10, $0x1;
	s10 =	sld [smem:$0x3F92];
	_ =	sdelay $0x3  }
0x34: {  	[smem:$0x3F92] =	sst s10  }
0x35: {  	s10 =	sld [smem:$0x3F91];
	_ =	sdelay $0x3  }
0x36: {  	p1 =	seq.s32 s10, $0x1;
	s10 =	sld [smem:$0x3F92];
	_ =	sdelay $0x3  }
0x37: {  	[smem:$0x3F92] =	sst s10  }
0x38: {  	s10 =	sld [smem:$0x3F93]  }
0x39: {  	_ = 	snop;
	(pc) =	sbr.ind lr, $3  }
0x3a: {  	_ = 	snop  }
0x3b: {  	_ = 	snop  }
0x3c: {  	p2 =	seq.s32 s10, $0x1;
	s10 =	sld [smem:$0x3F92]  }
0x3d: {  	_ =	shalt  }
0x3e: {  	_ =	shalt  }
0x3f: {  	_ =	shalt  }
0x40: {  	_ =	shalt  }
0x41: {  	_ =	shalt  }
0x42: {  	_ =	shalt  }
0x43: {  	_ =	shalt  }
0x44: {  	_ =	shalt  }
0x45: {  	_ =	shalt  }
0x46: {  	_ =	shalt  }
0x47: {  	_ =	shalt  }
0x48: {  	_ =	shalt  }
0x49: {  	_ =	shalt  }
0x4a: {  	_ =	shalt  }
0x4b: {  	_ =	shalt  }
0x4c: {  	_ =	shalt  }
0x4d: {  	_ =	shalt  }
0x4e: {  	_ =	shalt  }
0x4f: {  	_ =	shalt  }
0x50: {  	_ =	shalt  }
0x51: {  	_ =	shalt  }
0x52: {  	_ =	shalt  }
0x53: {  	_ =	shalt  }
0x54: {  	_ =	shalt  }
0x55: {  	_ =	shalt  }
0x56: {  	_ =	shalt  }
0x57: {  	_ =	shalt  }
0x58: {  	_ =	shalt  }
0x59: {  	_ =	shalt  }
0x5a: {  	_ =	shalt  }
0x5b: {  	_ =	shalt  }
0x5c: {  	_ =	shalt  }
0x5d: {  	_ =	shalt  }
0x5e: {  	_ =	shalt  }
0x5f: {  	_ =	shalt  }
0x60: {  	_ =	shalt  }
0x61: {  	_ =	shalt  }
0x62: {  	_ =	shalt  }
0x63: {  	_ =	shalt  }
0x64: {  	_ =	shalt  }
0x65: {  	_ =	shalt  }
0x66: {  	_ =	shalt  }
0x67: {  	_ =	shalt  }
0x68: {  	_ =	shalt  }
0x69: {  	_ =	shalt  }
0x6a: {  	_ =	shalt  }
0x6b: {  	_ =	shalt  }
0x6c: {  	_ =	shalt  }
0x6d: {  	_ =	shalt  }
0x6e: {  	_ =	shalt  }
0x6f: {  	_ =	shalt  }
0x70: {  	_ =	shalt  }
0x71: {  	_ =	shalt  }
0x72: {  	_ =	shalt  }
0x73: {  	_ =	shalt  }
0x74: {  	_ =	shalt  }
0x75: {  	_ =	shalt  }
0x76: {  	_ =	shalt  }
0x77: {  	_ =	shalt  }
0x78: {  	_ =	shalt  }
0x79: {  	_ =	shalt  }
0x7a: {  	_ =	shalt  }
0x7b: {  	_ =	shalt  }
0x7c: {  	_ =	shalt  }
0x7d: {  	_ =	shalt  }
0x7e: {  	_ =	shalt  }
0x7f: {  	_ =	shalt  }
0x80: {  	_ =	shalt  }
0x81: {  	_ =	shalt  }
0x82: {  	_ =	shalt  }
0x83: {  	_ =	shalt  }
0x84: {  	_ =	shalt  }
0x85: {  	_ =	shalt  }
0x86: {  	_ =	shalt  }
0x87: {  	_ =	shalt  }
.Lfunc_end0:
.L_simem_size_0:
called_computation.8_lowered:
.L_overlay_start_0:
0x88: {  	s2 =	sld [smem:$0x3FD9]  }
0x89: {  	s3 =	sld [smem:$0x3FFE];
	_ =	sdelay $0x1  }
0x8a: {  	s1 =	srdreg.scid  }
0x8b: {  	s0 =	sand.u32 $0x1, s1  }
0x8c: {  	s17 =	sshll.u32 s0, $0xA;
	s2 =	sadd.s32 s3, s2  }
0x8d: {  	s2 =	sadd.s32 s2, s17  }
0x8e: {  	[smem:$0x3F9E] =	sst s2  }
0x8f: {  	_ = 	snop  }
0x90: {  	(tm) =	ssettm $0x1  }
0x91: {  	s18 =	sld [smem:$0x3FFB];
	_ =	sdelay $0x3  }
0x92: {  	_ =	strace s18  }
0x93: {  	s2 =	sld [smem:$0x3FFC];
	_ =	sdelay $0x3  }
0x94: {  	_ =	strace s2  }
0x95: {  	s2 =	sld [smem:$0x3FFD];
	_ =	sdelay $0x3  }
0x96: {  	_ =	strace s2  }
0x97: {  	_ =	strace $0x8FFFFFFF  }
0x98: {  	s19 =	sld [smem:$0x3FDB];
	_ =	sdelay $0x1  }
0x99: {  	s20 =	simm.s32 $_scs_section_size  }
0x9a: {  	s4 =	simm.s32 $_size__tile_overlayer_lowered;
	s5 =	simm.s32 $_tile_overlayer_lowered  }
0x9b: {  	s6 =	simm.s32 $0x1BFF;
	s21 =	sshll.u32 s5, $0x1;
	s3 =	sadd.s32 s20, s19  }
0x9c: {  	s22 =	simm.s32 $0x0;
	s4 =	sshll.u32 s4, $0x1;
	s5 =	sadd.s32 s21, s3  }
0x9d: {  	[timem:s22], [sflag:s6] =	dma.local [hbm:s5], s4  }
0x9e: {  	_ =	swait.ge [sflag:s6], s4  }
0x9f: {  	s4 =	ssub.s32 $0x0, s4;
	[sflag:s6] =	ssyncset.done $0x0  }
0xa0: {  	[sflag:s6] =	ssyncadd.s32 s4;
	_ =	sdelay $0x1  }
0xa1: {  	s23 =	simm.s32 $0x1B8B  }
0xa2: {  	_ =	swait.ge [sflag:s23], $0x1  }
0xa3: {  	[sflag:s23] =	ssyncset.done $0x0  }
0xa4: {  	[sflag:s23] =	ssyncadd.s32 $0xFFFFFFFF  }
0xa5: {  	s4 =	sld [smem:$0x0]  }
0xa6: {  	s5 =	sand.u32 $0xFFFFFFFE, s1  }
0xa7: {  	p0 =	sne.s32 s1, s5  }
0xa8: {  	s5 =	sshll.u32 @p0 s5, $0xE  }
0xa9: {  	s5 =	sadd.s32 @p0 $0x11B8D, s5;
	s6 =	sshll.u32 @p0 s4, $0x11  }
0xaa: {  	s5 =	sor.u32 @p0 s6, s5  }
0xab: {  	[sflag:s5] =	ssyncadd.remote.s32 @p0 $0x1;
	_ =	sdelay $0x1  }
0xac: {  	s5 =	simm.s32 @p0 $0x1B8D  }
0xad: {  	_ =	swait.eq @p0 [sflag:s5], $0x1  }
0xae: {  	[sflag:s5] =	ssyncadd.s32 @p0 $0xFFFFFFFF  }
0xaf: {  	s6 =	sshll.u32 @!p0 s1, $0xE  }
0xb0: {  	s6 =	sor.u32 @!p0 $0x4000, s6;
	s5 =	simm.s32 @!p0 $0x1B8D  }
0xb1: {  	s4 =	sshll.u32 @!p0 s4, $0x11;
	s6 =	sadd.s32 @!p0 $0x11B8D, s6;
	_ =	swait.eq @!p0 [sflag:s5], $0x1  }
0xb2: {  	s4 =	sor.u32 @!p0 s4, s6;
	[sflag:s5] =	ssyncadd.s32 @!p0 $0xFFFFFFFF  }
0xb3: {  	s25 =	simm.s32 $0x1B8E;
	s24 =	sld [smem:$0x3FFE];
	[sflag:s4] =	ssyncadd.remote.s32 @!p0 $0x1  }
0xb4: {  	s26 =	simm.s32 $execute0_lowered;
	[smem:$0x3FD2] =	sst s25  }
0xb5: {  	s5 =	sshll.u32 s26, $0x1;
	_ =	strace $0x8000005E;
	[dreg:$0x1] =	wrdreg $0xFFFFFFFF  }
0xb6: {  	s28 =	simm.s32 $_size_execute0_lowered;
	s3 =	sadd.s32 s3, s5;
	[dreg:$0x0] =	wrdreg $0x0  }
0xb7: {  	s5 =	sshll.u32 s28, $0x1;
	[dreg:$0x2] =	wrdreg s3  }
0xb8: {  	[dreg:$0x3] =	wrdreg s5  }
0xb9: {  	[dreg:$0x4] =	wrdreg $0xC0  }
0xba: {  	_ =	task [dreg:s22], $0x5FFFF  }
0xbb: {  	[dreg:$0x1] =	wrdreg $0xFFFFFFFF  }
0xbc: {  	[dreg:$0x0] =	wrdreg $0x60  }
0xbd: {  	[dreg:$0x2] =	wrdreg s24  }
0xbe: {  	[dreg:$0x3] =	wrdreg $0x0  }
0xbf: {  	[dreg:$0x4] =	wrdreg $0xA  }
0xc0: {  	_ =	task.clear_ibuf [dreg:s22], $0x5FFFF;
	_ =	strace $0x9000005E  }
0xc1: {  	s29 =	simm.s32 $0xA;
	_ =	strace $0x80000060  }
0xc2: {  	_ =	swait.ge [sflag:s29], $0x1  }
0xc3: {  	[sflag:s29] =	ssyncadd.s32 $0xFFFFFFFF  }
0xc4: {  	_ =	strace $0x90000060  }
0xc5: {  	_ =	sfence  }
0xc6: {  	s30 =	sld [smem:$0x0];
	_ =	sdelay $0x2  }
0xc7: {  	s31 =	sshll.u32 s1, $0xD;
	s1 =	sshrl.u32 s1, $0x2  }
0xc8: {  	s4 =	sand.u32 $0x4000, s31;
	s1 =	sadd.s32 s1, s30  }
0xc9: {  	s0 =	sor.u32 s4, s0;
	s1 =	sshll.u32 s1, $0x11  }
0xca: {  	s0 =	sor.u32 s1, s0  }
0xcb: {  	s0 =	sadd.s32 $0x8F2B, s0  }
0xcc: {  	[sflag:s0] =	ssyncadd.remote.s32 $0x1  }
0xcd: {  	_ =	sfence.sel $0xFFFF  }
0xce: {  	[dreg:$0x0] =	wrdreg $0xFFFFFFFF;
	(pc) =	sbr.abs _section_cstart, $3  }
0xcf: {  	[dreg:$0x1] =	wrdreg $0xFFFFFFFF  }
0xd0: {  	_ =	task.clear_ibuf [dreg:s22], $0x2FFFF;
	_ =	strace $0x9FFFFFFF  }
0xd1: {  	(tm) =	ssettm $0x7FFFFFFF  }
tec
execute0_lowered:
.L_overlay_start_1:
0x0: {  	(tag) =	ssettag $0x1  }
0x1: {  	s0 =	srdreg.scid  }
0x2: {  	s6 =	sand.u32 $0x1, s0  }
0x3: {  	s0 =	stileid.u32;
	s4 =	smul.u32 $0x62000, s6  }
0x4: {  	s5 =	rddreg [dreg:$0x0];
	s7 =	smul.u32 $0x6200, s0  }
0x5: {  	s2 =	rddreg [dreg:$0x1];
	s8 =	smul.u32 $0xC4000, s6  }
0x6: {  	s1 =	rddreg [dreg:$0x2];
	s3 =	simm.s32 $0x0;
	s26 =	smul.u32 $0x19000, s6  }
0x7: {  	s15 =	simm.s32 $0x80;
	[smem:$0x7FF] =	sst s3;
	s10 =	smul.u32 $0x32000, s0  }
0x8: {  	s16 =	simm.s32 $0x0;
	_ =	strace $0x8000005F;
	s12 =	smul.u32 $0xC400, s0  }
0x9: {  	s6 =	ssub.s32 $0x2, s6;
	s30 =	sshll.u32 s0, $0x6;
	s13 =	smul.u32 $0x1900, s0  }
0xa: {  	s28 =	sshrl.u32 s6, $0x1;
	s4 =	sadd.s32 s7, s4;
	s8 =	sadd.s32 s8, s5  }
0xb: {  	s11 =	sadd.s32 s26, s5;
	s29 =	sshrl.u32 s10, $0x2;
	s14 =	ssub.s32 s6, s28  }
0xc: {  	s6 =	sor.u32 $0x1C01, s30;
	s4 =	sshrl.u32 s4, $0x3;
	s7 =	smax.u32 s14, $0x1  }
0xd: {  	s8 =	sadd.s32 s12, s8;
	s31 =	sadd.s32 s13, s11;
	s12 =	simm.s32 $0x1  }
0xe: {  	s13 =	simm.s32 $0xC800;
	s14 =	simm.s32 $0xC880;
	s9 =	sadd.s32 s4, s5  }
0xf: {  	s4 =	sadd.s32 $0xD000, s5;
	s5 =	sadd.s32 s29, s2;
	s8 =	sadd.s32 $0x102E00, s8  }
0x10: {  	s10 =	sadd.s32 $0xEA00, s31;
	s9 =	sadd.s32 $0xD1E00, s9;
	s11 =	sshrl.u32 s5, $0x3  }
.LBB2_1:
0x11: {  	[spmem:s11], [sflag:s6] =	dma.local [hbm:s4], $0x1900  }
0x12: {  	_ =	swait.ge [sflag:s12], $0x1900  }
0x13: {  	[sflag:s12] =	ssyncset.done $0x0  }
0x14: {  	[sflag:s12] =	ssyncadd.s32 $0xFFFFE700  }
0x15: {  	s17 =	sadd.s32 $0x0, s9;
	[bflag:$0x0] =	sbarrier.arrive $0xFFFF  }
0x16: {  	[tilespmem:s13], [sflag:$0x1] =	stream.linear.gather [hbm4b:s17+s3], $0x80, $0x38;
	[tilespmem:$0xD080] =	vst v63  }
0x17: {  	_ =	swait.ge [sflag:s12], $0x80  }
0x18: {  	[sflag:s12] =	ssyncset.done $0x0  }
0x19: {  	[sflag:s12] =	ssyncadd.s32 $0xFFFFFF80  }
0x1a: {  	[tilespmem:s14], [sflag:$0x1] =	stream.linear.gather [hbm4b:s8+s3], $0x800, $0x38;
	[tilespmem:$0xD080] =	vst v63  }
0x1b: {  	_ =	swait.ge [sflag:s12], $0x800  }
0x1c: {  	[sflag:s12] =	ssyncset.done $0x0  }
0x1d: {  	[sflag:s12] =	ssyncadd.s32 $0xFFFFF800  }
0x1e: {  	[spmem:s2] =	stream.indirect.scatter.add.f32 [tilespmem:s14], [sflag:$0x1], $0x10, s13, s15, $0xb8;
	[tilespmem:$0xD080] =	vst v63  }
0x1f: {  	s18 =	simm.s32 $0x10;
	_ =	swait.ge [sflag:s12], $0x800  }
0x20: {  	s19 =	simm.s32 $0x20;
	s17 =	sadd.s32 $0x100, s8;
	[sflag:s12] =	ssyncset.done $0x0  }
.LBB2_2:
0x21: {  	s20 =	sadd.s32 s18, s9  }
0x22: {  	[sflag:s12] =	ssyncadd.s32 $0xFFFFF800;
	s18 =	smov.u32 s19;
	s21 =	sadd.s32 $0x10, s19  }
0x23: {  	[tilespmem:s13], [sflag:$0x1] =	stream.linear.gather [hbm4b:s20+s3], $0x80, $0x38;
	[tilespmem:$0xD080] =	vst v63  }
0x24: {  	p0 =	sne.s32 s19, $0xC30;
	_ =	swait.ge [sflag:s12], $0x80  }
0x25: {  	[sflag:s12] =	ssyncset.done $0x0  }
0x26: {  	[sflag:s12] =	ssyncadd.s32 $0xFFFFFF80  }
0x27: {  	[tilespmem:s14], [sflag:$0x1] =	stream.linear.gather [hbm4b:s17+s3], $0x800, $0x38;
	[tilespmem:$0xD080] =	vst v63  }
0x28: {  	_ =	swait.ge [sflag:s12], $0x800  }
.Ltmp0:
0x29: {  	[sflag:s12] =	ssyncset.done $0x0;
	(pc) =	sbr.rel @p0 .LBB2_2-.Ltmp0, $4  }
0x2a: {  	[sflag:s12] =	ssyncadd.s32 $0xFFFFF800  }
0x2b: {  	[spmem:s2] =	stream.indirect.scatter.add.f32 [tilespmem:s14], [sflag:$0x1], $0x10, s13, s15, $0xb8;
	[tilespmem:$0xD080] =	vst v63  }
0x2c: {  	_ =	swait.ge [sflag:s12], $0x800  }
0x2d: {  	s19 =	smov.u32 s21;
	s17 =	sadd.s32 $0x100, s17;
	[sflag:s12] =	ssyncset.done $0x0  }
0x2e: {  	s18 =	sadd.s32 s18, s9;
	[sflag:s12] =	ssyncadd.s32 $0xFFFFF800  }
0x2f: {  	[tilespmem:s13], [sflag:$0x1] =	stream.linear.gather [hbm4b:s18+s3], $0x80, $0x38;
	[tilespmem:$0xD080] =	vst v63  }
0x30: {  	_ =	swait.ge [sflag:s12], $0x80  }
0x31: {  	[sflag:s12] =	ssyncset.done $0x0  }
0x32: {  	[sflag:s12] =	ssyncadd.s32 $0xFFFFFF80  }
0x33: {  	[tilespmem:s14], [sflag:$0x1] =	stream.linear.gather [hbm4b:s17+s3], $0x800, $0x38;
	[tilespmem:$0xD080] =	vst v63  }
0x34: {  	_ =	swait.ge [sflag:s12], $0x800  }
0x35: {  	[sflag:s12] =	ssyncset.done $0x0  }
0x36: {  	[sflag:s12] =	ssyncadd.s32 $0xFFFFF800  }
0x37: {  	[spmem:s2] =	stream.indirect.scatter.add.f32 [tilespmem:s14], [sflag:$0x1], $0x10, s13, s15, $0xb8;
	[tilespmem:$0xD080] =	vst v63  }
0x38: {  	_ =	swait.ge [sflag:s12], $0x800  }
0x39: {  	[sflag:s12] =	ssyncset.done $0x0  }
0x3a: {  	[sflag:s12] =	ssyncadd.s32 $0xFFFFF800  }
0x3b: {  	s31 =	sadd.s32 $0x0, s10;
	[bflag:$0x0] =	sbarrier.arrive $0xFFFF  }
0x3c: {  	[hbm:s31], [sflag:s6] =	dma.local [spmem:s11], $0x100  }
0x3d: {  	_ =	swait.ge [sflag:s12], $0x100  }
0x3e: {  	s18 =	sadd.s32 $0x800, s5;
	s17 =	simm.s32 $0x100;
	[sflag:s12] =	ssyncset.done $0x0  }
.LBB2_4:
0x3f: {  	s19 =	sadd.s32 s17, s10  }
0x40: {  	s20 =	sshrl.u32 s18, $0x3;
	[sflag:s12] =	ssyncadd.s32 $0xFFFFFF00;
	p0 =	sne.s32 s17, $0x1800  }
0x41: {  	[hbm:s19], [sflag:s6] =	dma.local [spmem:s20], $0x100  }
.Ltmp1:
0x42: {  	_ = 	snop;
	(pc) =	sbr.rel @p0 .LBB2_4-.Ltmp1, $4  }
0x43: {  	_ = 	snop  }
0x44: {  	s17 =	sadd.s32 $0x100, s17  }
0x45: {  	_ =	swait.ge [sflag:s12], $0x100  }
0x46: {  	s18 =	sadd.s32 $0x800, s18;
	[sflag:s12] =	ssyncset.done $0x0  }
0x47: {  	s16 =	sadd.s32 $0x1, s16  }
0x48: {  	p0 =	sne.s32 s16, s7  }
.Ltmp2:
0x49: {  	_ = 	snop;
	(pc) =	sbr.rel @p0 .LBB2_1-.Ltmp2, $2  }
0x4a: {  	_ =	sdelay $0x2  }
0x4b: {  	[sflag:s12] =	ssyncadd.s32 $0xFFFFFF00  }
0x4c: {  	_ =	sfence.sel $0x180000  }
0x4d: {  	[bflag:$0x0] =	sbarrier.arrive $0xFFFF  }
0x4e: {  	p0 =	sne.s32 s0, $0x0;
	_ =	strace $0x9000005F  }
0x4f: {  	s0 =	sadd.s32 @!p0 $0x100000, s1;
	[bflag:$0x2] =	sbarrier.arrive $0xFFFF  }
0x50: {  	[sflag:s0] =	ssyncadd.tile.s32 @!p0 $0x1;
	_ =	shalt  }
.Lfunc_end2:
_tile_overlayer_lowered:
.L_overlay_start_2:
0x51: {  	(tag) =	ssettag $0x2  }
0x52: {  	s0 =	rddreg [dreg:$0x0];
	s2 =	stileid.u32  }
0x53: {  	s1 =	rddreg [dreg:$0x1];
	p0 =	sne.s32 s2, $0x0  }
0x54: {  	s3 =	rddreg [dreg:$0x2];
	[bflag:$0x3] =	sbarrier.arrive $0xFFFF;
	s2 =	simm.s32 @!p0 $0x1C01  }
0x55: {  	[timem:s3], [sflag:s2] =	dma.local @!p0 [hbm:s0], s1  }
0x56: {  	s0 =	simm.s32 @!p0 $0x1  }
0x57: {  	_ =	swait.ge @!p0 [sflag:s0], s1  }
0x58: {  	s1 =	ssub.s32 @!p0 $0x0, s1;
	[sflag:s0] =	ssyncset.done @!p0 $0x0  }
0x59: {  	[sflag:s0] =	ssyncadd.s32 @!p0 s1  }
0x5a: {  	[bflag:$0x3] =	sbarrier.arrive $0xFFFF  }
0x5b: {  	_ =	shalt  }

// kernel: kernel.52.cloned.1.call-start
scs
__scs_entry_jumppad:
0x0: {  	(pc) =	sbr.rel $0x88, $3  }
0x1: {  	(tag) =	ssettag $0x0;
	lr =	simm.s32 $0x1  }
0x2: {  	[smem:$0x3F77] =	sst lr;
	_ =	strace $0xD0000000  }
0x3: {  	_ = 	snop  }
0x4: {  	_ = 	snop  }
0x5: {  	_ = 	snop  }
0x6: {  	_ = 	snop  }
0x7: {  	_ = 	snop  }
__scs_overlays_trampoline_lowered:
0x8: {  	[smem:$0x3F86] =	sst s0  }
0x9: {  	[smem:$0x3F87] =	sst s1  }
0xa: {  	[smem:$0x3F88] =	sst s2  }
0xb: {  	[smem:$0x3F89] =	sst s3  }
0xc: {  	[smem:$0x3F8A] =	sst s4  }
0xd: {  	[smem:$0x3F8B] =	sst s5  }
0xe: {  	[smem:$0x3F8C] =	sst s6  }
0xf: {  	[smem:$0x3F8D] =	sst s7  }
0x10: {  	[smem:$0x3F8E] =	sst s8  }
0x11: {  	[smem:$0x3F8F] =	sst s9;
	s0 =	simm.s32 @!p0 $0x0  }
0x12: {  	s1 =	sld [smem:$0x3F75];
	s0 =	simm.s32 @p0 $0x1  }
0x13: {  	[smem:$0x3F90] =	sst s0;
	s0 =	simm.s32 @!p1 $0x0  }
0x14: {  	s2 =	sld [smem:$0x3F74];
	s0 =	simm.s32 @p1 $0x1  }
0x15: {  	[smem:$0x3F91] =	sst s0;
	s0 =	simm.s32 @!p2 $0x0  }
0x16: {  	s3 =	sld [smem:$0x3FDB];
	s0 =	simm.s32 @p2 $0x1  }
0x17: {  	s4 =	simm.s32 $0x1BF5;
	[smem:$0x3F93] =	sst s0  }
0x18: {  	s0 =	sld [smem:$0x3F76];
	_ =	swait.ge [sflag:s4], $0x0  }
0x19: {  	s7 =	sld [smem:$0x3F77]  }
0x1a: {  	s8 =	sadd.s32 $0xFFFFE003, lr  }
0x1b: {  	s9 =	sadd.s32 $0xFFFFFEF7, lr;
	s5 =	simm.s32 $0xFFFFFFFF;
	p2 =	slt.u32 s8, $0xFFFFF086  }
0x1c: {  	p1 =	slt.u32 s9, $0xF7A;
	s5 =	simm.s32 @!p2 $0x0  }
0x1d: {  	s5 =	simm.s32 @p1 $0x1;
	p0 =	seq.s32 s7, s2  }
0x1e: {  	s7 =	smul.u32 @!p0 $0xF7A, s2;
	p2 =	seq.s32 @!p0 s5, $0x0  }
0x1f: {  	s9 =	smul.u32 $0xF7A, s1;
	s8 =	simm.s32 @!p0 $0x1BF5;
	p2 =	por !p2, p0  }
0x20: {  	[sflag:s8] =	ssyncset.s32 @!p0 $0xFFFFF086;
	s6 =	sadd.s32 @!p0 s3, s7;
	s7 =	simm.s32 @!p0 $0x108  }
0x21: {  	s3 =	sadd.s32 s3, s9;
	s6 =	sadd.s32 @!p0 $0x88, s6;
	s7 =	simm.s32 @p2 $0x1082  }
0x22: {  	[simem:s7], [sflag:s8] =	dma.local @!p0 [hbm:s6], $0xF7A  }
0x23: {  	s9 =	sor.u32 $0xD0000000, s2;
	s6 =	simm.s32 $0x108;
	_ =	swait.ge @!p0 [sflag:s8], $0x0  }
0x24: {  	s3 =	sadd.s32 $0x88, s3;
	s6 =	simm.s32 @!p1 $0x1082;
	[sflag:s4] =	ssyncset.s32 $0xFFFFF086  }
0x25: {  	[simem:s6], [sflag:s4] =	dma.local [hbm:s3], $0xF7A  }
0x26: {  	[smem:$0x3F77] =	sst s1;
	(tag) =	ssettag s2;
	_ =	strace s9  }
0x27: {  	s1 =	sld [smem:$0x3F87]  }
0x28: {  	s2 =	sld [smem:$0x3F88]  }
0x29: {  	s4 =	sld [smem:$0x3F8A]  }
0x2a: {  	p0 =	seq.s32 s5, $0x0;
	s5 =	sld [smem:$0x3F8B]  }
0x2b: {  	s6 =	sld [smem:$0x3F8C]  }
0x2c: {  	s7 =	sld [smem:$0x3F8D]  }
0x2d: {  	s3 =	simm.s32 $0x108;
	s8 =	sld [smem:$0x3F8E]  }
0x2e: {  	s3 =	simm.s32 @!p0 $0x1082;
	s9 =	sld [smem:$0x3F8F]  }
0x2f: {  	lr =	sadd.s32 s0, s3;
	s0 =	sld [smem:$0x3F86]  }
0x30: {  	s3 =	sld [smem:$0x3F89]  }
0x31: {  	[smem:$0x3F92] =	sst s10  }
0x32: {  	s10 =	sld [smem:$0x3F90];
	_ =	sdelay $0x3  }
0x33: {  	p0 =	seq.s32 s10, $0x1;
	s10 =	sld [smem:$0x3F92];
	_ =	sdelay $0x3  }
0x34: {  	[smem:$0x3F92] =	sst s10  }
0x35: {  	s10 =	sld [smem:$0x3F91];
	_ =	sdelay $0x3  }
0x36: {  	p1 =	seq.s32 s10, $0x1;
	s10 =	sld [smem:$0x3F92];
	_ =	sdelay $0x3  }
0x37: {  	[smem:$0x3F92] =	sst s10  }
0x38: {  	s10 =	sld [smem:$0x3F93]  }
0x39: {  	_ = 	snop;
	(pc) =	sbr.ind lr, $3  }
0x3a: {  	_ = 	snop  }
0x3b: {  	_ = 	snop  }
0x3c: {  	p2 =	seq.s32 s10, $0x1;
	s10 =	sld [smem:$0x3F92]  }
0x3d: {  	_ =	shalt  }
0x3e: {  	_ =	shalt  }
0x3f: {  	_ =	shalt  }
0x40: {  	_ =	shalt  }
0x41: {  	_ =	shalt  }
0x42: {  	_ =	shalt  }
0x43: {  	_ =	shalt  }
0x44: {  	_ =	shalt  }
0x45: {  	_ =	shalt  }
0x46: {  	_ =	shalt  }
0x47: {  	_ =	shalt  }
0x48: {  	_ =	shalt  }
0x49: {  	_ =	shalt  }
0x4a: {  	_ =	shalt  }
0x4b: {  	_ =	shalt  }
0x4c: {  	_ =	shalt  }
0x4d: {  	_ =	shalt  }
0x4e: {  	_ =	shalt  }
0x4f: {  	_ =	shalt  }
0x50: {  	_ =	shalt  }
0x51: {  	_ =	shalt  }
0x52: {  	_ =	shalt  }
0x53: {  	_ =	shalt  }
0x54: {  	_ =	shalt  }
0x55: {  	_ =	shalt  }
0x56: {  	_ =	shalt  }
0x57: {  	_ =	shalt  }
0x58: {  	_ =	shalt  }
0x59: {  	_ =	shalt  }
0x5a: {  	_ =	shalt  }
0x5b: {  	_ =	shalt  }
0x5c: {  	_ =	shalt  }
0x5d: {  	_ =	shalt  }
0x5e: {  	_ =	shalt  }
0x5f: {  	_ =	shalt  }
0x60: {  	_ =	shalt  }
0x61: {  	_ =	shalt  }
0x62: {  	_ =	shalt  }
0x63: {  	_ =	shalt  }
0x64: {  	_ =	shalt  }
0x65: {  	_ =	shalt  }
0x66: {  	_ =	shalt  }
0x67: {  	_ =	shalt  }
0x68: {  	_ =	shalt  }
0x69: {  	_ =	shalt  }
0x6a: {  	_ =	shalt  }
0x6b: {  	_ =	shalt  }
0x6c: {  	_ =	shalt  }
0x6d: {  	_ =	shalt  }
0x6e: {  	_ =	shalt  }
0x6f: {  	_ =	shalt  }
0x70: {  	_ =	shalt  }
0x71: {  	_ =	shalt  }
0x72: {  	_ =	shalt  }
0x73: {  	_ =	shalt  }
0x74: {  	_ =	shalt  }
0x75: {  	_ =	shalt  }
0x76: {  	_ =	shalt  }
0x77: {  	_ =	shalt  }
0x78: {  	_ =	shalt  }
0x79: {  	_ =	shalt  }
0x7a: {  	_ =	shalt  }
0x7b: {  	_ =	shalt  }
0x7c: {  	_ =	shalt  }
0x7d: {  	_ =	shalt  }
0x7e: {  	_ =	shalt  }
0x7f: {  	_ =	shalt  }
0x80: {  	_ =	shalt  }
0x81: {  	_ =	shalt  }
0x82: {  	_ =	shalt  }
0x83: {  	_ =	shalt  }
0x84: {  	_ =	shalt  }
0x85: {  	_ =	shalt  }
0x86: {  	_ =	shalt  }
0x87: {  	_ =	shalt  }
.Lfunc_end0:
.L_simem_size_0:
called_computation.9_lowered:
.L_overlay_start_0:
0x88: {  	s2 =	sld [smem:$0x3FD9]  }
0x89: {  	s3 =	sld [smem:$0x3FFE];
	_ =	sdelay $0x1  }
0x8a: {  	s1 =	srdreg.scid  }
0x8b: {  	s0 =	sand.u32 $0x1, s1  }
0x8c: {  	s16 =	sshll.u32 s0, $0xA;
	s2 =	sadd.s32 s3, s2  }
0x8d: {  	s2 =	sadd.s32 s2, s16  }
0x8e: {  	[smem:$0x3F9E] =	sst s2  }
0x8f: {  	_ = 	snop  }
0x90: {  	(tm) =	ssettm $0x1  }
0x91: {  	s17 =	sld [smem:$0x3FFB];
	_ =	sdelay $0x3  }
0x92: {  	_ =	strace s17  }
0x93: {  	s2 =	sld [smem:$0x3FFC];
	_ =	sdelay $0x3  }
0x94: {  	_ =	strace s2  }
0x95: {  	s2 =	sld [smem:$0x3FFD];
	_ =	sdelay $0x3  }
0x96: {  	_ =	strace s2  }
0x97: {  	_ =	strace $0x8FFFFFFF  }
0x98: {  	s18 =	sld [smem:$0x3FDB];
	_ =	sdelay $0x1  }
0x99: {  	s19 =	simm.s32 $_scs_section_size  }
0x9a: {  	s4 =	simm.s32 $_size__tile_overlayer_lowered;
	s5 =	simm.s32 $_tile_overlayer_lowered  }
0x9b: {  	s22 =	simm.s32 $0x1BFF;
	s21 =	sshll.u32 s5, $0x1;
	s2 =	sadd.s32 s19, s18  }
0x9c: {  	s6 =	simm.s32 $0x0;
	s20 =	sshll.u32 s4, $0x1;
	s4 =	sadd.s32 s21, s2  }
0x9d: {  	[timem:s6], [sflag:s22] =	dma.local [hbm:s4], s20  }
0x9e: {  	_ =	swait.ge [sflag:s22], s20  }
0x9f: {  	s3 =	ssub.s32 $0x0, s20;
	[sflag:s22] =	ssyncset.done $0x0  }
0xa0: {  	[sflag:s22] =	ssyncadd.s32 s3;
	_ =	sdelay $0x1  }
0xa1: {  	s23 =	simm.s32 $0x1B8B  }
0xa2: {  	_ =	swait.ge [sflag:s23], $0x1  }
0xa3: {  	[sflag:s23] =	ssyncset.done $0x0  }
0xa4: {  	s25 =	simm.s32 $0x1B8E;
	s24 =	sld [smem:$0x3FFE];
	[sflag:s23] =	ssyncadd.s32 $0xFFFFFFFF  }
0xa5: {  	s26 =	simm.s32 $execute0_lowered;
	[smem:$0x3FD2] =	sst s25  }
0xa6: {  	s4 =	sshll.u32 s26, $0x1;
	_ =	strace $0x80000061;
	[dreg:$0x1] =	wrdreg $0xFFFFFFFF  }
0xa7: {  	s28 =	simm.s32 $_size_execute0_lowered;
	s2 =	sadd.s32 s2, s4;
	[dreg:$0x0] =	wrdreg $0x0  }
0xa8: {  	s4 =	sshll.u32 s28, $0x1;
	[dreg:$0x2] =	wrdreg s2  }
0xa9: {  	[dreg:$0x3] =	wrdreg s4  }
0xaa: {  	[dreg:$0x4] =	wrdreg $0xC0  }
0xab: {  	_ =	task [dreg:s6], $0x5FFFF  }
0xac: {  	[dreg:$0x1] =	wrdreg $0xFFFFFFFF  }
0xad: {  	[dreg:$0x0] =	wrdreg $0x60  }
0xae: {  	[dreg:$0x2] =	wrdreg s24  }
0xaf: {  	[dreg:$0x3] =	wrdreg $0x9  }
0xb0: {  	_ =	task.clear_ibuf [dreg:s6], $0x4FFFF;
	_ =	strace $0x90000061  }
0xb1: {  	s29 =	simm.s32 $0x9;
	_ =	strace $0x80000063  }
0xb2: {  	_ =	swait.ge [sflag:s29], $0x1  }
0xb3: {  	[sflag:s29] =	ssyncadd.s32 $0xFFFFFFFF  }
0xb4: {  	_ =	strace $0x90000063  }
0xb5: {  	_ =	sfence  }
0xb6: {  	s30 =	sld [smem:$0x0];
	_ =	sdelay $0x2  }
0xb7: {  	s31 =	sshll.u32 s1, $0xD;
	s1 =	sshrl.u32 s1, $0x2  }
0xb8: {  	s3 =	sand.u32 $0x4000, s31;
	s1 =	sadd.s32 s1, s30  }
0xb9: {  	s0 =	sor.u32 s3, s0;
	s1 =	sshll.u32 s1, $0x11  }
0xba: {  	s0 =	sor.u32 s1, s0  }
0xbb: {  	s0 =	sadd.s32 $0x8F2B, s0  }
0xbc: {  	[sflag:s0] =	ssyncadd.remote.s32 $0x1  }
0xbd: {  	_ =	sfence.sel $0xFFFF  }
0xbe: {  	[dreg:$0x0] =	wrdreg $0xFFFFFFFF;
	(pc) =	sbr.abs _section_cstart, $3  }
0xbf: {  	[dreg:$0x1] =	wrdreg $0xFFFFFFFF  }
0xc0: {  	_ =	task.clear_ibuf [dreg:s6], $0x2FFFF;
	_ =	strace $0x9FFFFFFF  }
0xc1: {  	(tm) =	ssettm $0x7FFFFFFF  }
tec
execute0_lowered:
.L_overlay_start_1:
0x0: {  	(tag) =	ssettag $0x1  }
0x1: {  	s10 =	rddreg [dreg:$0x0]  }
0x2: {  	s0 =	rddreg [dreg:$0x1];
	s1 =	simm.s32 $0x0  }
0x3: {  	s5 =	srdreg.scid;
	s15 =	simm.s32 $0x100;
	s16 =	simm.s32 $0x4100  }
0x4: {  	s17 =	simm.s32 $0x8100;
	s18 =	simm.s32 $0x8900;
	s19 =	simm.s32 $0x1  }
0x5: {  	s20 =	simm.s32 $0x2;
	s21 =	simm.s32 $0x3;
	[smem:$0x7FF] =	sst s1  }
0x6: {  	s22 =	simm.s32 $0x0;
	s2 =	sadd.s32 $0x102E00, s10;
	s3 =	sadd.s32 $0x5AAE00, s10  }
0x7: {  	s4 =	sadd.s32 $0xEA00, s10;
	s6 =	sadd.s32 $0xD1E00, s10;
	s7 =	sadd.s32 $0xEA600, s10  }
0x8: {  	s11 =	sand.u32 $0x1, s5;
	s8 =	sadd.s32 $0x802E00, s10;
	s5 =	stileid.u32  }
0x9: {  	s9 =	sadd.s32 $0x1CAE00, s10;
	s10 =	sadd.s32 $0x352E00, s10;
	s12 =	ssub.s32 $0x2, s11  }
0xa: {  	_ =	strace $0x80000062;
	s14 =	sshll.u32 s5, $0x1;
	s13 =	sshrl.u32 s12, $0x1  }
0xb: {  	s11 =	sor.u32 s11, s14;
	s14 =	simm.s32 $0x80;
	s12 =	ssub.s32 s12, s13  }
0xc: {  	s11 =	smul.u32 $0x6200, s11;
	s13 =	simm.s32 $0x4;
	s12 =	smax.u32 s12, $0x1  }
.LBB2_1:
0xd: {  	s23 =	simm.s32 $0x0  }
.LBB2_2:
0xe: {  	s24 =	sshll.u32 s23, $0x7  }
0xf: {  	s24 =	sadd.s32 s11, s24  }
0x10: {  	s25 =	sshrl.u32 s24, $0x3  }
0x11: {  	s28 =	simm.s32 $0x0;
	s26 =	sadd.s32 s6, s25  }
0x12: {  	[tilespmem:s28], [sflag:$0x4] =	stream.linear.gather [hbm4b:s26+s28], $0x80, $0x38;
	[tilespmem:$0x9100] =	vst v63  }
0x13: {  	_ =	swait.ge [sflag:s13], $0x80  }
0x14: {  	[sflag:s13] =	ssyncset.done $0x0  }
0x15: {  	s25 =	sadd.s32 s7, s25;
	[sflag:s13] =	ssyncadd.s32 $0xFFFFFF80  }
0x16: {  	[tilespmem:s14], [sflag:$0x4] =	stream.linear.gather [hbm4b:s25+s28], $0x80, $0x38;
	[tilespmem:$0x9100] =	vst v63  }
0x17: {  	_ =	swait.ge [sflag:s13], $0x80  }
0x18: {  	[sflag:s13] =	ssyncset.done $0x0  }
0x19: {  	[sflag:s13] =	ssyncadd.s32 $0xFFFFFF80  }
0x1a: {  	[tilespmem:s15], [sflag:$0x1] =	stream.indirect.gather [hbm4b:s2+s14], $0x80, s28, s14, $0xb8;
	[tilespmem:$0x9100] =	vst v63  }
0x1b: {  	_ = 	snop  }
0x1c: {  	[tilespmem:s16], [sflag:$0x2] =	stream.indirect.gather [hbm4b:s3+s14], $0x80, s14, s14, $0xb8;
	[tilespmem:$0x9100] =	vst v63  }
0x1d: {  	_ = 	snop  }
0x1e: {  	[tilespmem:s17], [sflag:$0x3] =	stream.indirect.gather [hbm4b:s4+s14], $0x10, s28, s14, $0xb8;
	[tilespmem:$0x9100] =	vst v63  }
0x1f: {  	_ = 	snop  }
0x20: {  	[tilespmem:s18], [sflag:$0x3] =	stream.indirect.gather [hbm4b:s4+s14], $0x10, s14, s14, $0xb8;
	[tilespmem:$0x9100] =	vst v63  }
0x21: {  	_ =	swait.ge [sflag:s19], $0x4000  }
0x22: {  	[sflag:s19] =	ssyncset.done $0x0  }
0x23: {  	[sflag:s19] =	ssyncadd.s32 $0xFFFFC000  }
0x24: {  	_ =	swait.ge [sflag:s20], $0x4000  }
0x25: {  	[sflag:s20] =	ssyncset.done $0x0  }
0x26: {  	[sflag:s20] =	ssyncadd.s32 $0xFFFFC000  }
0x27: {  	_ =	swait.ge [sflag:s21], $0x800  }
0x28: {  	[sflag:s21] =	ssyncset.done $0x0  }
0x29: {  	[sflag:s21] =	ssyncadd.s32 $0xFFFFF800  }
0x2a: {  	_ =	swait.ge [sflag:s21], $0x800  }
0x2b: {  	[sflag:s21] =	ssyncset.done $0x0  }
0x2c: {  	s25 =	simm.s32 $0x0;
	[sflag:s21] =	ssyncadd.s32 $0xFFFFF800  }
0x2d: {  	v7 =	vld [tilespmem:s25+$0x4100]  }
0x2e: {  	v11 =	vld [tilespmem:s25+$0x4110]  }
0x2f: {  	v5 =	vld [tilespmem:s25+$0x4120]  }
0x30: {  	v4 =	vld [tilespmem:s25+$0x4130]  }
0x31: {  	v3 =	vld [tilespmem:s25+$0x4140]  }
0x32: {  	v2 =	vld [tilespmem:s25+$0x4150]  }
0x33: {  	v1 =	vld [tilespmem:s25+$0x4160]  }
0x34: {  	v0 =	vld [tilespmem:s25+$0x4170]  }
0x35: {  	v12 =	vld [tilespmem:s25+$0x100]  }
0x36: {  	v13 =	vld [tilespmem:s25+$0x110]  }
0x37: {  	v10 =	vld [tilespmem:s25+$0x120]  }
0x38: {  	v9 =	vld [tilespmem:s25+$0x130]  }
0x39: {  	v8 =	vld [tilespmem:s25+$0x140]  }
0x3a: {  	v6 =	vld [tilespmem:s25+$0x150];
	v12 =	vadd.f32 v7, v12  }
0x3b: {  	s26 =	simm.s32 $0x200;
	v11 =	vadd.f32 v11, v13;
	v7 =	vld [tilespmem:s25+$0x160]  }
.LBB2_3:
0x3c: {  	s28 =	sshra.s32 s26, $0x2;
	p0 =	sne.s32 s26, $0xFE00;
	[tilespmem:s25+$0x100] =	vst v12;
	v5 =	vadd.f32 v5, v10;
	v10 =	vld [tilespmem:s25+$0x170]  }
0x3d: {  	v12 =	vld [tilespmem:s28+$0x4100];
	[tilespmem:s25+$0x110] =	vst v11;
	v4 =	vadd.f32 v4, v9  }
0x3e: {  	v11 =	vld [tilespmem:s28+$0x4110];
	[tilespmem:s25+$0x120] =	vst v5;
	v3 =	vadd.f32 v3, v8  }
0x3f: {  	v5 =	vld [tilespmem:s28+$0x4120];
	[tilespmem:s25+$0x130] =	vst v4;
	v2 =	vadd.f32 v2, v6  }
0x40: {  	v4 =	vld [tilespmem:s28+$0x4130];
	[tilespmem:s25+$0x140] =	vst v3;
	v1 =	vadd.f32 v1, v7  }
0x41: {  	v3 =	vld [tilespmem:s28+$0x4140];
	[tilespmem:s25+$0x150] =	vst v2;
	v0 =	vadd.f32 v0, v10  }
0x42: {  	v2 =	vld [tilespmem:s28+$0x4150];
	[tilespmem:s25+$0x160] =	vst v1  }
0x43: {  	v1 =	vld [tilespmem:s28+$0x4160];
	[tilespmem:s25+$0x170] =	vst v0;
	s25 =	smov.u32 s28  }
0x44: {  	v0 =	vld [tilespmem:s25+$0x4170]  }
0x45: {  	v6 =	vld [tilespmem:s25+$0x100]  }
0x46: {  	v7 =	vld [tilespmem:s25+$0x110]  }
.Ltmp0:
0x47: {  	v10 =	vld [tilespmem:s25+$0x120];
	(pc) =	sbr.rel @p0 .LBB2_3-.Ltmp0, $4  }
0x48: {  	v9 =	vld [tilespmem:s25+$0x130]  }
0x49: {  	v8 =	vld [tilespmem:s25+$0x140]  }
0x4a: {  	v12 =	vadd.f32 v12, v6;
	v6 =	vld [tilespmem:s25+$0x150]  }
0x4b: {  	s26 =	sadd.s32 $0x200, s26;
	v11 =	vadd.f32 v11, v7;
	v7 =	vld [tilespmem:s25+$0x160]  }
0x4c: {  	[tilespmem:s25+$0x100] =	vst v12;
	v5 =	vadd.f32 v5, v10;
	v63 =	vld [tilespmem:s25+$0x170]  }
0x4d: {  	[tilespmem:s25+$0x110] =	vst v11;
	v4 =	vadd.f32 v4, v9  }
0x4e: {  	[tilespmem:s25+$0x120] =	vst v5;
	v3 =	vadd.f32 v3, v8  }
0x4f: {  	[tilespmem:s25+$0x130] =	vst v4;
	v2 =	vadd.f32 v2, v6  }
0x50: {  	[tilespmem:s25+$0x140] =	vst v3;
	v1 =	vadd.f32 v1, v7  }
0x51: {  	[tilespmem:s25+$0x150] =	vst v2;
	v0 =	vadd.f32 v0, v63  }
0x52: {  	s26 =	sshll.u32 s24, $0x4;
	[tilespmem:s25+$0x160] =	vst v1  }
0x53: {  	s29 =	sadd.s32 s8, s26;
	[tilespmem:s25+$0x170] =	vst v0  }
0x54: {  	[hbm4b:s29+s1] =	stream.linear.scatter [tilespmem:s15], [sflag:$0x4], $0x4000, $0x38;
	[tilespmem:$0x9100] =	vst v63  }
0x55: {  	_ =	swait.ge [sflag:s13], $0x4000  }
0x56: {  	s30 =	sshll.u32 s24, $0x1;
	[sflag:s13] =	ssyncset.done $0x0  }
0x57: {  	s31 =	sadd.s32 s9, s30;
	[sflag:s13] =	ssyncadd.s32 $0xFFFFC000  }
0x58: {  	[hbm4b:s31+s1] =	stream.linear.scatter [tilespmem:s17], [sflag:$0x4], $0x800, $0x38;
	[tilespmem:$0x9100] =	vst v63  }
0x59: {  	s23 =	sadd.s32 $0x1, s23;
	_ =	swait.ge [sflag:s13], $0x800  }
0x5a: {  	p0 =	sne.s32 s23, $0xC4;
	[sflag:s13] =	ssyncset.done $0x0  }
.Ltmp1:
0x5b: {  	s24 =	sadd.s32 s10, s30;
	[sflag:s13] =	ssyncadd.s32 $0xFFFFF800;
	(pc) =	sbr.rel @p0 .LBB2_2-.Ltmp1, $4  }
0x5c: {  	[hbm4b:s24+s1] =	stream.linear.scatter [tilespmem:s18], [sflag:$0x4], $0x800, $0x38;
	[tilespmem:$0x9100] =	vst v63  }
0x5d: {  	_ =	swait.ge [sflag:s13], $0x800  }
0x5e: {  	[sflag:s13] =	ssyncset.done $0x0  }
0x5f: {  	[sflag:s13] =	ssyncadd.s32 $0xFFFFF800  }
0x60: {  	s22 =	sadd.s32 $0x1, s22  }
0x61: {  	p0 =	sne.s32 s22, s12  }
.Ltmp2:
0x62: {  	_ = 	snop;
	(pc) =	sbr.rel @p0 .LBB2_1-.Ltmp2, $1  }
0x63: {  	_ =	sdelay $0x3  }
0x64: {  	_ =	sfence.sel $0x180000  }
0x65: {  	[bflag:$0x0] =	sbarrier.arrive $0xFFFF  }
0x66: {  	p0 =	sne.s32 s5, $0x0;
	_ =	strace $0x90000062  }
0x67: {  	s0 =	sadd.s32 @!p0 $0x100000, s0;
	[bflag:$0x2] =	sbarrier.arrive $0xFFFF  }
0x68: {  	[sflag:s0] =	ssyncadd.tile.s32 @!p0 $0x1;
	_ =	shalt  }
.Lfunc_end2:
_tile_overlayer_lowered:
.L_overlay_start_2:
0x69: {  	(tag) =	ssettag $0x2  }
0x6a: {  	s0 =	rddreg [dreg:$0x0];
	s2 =	stileid.u32  }
0x6b: {  	s1 =	rddreg [dreg:$0x1];
	p0 =	sne.s32 s2, $0x0  }
0x6c: {  	s3 =	rddreg [dreg:$0x2];
	[bflag:$0x3] =	sbarrier.arrive $0xFFFF;
	s2 =	simm.s32 @!p0 $0x1C04  }
0x6d: {  	[timem:s3], [sflag:s2] =	dma.local @!p0 [hbm:s0], s1  }
0x6e: {  	s0 =	simm.s32 @!p0 $0x4  }
0x6f: {  	_ =	swait.ge @!p0 [sflag:s0], s1  }
0x70: {  	s1 =	ssub.s32 @!p0 $0x0, s1;
	[sflag:s0] =	ssyncset.done @!p0 $0x0  }
0x71: {  	[sflag:s0] =	ssyncadd.s32 @!p0 s1  }
0x72: {  	[bflag:$0x3] =	sbarrier.arrive $0xFFFF  }
0x73: {  	_ =	shalt  }

// kernel: kernel.55.cloned.1.call-start
scs
__scs_entry_jumppad:
0x0: {  	(pc) =	sbr.rel $0x88, $3  }
0x1: {  	(tag) =	ssettag $0x0;
	lr =	simm.s32 $0x1  }
0x2: {  	[smem:$0x3F77] =	sst lr;
	_ =	strace $0xD0000000  }
0x3: {  	_ = 	snop  }
0x4: {  	_ = 	snop  }
0x5: {  	_ = 	snop  }
0x6: {  	_ = 	snop  }
0x7: {  	_ = 	snop  }
__scs_overlays_trampoline_lowered:
0x8: {  	[smem:$0x3F86] =	sst s0  }
0x9: {  	[smem:$0x3F87] =	sst s1  }
0xa: {  	[smem:$0x3F88] =	sst s2  }
0xb: {  	[smem:$0x3F89] =	sst s3  }
0xc: {  	[smem:$0x3F8A] =	sst s4  }
0xd: {  	[smem:$0x3F8B] =	sst s5  }
0xe: {  	[smem:$0x3F8C] =	sst s6  }
0xf: {  	[smem:$0x3F8D] =	sst s7  }
0x10: {  	[smem:$0x3F8E] =	sst s8  }
0x11: {  	[smem:$0x3F8F] =	sst s9;
	s0 =	simm.s32 @!p0 $0x0  }
0x12: {  	s1 =	sld [smem:$0x3F75];
	s0 =	simm.s32 @p0 $0x1  }
0x13: {  	[smem:$0x3F90] =	sst s0;
	s0 =	simm.s32 @!p1 $0x0  }
0x14: {  	s2 =	sld [smem:$0x3F74];
	s0 =	simm.s32 @p1 $0x1  }
0x15: {  	[smem:$0x3F91] =	sst s0;
	s0 =	simm.s32 @!p2 $0x0  }
0x16: {  	s3 =	sld [smem:$0x3FDB];
	s0 =	simm.s32 @p2 $0x1  }
0x17: {  	s4 =	simm.s32 $0x1BF5;
	[smem:$0x3F93] =	sst s0  }
0x18: {  	s0 =	sld [smem:$0x3F76];
	_ =	swait.ge [sflag:s4], $0x0  }
0x19: {  	s7 =	sld [smem:$0x3F77]  }
0x1a: {  	s8 =	sadd.s32 $0xFFFFE003, lr  }
0x1b: {  	s9 =	sadd.s32 $0xFFFFFEF7, lr;
	s5 =	simm.s32 $0xFFFFFFFF;
	p2 =	slt.u32 s8, $0xFFFFF086  }
0x1c: {  	p1 =	slt.u32 s9, $0xF7A;
	s5 =	simm.s32 @!p2 $0x0  }
0x1d: {  	s5 =	simm.s32 @p1 $0x1;
	p0 =	seq.s32 s7, s2  }
0x1e: {  	s7 =	smul.u32 @!p0 $0xF7A, s2;
	p2 =	seq.s32 @!p0 s5, $0x0  }
0x1f: {  	s9 =	smul.u32 $0xF7A, s1;
	s8 =	simm.s32 @!p0 $0x1BF5;
	p2 =	por !p2, p0  }
0x20: {  	[sflag:s8] =	ssyncset.s32 @!p0 $0xFFFFF086;
	s6 =	sadd.s32 @!p0 s3, s7;
	s7 =	simm.s32 @!p0 $0x108  }
0x21: {  	s3 =	sadd.s32 s3, s9;
	s6 =	sadd.s32 @!p0 $0x88, s6;
	s7 =	simm.s32 @p2 $0x1082  }
0x22: {  	[simem:s7], [sflag:s8] =	dma.local @!p0 [hbm:s6], $0xF7A  }
0x23: {  	s9 =	sor.u32 $0xD0000000, s2;
	s6 =	simm.s32 $0x108;
	_ =	swait.ge @!p0 [sflag:s8], $0x0  }
0x24: {  	s3 =	sadd.s32 $0x88, s3;
	s6 =	simm.s32 @!p1 $0x1082;
	[sflag:s4] =	ssyncset.s32 $0xFFFFF086  }
0x25: {  	[simem:s6], [sflag:s4] =	dma.local [hbm:s3], $0xF7A  }
0x26: {  	[smem:$0x3F77] =	sst s1;
	(tag) =	ssettag s2;
	_ =	strace s9  }
0x27: {  	s1 =	sld [smem:$0x3F87]  }
0x28: {  	s2 =	sld [smem:$0x3F88]  }
0x29: {  	s4 =	sld [smem:$0x3F8A]  }
0x2a: {  	p0 =	seq.s32 s5, $0x0;
	s5 =	sld [smem:$0x3F8B]  }
0x2b: {  	s6 =	sld [smem:$0x3F8C]  }
0x2c: {  	s7 =	sld [smem:$0x3F8D]  }
0x2d: {  	s3 =	simm.s32 $0x108;
	s8 =	sld [smem:$0x3F8E]  }
0x2e: {  	s3 =	simm.s32 @!p0 $0x1082;
	s9 =	sld [smem:$0x3F8F]  }
0x2f: {  	lr =	sadd.s32 s0, s3;
	s0 =	sld [smem:$0x3F86]  }
0x30: {  	s3 =	sld [smem:$0x3F89]  }
0x31: {  	[smem:$0x3F92] =	sst s10  }
0x32: {  	s10 =	sld [smem:$0x3F90];
	_ =	sdelay $0x3  }
0x33: {  	p0 =	seq.s32 s10, $0x1;
	s10 =	sld [smem:$0x3F92];
	_ =	sdelay $0x3  }
0x34: {  	[smem:$0x3F92] =	sst s10  }
0x35: {  	s10 =	sld [smem:$0x3F91];
	_ =	sdelay $0x3  }
0x36: {  	p1 =	seq.s32 s10, $0x1;
	s10 =	sld [smem:$0x3F92];
	_ =	sdelay $0x3  }
0x37: {  	[smem:$0x3F92] =	sst s10  }
0x38: {  	s10 =	sld [smem:$0x3F93]  }
0x39: {  	_ = 	snop;
	(pc) =	sbr.ind lr, $3  }
0x3a: {  	_ = 	snop  }
0x3b: {  	_ = 	snop  }
0x3c: {  	p2 =	seq.s32 s10, $0x1;
	s10 =	sld [smem:$0x3F92]  }
0x3d: {  	_ =	shalt  }
0x3e: {  	_ =	shalt  }
0x3f: {  	_ =	shalt  }
0x40: {  	_ =	shalt  }
0x41: {  	_ =	shalt  }
0x42: {  	_ =	shalt  }
0x43: {  	_ =	shalt  }
0x44: {  	_ =	shalt  }
0x45: {  	_ =	shalt  }
0x46: {  	_ =	shalt  }
0x47: {  	_ =	shalt  }
0x48: {  	_ =	shalt  }
0x49: {  	_ =	shalt  }
0x4a: {  	_ =	shalt  }
0x4b: {  	_ =	shalt  }
0x4c: {  	_ =	shalt  }
0x4d: {  	_ =	shalt  }
0x4e: {  	_ =	shalt  }
0x4f: {  	_ =	shalt  }
0x50: {  	_ =	shalt  }
0x51: {  	_ =	shalt  }
0x52: {  	_ =	shalt  }
0x53: {  	_ =	shalt  }
0x54: {  	_ =	shalt  }
0x55: {  	_ =	shalt  }
0x56: {  	_ =	shalt  }
0x57: {  	_ =	shalt  }
0x58: {  	_ =	shalt  }
0x59: {  	_ =	shalt  }
0x5a: {  	_ =	shalt  }
0x5b: {  	_ =	shalt  }
0x5c: {  	_ =	shalt  }
0x5d: {  	_ =	shalt  }
0x5e: {  	_ =	shalt  }
0x5f: {  	_ =	shalt  }
0x60: {  	_ =	shalt  }
0x61: {  	_ =	shalt  }
0x62: {  	_ =	shalt  }
0x63: {  	_ =	shalt  }
0x64: {  	_ =	shalt  }
0x65: {  	_ =	shalt  }
0x66: {  	_ =	shalt  }
0x67: {  	_ =	shalt  }
0x68: {  	_ =	shalt  }
0x69: {  	_ =	shalt  }
0x6a: {  	_ =	shalt  }
0x6b: {  	_ =	shalt  }
0x6c: {  	_ =	shalt  }
0x6d: {  	_ =	shalt  }
0x6e: {  	_ =	shalt  }
0x6f: {  	_ =	shalt  }
0x70: {  	_ =	shalt  }
0x71: {  	_ =	shalt  }
0x72: {  	_ =	shalt  }
0x73: {  	_ =	shalt  }
0x74: {  	_ =	shalt  }
0x75: {  	_ =	shalt  }
0x76: {  	_ =	shalt  }
0x77: {  	_ =	shalt  }
0x78: {  	_ =	shalt  }
0x79: {  	_ =	shalt  }
0x7a: {  	_ =	shalt  }
0x7b: {  	_ =	shalt  }
0x7c: {  	_ =	shalt  }
0x7d: {  	_ =	shalt  }
0x7e: {  	_ =	shalt  }
0x7f: {  	_ =	shalt  }
0x80: {  	_ =	shalt  }
0x81: {  	_ =	shalt  }
0x82: {  	_ =	shalt  }
0x83: {  	_ =	shalt  }
0x84: {  	_ =	shalt  }
0x85: {  	_ =	shalt  }
0x86: {  	_ =	shalt  }
0x87: {  	_ =	shalt  }
.Lfunc_end0:
.L_simem_size_0:
called_computation.10_lowered:
.L_overlay_start_0:
0x88: {  	s2 =	sld [smem:$0x3FD9]  }
0x89: {  	s3 =	sld [smem:$0x3FFE];
	_ =	sdelay $0x1  }
0x8a: {  	s1 =	srdreg.scid  }
0x8b: {  	s0 =	sand.u32 $0x1, s1  }
0x8c: {  	s16 =	sshll.u32 s0, $0xA;
	s2 =	sadd.s32 s3, s2  }
0x8d: {  	s2 =	sadd.s32 s2, s16  }
0x8e: {  	[smem:$0x3F9E] =	sst s2  }
0x8f: {  	_ = 	snop  }
0x90: {  	(tm) =	ssettm $0x1  }
0x91: {  	s17 =	sld [smem:$0x3FFB];
	_ =	sdelay $0x3  }
0x92: {  	_ =	strace s17  }
0x93: {  	s2 =	sld [smem:$0x3FFC];
	_ =	sdelay $0x3  }
0x94: {  	_ =	strace s2  }
0x95: {  	s2 =	sld [smem:$0x3FFD];
	_ =	sdelay $0x3  }
0x96: {  	_ =	strace s2  }
0x97: {  	_ =	strace $0x8FFFFFFF  }
0x98: {  	s18 =	sld [smem:$0x3FDB];
	_ =	sdelay $0x1  }
0x99: {  	s19 =	simm.s32 $_scs_section_size  }
0x9a: {  	s4 =	simm.s32 $_size__tile_overlayer_lowered;
	s5 =	simm.s32 $_tile_overlayer_lowered  }
0x9b: {  	s22 =	simm.s32 $0x1BFF;
	s21 =	sshll.u32 s5, $0x1;
	s2 =	sadd.s32 s19, s18  }
0x9c: {  	s6 =	simm.s32 $0x0;
	s20 =	sshll.u32 s4, $0x1;
	s4 =	sadd.s32 s21, s2  }
0x9d: {  	[timem:s6], [sflag:s22] =	dma.local [hbm:s4], s20  }
0x9e: {  	_ =	swait.ge [sflag:s22], s20  }
0x9f: {  	s3 =	ssub.s32 $0x0, s20;
	[sflag:s22] =	ssyncset.done $0x0  }
0xa0: {  	[sflag:s22] =	ssyncadd.s32 s3;
	_ =	sdelay $0x1  }
0xa1: {  	s23 =	simm.s32 $0x1B8B  }
0xa2: {  	_ =	swait.ge [sflag:s23], $0x1  }
0xa3: {  	[sflag:s23] =	ssyncset.done $0x0  }
0xa4: {  	s25 =	simm.s32 $0x1B8E;
	s24 =	sld [smem:$0x3FFE];
	[sflag:s23] =	ssyncadd.s32 $0xFFFFFFFF  }
0xa5: {  	s26 =	simm.s32 $execute0_lowered;
	[smem:$0x3FD2] =	sst s25  }
0xa6: {  	s4 =	sshll.u32 s26, $0x1;
	_ =	strace $0x80000064;
	[dreg:$0x1] =	wrdreg $0xFFFFFFFF  }
0xa7: {  	s28 =	simm.s32 $_size_execute0_lowered;
	s2 =	sadd.s32 s2, s4;
	[dreg:$0x0] =	wrdreg $0x0  }
0xa8: {  	s4 =	sshll.u32 s28, $0x1;
	[dreg:$0x2] =	wrdreg s2  }
0xa9: {  	[dreg:$0x3] =	wrdreg s4  }
0xaa: {  	[dreg:$0x4] =	wrdreg $0xC0  }
0xab: {  	_ =	task [dreg:s6], $0x5FFFF  }
0xac: {  	[dreg:$0x1] =	wrdreg $0xFFFFFFFF  }
0xad: {  	[dreg:$0x0] =	wrdreg $0x60  }
0xae: {  	[dreg:$0x2] =	wrdreg s24  }
0xaf: {  	[dreg:$0x3] =	wrdreg $0x0  }
0xb0: {  	[dreg:$0x4] =	wrdreg $0x9  }
0xb1: {  	_ =	task.clear_ibuf [dreg:s6], $0x5FFFF;
	_ =	strace $0x90000064  }
0xb2: {  	s29 =	simm.s32 $0x9;
	_ =	strace $0x80000066  }
0xb3: {  	_ =	swait.ge [sflag:s29], $0x1  }
0xb4: {  	[sflag:s29] =	ssyncadd.s32 $0xFFFFFFFF  }
0xb5: {  	_ =	strace $0x90000066  }
0xb6: {  	_ =	sfence  }
0xb7: {  	s30 =	sld [smem:$0x0];
	_ =	sdelay $0x2  }
0xb8: {  	s31 =	sshll.u32 s1, $0xD;
	s1 =	sshrl.u32 s1, $0x2  }
0xb9: {  	s3 =	sand.u32 $0x4000, s31;
	s1 =	sadd.s32 s1, s30  }
0xba: {  	s0 =	sor.u32 s3, s0;
	s1 =	sshll.u32 s1, $0x11  }
0xbb: {  	s0 =	sor.u32 s1, s0  }
0xbc: {  	s0 =	sadd.s32 $0x8F2B, s0  }
0xbd: {  	[sflag:s0] =	ssyncadd.remote.s32 $0x1  }
0xbe: {  	_ =	sfence.sel $0xFFFF  }
0xbf: {  	[dreg:$0x0] =	wrdreg $0xFFFFFFFF;
	(pc) =	sbr.abs _section_cstart, $3  }
0xc0: {  	[dreg:$0x1] =	wrdreg $0xFFFFFFFF  }
0xc1: {  	_ =	task.clear_ibuf [dreg:s6], $0x2FFFF;
	_ =	strace $0x9FFFFFFF  }
0xc2: {  	(tm) =	ssettm $0x7FFFFFFF  }
0xc3: {  	_ =	shalt  }
tec
execute0_lowered:
.L_overlay_start_1:
0x0: {  	(tag) =	ssettag $0x1  }
0x1: {  	s2 =	srdreg.scid  }
0x2: {  	s5 =	rddreg [dreg:$0x0];
	s9 =	sand.u32 $0x1, s2  }
0x3: {  	s2 =	stileid.u32;
	s4 =	smul.u32 $0x620000, s9  }
0x4: {  	s1 =	rddreg [dreg:$0x1];
	s6 =	smul.u32 $0x1880, s2  }
0x5: {  	s0 =	rddreg [dreg:$0x2];
	s7 =	smul.u32 $0x64000, s2  }
0x6: {  	s3 =	simm.s32 $0x0;
	s16 =	simm.s32 $0x19080;
	s13 =	smul.u32 $0xC80, s2  }
0x7: {  	s17 =	simm.s32 $0x80;
	s18 =	simm.s32 $0x0;
	s14 =	smul.u32 $0x19000, s9  }
0x8: {  	[smem:$0x7FF] =	sst s3;
	s11 =	sadd.s32 $0xEA600, s5;
	s28 =	smul.u32 $0x31000, s2  }
0x9: {  	_ =	strace $0x80000065;
	s23 =	ssub.s32 $0x2, s9;
	s15 =	smul.u32 $0x64000, s9  }
0xa: {  	s26 =	sshll.u32 s2, $0x6;
	s30 =	smul.u32 $0x3200, s2;
	s24 =	sshrl.u32 s23, $0x1  }
0xb: {  	s10 =	sadd.s32 s4, s5;
	s8 =	sadd.s32 s6, s5;
	s4 =	sadd.s32 $0x9E00, s5  }
0xc: {  	s12 =	ssub.s32 s23, s24;
	s25 =	sshrl.u32 s7, $0x2;
	s6 =	sor.u32 $0x1C01, s26  }
0xd: {  	s29 =	sadd.s32 s13, s14;
	s31 =	sadd.s32 s15, s11;
	s14 =	simm.s32 $0x1  }
0xe: {  	s15 =	simm.s32 $0x19000;
	s5 =	sadd.s32 s25, s1;
	s7 =	smax.u32 s12, $0x1  }
0xf: {  	s8 =	sadd.s32 $0xD1E00, s8;
	s12 =	sadd.s32 s28, s10;
	s13 =	sshll.u32 s29, $0x2  }
0x10: {  	s10 =	sadd.s32 s30, s31;
	s9 =	sadd.s32 $0x802E00, s12;
	s13 =	sadd.s32 s11, s13  }
0x11: {  	s11 =	sadd.s32 $0xB12E00, s12;
	s12 =	sadd.s32 $0x32000, s13;
	s13 =	sshrl.u32 s5, $0x3  }
.LBB2_1:
0x12: {  	[spmem:s13], [sflag:s6] =	dma.local [hbm:s4], $0x3200  }
0x13: {  	_ =	swait.ge [sflag:s14], $0x3200  }
0x14: {  	[sflag:s14] =	ssyncset.done $0x0  }
0x15: {  	[sflag:s14] =	ssyncadd.s32 $0xFFFFCE00  }
0x16: {  	s19 =	sadd.s32 $0x0, s8;
	[bflag:$0x0] =	sbarrier.arrive $0xFFFF  }
0x17: {  	[tilespmem:s15], [sflag:$0x1] =	stream.linear.gather [hbm4b:s19+s3], $0x80, $0x38;
	[tilespmem:$0x1A080] =	vst v63  }
0x18: {  	_ =	swait.ge [sflag:s14], $0x80  }
0x19: {  	[sflag:s14] =	ssyncset.done $0x0  }
0x1a: {  	[sflag:s14] =	ssyncadd.s32 $0xFFFFFF80  }
0x1b: {  	[tilespmem:s16], [sflag:$0x1] =	stream.linear.gather [hbm4b:s9+s3], $0x1000, $0x38;
	[tilespmem:$0x1A080] =	vst v63  }
0x1c: {  	_ =	swait.ge [sflag:s14], $0x1000  }
0x1d: {  	[sflag:s14] =	ssyncset.done $0x0  }
0x1e: {  	[sflag:s14] =	ssyncadd.s32 $0xFFFFF000  }
0x1f: {  	[spmem:s1] =	stream.indirect.scatter.add.f32 [tilespmem:s16], [sflag:$0x1], $0x20, s15, s17, $0xb8;
	[tilespmem:$0x1A080] =	vst v63  }
0x20: {  	s20 =	simm.s32 $0x10;
	_ =	swait.ge [sflag:s14], $0x1000  }
0x21: {  	s21 =	simm.s32 $0x20;
	s19 =	sadd.s32 $0x200, s9;
	[sflag:s14] =	ssyncset.done $0x0  }
.LBB2_2:
0x22: {  	s22 =	sadd.s32 s20, s8  }
0x23: {  	[sflag:s14] =	ssyncadd.s32 $0xFFFFF000;
	s20 =	smov.u32 s21;
	s23 =	sadd.s32 $0x10, s21  }
0x24: {  	[tilespmem:s15], [sflag:$0x1] =	stream.linear.gather [hbm4b:s22+s3], $0x80, $0x38;
	[tilespmem:$0x1A080] =	vst v63  }
0x25: {  	p0 =	sne.s32 s21, $0x1870;
	_ =	swait.ge [sflag:s14], $0x80  }
0x26: {  	[sflag:s14] =	ssyncset.done $0x0  }
0x27: {  	[sflag:s14] =	ssyncadd.s32 $0xFFFFFF80  }
0x28: {  	[tilespmem:s16], [sflag:$0x1] =	stream.linear.gather [hbm4b:s19+s3], $0x1000, $0x38;
	[tilespmem:$0x1A080] =	vst v63  }
0x29: {  	_ =	swait.ge [sflag:s14], $0x1000  }
.Ltmp0:
0x2a: {  	[sflag:s14] =	ssyncset.done $0x0;
	(pc) =	sbr.rel @p0 .LBB2_2-.Ltmp0, $4  }
0x2b: {  	[sflag:s14] =	ssyncadd.s32 $0xFFFFF000  }
0x2c: {  	[spmem:s1] =	stream.indirect.scatter.add.f32 [tilespmem:s16], [sflag:$0x1], $0x20, s15, s17, $0xb8;
	[tilespmem:$0x1A080] =	vst v63  }
0x2d: {  	_ =	swait.ge [sflag:s14], $0x1000  }
0x2e: {  	s21 =	smov.u32 s23;
	s19 =	sadd.s32 $0x200, s19;
	[sflag:s14] =	ssyncset.done $0x0  }
0x2f: {  	s20 =	sadd.s32 s20, s8;
	[sflag:s14] =	ssyncadd.s32 $0xFFFFF000  }
0x30: {  	[tilespmem:s15], [sflag:$0x1] =	stream.linear.gather [hbm4b:s20+s3], $0x80, $0x38;
	[tilespmem:$0x1A080] =	vst v63  }
0x31: {  	_ =	swait.ge [sflag:s14], $0x80  }
0x32: {  	[sflag:s14] =	ssyncset.done $0x0  }
0x33: {  	[sflag:s14] =	ssyncadd.s32 $0xFFFFFF80  }
0x34: {  	[tilespmem:s16], [sflag:$0x1] =	stream.linear.gather [hbm4b:s19+s3], $0x1000, $0x38;
	[tilespmem:$0x1A080] =	vst v63  }
0x35: {  	_ =	swait.ge [sflag:s14], $0x1000  }
0x36: {  	[sflag:s14] =	ssyncset.done $0x0  }
0x37: {  	[sflag:s14] =	ssyncadd.s32 $0xFFFFF000  }
0x38: {  	[spmem:s1] =	stream.indirect.scatter.add.f32 [tilespmem:s16], [sflag:$0x1], $0x20, s15, s17, $0xb8;
	[tilespmem:$0x1A080] =	vst v63  }
0x39: {  	_ =	swait.ge [sflag:s14], $0x1000  }
0x3a: {  	[sflag:s14] =	ssyncset.done $0x0  }
0x3b: {  	[sflag:s14] =	ssyncadd.s32 $0xFFFFF000  }
0x3c: {  	s31 =	sadd.s32 $0x0, s10;
	[bflag:$0x0] =	sbarrier.arrive $0xFFFF  }
0x3d: {  	[hbm:s31], [sflag:s6] =	dma.local [spmem:s13], $0x200  }
0x3e: {  	_ =	swait.ge [sflag:s14], $0x200  }
0x3f: {  	s20 =	sadd.s32 $0x1000, s5;
	s19 =	simm.s32 $0x200;
	[sflag:s14] =	ssyncset.done $0x0  }
.LBB2_4:
0x40: {  	s21 =	sadd.s32 s19, s10  }
0x41: {  	s22 =	sshrl.u32 s20, $0x3;
	[sflag:s14] =	ssyncadd.s32 $0xFFFFFE00;
	p0 =	sne.s32 s19, $0x3000  }
0x42: {  	[hbm:s21], [sflag:s6] =	dma.local [spmem:s22], $0x200  }
.Ltmp1:
0x43: {  	_ = 	snop;
	(pc) =	sbr.rel @p0 .LBB2_4-.Ltmp1, $4  }
0x44: {  	_ = 	snop  }
0x45: {  	s19 =	sadd.s32 $0x200, s19  }
0x46: {  	_ =	swait.ge [sflag:s14], $0x200  }
0x47: {  	s20 =	sadd.s32 $0x1000, s20;
	[sflag:s14] =	ssyncset.done $0x0  }
0x48: {  	[sflag:s14] =	ssyncadd.s32 $0xFFFFFE00  }
0x49: {  	[bflag:$0x0] =	sbarrier.arrive $0xFFFF  }
0x4a: {  	[spmem:s13], [sflag:s6] =	dma.local [hbm:s4], $0x3200  }
0x4b: {  	_ =	swait.ge [sflag:s14], $0x3200  }
0x4c: {  	[sflag:s14] =	ssyncset.done $0x0  }
0x4d: {  	[sflag:s14] =	ssyncadd.s32 $0xFFFFCE00  }
0x4e: {  	s19 =	sadd.s32 $0x0, s8;
	[bflag:$0x0] =	sbarrier.arrive $0xFFFF  }
0x4f: {  	[tilespmem:s15], [sflag:$0x1] =	stream.linear.gather [hbm4b:s19+s3], $0x80, $0x38;
	[tilespmem:$0x1A080] =	vst v63  }
0x50: {  	_ =	swait.ge [sflag:s14], $0x80  }
0x51: {  	[sflag:s14] =	ssyncset.done $0x0  }
0x52: {  	[sflag:s14] =	ssyncadd.s32 $0xFFFFFF80  }
0x53: {  	[tilespmem:s16], [sflag:$0x1] =	stream.linear.gather [hbm4b:s11+s3], $0x1000, $0x38;
	[tilespmem:$0x1A080] =	vst v63  }
0x54: {  	_ =	swait.ge [sflag:s14], $0x1000  }
0x55: {  	[sflag:s14] =	ssyncset.done $0x0  }
0x56: {  	[sflag:s14] =	ssyncadd.s32 $0xFFFFF000  }
0x57: {  	[spmem:s1] =	stream.indirect.scatter.add.f32 [tilespmem:s16], [sflag:$0x1], $0x20, s15, s17, $0xb8;
	[tilespmem:$0x1A080] =	vst v63  }
0x58: {  	s20 =	simm.s32 $0x10;
	_ =	swait.ge [sflag:s14], $0x1000  }
0x59: {  	s21 =	simm.s32 $0x20;
	s19 =	sadd.s32 $0x200, s11;
	[sflag:s14] =	ssyncset.done $0x0  }
.LBB2_6:
0x5a: {  	s22 =	sadd.s32 s20, s8  }
0x5b: {  	[sflag:s14] =	ssyncadd.s32 $0xFFFFF000;
	s20 =	smov.u32 s21;
	s23 =	sadd.s32 $0x10, s21  }
0x5c: {  	[tilespmem:s15], [sflag:$0x1] =	stream.linear.gather [hbm4b:s22+s3], $0x80, $0x38;
	[tilespmem:$0x1A080] =	vst v63  }
0x5d: {  	p0 =	sne.s32 s21, $0x1870;
	_ =	swait.ge [sflag:s14], $0x80  }
0x5e: {  	[sflag:s14] =	ssyncset.done $0x0  }
0x5f: {  	[sflag:s14] =	ssyncadd.s32 $0xFFFFFF80  }
0x60: {  	[tilespmem:s16], [sflag:$0x1] =	stream.linear.gather [hbm4b:s19+s3], $0x1000, $0x38;
	[tilespmem:$0x1A080] =	vst v63  }
0x61: {  	_ =	swait.ge [sflag:s14], $0x1000  }
.Ltmp2:
0x62: {  	[sflag:s14] =	ssyncset.done $0x0;
	(pc) =	sbr.rel @p0 .LBB2_6-.Ltmp2, $4  }
0x63: {  	[sflag:s14] =	ssyncadd.s32 $0xFFFFF000  }
0x64: {  	[spmem:s1] =	stream.indirect.scatter.add.f32 [tilespmem:s16], [sflag:$0x1], $0x20, s15, s17, $0xb8;
	[tilespmem:$0x1A080] =	vst v63  }
0x65: {  	_ =	swait.ge [sflag:s14], $0x1000  }
0x66: {  	s21 =	smov.u32 s23;
	s19 =	sadd.s32 $0x200, s19;
	[sflag:s14] =	ssyncset.done $0x0  }
0x67: {  	s20 =	sadd.s32 s20, s8;
	[sflag:s14] =	ssyncadd.s32 $0xFFFFF000  }
0x68: {  	[tilespmem:s15], [sflag:$0x1] =	stream.linear.gather [hbm4b:s20+s3], $0x80, $0x38;
	[tilespmem:$0x1A080] =	vst v63  }
0x69: {  	_ =	swait.ge [sflag:s14], $0x80  }
0x6a: {  	[sflag:s14] =	ssyncset.done $0x0  }
0x6b: {  	[sflag:s14] =	ssyncadd.s32 $0xFFFFFF80  }
0x6c: {  	[tilespmem:s16], [sflag:$0x1] =	stream.linear.gather [hbm4b:s19+s3], $0x1000, $0x38;
	[tilespmem:$0x1A080] =	vst v63  }
0x6d: {  	_ =	swait.ge [sflag:s14], $0x1000  }
0x6e: {  	[sflag:s14] =	ssyncset.done $0x0  }
0x6f: {  	[sflag:s14] =	ssyncadd.s32 $0xFFFFF000  }
0x70: {  	[spmem:s1] =	stream.indirect.scatter.add.f32 [tilespmem:s16], [sflag:$0x1], $0x20, s15, s17, $0xb8;
	[tilespmem:$0x1A080] =	vst v63  }
0x71: {  	_ =	swait.ge [sflag:s14], $0x1000  }
0x72: {  	[sflag:s14] =	ssyncset.done $0x0  }
0x73: {  	[sflag:s14] =	ssyncadd.s32 $0xFFFFF000  }
0x74: {  	s31 =	sadd.s32 $0x0, s12;
	[bflag:$0x0] =	sbarrier.arrive $0xFFFF  }
0x75: {  	[hbm:s31], [sflag:s6] =	dma.local [spmem:s13], $0x200  }
0x76: {  	_ =	swait.ge [sflag:s14], $0x200  }
0x77: {  	s20 =	sadd.s32 $0x1000, s5;
	s19 =	simm.s32 $0x200;
	[sflag:s14] =	ssyncset.done $0x0  }
.LBB2_8:
0x78: {  	s21 =	sadd.s32 s19, s12  }
0x79: {  	s22 =	sshrl.u32 s20, $0x3;
	[sflag:s14] =	ssyncadd.s32 $0xFFFFFE00;
	p0 =	sne.s32 s19, $0x3000  }
0x7a: {  	[hbm:s21], [sflag:s6] =	dma.local [spmem:s22], $0x200  }
.Ltmp3:
0x7b: {  	_ = 	snop;
	(pc) =	sbr.rel @p0 .LBB2_8-.Ltmp3, $4  }
0x7c: {  	_ = 	snop  }
0x7d: {  	s19 =	sadd.s32 $0x200, s19  }
0x7e: {  	_ =	swait.ge [sflag:s14], $0x200  }
0x7f: {  	s20 =	sadd.s32 $0x1000, s20;
	[sflag:s14] =	ssyncset.done $0x0  }
0x80: {  	s18 =	sadd.s32 $0x1, s18  }
0x81: {  	p0 =	sne.s32 s18, s7  }
.Ltmp4:
0x82: {  	_ = 	snop;
	(pc) =	sbr.rel @p0 .LBB2_1-.Ltmp4, $3  }
0x83: {  	_ = 	snop  }
0x84: {  	[sflag:s14] =	ssyncadd.s32 $0xFFFFFE00  }
0x85: {  	[bflag:$0x0] =	sbarrier.arrive $0xFFFF;
	_ =	sdelay $0x1  }
0x86: {  	_ =	sfence.sel $0x180000  }
0x87: {  	[bflag:$0x0] =	sbarrier.arrive $0xFFFF  }
0x88: {  	p0 =	sne.s32 s2, $0x0;
	_ =	strace $0x90000065  }
0x89: {  	s0 =	sadd.s32 @!p0 $0x100000, s0;
	[bflag:$0x2] =	sbarrier.arrive $0xFFFF  }
0x8a: {  	[sflag:s0] =	ssyncadd.tile.s32 @!p0 $0x1;
	_ =	shalt  }
.Lfunc_end2:
_tile_overlayer_lowered:
.L_overlay_start_2:
0x8b: {  	(tag) =	ssettag $0x2  }
0x8c: {  	s0 =	rddreg [dreg:$0x0];
	s2 =	stileid.u32  }
0x8d: {  	s1 =	rddreg [dreg:$0x1];
	p0 =	sne.s32 s2, $0x0  }
0x8e: {  	s3 =	rddreg [dreg:$0x2];
	[bflag:$0x3] =	sbarrier.arrive $0xFFFF;
	s2 =	simm.s32 @!p0 $0x1C01  }
0x8f: {  	[timem:s3], [sflag:s2] =	dma.local @!p0 [hbm:s0], s1  }
0x90: {  	s0 =	simm.s32 @!p0 $0x1  }
0x91: {  	_ =	swait.ge @!p0 [sflag:s0], s1  }
0x92: {  	s1 =	ssub.s32 @!p0 $0x0, s1;
	[sflag:s0] =	ssyncset.done @!p0 $0x0  }
0x93: {  	[sflag:s0] =	ssyncadd.s32 @!p0 s1  }
0x94: {  	[bflag:$0x3] =	sbarrier.arrive $0xFFFF  }
0x95: {  	_ =	shalt  }

// kernel: kernel.58.cloned.1.call-start
scs
__scs_entry_jumppad:
0x0: {  	(pc) =	sbr.rel $0x88, $3  }
0x1: {  	(tag) =	ssettag $0x0;
	lr =	simm.s32 $0x1  }
0x2: {  	[smem:$0x3F77] =	sst lr;
	_ =	strace $0xD0000000  }
0x3: {  	_ = 	snop  }
0x4: {  	_ = 	snop  }
0x5: {  	_ = 	snop  }
0x6: {  	_ = 	snop  }
0x7: {  	_ = 	snop  }
__scs_overlays_trampoline_lowered:
0x8: {  	[smem:$0x3F86] =	sst s0  }
0x9: {  	[smem:$0x3F87] =	sst s1  }
0xa: {  	[smem:$0x3F88] =	sst s2  }
0xb: {  	[smem:$0x3F89] =	sst s3  }
0xc: {  	[smem:$0x3F8A] =	sst s4  }
0xd: {  	[smem:$0x3F8B] =	sst s5  }
0xe: {  	[smem:$0x3F8C] =	sst s6  }
0xf: {  	[smem:$0x3F8D] =	sst s7  }
0x10: {  	[smem:$0x3F8E] =	sst s8  }
0x11: {  	[smem:$0x3F8F] =	sst s9;
	s0 =	simm.s32 @!p0 $0x0  }
0x12: {  	s1 =	sld [smem:$0x3F75];
	s0 =	simm.s32 @p0 $0x1  }
0x13: {  	[smem:$0x3F90] =	sst s0;
	s0 =	simm.s32 @!p1 $0x0  }
0x14: {  	s2 =	sld [smem:$0x3F74];
	s0 =	simm.s32 @p1 $0x1  }
0x15: {  	[smem:$0x3F91] =	sst s0;
	s0 =	simm.s32 @!p2 $0x0  }
0x16: {  	s3 =	sld [smem:$0x3FDB];
	s0 =	simm.s32 @p2 $0x1  }
0x17: {  	s4 =	simm.s32 $0x1BF5;
	[smem:$0x3F93] =	sst s0  }
0x18: {  	s0 =	sld [smem:$0x3F76];
	_ =	swait.ge [sflag:s4], $0x0  }
0x19: {  	s7 =	sld [smem:$0x3F77]  }
0x1a: {  	s8 =	sadd.s32 $0xFFFFE003, lr  }
0x1b: {  	s9 =	sadd.s32 $0xFFFFFEF7, lr;
	s5 =	simm.s32 $0xFFFFFFFF;
	p2 =	slt.u32 s8, $0xFFFFF086  }
0x1c: {  	p1 =	slt.u32 s9, $0xF7A;
	s5 =	simm.s32 @!p2 $0x0  }
0x1d: {  	s5 =	simm.s32 @p1 $0x1;
	p0 =	seq.s32 s7, s2  }
0x1e: {  	s7 =	smul.u32 @!p0 $0xF7A, s2;
	p2 =	seq.s32 @!p0 s5, $0x0  }
0x1f: {  	s9 =	smul.u32 $0xF7A, s1;
	s8 =	simm.s32 @!p0 $0x1BF5;
	p2 =	por !p2, p0  }
0x20: {  	[sflag:s8] =	ssyncset.s32 @!p0 $0xFFFFF086;
	s6 =	sadd.s32 @!p0 s3, s7;
	s7 =	simm.s32 @!p0 $0x108  }
0x21: {  	s3 =	sadd.s32 s3, s9;
	s6 =	sadd.s32 @!p0 $0x88, s6;
	s7 =	simm.s32 @p2 $0x1082  }
0x22: {  	[simem:s7], [sflag:s8] =	dma.local @!p0 [hbm:s6], $0xF7A  }
0x23: {  	s9 =	sor.u32 $0xD0000000, s2;
	s6 =	simm.s32 $0x108;
	_ =	swait.ge @!p0 [sflag:s8], $0x0  }
0x24: {  	s3 =	sadd.s32 $0x88, s3;
	s6 =	simm.s32 @!p1 $0x1082;
	[sflag:s4] =	ssyncset.s32 $0xFFFFF086  }
0x25: {  	[simem:s6], [sflag:s4] =	dma.local [hbm:s3], $0xF7A  }
0x26: {  	[smem:$0x3F77] =	sst s1;
	(tag) =	ssettag s2;
	_ =	strace s9  }
0x27: {  	s1 =	sld [smem:$0x3F87]  }
0x28: {  	s2 =	sld [smem:$0x3F88]  }
0x29: {  	s4 =	sld [smem:$0x3F8A]  }
0x2a: {  	p0 =	seq.s32 s5, $0x0;
	s5 =	sld [smem:$0x3F8B]  }
0x2b: {  	s6 =	sld [smem:$0x3F8C]  }
0x2c: {  	s7 =	sld [smem:$0x3F8D]  }
0x2d: {  	s3 =	simm.s32 $0x108;
	s8 =	sld [smem:$0x3F8E]  }
0x2e: {  	s3 =	simm.s32 @!p0 $0x1082;
	s9 =	sld [smem:$0x3F8F]  }
0x2f: {  	lr =	sadd.s32 s0, s3;
	s0 =	sld [smem:$0x3F86]  }
0x30: {  	s3 =	sld [smem:$0x3F89]  }
0x31: {  	[smem:$0x3F92] =	sst s10  }
0x32: {  	s10 =	sld [smem:$0x3F90];
	_ =	sdelay $0x3  }
0x33: {  	p0 =	seq.s32 s10, $0x1;
	s10 =	sld [smem:$0x3F92];
	_ =	sdelay $0x3  }
0x34: {  	[smem:$0x3F92] =	sst s10  }
0x35: {  	s10 =	sld [smem:$0x3F91];
	_ =	sdelay $0x3  }
0x36: {  	p1 =	seq.s32 s10, $0x1;
	s10 =	sld [smem:$0x3F92];
	_ =	sdelay $0x3  }
0x37: {  	[smem:$0x3F92] =	sst s10  }
0x38: {  	s10 =	sld [smem:$0x3F93]  }
0x39: {  	_ = 	snop;
	(pc) =	sbr.ind lr, $3  }
0x3a: {  	_ = 	snop  }
0x3b: {  	_ = 	snop  }
0x3c: {  	p2 =	seq.s32 s10, $0x1;
	s10 =	sld [smem:$0x3F92]  }
0x3d: {  	_ =	shalt  }
0x3e: {  	_ =	shalt  }
0x3f: {  	_ =	shalt  }
0x40: {  	_ =	shalt  }
0x41: {  	_ =	shalt  }
0x42: {  	_ =	shalt  }
0x43: {  	_ =	shalt  }
0x44: {  	_ =	shalt  }
0x45: {  	_ =	shalt  }
0x46: {  	_ =	shalt  }
0x47: {  	_ =	shalt  }
0x48: {  	_ =	shalt  }
0x49: {  	_ =	shalt  }
0x4a: {  	_ =	shalt  }
0x4b: {  	_ =	shalt  }
0x4c: {  	_ =	shalt  }
0x4d: {  	_ =	shalt  }
0x4e: {  	_ =	shalt  }
0x4f: {  	_ =	shalt  }
0x50: {  	_ =	shalt  }
0x51: {  	_ =	shalt  }
0x52: {  	_ =	shalt  }
0x53: {  	_ =	shalt  }
0x54: {  	_ =	shalt  }
0x55: {  	_ =	shalt  }
0x56: {  	_ =	shalt  }
0x57: {  	_ =	shalt  }
0x58: {  	_ =	shalt  }
0x59: {  	_ =	shalt  }
0x5a: {  	_ =	shalt  }
0x5b: {  	_ =	shalt  }
0x5c: {  	_ =	shalt  }
0x5d: {  	_ =	shalt  }
0x5e: {  	_ =	shalt  }
0x5f: {  	_ =	shalt  }
0x60: {  	_ =	shalt  }
0x61: {  	_ =	shalt  }
0x62: {  	_ =	shalt  }
0x63: {  	_ =	shalt  }
0x64: {  	_ =	shalt  }
0x65: {  	_ =	shalt  }
0x66: {  	_ =	shalt  }
0x67: {  	_ =	shalt  }
0x68: {  	_ =	shalt  }
0x69: {  	_ =	shalt  }
0x6a: {  	_ =	shalt  }
0x6b: {  	_ =	shalt  }
0x6c: {  	_ =	shalt  }
0x6d: {  	_ =	shalt  }
0x6e: {  	_ =	shalt  }
0x6f: {  	_ =	shalt  }
0x70: {  	_ =	shalt  }
0x71: {  	_ =	shalt  }
0x72: {  	_ =	shalt  }
0x73: {  	_ =	shalt  }
0x74: {  	_ =	shalt  }
0x75: {  	_ =	shalt  }
0x76: {  	_ =	shalt  }
0x77: {  	_ =	shalt  }
0x78: {  	_ =	shalt  }
0x79: {  	_ =	shalt  }
0x7a: {  	_ =	shalt  }
0x7b: {  	_ =	shalt  }
0x7c: {  	_ =	shalt  }
0x7d: {  	_ =	shalt  }
0x7e: {  	_ =	shalt  }
0x7f: {  	_ =	shalt  }
0x80: {  	_ =	shalt  }
0x81: {  	_ =	shalt  }
0x82: {  	_ =	shalt  }
0x83: {  	_ =	shalt  }
0x84: {  	_ =	shalt  }
0x85: {  	_ =	shalt  }
0x86: {  	_ =	shalt  }
0x87: {  	_ =	shalt  }
.Lfunc_end0:
.L_simem_size_0:
called_computation.11_lowered:
.L_overlay_start_0:
0x88: {  	s2 =	sld [smem:$0x3FD9]  }
0x89: {  	s3 =	sld [smem:$0x3FFE];
	_ =	sdelay $0x1  }
0x8a: {  	s1 =	srdreg.scid  }
0x8b: {  	s0 =	sand.u32 $0x1, s1  }
0x8c: {  	s17 =	sshll.u32 s0, $0xA;
	s2 =	sadd.s32 s3, s2  }
0x8d: {  	s2 =	sadd.s32 s2, s17  }
0x8e: {  	[smem:$0x3F9E] =	sst s2  }
0x8f: {  	_ = 	snop  }
0x90: {  	(tm) =	ssettm $0x1  }
0x91: {  	s18 =	sld [smem:$0x3FFB];
	_ =	sdelay $0x3  }
0x92: {  	_ =	strace s18  }
0x93: {  	s2 =	sld [smem:$0x3FFC];
	_ =	sdelay $0x3  }
0x94: {  	_ =	strace s2  }
0x95: {  	s2 =	sld [smem:$0x3FFD];
	_ =	sdelay $0x3  }
0x96: {  	_ =	strace s2  }
0x97: {  	_ =	strace $0x8FFFFFFF  }
0x98: {  	s19 =	sld [smem:$0x3FDB];
	_ =	sdelay $0x1  }
0x99: {  	s20 =	simm.s32 $_scs_section_size  }
0x9a: {  	s4 =	simm.s32 $_size__tile_overlayer_lowered;
	s5 =	simm.s32 $_tile_overlayer_lowered  }
0x9b: {  	s6 =	simm.s32 $0x1BFF;
	s21 =	sshll.u32 s5, $0x1;
	s3 =	sadd.s32 s20, s19  }
0x9c: {  	s22 =	simm.s32 $0x0;
	s4 =	sshll.u32 s4, $0x1;
	s5 =	sadd.s32 s21, s3  }
0x9d: {  	[timem:s22], [sflag:s6] =	dma.local [hbm:s5], s4  }
0x9e: {  	_ =	swait.ge [sflag:s6], s4  }
0x9f: {  	s4 =	ssub.s32 $0x0, s4;
	[sflag:s6] =	ssyncset.done $0x0  }
0xa0: {  	[sflag:s6] =	ssyncadd.s32 s4;
	_ =	sdelay $0x1  }
0xa1: {  	s23 =	simm.s32 $0x1B8B  }
0xa2: {  	_ =	swait.ge [sflag:s23], $0x1  }
0xa3: {  	[sflag:s23] =	ssyncset.done $0x0  }
0xa4: {  	[sflag:s23] =	ssyncadd.s32 $0xFFFFFFFF  }
0xa5: {  	s4 =	sld [smem:$0x0]  }
0xa6: {  	s5 =	sand.u32 $0xFFFFFFFE, s1  }
0xa7: {  	p0 =	sne.s32 s1, s5  }
0xa8: {  	s5 =	sshll.u32 @p0 s5, $0xE  }
0xa9: {  	s5 =	sadd.s32 @p0 $0x11B8D, s5;
	s6 =	sshll.u32 @p0 s4, $0x11  }
0xaa: {  	s5 =	sor.u32 @p0 s6, s5  }
0xab: {  	[sflag:s5] =	ssyncadd.remote.s32 @p0 $0x1;
	_ =	sdelay $0x1  }
0xac: {  	s5 =	simm.s32 @p0 $0x1B8D  }
0xad: {  	_ =	swait.eq @p0 [sflag:s5], $0x1  }
0xae: {  	[sflag:s5] =	ssyncadd.s32 @p0 $0xFFFFFFFF  }
0xaf: {  	s6 =	sshll.u32 @!p0 s1, $0xE  }
0xb0: {  	s6 =	sor.u32 @!p0 $0x4000, s6;
	s5 =	simm.s32 @!p0 $0x1B8D  }
0xb1: {  	s4 =	sshll.u32 @!p0 s4, $0x11;
	s6 =	sadd.s32 @!p0 $0x11B8D, s6;
	_ =	swait.eq @!p0 [sflag:s5], $0x1  }
0xb2: {  	s4 =	sor.u32 @!p0 s4, s6;
	[sflag:s5] =	ssyncadd.s32 @!p0 $0xFFFFFFFF  }
0xb3: {  	s25 =	simm.s32 $0x1B8E;
	s24 =	sld [smem:$0x3FFE];
	[sflag:s4] =	ssyncadd.remote.s32 @!p0 $0x1  }
0xb4: {  	s26 =	simm.s32 $execute0_lowered;
	[smem:$0x3FD2] =	sst s25  }
0xb5: {  	s5 =	sshll.u32 s26, $0x1;
	_ =	strace $0x80000067;
	[dreg:$0x1] =	wrdreg $0xFFFFFFFF  }
0xb6: {  	s28 =	simm.s32 $_size_execute0_lowered;
	s3 =	sadd.s32 s3, s5;
	[dreg:$0x0] =	wrdreg $0x0  }
0xb7: {  	s5 =	sshll.u32 s28, $0x1;
	[dreg:$0x2] =	wrdreg s3  }
0xb8: {  	[dreg:$0x3] =	wrdreg s5  }
0xb9: {  	[dreg:$0x4] =	wrdreg $0xC0  }
0xba: {  	_ =	task [dreg:s22], $0x5FFFF  }
0xbb: {  	[dreg:$0x1] =	wrdreg $0xFFFFFFFF  }
0xbc: {  	[dreg:$0x0] =	wrdreg $0x60  }
0xbd: {  	[dreg:$0x2] =	wrdreg s24  }
0xbe: {  	[dreg:$0x3] =	wrdreg $0x0  }
0xbf: {  	[dreg:$0x4] =	wrdreg $0xA  }
0xc0: {  	_ =	task.clear_ibuf [dreg:s22], $0x5FFFF;
	_ =	strace $0x90000067  }
0xc1: {  	s29 =	simm.s32 $0xA;
	_ =	strace $0x80000069  }
0xc2: {  	_ =	swait.ge [sflag:s29], $0x1  }
0xc3: {  	[sflag:s29] =	ssyncadd.s32 $0xFFFFFFFF  }
0xc4: {  	_ =	strace $0x90000069  }
0xc5: {  	_ =	sfence  }
0xc6: {  	s30 =	sld [smem:$0x0];
	_ =	sdelay $0x2  }
0xc7: {  	s31 =	sshll.u32 s1, $0xD;
	s1 =	sshrl.u32 s1, $0x2  }
0xc8: {  	s4 =	sand.u32 $0x4000, s31;
	s1 =	sadd.s32 s1, s30  }
0xc9: {  	s0 =	sor.u32 s4, s0;
	s1 =	sshll.u32 s1, $0x11  }
0xca: {  	s0 =	sor.u32 s1, s0  }
0xcb: {  	s0 =	sadd.s32 $0x8F2B, s0  }
0xcc: {  	[sflag:s0] =	ssyncadd.remote.s32 $0x1  }
0xcd: {  	_ =	sfence.sel $0xFFFF  }
0xce: {  	[dreg:$0x0] =	wrdreg $0xFFFFFFFF;
	(pc) =	sbr.abs _section_cstart, $3  }
0xcf: {  	[dreg:$0x1] =	wrdreg $0xFFFFFFFF  }
0xd0: {  	_ =	task.clear_ibuf [dreg:s22], $0x2FFFF;
	_ =	strace $0x9FFFFFFF  }
0xd1: {  	(tm) =	ssettm $0x7FFFFFFF  }
tec
execute0_lowered:
.L_overlay_start_1:
0x0: {  	(tag) =	ssettag $0x1  }
0x1: {  	s0 =	srdreg.scid  }
0x2: {  	s6 =	sand.u32 $0x1, s0  }
0x3: {  	s0 =	stileid.u32;
	s4 =	smul.u32 $0x62000, s6  }
0x4: {  	s5 =	rddreg [dreg:$0x0];
	s7 =	smul.u32 $0x6200, s0  }
0x5: {  	s2 =	rddreg [dreg:$0x1];
	s8 =	smul.u32 $0xC4000, s6  }
0x6: {  	s1 =	rddreg [dreg:$0x2];
	s3 =	simm.s32 $0x0;
	s26 =	smul.u32 $0x19000, s6  }
0x7: {  	s15 =	simm.s32 $0x80;
	[smem:$0x7FF] =	sst s3;
	s10 =	smul.u32 $0x32000, s0  }
0x8: {  	s16 =	simm.s32 $0x0;
	_ =	strace $0x80000068;
	s12 =	smul.u32 $0xC400, s0  }
0x9: {  	s6 =	ssub.s32 $0x2, s6;
	s30 =	sshll.u32 s0, $0x6;
	s13 =	smul.u32 $0x1900, s0  }
0xa: {  	s28 =	sshrl.u32 s6, $0x1;
	s4 =	sadd.s32 s7, s4;
	s8 =	sadd.s32 s8, s5  }
0xb: {  	s11 =	sadd.s32 s26, s5;
	s29 =	sshrl.u32 s10, $0x2;
	s14 =	ssub.s32 s6, s28  }
0xc: {  	s6 =	sor.u32 $0x1C01, s30;
	s4 =	sshrl.u32 s4, $0x3;
	s7 =	smax.u32 s14, $0x1  }
0xd: {  	s8 =	sadd.s32 s12, s8;
	s31 =	sadd.s32 s13, s11;
	s12 =	simm.s32 $0x1  }
0xe: {  	s13 =	simm.s32 $0xC800;
	s14 =	simm.s32 $0xC880;
	s9 =	sadd.s32 s4, s5  }
0xf: {  	s4 =	sadd.s32 $0xD000, s5;
	s5 =	sadd.s32 s29, s2;
	s8 =	sadd.s32 $0x1B2600, s8  }
0x10: {  	s10 =	sadd.s32 $0xEA00, s31;
	s9 =	sadd.s32 $0xD1E00, s9;
	s11 =	sshrl.u32 s5, $0x3  }
.LBB2_1:
0x11: {  	[spmem:s11], [sflag:s6] =	dma.local [hbm:s4], $0x1900  }
0x12: {  	_ =	swait.ge [sflag:s12], $0x1900  }
0x13: {  	[sflag:s12] =	ssyncset.done $0x0  }
0x14: {  	[sflag:s12] =	ssyncadd.s32 $0xFFFFE700  }
0x15: {  	s17 =	sadd.s32 $0x0, s9;
	[bflag:$0x0] =	sbarrier.arrive $0xFFFF  }
0x16: {  	[tilespmem:s13], [sflag:$0x1] =	stream.linear.gather [hbm4b:s17+s3], $0x80, $0x38;
	[tilespmem:$0xD080] =	vst v63  }
0x17: {  	_ =	swait.ge [sflag:s12], $0x80  }
0x18: {  	[sflag:s12] =	ssyncset.done $0x0  }
0x19: {  	[sflag:s12] =	ssyncadd.s32 $0xFFFFFF80  }
0x1a: {  	[tilespmem:s14], [sflag:$0x1] =	stream.linear.gather [hbm4b:s8+s3], $0x800, $0x38;
	[tilespmem:$0xD080] =	vst v63  }
0x1b: {  	_ =	swait.ge [sflag:s12], $0x800  }
0x1c: {  	[sflag:s12] =	ssyncset.done $0x0  }
0x1d: {  	[sflag:s12] =	ssyncadd.s32 $0xFFFFF800  }
0x1e: {  	[spmem:s2] =	stream.indirect.scatter.add.f32 [tilespmem:s14], [sflag:$0x1], $0x10, s13, s15, $0xb8;
	[tilespmem:$0xD080] =	vst v63  }
0x1f: {  	s18 =	simm.s32 $0x10;
	_ =	swait.ge [sflag:s12], $0x800  }
0x20: {  	s19 =	simm.s32 $0x20;
	s17 =	sadd.s32 $0x100, s8;
	[sflag:s12] =	ssyncset.done $0x0  }
.LBB2_2:
0x21: {  	s20 =	sadd.s32 s18, s9  }
0x22: {  	[sflag:s12] =	ssyncadd.s32 $0xFFFFF800;
	s18 =	smov.u32 s19;
	s21 =	sadd.s32 $0x10, s19  }
0x23: {  	[tilespmem:s13], [sflag:$0x1] =	stream.linear.gather [hbm4b:s20+s3], $0x80, $0x38;
	[tilespmem:$0xD080] =	vst v63  }
0x24: {  	p0 =	sne.s32 s19, $0xC30;
	_ =	swait.ge [sflag:s12], $0x80  }
0x25: {  	[sflag:s12] =	ssyncset.done $0x0  }
0x26: {  	[sflag:s12] =	ssyncadd.s32 $0xFFFFFF80  }
0x27: {  	[tilespmem:s14], [sflag:$0x1] =	stream.linear.gather [hbm4b:s17+s3], $0x800, $0x38;
	[tilespmem:$0xD080] =	vst v63  }
0x28: {  	_ =	swait.ge [sflag:s12], $0x800  }
.Ltmp0:
0x29: {  	[sflag:s12] =	ssyncset.done $0x0;
	(pc) =	sbr.rel @p0 .LBB2_2-.Ltmp0, $4  }
0x2a: {  	[sflag:s12] =	ssyncadd.s32 $0xFFFFF800  }
0x2b: {  	[spmem:s2] =	stream.indirect.scatter.add.f32 [tilespmem:s14], [sflag:$0x1], $0x10, s13, s15, $0xb8;
	[tilespmem:$0xD080] =	vst v63  }
0x2c: {  	_ =	swait.ge [sflag:s12], $0x800  }
0x2d: {  	s19 =	smov.u32 s21;
	s17 =	sadd.s32 $0x100, s17;
	[sflag:s12] =	ssyncset.done $0x0  }
0x2e: {  	s18 =	sadd.s32 s18, s9;
	[sflag:s12] =	ssyncadd.s32 $0xFFFFF800  }
0x2f: {  	[tilespmem:s13], [sflag:$0x1] =	stream.linear.gather [hbm4b:s18+s3], $0x80, $0x38;
	[tilespmem:$0xD080] =	vst v63  }
0x30: {  	_ =	swait.ge [sflag:s12], $0x80  }
0x31: {  	[sflag:s12] =	ssyncset.done $0x0  }
0x32: {  	[sflag:s12] =	ssyncadd.s32 $0xFFFFFF80  }
0x33: {  	[tilespmem:s14], [sflag:$0x1] =	stream.linear.gather [hbm4b:s17+s3], $0x800, $0x38;
	[tilespmem:$0xD080] =	vst v63  }
0x34: {  	_ =	swait.ge [sflag:s12], $0x800  }
0x35: {  	[sflag:s12] =	ssyncset.done $0x0  }
0x36: {  	[sflag:s12] =	ssyncadd.s32 $0xFFFFF800  }
0x37: {  	[spmem:s2] =	stream.indirect.scatter.add.f32 [tilespmem:s14], [sflag:$0x1], $0x10, s13, s15, $0xb8;
	[tilespmem:$0xD080] =	vst v63  }
0x38: {  	_ =	swait.ge [sflag:s12], $0x800  }
0x39: {  	[sflag:s12] =	ssyncset.done $0x0  }
0x3a: {  	[sflag:s12] =	ssyncadd.s32 $0xFFFFF800  }
0x3b: {  	s31 =	sadd.s32 $0x0, s10;
	[bflag:$0x0] =	sbarrier.arrive $0xFFFF  }
0x3c: {  	[hbm:s31], [sflag:s6] =	dma.local [spmem:s11], $0x100  }
0x3d: {  	_ =	swait.ge [sflag:s12], $0x100  }
0x3e: {  	s18 =	sadd.s32 $0x800, s5;
	s17 =	simm.s32 $0x100;
	[sflag:s12] =	ssyncset.done $0x0  }
.LBB2_4:
0x3f: {  	s19 =	sadd.s32 s17, s10  }
0x40: {  	s20 =	sshrl.u32 s18, $0x3;
	[sflag:s12] =	ssyncadd.s32 $0xFFFFFF00;
	p0 =	sne.s32 s17, $0x1800  }
0x41: {  	[hbm:s19], [sflag:s6] =	dma.local [spmem:s20], $0x100  }
.Ltmp1:
0x42: {  	_ = 	snop;
	(pc) =	sbr.rel @p0 .LBB2_4-.Ltmp1, $4  }
0x43: {  	_ = 	snop  }
0x44: {  	s17 =	sadd.s32 $0x100, s17  }
0x45: {  	_ =	swait.ge [sflag:s12], $0x100  }
0x46: {  	s18 =	sadd.s32 $0x800, s18;
	[sflag:s12] =	ssyncset.done $0x0  }
0x47: {  	s16 =	sadd.s32 $0x1, s16  }
0x48: {  	p0 =	sne.s32 s16, s7  }
.Ltmp2:
0x49: {  	_ = 	snop;
	(pc) =	sbr.rel @p0 .LBB2_1-.Ltmp2, $2  }
0x4a: {  	_ =	sdelay $0x2  }
0x4b: {  	[sflag:s12] =	ssyncadd.s32 $0xFFFFFF00  }
0x4c: {  	_ =	sfence.sel $0x180000  }
0x4d: {  	[bflag:$0x0] =	sbarrier.arrive $0xFFFF  }
0x4e: {  	p0 =	sne.s32 s0, $0x0;
	_ =	strace $0x90000068  }
0x4f: {  	s0 =	sadd.s32 @!p0 $0x100000, s1;
	[bflag:$0x2] =	sbarrier.arrive $0xFFFF  }
0x50: {  	[sflag:s0] =	ssyncadd.tile.s32 @!p0 $0x1;
	_ =	shalt  }
.Lfunc_end2:
_tile_overlayer_lowered:
.L_overlay_start_2:
0x51: {  	(tag) =	ssettag $0x2  }
0x52: {  	s0 =	rddreg [dreg:$0x0];
	s2 =	stileid.u32  }
0x53: {  	s1 =	rddreg [dreg:$0x1];
	p0 =	sne.s32 s2, $0x0  }
0x54: {  	s3 =	rddreg [dreg:$0x2];
	[bflag:$0x3] =	sbarrier.arrive $0xFFFF;
	s2 =	simm.s32 @!p0 $0x1C01  }
0x55: {  	[timem:s3], [sflag:s2] =	dma.local @!p0 [hbm:s0], s1  }
0x56: {  	s0 =	simm.s32 @!p0 $0x1  }
0x57: {  	_ =	swait.ge @!p0 [sflag:s0], s1  }
0x58: {  	s1 =	ssub.s32 @!p0 $0x0, s1;
	[sflag:s0] =	ssyncset.done @!p0 $0x0  }
0x59: {  	[sflag:s0] =	ssyncadd.s32 @!p0 s1  }
0x5a: {  	[bflag:$0x3] =	sbarrier.arrive $0xFFFF  }
0x5b: {  	_ =	shalt  }

</sc_bundles>
